<compile_context>
chip_gen: v7x
topology: tpu7x:2x2x1
jax: 0.10.2.dev20260603
libtpu: 0.0.44.dev20260713+nightly
codegen_flags: <defaults>
</compile_context>

<pallas_src>
import functools

import jax
import jax.numpy as jnp
from jax import lax
from jax.experimental import pallas as pl
from jax.experimental.pallas import tpu as pltpu
from jax.experimental.pallas import tpu_sc as plsc

N_CB = 2
K = 512
D = 32
B = 8
C = 64
HW = 4096
TOK = 4096
N_TOT = B * HW
COMMIT = 0.25

NC = 2
NS = 16
NW = NC * NS
TPW = N_TOT // NW
CH = 512


def _argmin_body(z_ref, emb_ref, idx_ref, lsum_ref, lsum_scr):
    i = pl.program_id(0)
    j = pl.program_id(1)
    nj = pl.num_programs(1)
    first = jnp.logical_and(i == 0, j == 0)
    last = jnp.logical_and(i == B - 1, j == nj - 1)

    @pl.when(first)
    def _init():
        lsum_scr[0] = 0.0

    x = z_ref[0].reshape(C, TOK)
    iota = lax.broadcasted_iota(jnp.int32, (K, TOK), 0)
    idxs = []
    lsum = 0.0
    for b in range(N_CB):
        xb = x[b * D:(b + 1) * D, :]
        e = emb_ref[b]
        e2 = jnp.sum(e * e, axis=1, keepdims=True)
        ndots = lax.dot_general(
            e * -2.0, xb, (((1,), (0,)), ((), ())),
            preferred_element_type=jnp.float32)
        t = e2 + ndots
        m = jnp.min(t, axis=0, keepdims=True)
        sel = jnp.where(t == m, iota, K)
        idxv = jnp.min(sel, axis=0, keepdims=True)
        x2 = jnp.sum(xb * xb, axis=0, keepdims=True)
        lsum = lsum + jnp.sum(m + x2)
        idxs.append(idxv)

    idx_ref[0] = jnp.concatenate(idxs, axis=0)
    lsum_scr[0] += lsum

    @pl.when(last)
    def _fini():
        lsum_ref[...] = jnp.reshape(lsum_scr[0], (1, 1))


def _sc_gather_body(tbl_hbm, idx_hbm, out_hbm, hist_hbm,
                    tbl_v, i0_v, i1_v, q_v, hist_v):
    wid = lax.axis_index("s") * NC + lax.axis_index("c")
    b = wid // (HW // TPW)
    tok0 = (wid % (HW // TPW)) * TPW

    pltpu.sync_copy(tbl_hbm, tbl_v)

    zeros16 = jnp.zeros((16,), jnp.float32)
    ones16 = jnp.ones((16,), jnp.float32)

    def zero_hist(h, _):
        hist_v[pl.ds(h * 16, 16)] = zeros16
        return 0

    lax.fori_loop(0, (N_CB * K) // 16, zero_hist, 0, unroll=False)

    def do_chunk(ch, _):
        base = tok0 + ch * CH
        pltpu.sync_copy(idx_hbm.at[b, 0, pl.ds(base, CH)], i0_v)
        pltpu.sync_copy(idx_hbm.at[b, 1, pl.ds(base, CH)], i1_v)

        def do_vec(jj, _):
            o = jj * 16
            i0 = i0_v[pl.ds(o, 16)]
            i1 = i1_v[pl.ds(o, 16)]
            h = jj // 4
            w = (jj % 4) * 16
            for c in range(C):
                iv = i0 if c < D else i1
                row = plsc.load_gather(tbl_v, [iv + c * K])
                q_v[c, h, pl.ds(w, 16)] = row
            plsc.addupdate_scatter(hist_v, [i0], ones16)
            plsc.addupdate_scatter(hist_v, [i1 + K], ones16)
            return 0

        lax.fori_loop(0, CH // 16, do_vec, 0, unroll=4)
        h0 = pl.multiple_of(base // 64, 8)
        pltpu.sync_copy(q_v, out_hbm.at[b, :, pl.ds(h0, CH // 64), :])
        return 0

    lax.fori_loop(0, TPW // CH, do_chunk, 0, unroll=False)
    pltpu.sync_copy(hist_v, hist_hbm.at[wid])


def _finalize_body(hist_ref, lsum_ref, closs_ref, perp_ref, loss_ref):
    closs = COMMIT * lsum_ref[...] / (B * C * HW)
    closs_ref[...] = closs
    loss_ref[...] = closs
    counts = jnp.sum(hist_ref[...], axis=0, keepdims=True)
    avg = counts / N_TOT
    pl_term = avg * jnp.log(avg + 1e-10)
    ne0 = jnp.sum(pl_term[:, :K], axis=1, keepdims=True)
    ne1 = jnp.sum(pl_term[:, K:], axis=1, keepdims=True)
    perp_ref[...] = 0.5 * (jnp.exp(-ne0) + jnp.exp(-ne1))


@functools.partial(jax.jit, static_argnames=("interpret",))
def kernel(z, embeddings, interpret=False):
    grid = (B, HW // TOK)
    idx, lsum = pl.pallas_call(
        _argmin_body,
        grid=grid,
        in_specs=[
            pl.BlockSpec((1, C, 64, 64), lambda i, j: (i, 0, j, 0)),
            pl.BlockSpec((N_CB, K, D), lambda i, j: (0, 0, 0)),
        ],
        out_specs=[
            pl.BlockSpec((1, N_CB, TOK), lambda i, j: (i, 0, j)),
            pl.BlockSpec((1, 1), lambda i, j: (0, 0)),
        ],
        out_shape=[
            jax.ShapeDtypeStruct((B, N_CB, HW), jnp.int32),
            jax.ShapeDtypeStruct((1, 1), jnp.float32),
        ],
        scratch_shapes=[pltpu.SMEM((1,), jnp.float32)],
        interpret=interpret,
    )(z, embeddings)

    tbl = jnp.transpose(embeddings, (0, 2, 1)).reshape(C * K)

    if interpret:
        qst = jnp.stack([tbl.reshape(C, K)[c][idx[:, c // D, :]]
                         for c in range(C)], axis=1).reshape(B, C, 64, 64)
        hist_counts = jnp.zeros((N_CB * K,), jnp.float32)
        flat0 = idx[:, 0, :].reshape(-1)
        flat1 = idx[:, 1, :].reshape(-1) + K
        hist_counts = hist_counts.at[flat0].add(1.0).at[flat1].add(1.0)
        hist = jnp.zeros((NW, N_CB * K), jnp.float32).at[0].set(hist_counts)
    else:
        mesh = plsc.VectorSubcoreMesh(core_axis_name="c", subcore_axis_name="s")
        sc_gather = pl.kernel(
            _sc_gather_body,
            mesh=mesh,
            compiler_params=pltpu.CompilerParams(needs_layout_passes=False),
            out_type=[
                jax.ShapeDtypeStruct((B, C, 64, 64), jnp.float32),
                jax.ShapeDtypeStruct((NW, N_CB * K), jnp.float32),
            ],
            scratch_types=[
                pltpu.VMEM((C * K,), jnp.float32),
                pltpu.VMEM((CH,), jnp.int32),
                pltpu.VMEM((CH,), jnp.int32),
                pltpu.VMEM((C, CH // 64, 64), jnp.float32),
                pltpu.VMEM((N_CB * K,), jnp.float32),
            ],
        )
        qst, hist = sc_gather(tbl, idx)

    closs, perp, loss = pl.pallas_call(
        _finalize_body,
        out_shape=[
            jax.ShapeDtypeStruct((1, 1), jnp.float32),
            jax.ShapeDtypeStruct((1, 1), jnp.float32),
            jax.ShapeDtypeStruct((1, 1), jnp.float32),
        ],
        interpret=interpret,
    )(hist, lsum)

    quantized_st = qst.reshape(B, C, 64, 64)
    enc_idxs = jnp.transpose(idx, (0, 2, 1)).reshape(B, 64, 64, N_CB)
    return (quantized_st, enc_idxs, closs.reshape(()), perp.reshape(()),
            loss.reshape(()))

# --- scband reference (transcript-rebuilt; emitter-appended) ---
"""Pipeline reference for scband-quantize-39591008535131 (READ-ONLY COPY).

The authoritative reference and input builder live on the scoring server;
editing this copy changes nothing except your own understanding.
"""

import jax, jax.numpy as jnp
import numpy as np

N_CODEBOOKS = 2
CODES_PER_BOOK = 512
EMBEDDING_DIM = 32
COMMITMENT_COST = 0.25


def setup_inputs(seed: int = 0) -> dict:
    key = jax.random.key(seed)
    k1, k2 = jax.random.split(key)
    z = jax.random.normal(k1, (8, 64, 64, 64), dtype=jnp.float32)
    embeddings = jax.random.normal(k2, (N_CODEBOOKS, CODES_PER_BOOK, EMBEDDING_DIM), dtype=jnp.float32)
    return {"z": z, "embeddings": embeddings}


def reference(z, embeddings):
    # Eval-mode forward of Quantize (no EMA buffer updates).
    B, C, H, W = z.shape
    ncb, K, d = embeddings.shape
    # shift_dim(z, 1, -1): [B, C, H, W] -> [B, H, W, C]
    zt = jnp.transpose(z, (0, 2, 3, 1))
    flat_inputs = zt.reshape(-1, ncb, d)            # [N, ncb, d]
    flat_inputs = jnp.transpose(flat_inputs, (1, 0, 2))  # [ncb, N, d]
    embT = jnp.transpose(embeddings, (0, 2, 1))     # [ncb, d, K]
    distances = (jnp.sum(flat_inputs ** 2, axis=2, keepdims=True)
                 - 2.0 * jnp.einsum('bnd,bdk->bnk', flat_inputs, embT)
                 + jnp.sum(embT ** 2, axis=1, keepdims=True))  # [ncb, N, K]
    encoding_indices = jnp.argmin(distances, axis=2)            # [ncb, N]
    encode_onehot = jax.nn.one_hot(encoding_indices, K, dtype=flat_inputs.dtype)  # [ncb, N, K]
    idx_r = encoding_indices.reshape(ncb, B, H, W)
    # shift_dim(encoding_indices, 0, -1): [ncb, B, H, W] -> [B, H, W, ncb]
    enc_idxs_return = jnp.transpose(idx_r, (1, 2, 3, 0))
    # per-book embedding lookup, stack on dim -2, flatten
    quantized = jnp.stack([jnp.take(embeddings[i], idx_r[i], axis=0) for i in range(ncb)], axis=-2)  # [B, H, W, ncb, d]
    quantized = quantized.reshape(B, H, W, ncb * d)
    # shift_dim(quantized, -1, 1): [B, H, W, C] -> [B, C, H, W]
    quantized = jnp.transpose(quantized, (0, 3, 1, 2))
    commitment_loss = COMMITMENT_COST * jnp.mean((z - jax.lax.stop_gradient(quantized)) ** 2)
    loss = commitment_loss
    quantized_st = jax.lax.stop_gradient(quantized - z) + z
    avg_probs = jnp.mean(encode_onehot, axis=1)  # [ncb, K]
    perplexity = jnp.mean(jnp.exp(-jnp.sum(avg_probs * jnp.log(avg_probs + 1e-10), axis=1)))
    return (quantized_st, enc_idxs_return, commitment_loss, perplexity, loss)

if __name__ == "__main__":
    import jax
    _d = setup_inputs()
    print(jax.jit(kernel)(*tuple(_d.values())))

</pallas_src>

<mosaic_0001>
#map = affine_map<(d0, d1) -> (0)>
#map1 = affine_map<(d0, d1) -> (0, 0, 0)>
#map2 = affine_map<(d0, d1) -> (0, 0, 0, 0)>
#map3 = affine_map<(d0, d1) -> (0, 0)>
module attributes {stable_mosaic.version = 14 : i64} {
  func.func @_sc_gather_body(%arg0: i32, %arg1: i32, %arg2: memref<32768xf32, #tpu.memory_space<hbm>>, %arg3: memref<8x2x4096xi32, #tpu.memory_space<hbm>>, %arg4: memref<8x64x64x64xf32, #tpu.memory_space<hbm>>, %arg5: memref<32x1024xf32, #tpu.memory_space<hbm>>, %arg6: memref<32768xf32, #tpu.memory_space<vmem>>, %arg7: memref<512xi32, #tpu.memory_space<vmem>>, %arg8: memref<512xi32, #tpu.memory_space<vmem>>, %arg9: memref<64x8x64xf32, #tpu.memory_space<vmem>>, %arg10: memref<1024xf32, #tpu.memory_space<vmem>>) attributes {dimension_semantics = [#tpu.dimension_semantics<core_parallel>, #tpu.dimension_semantics<subcore_parallel>], iteration_bounds = array<i64: 2, 16>, scalar_prefetch = 0 : i64, scratch_operands = 5 : i64, tpu.core_type = #tpu.core_type<sc_vector_subcore>, window_params = [{transform_indices = #map}, {transform_indices = #map1}, {transform_indices = #map2}, {transform_indices = #map3}]} {
    %mul3A = arith.constant 2 : i32
    %mul3A_0 = arith.muli %arg1, %mul3A : i32
    %add3A = arith.addi %mul3A_0, %arg0 : i32
    %jit3A = arith.constant 4 : i32
    %div3A = arith.divsi %add3A, %jit3A : i32
    %sign3A = arith.constant 0 : i32
    %sign3A_1 = arith.cmpi sgt, %add3A, %sign3A : i32
    %sign3A_2 = arith.extui %sign3A_1 : i1 to i32
    %sign3A_3 = arith.constant 0 : i32
    %sign3A_4 = arith.cmpi slt, %add3A, %sign3A_3 : i32
    %sign3A_5 = arith.extui %sign3A_4 : i1 to i32
    %sign3A_6 = arith.subi %sign3A_2, %sign3A_5 : i32
    %sign3A_7 = arith.constant 0 : i32
    %sign3A_8 = arith.cmpi sgt, %jit3A, %sign3A_7 : i32
    %sign3A_9 = arith.extui %sign3A_8 : i1 to i32
    %sign3A_10 = arith.constant 0 : i32
    %sign3A_11 = arith.cmpi slt, %jit3A, %sign3A_10 : i32
    %sign3A_12 = arith.extui %sign3A_11 : i1 to i32
    %sign3A_13 = arith.subi %sign3A_9, %sign3A_12 : i32
    %ne3A = arith.cmpi ne, %sign3A_6, %sign3A_13 : i32
    %rem3A = arith.remsi %add3A, %jit3A : i32
    %ne3A_14 = arith.constant 0 : i32
    %ne3A_15 = arith.cmpi ne, %rem3A, %ne3A_14 : i32
    %and3A = arith.andi %ne3A, %ne3A_15 : i1
    %sub3A = arith.constant 1 : i32
    %sub3A_16 = arith.subi %div3A, %sub3A : i32
    %select_n3A = arith.select %and3A, %sub3A_16, %div3A : i32
    %jit3A_17 = arith.constant 4 : i32
    %eq3A = arith.constant 0 : i32
    %eq3A_18 = arith.cmpi eq, %jit3A_17, %eq3A : i32
    %jit3A_19 = arith.constant 1 : i32
    %select_n3A_20 = arith.select %eq3A_18, %jit3A_19, %jit3A_17 : i32
    %rem3A_21 = arith.remsi %add3A, %select_n3A_20 : i32
    %ne3A_22 = arith.constant 0 : i32
    %ne3A_23 = arith.cmpi ne, %rem3A_21, %ne3A_22 : i32
    %lt3A = arith.constant 0 : i32
    %lt3A_24 = arith.cmpi slt, %rem3A_21, %lt3A : i32
    %lt3A_25 = arith.constant 0 : i32
    %lt3A_26 = arith.cmpi slt, %select_n3A_20, %lt3A_25 : i32
    %ne3A_27 = arith.xori %lt3A_24, %lt3A_26 : i1
    %and3A_28 = arith.andi %ne3A_27, %ne3A_23 : i1
    %add3A_29 = arith.addi %rem3A_21, %select_n3A_20 : i32
    %select_n3A_30 = arith.select %and3A_28, %add3A_29, %rem3A_21 : i32
    %mul3A_31 = arith.constant 1024 : i32
    %mul3A_32 = arith.muli %select_n3A_30, %mul3A_31 : i32
    "tpu.region"() ({
      %run_scoped3A = tpu.sem_alloc : memref<!tpu.dma_semaphore, #tpu.memory_space<semaphore_mem>>
      tpu.enqueue_dma source(%arg2 : memref<32768xf32, #tpu.memory_space<hbm>>) target(%arg6 : memref<32768xf32, #tpu.memory_space<vmem>>) target_semaphore(%run_scoped3A : memref<!tpu.dma_semaphore, #tpu.memory_space<semaphore_mem>>)
      tpu.wait_dma2 semaphore(%run_scoped3A : memref<!tpu.dma_semaphore, #tpu.memory_space<semaphore_mem>>) src(%arg2 : memref<32768xf32, #tpu.memory_space<hbm>>) dst(%arg6 : memref<32768xf32, #tpu.memory_space<vmem>>)
      tpu.yield
    }) : () -> ()
    %broadcast_in_dim3A = arith.constant 0.000000e+00 : f32
    %broadcast_in_dim3A_33 = vector.broadcast %broadcast_in_dim3A : f32 to vector<16xf32>
    %broadcast_in_dim3A_34 = arith.constant 1.000000e+00 : f32
    %broadcast_in_dim3A_35 = vector.broadcast %broadcast_in_dim3A_34 : f32 to vector<16xf32>
    %scan3A = arith.constant 0 : i32
    %scan3A_36 = arith.constant 0 : i32
    %scan3A_37 = arith.constant 64 : i32
    %scan3A_38 = arith.addi %scan3A_36, %scan3A_37 : i32
    %scan3A_39 = arith.constant 1 : i32
    %scan3A_40 = scf.for %scan3A_49 = %scan3A_36 to %scan3A_38 step %scan3A_39 iter_args(%scan3A_50 = %scan3A) -> (i32)  : i32 {
      %mul3A_51 = arith.constant 16 : i32
      %mul3A_52 = arith.muli %scan3A_49, %mul3A_51 : i32
      %swap3A = arith.index_cast %mul3A_52 : i32 to index
      %swap3A_53 = tpu.vector_load %arg10[%swap3A] {strides = array<i32>} : memref<1024xf32, #tpu.memory_space<vmem>>, vector<16xf32>,
      tpu.vector_store %arg10[%swap3A], %broadcast_in_dim3A_33 {strides = array<i32>} : memref<1024xf32, #tpu.memory_space<vmem>>, vector<16xf32>,
      %scan3A_54 = arith.constant 0 : i32
      scf.yield %scan3A_54 : i32
    }
    %scan3A_41 = arith.constant 64 : i32
    %scan3A_42 = arith.constant 0 : i32
    %scan3A_43 = arith.constant 0 : i32
    %scan3A_44 = arith.constant 2 : i32
    %scan3A_45 = arith.addi %scan3A_43, %scan3A_44 : i32
    %scan3A_46 = arith.constant 1 : i32
    %scan3A_47 = scf.for %scan3A_49 = %scan3A_43 to %scan3A_45 step %scan3A_46 iter_args(%scan3A_50 = %scan3A_42) -> (i32)  : i32 {
      %mul3A_51 = arith.constant 512 : i32
      %mul3A_52 = arith.muli %scan3A_49, %mul3A_51 : i32
      %add3A_53 = arith.addi %mul3A_32, %mul3A_52 : i32
      %run_scoped3A = arith.constant 0 : i32
      "tpu.region"() ({
        %run_scoped3A_87 = tpu.sem_alloc : memref<!tpu.dma_semaphore, #tpu.memory_space<semaphore_mem>>
        %dma_start3A = tpu.memref_slice %arg3[%select_n3A, %run_scoped3A, %add3A_53] : memref<8x2x4096xi32, #tpu.memory_space<hbm>> -> memref<1x1x512xi32, #tpu.memory_space<hbm>>
        %dma_start3A_88 = tpu.memref_squeeze %dma_start3A : memref<1x1x512xi32, #tpu.memory_space<hbm>> -> memref<512xi32, #tpu.memory_space<hbm>>
        %dma_start3A_89 = tpu.memref_slice %arg3[%select_n3A, %run_scoped3A, %add3A_53] : memref<8x2x4096xi32, #tpu.memory_space<hbm>> -> memref<1x1x512xi32, #tpu.memory_space<hbm>>
        %dma_start3A_90 = tpu.memref_squeeze %dma_start3A_89 : memref<1x1x512xi32, #tpu.memory_space<hbm>> -> memref<512xi32, #tpu.memory_space<hbm>>
        tpu.enqueue_dma source(%dma_start3A_90 : memref<512xi32, #tpu.memory_space<hbm>>) target(%arg7 : memref<512xi32, #tpu.memory_space<vmem>>) target_semaphore(%run_scoped3A_87 : memref<!tpu.dma_semaphore, #tpu.memory_space<semaphore_mem>>)
        %dma_wait3A = tpu.memref_slice %arg3[%select_n3A, %run_scoped3A, %add3A_53] : memref<8x2x4096xi32, #tpu.memory_space<hbm>> -> memref<1x1x512xi32, #tpu.memory_space<hbm>>
        %dma_wait3A_91 = tpu.memref_squeeze %dma_wait3A : memref<1x1x512xi32, #tpu.memory_space<hbm>> -> memref<512xi32, #tpu.memory_space<hbm>>
        %dma_wait3A_92 = tpu.memref_slice %arg3[%select_n3A, %run_scoped3A, %add3A_53] : memref<8x2x4096xi32, #tpu.memory_space<hbm>> -> memref<1x1x512xi32, #tpu.memory_space<hbm>>
        %dma_wait3A_93 = tpu.memref_squeeze %dma_wait3A_92 : memref<1x1x512xi32, #tpu.memory_space<hbm>> -> memref<512xi32, #tpu.memory_space<hbm>>
        tpu.wait_dma2 semaphore(%run_scoped3A_87 : memref<!tpu.dma_semaphore, #tpu.memory_space<semaphore_mem>>) src(%dma_wait3A_93 : memref<512xi32, #tpu.memory_space<hbm>>) dst(%arg7 : memref<512xi32, #tpu.memory_space<vmem>>)
        tpu.yield
      }) : () -> ()
      %run_scoped3A_54 = arith.constant 1 : i32
      "tpu.region"() ({
        %run_scoped3A_87 = tpu.sem_alloc : memref<!tpu.dma_semaphore, #tpu.memory_space<semaphore_mem>>
        %dma_start3A = tpu.memref_slice %arg3[%select_n3A, %run_scoped3A_54, %add3A_53] : memref<8x2x4096xi32, #tpu.memory_space<hbm>> -> memref<1x1x512xi32, #tpu.memory_space<hbm>>
        %dma_start3A_88 = tpu.memref_squeeze %dma_start3A : memref<1x1x512xi32, #tpu.memory_space<hbm>> -> memref<512xi32, #tpu.memory_space<hbm>>
        %dma_start3A_89 = tpu.memref_slice %arg3[%select_n3A, %run_scoped3A_54, %add3A_53] : memref<8x2x4096xi32, #tpu.memory_space<hbm>> -> memref<1x1x512xi32, #tpu.memory_space<hbm>>
        %dma_start3A_90 = tpu.memref_squeeze %dma_start3A_89 : memref<1x1x512xi32, #tpu.memory_space<hbm>> -> memref<512xi32, #tpu.memory_space<hbm>>
        tpu.enqueue_dma source(%dma_start3A_90 : memref<512xi32, #tpu.memory_space<hbm>>) target(%arg8 : memref<512xi32, #tpu.memory_space<vmem>>) target_semaphore(%run_scoped3A_87 : memref<!tpu.dma_semaphore, #tpu.memory_space<semaphore_mem>>)
        %dma_wait3A = tpu.memref_slice %arg3[%select_n3A, %run_scoped3A_54, %add3A_53] : memref<8x2x4096xi32, #tpu.memory_space<hbm>> -> memref<1x1x512xi32, #tpu.memory_space<hbm>>
        %dma_wait3A_91 = tpu.memref_squeeze %dma_wait3A : memref<1x1x512xi32, #tpu.memory_space<hbm>> -> memref<512xi32, #tpu.memory_space<hbm>>
        %dma_wait3A_92 = tpu.memref_slice %arg3[%select_n3A, %run_scoped3A_54, %add3A_53] : memref<8x2x4096xi32, #tpu.memory_space<hbm>> -> memref<1x1x512xi32, #tpu.memory_space<hbm>>
        %dma_wait3A_93 = tpu.memref_squeeze %dma_wait3A_92 : memref<1x1x512xi32, #tpu.memory_space<hbm>> -> memref<512xi32, #tpu.memory_space<hbm>>
        tpu.wait_dma2 semaphore(%run_scoped3A_87 : memref<!tpu.dma_semaphore, #tpu.memory_space<semaphore_mem>>) src(%dma_wait3A_93 : memref<512xi32, #tpu.memory_space<hbm>>) dst(%arg8 : memref<512xi32, #tpu.memory_space<vmem>>)
        tpu.yield
      }) : () -> ()
      %scan3A_55 = arith.constant 0 : i32
      %scan3A_56 = arith.constant 0 : i32
      %scan3A_57 = arith.constant 32 : i32
      %scan3A_58 = arith.addi %scan3A_56, %scan3A_57 : i32
      %scan3A_59 = arith.constant 4 : i32
      %scan3A_60 = scf.for %scan3A_87 = %scan3A_56 to %scan3A_58 step %scan3A_59 iter_args(%scan3A_88 = %scan3A_55) -> (i32)  : i32 {
        %mul3A_89 = arith.constant 16 : i32
        %mul3A_90 = arith.muli %scan3A_87, %mul3A_89 : i32
        %get3A = arith.index_cast %mul3A_90 : i32 to index
        %get3A_91 = tpu.vector_load %arg7[%get3A] {strides = array<i32>} : memref<512xi32, #tpu.memory_space<vmem>>, vector<16xi32>,
        %get3A_92 = arith.index_cast %mul3A_90 : i32 to index
        %get3A_93 = tpu.vector_load %arg8[%get3A_92] {strides = array<i32>} : memref<512xi32, #tpu.memory_space<vmem>>, vector<16xi32>,
        %jit3A_94 = arith.constant 4 : i32
        %div3A_95 = arith.divsi %scan3A_87, %jit3A_94 : i32
        %sign3A_96 = arith.constant 0 : i32
        %sign3A_97 = arith.cmpi sgt, %scan3A_87, %sign3A_96 : i32
        %sign3A_98 = arith.extui %sign3A_97 : i1 to i32
        %sign3A_99 = arith.constant 0 : i32
        %sign3A_100 = arith.cmpi slt, %scan3A_87, %sign3A_99 : i32
        %sign3A_101 = arith.extui %sign3A_100 : i1 to i32
        %sign3A_102 = arith.subi %sign3A_98, %sign3A_101 : i32
        %sign3A_103 = arith.constant 0 : i32
        %sign3A_104 = arith.cmpi sgt, %jit3A_94, %sign3A_103 : i32
        %sign3A_105 = arith.extui %sign3A_104 : i1 to i32
        %sign3A_106 = arith.constant 0 : i32
        %sign3A_107 = arith.cmpi slt, %jit3A_94, %sign3A_106 : i32
        %sign3A_108 = arith.extui %sign3A_107 : i1 to i32
        %sign3A_109 = arith.subi %sign3A_105, %sign3A_108 : i32
        %ne3A_110 = arith.cmpi ne, %sign3A_102, %sign3A_109 : i32
        %rem3A_111 = arith.remsi %scan3A_87, %jit3A_94 : i32
        %ne3A_112 = arith.constant 0 : i32
        %ne3A_113 = arith.cmpi ne, %rem3A_111, %ne3A_112 : i32
        %and3A_114 = arith.andi %ne3A_110, %ne3A_113 : i1
        %sub3A_115 = arith.constant 1 : i32
        %sub3A_116 = arith.subi %div3A_95, %sub3A_115 : i32
        %select_n3A_117 = arith.select %and3A_114, %sub3A_116, %div3A_95 : i32
        %jit3A_118 = arith.constant 4 : i32
        %eq3A_119 = arith.constant 0 : i32
        %eq3A_120 = arith.cmpi eq, %jit3A_118, %eq3A_119 : i32
        %jit3A_121 = arith.constant 1 : i32
        %select_n3A_122 = arith.select %eq3A_120, %jit3A_121, %jit3A_118 : i32
        %rem3A_123 = arith.remsi %scan3A_87, %select_n3A_122 : i32
        %ne3A_124 = arith.constant 0 : i32
        %ne3A_125 = arith.cmpi ne, %rem3A_123, %ne3A_124 : i32
        %lt3A_126 = arith.constant 0 : i32
        %lt3A_127 = arith.cmpi slt, %rem3A_123, %lt3A_126 : i32
        %lt3A_128 = arith.constant 0 : i32
        %lt3A_129 = arith.cmpi slt, %select_n3A_122, %lt3A_128 : i32
        %ne3A_130 = arith.xori %lt3A_127, %lt3A_129 : i1
        %and3A_131 = arith.andi %ne3A_130, %ne3A_125 : i1
        %add3A_132 = arith.addi %rem3A_123, %select_n3A_122 : i32
        %select_n3A_133 = arith.select %and3A_131, %add3A_132, %rem3A_123 : i32
        %mul3A_134 = arith.constant 16 : i32
        %mul3A_135 = arith.muli %select_n3A_133, %mul3A_134 : i32
        %add3A_136 = arith.constant 0 : i32
        %add3A_137 = vector.broadcast %add3A_136 : i32 to vector<16xi32>
        %add3A_138 = arith.addi %get3A_91, %add3A_137 : vector<16xi32>
        %gather3A = tpu.vector_load_idx %arg6[%add3A_138] : memref<32768xf32, #tpu.memory_space<vmem>>[vector<16xi32>], vector<16xf32>,
        %swap3A = arith.constant 0 : i32
        %swap3A_139 = arith.index_cast %swap3A : i32 to index
        %swap3A_140 = arith.index_cast %select_n3A_117 : i32 to index
        %swap3A_141 = arith.index_cast %mul3A_135 : i32 to index
        %swap3A_142 = tpu.vector_load %arg9[%swap3A_139, %swap3A_140, %swap3A_141] {strides = array<i32>} : memref<64x8x64xf32, #tpu.memory_space<vmem>>, vector<16xf32>,
        tpu.vector_store %arg9[%swap3A_139, %swap3A_140, %swap3A_141], %gather3A {strides = array<i32>} : memref<64x8x64xf32, #tpu.memory_space<vmem>>, vector<16xf32>,
        %add3A_143 = arith.constant 512 : i32
        %add3A_144 = vector.broadcast %add3A_143 : i32 to vector<16xi32>
        %add3A_145 = arith.addi %get3A_91, %add3A_144 : vector<16xi32>
        %gather3A_146 = tpu.vector_load_idx %arg6[%add3A_145] : memref<32768xf32, #tpu.memory_space<vmem>>[vector<16xi32>], vector<16xf32>,
        %swap3A_147 = arith.constant 1 : i32
        %swap3A_148 = arith.index_cast %swap3A_147 : i32 to index
        %swap3A_149 = arith.index_cast %select_n3A_117 : i32 to index
        %swap3A_150 = arith.index_cast %mul3A_135 : i32 to index
        %swap3A_151 = tpu.vector_load %arg9[%swap3A_148, %swap3A_149, %swap3A_150] {strides = array<i32>} : memref<64x8x64xf32, #tpu.memory_space<vmem>>, vector<16xf32>,
        tpu.vector_store %arg9[%swap3A_148, %swap3A_149, %swap3A_150], %gather3A_146 {strides = array<i32>} : memref<64x8x64xf32, #tpu.memory_space<vmem>>, vector<16xf32>,
        %add3A_152 = arith.constant 1024 : i32
        %add3A_153 = vector.broadcast %add3A_152 : i32 to vector<16xi32>
        %add3A_154 = arith.addi %get3A_91, %add3A_153 : vector<16xi32>
        %gather3A_155 = tpu.vector_load_idx %arg6[%add3A_154] : memref<32768xf32, #tpu.memory_space<vmem>>[vector<16xi32>], vector<16xf32>,
        %swap3A_156 = arith.constant 2 : i32
        %swap3A_157 = arith.index_cast %swap3A_156 : i32 to index
        %swap3A_158 = arith.index_cast %select_n3A_117 : i32 to index
        %swap3A_159 = arith.index_cast %mul3A_135 : i32 to index
        %swap3A_160 = tpu.vector_load %arg9[%swap3A_157, %swap3A_158, %swap3A_159] {strides = array<i32>} : memref<64x8x64xf32, #tpu.memory_space<vmem>>, vector<16xf32>,
        tpu.vector_store %arg9[%swap3A_157, %swap3A_158, %swap3A_159], %gather3A_155 {strides = array<i32>} : memref<64x8x64xf32, #tpu.memory_space<vmem>>, vector<16xf32>,
        %add3A_161 = arith.constant 1536 : i32
        %add3A_162 = vector.broadcast %add3A_161 : i32 to vector<16xi32>
        %add3A_163 = arith.addi %get3A_91, %add3A_162 : vector<16xi32>
        %gather3A_164 = tpu.vector_load_idx %arg6[%add3A_163] : memref<32768xf32, #tpu.memory_space<vmem>>[vector<16xi32>], vector<16xf32>,
        %swap3A_165 = arith.constant 3 : i32
        %swap3A_166 = arith.index_cast %swap3A_165 : i32 to index
        %swap3A_167 = arith.index_cast %select_n3A_117 : i32 to index
        %swap3A_168 = arith.index_cast %mul3A_135 : i32 to index
        %swap3A_169 = tpu.vector_load %arg9[%swap3A_166, %swap3A_167, %swap3A_168] {strides = array<i32>} : memref<64x8x64xf32, #tpu.memory_space<vmem>>, vector<16xf32>,
        tpu.vector_store %arg9[%swap3A_166, %swap3A_167, %swap3A_168], %gather3A_164 {strides = array<i32>} : memref<64x8x64xf32, #tpu.memory_space<vmem>>, vector<16xf32>,
        %add3A_170 = arith.constant 2048 : i32
        %add3A_171 = vector.broadcast %add3A_170 : i32 to vector<16xi32>
        %add3A_172 = arith.addi %get3A_91, %add3A_171 : vector<16xi32>
        %gather3A_173 = tpu.vector_load_idx %arg6[%add3A_172] : memref<32768xf32, #tpu.memory_space<vmem>>[vector<16xi32>], vector<16xf32>,
        %swap3A_174 = arith.constant 4 : i32
        %swap3A_175 = arith.index_cast %swap3A_174 : i32 to index
        %swap3A_176 = arith.index_cast %select_n3A_117 : i32 to index
        %swap3A_177 = arith.index_cast %mul3A_135 : i32 to index
        %swap3A_178 = tpu.vector_load %arg9[%swap3A_175, %swap3A_176, %swap3A_177] {strides = array<i32>} : memref<64x8x64xf32, #tpu.memory_space<vmem>>, vector<16xf32>,
        tpu.vector_store %arg9[%swap3A_175, %swap3A_176, %swap3A_177], %gather3A_173 {strides = array<i32>} : memref<64x8x64xf32, #tpu.memory_space<vmem>>, vector<16xf32>,
        %add3A_179 = arith.constant 2560 : i32
        %add3A_180 = vector.broadcast %add3A_179 : i32 to vector<16xi32>
        %add3A_181 = arith.addi %get3A_91, %add3A_180 : vector<16xi32>
        %gather3A_182 = tpu.vector_load_idx %arg6[%add3A_181] : memref<32768xf32, #tpu.memory_space<vmem>>[vector<16xi32>], vector<16xf32>,
        %swap3A_183 = arith.constant 5 : i32
        %swap3A_184 = arith.index_cast %swap3A_183 : i32 to index
        %swap3A_185 = arith.index_cast %select_n3A_117 : i32 to index
        %swap3A_186 = arith.index_cast %mul3A_135 : i32 to index
        %swap3A_187 = tpu.vector_load %arg9[%swap3A_184, %swap3A_185, %swap3A_186] {strides = array<i32>} : memref<64x8x64xf32, #tpu.memory_space<vmem>>, vector<16xf32>,
        tpu.vector_store %arg9[%swap3A_184, %swap3A_185, %swap3A_186], %gather3A_182 {strides = array<i32>} : memref<64x8x64xf32, #tpu.memory_space<vmem>>, vector<16xf32>,
        %add3A_188 = arith.constant 3072 : i32
        %add3A_189 = vector.broadcast %add3A_188 : i32 to vector<16xi32>
        %add3A_190 = arith.addi %get3A_91, %add3A_189 : vector<16xi32>
        %gather3A_191 = tpu.vector_load_idx %arg6[%add3A_190] : memref<32768xf32, #tpu.memory_space<vmem>>[vector<16xi32>], vector<16xf32>,
        %swap3A_192 = arith.constant 6 : i32
        %swap3A_193 = arith.index_cast %swap3A_192 : i32 to index
        %swap3A_194 = arith.index_cast %select_n3A_117 : i32 to index
        %swap3A_195 = arith.index_cast %mul3A_135 : i32 to index
        %swap3A_196 = tpu.vector_load %arg9[%swap3A_193, %swap3A_194, %swap3A_195] {strides = array<i32>} : memref<64x8x64xf32, #tpu.memory_space<vmem>>, vector<16xf32>,
        tpu.vector_store %arg9[%swap3A_193, %swap3A_194, %swap3A_195], %gather3A_191 {strides = array<i32>} : memref<64x8x64xf32, #tpu.memory_space<vmem>>, vector<16xf32>,
        %add3A_197 = arith.constant 3584 : i32
        %add3A_198 = vector.broadcast %add3A_197 : i32 to vector<16xi32>
        %add3A_199 = arith.addi %get3A_91, %add3A_198 : vector<16xi32>
        %gather3A_200 = tpu.vector_load_idx %arg6[%add3A_199] : memref<32768xf32, #tpu.memory_space<vmem>>[vector<16xi32>], vector<16xf32>,
        %swap3A_201 = arith.constant 7 : i32
        %swap3A_202 = arith.index_cast %swap3A_201 : i32 to index
        %swap3A_203 = arith.index_cast %select_n3A_117 : i32 to index
        %swap3A_204 = arith.index_cast %mul3A_135 : i32 to index
        %swap3A_205 = tpu.vector_load %arg9[%swap3A_202, %swap3A_203, %swap3A_204] {strides = array<i32>} : memref<64x8x64xf32, #tpu.memory_space<vmem>>, vector<16xf32>,
        tpu.vector_store %arg9[%swap3A_202, %swap3A_203, %swap3A_204], %gather3A_200 {strides = array<i32>} : memref<64x8x64xf32, #tpu.memory_space<vmem>>, vector<16xf32>,
        %add3A_206 = arith.constant 4096 : i32
        %add3A_207 = vector.broadcast %add3A_206 : i32 to vector<16xi32>
        %add3A_208 = arith.addi %get3A_91, %add3A_207 : vector<16xi32>
        %gather3A_209 = tpu.vector_load_idx %arg6[%add3A_208] : memref<32768xf32, #tpu.memory_space<vmem>>[vector<16xi32>], vector<16xf32>,
        %swap3A_210 = arith.constant 8 : i32
        %swap3A_211 = arith.index_cast %swap3A_210 : i32 to index
        %swap3A_212 = arith.index_cast %select_n3A_117 : i32 to index
        %swap3A_213 = arith.index_cast %mul3A_135 : i32 to index
        %swap3A_214 = tpu.vector_load %arg9[%swap3A_211, %swap3A_212, %swap3A_213] {strides = array<i32>} : memref<64x8x64xf32, #tpu.memory_space<vmem>>, vector<16xf32>,
        tpu.vector_store %arg9[%swap3A_211, %swap3A_212, %swap3A_213], %gather3A_209 {strides = array<i32>} : memref<64x8x64xf32, #tpu.memory_space<vmem>>, vector<16xf32>,
        %add3A_215 = arith.constant 4608 : i32
        %add3A_216 = vector.broadcast %add3A_215 : i32 to vector<16xi32>
        %add3A_217 = arith.addi %get3A_91, %add3A_216 : vector<16xi32>
        %gather3A_218 = tpu.vector_load_idx %arg6[%add3A_217] : memref<32768xf32, #tpu.memory_space<vmem>>[vector<16xi32>], vector<16xf32>,
        %swap3A_219 = arith.constant 9 : i32
        %swap3A_220 = arith.index_cast %swap3A_219 : i32 to index
        %swap3A_221 = arith.index_cast %select_n3A_117 : i32 to index
        %swap3A_222 = arith.index_cast %mul3A_135 : i32 to index
        %swap3A_223 = tpu.vector_load %arg9[%swap3A_220, %swap3A_221, %swap3A_222] {strides = array<i32>} : memref<64x8x64xf32, #tpu.memory_space<vmem>>, vector<16xf32>,
        tpu.vector_store %arg9[%swap3A_220, %swap3A_221, %swap3A_222], %gather3A_218 {strides = array<i32>} : memref<64x8x64xf32, #tpu.memory_space<vmem>>, vector<16xf32>,
        %add3A_224 = arith.constant 5120 : i32
        %add3A_225 = vector.broadcast %add3A_224 : i32 to vector<16xi32>
        %add3A_226 = arith.addi %get3A_91, %add3A_225 : vector<16xi32>
        %gather3A_227 = tpu.vector_load_idx %arg6[%add3A_226] : memref<32768xf32, #tpu.memory_space<vmem>>[vector<16xi32>], vector<16xf32>,
        %swap3A_228 = arith.constant 10 : i32
        %swap3A_229 = arith.index_cast %swap3A_228 : i32 to index
        %swap3A_230 = arith.index_cast %select_n3A_117 : i32 to index
        %swap3A_231 = arith.index_cast %mul3A_135 : i32 to index
        %swap3A_232 = tpu.vector_load %arg9[%swap3A_229, %swap3A_230, %swap3A_231] {strides = array<i32>} : memref<64x8x64xf32, #tpu.memory_space<vmem>>, vector<16xf32>,
        tpu.vector_store %arg9[%swap3A_229, %swap3A_230, %swap3A_231], %gather3A_227 {strides = array<i32>} : memref<64x8x64xf32, #tpu.memory_space<vmem>>, vector<16xf32>,
        %add3A_233 = arith.constant 5632 : i32
        %add3A_234 = vector.broadcast %add3A_233 : i32 to vector<16xi32>
        %add3A_235 = arith.addi %get3A_91, %add3A_234 : vector<16xi32>
        %gather3A_236 = tpu.vector_load_idx %arg6[%add3A_235] : memref<32768xf32, #tpu.memory_space<vmem>>[vector<16xi32>], vector<16xf32>,
        %swap3A_237 = arith.constant 11 : i32
        %swap3A_238 = arith.index_cast %swap3A_237 : i32 to index
        %swap3A_239 = arith.index_cast %select_n3A_117 : i32 to index
        %swap3A_240 = arith.index_cast %mul3A_135 : i32 to index
        %swap3A_241 = tpu.vector_load %arg9[%swap3A_238, %swap3A_239, %swap3A_240] {strides = array<i32>} : memref<64x8x64xf32, #tpu.memory_space<vmem>>, vector<16xf32>,
        tpu.vector_store %arg9[%swap3A_238, %swap3A_239, %swap3A_240], %gather3A_236 {strides = array<i32>} : memref<64x8x64xf32, #tpu.memory_space<vmem>>, vector<16xf32>,
        %add3A_242 = arith.constant 6144 : i32
        %add3A_243 = vector.broadcast %add3A_242 : i32 to vector<16xi32>
        %add3A_244 = arith.addi %get3A_91, %add3A_243 : vector<16xi32>
        %gather3A_245 = tpu.vector_load_idx %arg6[%add3A_244] : memref<32768xf32, #tpu.memory_space<vmem>>[vector<16xi32>], vector<16xf32>,
        %swap3A_246 = arith.constant 12 : i32
        %swap3A_247 = arith.index_cast %swap3A_246 : i32 to index
        %swap3A_248 = arith.index_cast %select_n3A_117 : i32 to index
        %swap3A_249 = arith.index_cast %mul3A_135 : i32 to index
        %swap3A_250 = tpu.vector_load %arg9[%swap3A_247, %swap3A_248, %swap3A_249] {strides = array<i32>} : memref<64x8x64xf32, #tpu.memory_space<vmem>>, vector<16xf32>,
        tpu.vector_store %arg9[%swap3A_247, %swap3A_248, %swap3A_249], %gather3A_245 {strides = array<i32>} : memref<64x8x64xf32, #tpu.memory_space<vmem>>, vector<16xf32>,
        %add3A_251 = arith.constant 6656 : i32
        %add3A_252 = vector.broadcast %add3A_251 : i32 to vector<16xi32>
        %add3A_253 = arith.addi %get3A_91, %add3A_252 : vector<16xi32>
        %gather3A_254 = tpu.vector_load_idx %arg6[%add3A_253] : memref<32768xf32, #tpu.memory_space<vmem>>[vector<16xi32>], vector<16xf32>,
        %swap3A_255 = arith.constant 13 : i32
        %swap3A_256 = arith.index_cast %swap3A_255 : i32 to index
        %swap3A_257 = arith.index_cast %select_n3A_117 : i32 to index
        %swap3A_258 = arith.index_cast %mul3A_135 : i32 to index
        %swap3A_259 = tpu.vector_load %arg9[%swap3A_256, %swap3A_257, %swap3A_258] {strides = array<i32>} : memref<64x8x64xf32, #tpu.memory_space<vmem>>, vector<16xf32>,
        tpu.vector_store %arg9[%swap3A_256, %swap3A_257, %swap3A_258], %gather3A_254 {strides = array<i32>} : memref<64x8x64xf32, #tpu.memory_space<vmem>>, vector<16xf32>,
        %add3A_260 = arith.constant 7168 : i32
        %add3A_261 = vector.broadcast %add3A_260 : i32 to vector<16xi32>
        %add3A_262 = arith.addi %get3A_91, %add3A_261 : vector<16xi32>
        %gather3A_263 = tpu.vector_load_idx %arg6[%add3A_262] : memref<32768xf32, #tpu.memory_space<vmem>>[vector<16xi32>], vector<16xf32>,
        %swap3A_264 = arith.constant 14 : i32
        %swap3A_265 = arith.index_cast %swap3A_264 : i32 to index
        %swap3A_266 = arith.index_cast %select_n3A_117 : i32 to index
        %swap3A_267 = arith.index_cast %mul3A_135 : i32 to index
        %swap3A_268 = tpu.vector_load %arg9[%swap3A_265, %swap3A_266, %swap3A_267] {strides = array<i32>} : memref<64x8x64xf32, #tpu.memory_space<vmem>>, vector<16xf32>,
        tpu.vector_store %arg9[%swap3A_265, %swap3A_266, %swap3A_267], %gather3A_263 {strides = array<i32>} : memref<64x8x64xf32, #tpu.memory_space<vmem>>, vector<16xf32>,
        %add3A_269 = arith.constant 7680 : i32
        %add3A_270 = vector.broadcast %add3A_269 : i32 to vector<16xi32>
        %add3A_271 = arith.addi %get3A_91, %add3A_270 : vector<16xi32>
        %gather3A_272 = tpu.vector_load_idx %arg6[%add3A_271] : memref<32768xf32, #tpu.memory_space<vmem>>[vector<16xi32>], vector<16xf32>,
        %swap3A_273 = arith.constant 15 : i32
        %swap3A_274 = arith.index_cast %swap3A_273 : i32 to index
        %swap3A_275 = arith.index_cast %select_n3A_117 : i32 to index
        %swap3A_276 = arith.index_cast %mul3A_135 : i32 to index
        %swap3A_277 = tpu.vector_load %arg9[%swap3A_274, %swap3A_275, %swap3A_276] {strides = array<i32>} : memref<64x8x64xf32, #tpu.memory_space<vmem>>, vector<16xf32>,
        tpu.vector_store %arg9[%swap3A_274, %swap3A_275, %swap3A_276], %gather3A_272 {strides = array<i32>} : memref<64x8x64xf32, #tpu.memory_space<vmem>>, vector<16xf32>,
        %add3A_278 = arith.constant 8192 : i32
        %add3A_279 = vector.broadcast %add3A_278 : i32 to vector<16xi32>
        %add3A_280 = arith.addi %get3A_91, %add3A_279 : vector<16xi32>
        %gather3A_281 = tpu.vector_load_idx %arg6[%add3A_280] : memref<32768xf32, #tpu.memory_space<vmem>>[vector<16xi32>], vector<16xf32>,
        %swap3A_282 = arith.constant 16 : i32
        %swap3A_283 = arith.index_cast %swap3A_282 : i32 to index
        %swap3A_284 = arith.index_cast %select_n3A_117 : i32 to index
        %swap3A_285 = arith.index_cast %mul3A_135 : i32 to index
        %swap3A_286 = tpu.vector_load %arg9[%swap3A_283, %swap3A_284, %swap3A_285] {strides = array<i32>} : memref<64x8x64xf32, #tpu.memory_space<vmem>>, vector<16xf32>,
        tpu.vector_store %arg9[%swap3A_283, %swap3A_284, %swap3A_285], %gather3A_281 {strides = array<i32>} : memref<64x8x64xf32, #tpu.memory_space<vmem>>, vector<16xf32>,
        %add3A_287 = arith.constant 8704 : i32
        %add3A_288 = vector.broadcast %add3A_287 : i32 to vector<16xi32>
        %add3A_289 = arith.addi %get3A_91, %add3A_288 : vector<16xi32>
        %gather3A_290 = tpu.vector_load_idx %arg6[%add3A_289] : memref<32768xf32, #tpu.memory_space<vmem>>[vector<16xi32>], vector<16xf32>,
        %swap3A_291 = arith.constant 17 : i32
        %swap3A_292 = arith.index_cast %swap3A_291 : i32 to index
        %swap3A_293 = arith.index_cast %select_n3A_117 : i32 to index
        %swap3A_294 = arith.index_cast %mul3A_135 : i32 to index
        %swap3A_295 = tpu.vector_load %arg9[%swap3A_292, %swap3A_293, %swap3A_294] {strides = array<i32>} : memref<64x8x64xf32, #tpu.memory_space<vmem>>, vector<16xf32>,
        tpu.vector_store %arg9[%swap3A_292, %swap3A_293, %swap3A_294], %gather3A_290 {strides = array<i32>} : memref<64x8x64xf32, #tpu.memory_space<vmem>>, vector<16xf32>,
        %add3A_296 = arith.constant 9216 : i32
        %add3A_297 = vector.broadcast %add3A_296 : i32 to vector<16xi32>
        %add3A_298 = arith.addi %get3A_91, %add3A_297 : vector<16xi32>
        %gather3A_299 = tpu.vector_load_idx %arg6[%add3A_298] : memref<32768xf32, #tpu.memory_space<vmem>>[vector<16xi32>], vector<16xf32>,
        %swap3A_300 = arith.constant 18 : i32
        %swap3A_301 = arith.index_cast %swap3A_300 : i32 to index
        %swap3A_302 = arith.index_cast %select_n3A_117 : i32 to index
        %swap3A_303 = arith.index_cast %mul3A_135 : i32 to index
        %swap3A_304 = tpu.vector_load %arg9[%swap3A_301, %swap3A_302, %swap3A_303] {strides = array<i32>} : memref<64x8x64xf32, #tpu.memory_space<vmem>>, vector<16xf32>,
        tpu.vector_store %arg9[%swap3A_301, %swap3A_302, %swap3A_303], %gather3A_299 {strides = array<i32>} : memref<64x8x64xf32, #tpu.memory_space<vmem>>, vector<16xf32>,
        %add3A_305 = arith.constant 9728 : i32
        %add3A_306 = vector.broadcast %add3A_305 : i32 to vector<16xi32>
        %add3A_307 = arith.addi %get3A_91, %add3A_306 : vector<16xi32>
        %gather3A_308 = tpu.vector_load_idx %arg6[%add3A_307] : memref<32768xf32, #tpu.memory_space<vmem>>[vector<16xi32>], vector<16xf32>,
        %swap3A_309 = arith.constant 19 : i32
        %swap3A_310 = arith.index_cast %swap3A_309 : i32 to index
        %swap3A_311 = arith.index_cast %select_n3A_117 : i32 to index
        %swap3A_312 = arith.index_cast %mul3A_135 : i32 to index
        %swap3A_313 = tpu.vector_load %arg9[%swap3A_310, %swap3A_311, %swap3A_312] {strides = array<i32>} : memref<64x8x64xf32, #tpu.memory_space<vmem>>, vector<16xf32>,
        tpu.vector_store %arg9[%swap3A_310, %swap3A_311, %swap3A_312], %gather3A_308 {strides = array<i32>} : memref<64x8x64xf32, #tpu.memory_space<vmem>>, vector<16xf32>,
        %add3A_314 = arith.constant 10240 : i32
        %add3A_315 = vector.broadcast %add3A_314 : i32 to vector<16xi32>
        %add3A_316 = arith.addi %get3A_91, %add3A_315 : vector<16xi32>
        %gather3A_317 = tpu.vector_load_idx %arg6[%add3A_316] : memref<32768xf32, #tpu.memory_space<vmem>>[vector<16xi32>], vector<16xf32>,
        %swap3A_318 = arith.constant 20 : i32
        %swap3A_319 = arith.index_cast %swap3A_318 : i32 to index
        %swap3A_320 = arith.index_cast %select_n3A_117 : i32 to index
        %swap3A_321 = arith.index_cast %mul3A_135 : i32 to index
        %swap3A_322 = tpu.vector_load %arg9[%swap3A_319, %swap3A_320, %swap3A_321] {strides = array<i32>} : memref<64x8x64xf32, #tpu.memory_space<vmem>>, vector<16xf32>,
        tpu.vector_store %arg9[%swap3A_319, %swap3A_320, %swap3A_321], %gather3A_317 {strides = array<i32>} : memref<64x8x64xf32, #tpu.memory_space<vmem>>, vector<16xf32>,
        %add3A_323 = arith.constant 10752 : i32
        %add3A_324 = vector.broadcast %add3A_323 : i32 to vector<16xi32>
        %add3A_325 = arith.addi %get3A_91, %add3A_324 : vector<16xi32>
        %gather3A_326 = tpu.vector_load_idx %arg6[%add3A_325] : memref<32768xf32, #tpu.memory_space<vmem>>[vector<16xi32>], vector<16xf32>,
        %swap3A_327 = arith.constant 21 : i32
        %swap3A_328 = arith.index_cast %swap3A_327 : i32 to index
        %swap3A_329 = arith.index_cast %select_n3A_117 : i32 to index
        %swap3A_330 = arith.index_cast %mul3A_135 : i32 to index
        %swap3A_331 = tpu.vector_load %arg9[%swap3A_328, %swap3A_329, %swap3A_330] {strides = array<i32>} : memref<64x8x64xf32, #tpu.memory_space<vmem>>, vector<16xf32>,
        tpu.vector_store %arg9[%swap3A_328, %swap3A_329, %swap3A_330], %gather3A_326 {strides = array<i32>} : memref<64x8x64xf32, #tpu.memory_space<vmem>>, vector<16xf32>,
        %add3A_332 = arith.constant 11264 : i32
        %add3A_333 = vector.broadcast %add3A_332 : i32 to vector<16xi32>
        %add3A_334 = arith.addi %get3A_91, %add3A_333 : vector<16xi32>
        %gather3A_335 = tpu.vector_load_idx %arg6[%add3A_334] : memref<32768xf32, #tpu.memory_space<vmem>>[vector<16xi32>], vector<16xf32>,
        %swap3A_336 = arith.constant 22 : i32
        %swap3A_337 = arith.index_cast %swap3A_336 : i32 to index
        %swap3A_338 = arith.index_cast %select_n3A_117 : i32 to index
        %swap3A_339 = arith.index_cast %mul3A_135 : i32 to index
        %swap3A_340 = tpu.vector_load %arg9[%swap3A_337, %swap3A_338, %swap3A_339] {strides = array<i32>} : memref<64x8x64xf32, #tpu.memory_space<vmem>>, vector<16xf32>,
        tpu.vector_store %arg9[%swap3A_337, %swap3A_338, %swap3A_339], %gather3A_335 {strides = array<i32>} : memref<64x8x64xf32, #tpu.memory_space<vmem>>, vector<16xf32>,
        %add3A_341 = arith.constant 11776 : i32
        %add3A_342 = vector.broadcast %add3A_341 : i32 to vector<16xi32>
        %add3A_343 = arith.addi %get3A_91, %add3A_342 : vector<16xi32>
        %gather3A_344 = tpu.vector_load_idx %arg6[%add3A_343] : memref<32768xf32, #tpu.memory_space<vmem>>[vector<16xi32>], vector<16xf32>,
        %swap3A_345 = arith.constant 23 : i32
        %swap3A_346 = arith.index_cast %swap3A_345 : i32 to index
        %swap3A_347 = arith.index_cast %select_n3A_117 : i32 to index
        %swap3A_348 = arith.index_cast %mul3A_135 : i32 to index
        %swap3A_349 = tpu.vector_load %arg9[%swap3A_346, %swap3A_347, %swap3A_348] {strides = array<i32>} : memref<64x8x64xf32, #tpu.memory_space<vmem>>, vector<16xf32>,
        tpu.vector_store %arg9[%swap3A_346, %swap3A_347, %swap3A_348], %gather3A_344 {strides = array<i32>} : memref<64x8x64xf32, #tpu.memory_space<vmem>>, vector<16xf32>,
        %add3A_350 = arith.constant 12288 : i32
        %add3A_351 = vector.broadcast %add3A_350 : i32 to vector<16xi32>
        %add3A_352 = arith.addi %get3A_91, %add3A_351 : vector<16xi32>
        %gather3A_353 = tpu.vector_load_idx %arg6[%add3A_352] : memref<32768xf32, #tpu.memory_space<vmem>>[vector<16xi32>], vector<16xf32>,
        %swap3A_354 = arith.constant 24 : i32
        %swap3A_355 = arith.index_cast %swap3A_354 : i32 to index
        %swap3A_356 = arith.index_cast %select_n3A_117 : i32 to index
        %swap3A_357 = arith.index_cast %mul3A_135 : i32 to index
        %swap3A_358 = tpu.vector_load %arg9[%swap3A_355, %swap3A_356, %swap3A_357] {strides = array<i32>} : memref<64x8x64xf32, #tpu.memory_space<vmem>>, vector<16xf32>,
        tpu.vector_store %arg9[%swap3A_355, %swap3A_356, %swap3A_357], %gather3A_353 {strides = array<i32>} : memref<64x8x64xf32, #tpu.memory_space<vmem>>, vector<16xf32>,
        %add3A_359 = arith.constant 12800 : i32
        %add3A_360 = vector.broadcast %add3A_359 : i32 to vector<16xi32>
        %add3A_361 = arith.addi %get3A_91, %add3A_360 : vector<16xi32>
        %gather3A_362 = tpu.vector_load_idx %arg6[%add3A_361] : memref<32768xf32, #tpu.memory_space<vmem>>[vector<16xi32>], vector<16xf32>,
        %swap3A_363 = arith.constant 25 : i32
        %swap3A_364 = arith.index_cast %swap3A_363 : i32 to index
        %swap3A_365 = arith.index_cast %select_n3A_117 : i32 to index
        %swap3A_366 = arith.index_cast %mul3A_135 : i32 to index
        %swap3A_367 = tpu.vector_load %arg9[%swap3A_364, %swap3A_365, %swap3A_366] {strides = array<i32>} : memref<64x8x64xf32, #tpu.memory_space<vmem>>, vector<16xf32>,
        tpu.vector_store %arg9[%swap3A_364, %swap3A_365, %swap3A_366], %gather3A_362 {strides = array<i32>} : memref<64x8x64xf32, #tpu.memory_space<vmem>>, vector<16xf32>,
        %add3A_368 = arith.constant 13312 : i32
        %add3A_369 = vector.broadcast %add3A_368 : i32 to vector<16xi32>
        %add3A_370 = arith.addi %get3A_91, %add3A_369 : vector<16xi32>
        %gather3A_371 = tpu.vector_load_idx %arg6[%add3A_370] : memref<32768xf32, #tpu.memory_space<vmem>>[vector<16xi32>], vector<16xf32>,
        %swap3A_372 = arith.constant 26 : i32
        %swap3A_373 = arith.index_cast %swap3A_372 : i32 to index
        %swap3A_374 = arith.index_cast %select_n3A_117 : i32 to index
        %swap3A_375 = arith.index_cast %mul3A_135 : i32 to index
        %swap3A_376 = tpu.vector_load %arg9[%swap3A_373, %swap3A_374, %swap3A_375] {strides = array<i32>} : memref<64x8x64xf32, #tpu.memory_space<vmem>>, vector<16xf32>,
        tpu.vector_store %arg9[%swap3A_373, %swap3A_374, %swap3A_375], %gather3A_371 {strides = array<i32>} : memref<64x8x64xf32, #tpu.memory_space<vmem>>, vector<16xf32>,
        %add3A_377 = arith.constant 13824 : i32
        %add3A_378 = vector.broadcast %add3A_377 : i32 to vector<16xi32>
        %add3A_379 = arith.addi %get3A_91, %add3A_378 : vector<16xi32>
        %gather3A_380 = tpu.vector_load_idx %arg6[%add3A_379] : memref<32768xf32, #tpu.memory_space<vmem>>[vector<16xi32>], vector<16xf32>,
        %swap3A_381 = arith.constant 27 : i32
        %swap3A_382 = arith.index_cast %swap3A_381 : i32 to index
        %swap3A_383 = arith.index_cast %select_n3A_117 : i32 to index
        %swap3A_384 = arith.index_cast %mul3A_135 : i32 to index
        %swap3A_385 = tpu.vector_load %arg9[%swap3A_382, %swap3A_383, %swap3A_384] {strides = array<i32>} : memref<64x8x64xf32, #tpu.memory_space<vmem>>, vector<16xf32>,
        tpu.vector_store %arg9[%swap3A_382, %swap3A_383, %swap3A_384], %gather3A_380 {strides = array<i32>} : memref<64x8x64xf32, #tpu.memory_space<vmem>>, vector<16xf32>,
        %add3A_386 = arith.constant 14336 : i32
        %add3A_387 = vector.broadcast %add3A_386 : i32 to vector<16xi32>
        %add3A_388 = arith.addi %get3A_91, %add3A_387 : vector<16xi32>
        %gather3A_389 = tpu.vector_load_idx %arg6[%add3A_388] : memref<32768xf32, #tpu.memory_space<vmem>>[vector<16xi32>], vector<16xf32>,
        %swap3A_390 = arith.constant 28 : i32
        %swap3A_391 = arith.index_cast %swap3A_390 : i32 to index
        %swap3A_392 = arith.index_cast %select_n3A_117 : i32 to index
        %swap3A_393 = arith.index_cast %mul3A_135 : i32 to index
        %swap3A_394 = tpu.vector_load %arg9[%swap3A_391, %swap3A_392, %swap3A_393] {strides = array<i32>} : memref<64x8x64xf32, #tpu.memory_space<vmem>>, vector<16xf32>,
        tpu.vector_store %arg9[%swap3A_391, %swap3A_392, %swap3A_393], %gather3A_389 {strides = array<i32>} : memref<64x8x64xf32, #tpu.memory_space<vmem>>, vector<16xf32>,
        %add3A_395 = arith.constant 14848 : i32
        %add3A_396 = vector.broadcast %add3A_395 : i32 to vector<16xi32>
        %add3A_397 = arith.addi %get3A_91, %add3A_396 : vector<16xi32>
        %gather3A_398 = tpu.vector_load_idx %arg6[%add3A_397] : memref<32768xf32, #tpu.memory_space<vmem>>[vector<16xi32>], vector<16xf32>,
        %swap3A_399 = arith.constant 29 : i32
        %swap3A_400 = arith.index_cast %swap3A_399 : i32 to index
        %swap3A_401 = arith.index_cast %select_n3A_117 : i32 to index
        %swap3A_402 = arith.index_cast %mul3A_135 : i32 to index
        %swap3A_403 = tpu.vector_load %arg9[%swap3A_400, %swap3A_401, %swap3A_402] {strides = array<i32>} : memref<64x8x64xf32, #tpu.memory_space<vmem>>, vector<16xf32>,
        tpu.vector_store %arg9[%swap3A_400, %swap3A_401, %swap3A_402], %gather3A_398 {strides = array<i32>} : memref<64x8x64xf32, #tpu.memory_space<vmem>>, vector<16xf32>,
        %add3A_404 = arith.constant 15360 : i32
        %add3A_405 = vector.broadcast %add3A_404 : i32 to vector<16xi32>
        %add3A_406 = arith.addi %get3A_91, %add3A_405 : vector<16xi32>
        %gather3A_407 = tpu.vector_load_idx %arg6[%add3A_406] : memref<32768xf32, #tpu.memory_space<vmem>>[vector<16xi32>], vector<16xf32>,
        %swap3A_408 = arith.constant 30 : i32
        %swap3A_409 = arith.index_cast %swap3A_408 : i32 to index
        %swap3A_410 = arith.index_cast %select_n3A_117 : i32 to index
        %swap3A_411 = arith.index_cast %mul3A_135 : i32 to index
        %swap3A_412 = tpu.vector_load %arg9[%swap3A_409, %swap3A_410, %swap3A_411] {strides = array<i32>} : memref<64x8x64xf32, #tpu.memory_space<vmem>>, vector<16xf32>,
        tpu.vector_store %arg9[%swap3A_409, %swap3A_410, %swap3A_411], %gather3A_407 {strides = array<i32>} : memref<64x8x64xf32, #tpu.memory_space<vmem>>, vector<16xf32>,
        %add3A_413 = arith.constant 15872 : i32
        %add3A_414 = vector.broadcast %add3A_413 : i32 to vector<16xi32>
        %add3A_415 = arith.addi %get3A_91, %add3A_414 : vector<16xi32>
        %gather3A_416 = tpu.vector_load_idx %arg6[%add3A_415] : memref<32768xf32, #tpu.memory_space<vmem>>[vector<16xi32>], vector<16xf32>,
        %swap3A_417 = arith.constant 31 : i32
        %swap3A_418 = arith.index_cast %swap3A_417 : i32 to index
        %swap3A_419 = arith.index_cast %select_n3A_117 : i32 to index
        %swap3A_420 = arith.index_cast %mul3A_135 : i32 to index
        %swap3A_421 = tpu.vector_load %arg9[%swap3A_418, %swap3A_419, %swap3A_420] {strides = array<i32>} : memref<64x8x64xf32, #tpu.memory_space<vmem>>, vector<16xf32>,
        tpu.vector_store %arg9[%swap3A_418, %swap3A_419, %swap3A_420], %gather3A_416 {strides = array<i32>} : memref<64x8x64xf32, #tpu.memory_space<vmem>>, vector<16xf32>,
        %add3A_422 = arith.constant 16384 : i32
        %add3A_423 = vector.broadcast %add3A_422 : i32 to vector<16xi32>
        %add3A_424 = arith.addi %get3A_93, %add3A_423 : vector<16xi32>
        %gather3A_425 = tpu.vector_load_idx %arg6[%add3A_424] : memref<32768xf32, #tpu.memory_space<vmem>>[vector<16xi32>], vector<16xf32>,
        %swap3A_426 = arith.constant 32 : i32
        %swap3A_427 = arith.index_cast %swap3A_426 : i32 to index
        %swap3A_428 = arith.index_cast %select_n3A_117 : i32 to index
        %swap3A_429 = arith.index_cast %mul3A_135 : i32 to index
        %swap3A_430 = tpu.vector_load %arg9[%swap3A_427, %swap3A_428, %swap3A_429] {strides = array<i32>} : memref<64x8x64xf32, #tpu.memory_space<vmem>>, vector<16xf32>,
        tpu.vector_store %arg9[%swap3A_427, %swap3A_428, %swap3A_429], %gather3A_425 {strides = array<i32>} : memref<64x8x64xf32, #tpu.memory_space<vmem>>, vector<16xf32>,
        %add3A_431 = arith.constant 16896 : i32
        %add3A_432 = vector.broadcast %add3A_431 : i32 to vector<16xi32>
        %add3A_433 = arith.addi %get3A_93, %add3A_432 : vector<16xi32>
        %gather3A_434 = tpu.vector_load_idx %arg6[%add3A_433] : memref<32768xf32, #tpu.memory_space<vmem>>[vector<16xi32>], vector<16xf32>,
        %swap3A_435 = arith.constant 33 : i32
        %swap3A_436 = arith.index_cast %swap3A_435 : i32 to index
        %swap3A_437 = arith.index_cast %select_n3A_117 : i32 to index
        %swap3A_438 = arith.index_cast %mul3A_135 : i32 to index
        %swap3A_439 = tpu.vector_load %arg9[%swap3A_436, %swap3A_437, %swap3A_438] {strides = array<i32>} : memref<64x8x64xf32, #tpu.memory_space<vmem>>, vector<16xf32>,
        tpu.vector_store %arg9[%swap3A_436, %swap3A_437, %swap3A_438], %gather3A_434 {strides = array<i32>} : memref<64x8x64xf32, #tpu.memory_space<vmem>>, vector<16xf32>,
        %add3A_440 = arith.constant 17408 : i32
        %add3A_441 = vector.broadcast %add3A_440 : i32 to vector<16xi32>
        %add3A_442 = arith.addi %get3A_93, %add3A_441 : vector<16xi32>
        %gather3A_443 = tpu.vector_load_idx %arg6[%add3A_442] : memref<32768xf32, #tpu.memory_space<vmem>>[vector<16xi32>], vector<16xf32>,
        %swap3A_444 = arith.constant 34 : i32
        %swap3A_445 = arith.index_cast %swap3A_444 : i32 to index
        %swap3A_446 = arith.index_cast %select_n3A_117 : i32 to index
        %swap3A_447 = arith.index_cast %mul3A_135 : i32 to index
        %swap3A_448 = tpu.vector_load %arg9[%swap3A_445, %swap3A_446, %swap3A_447] {strides = array<i32>} : memref<64x8x64xf32, #tpu.memory_space<vmem>>, vector<16xf32>,
        tpu.vector_store %arg9[%swap3A_445, %swap3A_446, %swap3A_447], %gather3A_443 {strides = array<i32>} : memref<64x8x64xf32, #tpu.memory_space<vmem>>, vector<16xf32>,
        %add3A_449 = arith.constant 17920 : i32
        %add3A_450 = vector.broadcast %add3A_449 : i32 to vector<16xi32>
        %add3A_451 = arith.addi %get3A_93, %add3A_450 : vector<16xi32>
        %gather3A_452 = tpu.vector_load_idx %arg6[%add3A_451] : memref<32768xf32, #tpu.memory_space<vmem>>[vector<16xi32>], vector<16xf32>,
        %swap3A_453 = arith.constant 35 : i32
        %swap3A_454 = arith.index_cast %swap3A_453 : i32 to index
        %swap3A_455 = arith.index_cast %select_n3A_117 : i32 to index
        %swap3A_456 = arith.index_cast %mul3A_135 : i32 to index
        %swap3A_457 = tpu.vector_load %arg9[%swap3A_454, %swap3A_455, %swap3A_456] {strides = array<i32>} : memref<64x8x64xf32, #tpu.memory_space<vmem>>, vector<16xf32>,
        tpu.vector_store %arg9[%swap3A_454, %swap3A_455, %swap3A_456], %gather3A_452 {strides = array<i32>} : memref<64x8x64xf32, #tpu.memory_space<vmem>>, vector<16xf32>,
        %add3A_458 = arith.constant 18432 : i32
        %add3A_459 = vector.broadcast %add3A_458 : i32 to vector<16xi32>
        %add3A_460 = arith.addi %get3A_93, %add3A_459 : vector<16xi32>
        %gather3A_461 = tpu.vector_load_idx %arg6[%add3A_460] : memref<32768xf32, #tpu.memory_space<vmem>>[vector<16xi32>], vector<16xf32>,
        %swap3A_462 = arith.constant 36 : i32
        %swap3A_463 = arith.index_cast %swap3A_462 : i32 to index
        %swap3A_464 = arith.index_cast %select_n3A_117 : i32 to index
        %swap3A_465 = arith.index_cast %mul3A_135 : i32 to index
        %swap3A_466 = tpu.vector_load %arg9[%swap3A_463, %swap3A_464, %swap3A_465] {strides = array<i32>} : memref<64x8x64xf32, #tpu.memory_space<vmem>>, vector<16xf32>,
        tpu.vector_store %arg9[%swap3A_463, %swap3A_464, %swap3A_465], %gather3A_461 {strides = array<i32>} : memref<64x8x64xf32, #tpu.memory_space<vmem>>, vector<16xf32>,
        %add3A_467 = arith.constant 18944 : i32
        %add3A_468 = vector.broadcast %add3A_467 : i32 to vector<16xi32>
        %add3A_469 = arith.addi %get3A_93, %add3A_468 : vector<16xi32>
        %gather3A_470 = tpu.vector_load_idx %arg6[%add3A_469] : memref<32768xf32, #tpu.memory_space<vmem>>[vector<16xi32>], vector<16xf32>,
        %swap3A_471 = arith.constant 37 : i32
        %swap3A_472 = arith.index_cast %swap3A_471 : i32 to index
        %swap3A_473 = arith.index_cast %select_n3A_117 : i32 to index
        %swap3A_474 = arith.index_cast %mul3A_135 : i32 to index
        %swap3A_475 = tpu.vector_load %arg9[%swap3A_472, %swap3A_473, %swap3A_474] {strides = array<i32>} : memref<64x8x64xf32, #tpu.memory_space<vmem>>, vector<16xf32>,
        tpu.vector_store %arg9[%swap3A_472, %swap3A_473, %swap3A_474], %gather3A_470 {strides = array<i32>} : memref<64x8x64xf32, #tpu.memory_space<vmem>>, vector<16xf32>,
        %add3A_476 = arith.constant 19456 : i32
        %add3A_477 = vector.broadcast %add3A_476 : i32 to vector<16xi32>
        %add3A_478 = arith.addi %get3A_93, %add3A_477 : vector<16xi32>
        %gather3A_479 = tpu.vector_load_idx %arg6[%add3A_478] : memref<32768xf32, #tpu.memory_space<vmem>>[vector<16xi32>], vector<16xf32>,
        %swap3A_480 = arith.constant 38 : i32
        %swap3A_481 = arith.index_cast %swap3A_480 : i32 to index
        %swap3A_482 = arith.index_cast %select_n3A_117 : i32 to index
        %swap3A_483 = arith.index_cast %mul3A_135 : i32 to index
        %swap3A_484 = tpu.vector_load %arg9[%swap3A_481, %swap3A_482, %swap3A_483] {strides = array<i32>} : memref<64x8x64xf32, #tpu.memory_space<vmem>>, vector<16xf32>,
        tpu.vector_store %arg9[%swap3A_481, %swap3A_482, %swap3A_483], %gather3A_479 {strides = array<i32>} : memref<64x8x64xf32, #tpu.memory_space<vmem>>, vector<16xf32>,
        %add3A_485 = arith.constant 19968 : i32
        %add3A_486 = vector.broadcast %add3A_485 : i32 to vector<16xi32>
        %add3A_487 = arith.addi %get3A_93, %add3A_486 : vector<16xi32>
        %gather3A_488 = tpu.vector_load_idx %arg6[%add3A_487] : memref<32768xf32, #tpu.memory_space<vmem>>[vector<16xi32>], vector<16xf32>,
        %swap3A_489 = arith.constant 39 : i32
        %swap3A_490 = arith.index_cast %swap3A_489 : i32 to index
        %swap3A_491 = arith.index_cast %select_n3A_117 : i32 to index
        %swap3A_492 = arith.index_cast %mul3A_135 : i32 to index
        %swap3A_493 = tpu.vector_load %arg9[%swap3A_490, %swap3A_491, %swap3A_492] {strides = array<i32>} : memref<64x8x64xf32, #tpu.memory_space<vmem>>, vector<16xf32>,
        tpu.vector_store %arg9[%swap3A_490, %swap3A_491, %swap3A_492], %gather3A_488 {strides = array<i32>} : memref<64x8x64xf32, #tpu.memory_space<vmem>>, vector<16xf32>,
        %add3A_494 = arith.constant 20480 : i32
        %add3A_495 = vector.broadcast %add3A_494 : i32 to vector<16xi32>
        %add3A_496 = arith.addi %get3A_93, %add3A_495 : vector<16xi32>
        %gather3A_497 = tpu.vector_load_idx %arg6[%add3A_496] : memref<32768xf32, #tpu.memory_space<vmem>>[vector<16xi32>], vector<16xf32>,
        %swap3A_498 = arith.constant 40 : i32
        %swap3A_499 = arith.index_cast %swap3A_498 : i32 to index
        %swap3A_500 = arith.index_cast %select_n3A_117 : i32 to index
        %swap3A_501 = arith.index_cast %mul3A_135 : i32 to index
        %swap3A_502 = tpu.vector_load %arg9[%swap3A_499, %swap3A_500, %swap3A_501] {strides = array<i32>} : memref<64x8x64xf32, #tpu.memory_space<vmem>>, vector<16xf32>,
        tpu.vector_store %arg9[%swap3A_499, %swap3A_500, %swap3A_501], %gather3A_497 {strides = array<i32>} : memref<64x8x64xf32, #tpu.memory_space<vmem>>, vector<16xf32>,
        %add3A_503 = arith.constant 20992 : i32
        %add3A_504 = vector.broadcast %add3A_503 : i32 to vector<16xi32>
        %add3A_505 = arith.addi %get3A_93, %add3A_504 : vector<16xi32>
        %gather3A_506 = tpu.vector_load_idx %arg6[%add3A_505] : memref<32768xf32, #tpu.memory_space<vmem>>[vector<16xi32>], vector<16xf32>,
        %swap3A_507 = arith.constant 41 : i32
        %swap3A_508 = arith.index_cast %swap3A_507 : i32 to index
        %swap3A_509 = arith.index_cast %select_n3A_117 : i32 to index
        %swap3A_510 = arith.index_cast %mul3A_135 : i32 to index
        %swap3A_511 = tpu.vector_load %arg9[%swap3A_508, %swap3A_509, %swap3A_510] {strides = array<i32>} : memref<64x8x64xf32, #tpu.memory_space<vmem>>, vector<16xf32>,
        tpu.vector_store %arg9[%swap3A_508, %swap3A_509, %swap3A_510], %gather3A_506 {strides = array<i32>} : memref<64x8x64xf32, #tpu.memory_space<vmem>>, vector<16xf32>,
        %add3A_512 = arith.constant 21504 : i32
        %add3A_513 = vector.broadcast %add3A_512 : i32 to vector<16xi32>
        %add3A_514 = arith.addi %get3A_93, %add3A_513 : vector<16xi32>
        %gather3A_515 = tpu.vector_load_idx %arg6[%add3A_514] : memref<32768xf32, #tpu.memory_space<vmem>>[vector<16xi32>], vector<16xf32>,
        %swap3A_516 = arith.constant 42 : i32
        %swap3A_517 = arith.index_cast %swap3A_516 : i32 to index
        %swap3A_518 = arith.index_cast %select_n3A_117 : i32 to index
        %swap3A_519 = arith.index_cast %mul3A_135 : i32 to index
        %swap3A_520 = tpu.vector_load %arg9[%swap3A_517, %swap3A_518, %swap3A_519] {strides = array<i32>} : memref<64x8x64xf32, #tpu.memory_space<vmem>>, vector<16xf32>,
        tpu.vector_store %arg9[%swap3A_517, %swap3A_518, %swap3A_519], %gather3A_515 {strides = array<i32>} : memref<64x8x64xf32, #tpu.memory_space<vmem>>, vector<16xf32>,
        %add3A_521 = arith.constant 22016 : i32
        %add3A_522 = vector.broadcast %add3A_521 : i32 to vector<16xi32>
        %add3A_523 = arith.addi %get3A_93, %add3A_522 : vector<16xi32>
        %gather3A_524 = tpu.vector_load_idx %arg6[%add3A_523] : memref<32768xf32, #tpu.memory_space<vmem>>[vector<16xi32>], vector<16xf32>,
        %swap3A_525 = arith.constant 43 : i32
        %swap3A_526 = arith.index_cast %swap3A_525 : i32 to index
        %swap3A_527 = arith.index_cast %select_n3A_117 : i32 to index
        %swap3A_528 = arith.index_cast %mul3A_135 : i32 to index
        %swap3A_529 = tpu.vector_load %arg9[%swap3A_526, %swap3A_527, %swap3A_528] {strides = array<i32>} : memref<64x8x64xf32, #tpu.memory_space<vmem>>, vector<16xf32>,
        tpu.vector_store %arg9[%swap3A_526, %swap3A_527, %swap3A_528], %gather3A_524 {strides = array<i32>} : memref<64x8x64xf32, #tpu.memory_space<vmem>>, vector<16xf32>,
        %add3A_530 = arith.constant 22528 : i32
        %add3A_531 = vector.broadcast %add3A_530 : i32 to vector<16xi32>
        %add3A_532 = arith.addi %get3A_93, %add3A_531 : vector<16xi32>
        %gather3A_533 = tpu.vector_load_idx %arg6[%add3A_532] : memref<32768xf32, #tpu.memory_space<vmem>>[vector<16xi32>], vector<16xf32>,
        %swap3A_534 = arith.constant 44 : i32
        %swap3A_535 = arith.index_cast %swap3A_534 : i32 to index
        %swap3A_536 = arith.index_cast %select_n3A_117 : i32 to index
        %swap3A_537 = arith.index_cast %mul3A_135 : i32 to index
        %swap3A_538 = tpu.vector_load %arg9[%swap3A_535, %swap3A_536, %swap3A_537] {strides = array<i32>} : memref<64x8x64xf32, #tpu.memory_space<vmem>>, vector<16xf32>,
        tpu.vector_store %arg9[%swap3A_535, %swap3A_536, %swap3A_537], %gather3A_533 {strides = array<i32>} : memref<64x8x64xf32, #tpu.memory_space<vmem>>, vector<16xf32>,
        %add3A_539 = arith.constant 23040 : i32
        %add3A_540 = vector.broadcast %add3A_539 : i32 to vector<16xi32>
        %add3A_541 = arith.addi %get3A_93, %add3A_540 : vector<16xi32>
        %gather3A_542 = tpu.vector_load_idx %arg6[%add3A_541] : memref<32768xf32, #tpu.memory_space<vmem>>[vector<16xi32>], vector<16xf32>,
        %swap3A_543 = arith.constant 45 : i32
        %swap3A_544 = arith.index_cast %swap3A_543 : i32 to index
        %swap3A_545 = arith.index_cast %select_n3A_117 : i32 to index
        %swap3A_546 = arith.index_cast %mul3A_135 : i32 to index
        %swap3A_547 = tpu.vector_load %arg9[%swap3A_544, %swap3A_545, %swap3A_546] {strides = array<i32>} : memref<64x8x64xf32, #tpu.memory_space<vmem>>, vector<16xf32>,
        tpu.vector_store %arg9[%swap3A_544, %swap3A_545, %swap3A_546], %gather3A_542 {strides = array<i32>} : memref<64x8x64xf32, #tpu.memory_space<vmem>>, vector<16xf32>,
        %add3A_548 = arith.constant 23552 : i32
        %add3A_549 = vector.broadcast %add3A_548 : i32 to vector<16xi32>
        %add3A_550 = arith.addi %get3A_93, %add3A_549 : vector<16xi32>
        %gather3A_551 = tpu.vector_load_idx %arg6[%add3A_550] : memref<32768xf32, #tpu.memory_space<vmem>>[vector<16xi32>], vector<16xf32>,
        %swap3A_552 = arith.constant 46 : i32
        %swap3A_553 = arith.index_cast %swap3A_552 : i32 to index
        %swap3A_554 = arith.index_cast %select_n3A_117 : i32 to index
        %swap3A_555 = arith.index_cast %mul3A_135 : i32 to index
        %swap3A_556 = tpu.vector_load %arg9[%swap3A_553, %swap3A_554, %swap3A_555] {strides = array<i32>} : memref<64x8x64xf32, #tpu.memory_space<vmem>>, vector<16xf32>,
        tpu.vector_store %arg9[%swap3A_553, %swap3A_554, %swap3A_555], %gather3A_551 {strides = array<i32>} : memref<64x8x64xf32, #tpu.memory_space<vmem>>, vector<16xf32>,
        %add3A_557 = arith.constant 24064 : i32
        %add3A_558 = vector.broadcast %add3A_557 : i32 to vector<16xi32>
        %add3A_559 = arith.addi %get3A_93, %add3A_558 : vector<16xi32>
        %gather3A_560 = tpu.vector_load_idx %arg6[%add3A_559] : memref<32768xf32, #tpu.memory_space<vmem>>[vector<16xi32>], vector<16xf32>,
        %swap3A_561 = arith.constant 47 : i32
        %swap3A_562 = arith.index_cast %swap3A_561 : i32 to index
        %swap3A_563 = arith.index_cast %select_n3A_117 : i32 to index
        %swap3A_564 = arith.index_cast %mul3A_135 : i32 to index
        %swap3A_565 = tpu.vector_load %arg9[%swap3A_562, %swap3A_563, %swap3A_564] {strides = array<i32>} : memref<64x8x64xf32, #tpu.memory_space<vmem>>, vector<16xf32>,
        tpu.vector_store %arg9[%swap3A_562, %swap3A_563, %swap3A_564], %gather3A_560 {strides = array<i32>} : memref<64x8x64xf32, #tpu.memory_space<vmem>>, vector<16xf32>,
        %add3A_566 = arith.constant 24576 : i32
        %add3A_567 = vector.broadcast %add3A_566 : i32 to vector<16xi32>
        %add3A_568 = arith.addi %get3A_93, %add3A_567 : vector<16xi32>
        %gather3A_569 = tpu.vector_load_idx %arg6[%add3A_568] : memref<32768xf32, #tpu.memory_space<vmem>>[vector<16xi32>], vector<16xf32>,
        %swap3A_570 = arith.constant 48 : i32
        %swap3A_571 = arith.index_cast %swap3A_570 : i32 to index
        %swap3A_572 = arith.index_cast %select_n3A_117 : i32 to index
        %swap3A_573 = arith.index_cast %mul3A_135 : i32 to index
        %swap3A_574 = tpu.vector_load %arg9[%swap3A_571, %swap3A_572, %swap3A_573] {strides = array<i32>} : memref<64x8x64xf32, #tpu.memory_space<vmem>>, vector<16xf32>,
        tpu.vector_store %arg9[%swap3A_571, %swap3A_572, %swap3A_573], %gather3A_569 {strides = array<i32>} : memref<64x8x64xf32, #tpu.memory_space<vmem>>, vector<16xf32>,
        %add3A_575 = arith.constant 25088 : i32
        %add3A_576 = vector.broadcast %add3A_575 : i32 to vector<16xi32>
        %add3A_577 = arith.addi %get3A_93, %add3A_576 : vector<16xi32>
        %gather3A_578 = tpu.vector_load_idx %arg6[%add3A_577] : memref<32768xf32, #tpu.memory_space<vmem>>[vector<16xi32>], vector<16xf32>,
        %swap3A_579 = arith.constant 49 : i32
        %swap3A_580 = arith.index_cast %swap3A_579 : i32 to index
        %swap3A_581 = arith.index_cast %select_n3A_117 : i32 to index
        %swap3A_582 = arith.index_cast %mul3A_135 : i32 to index
        %swap3A_583 = tpu.vector_load %arg9[%swap3A_580, %swap3A_581, %swap3A_582] {strides = array<i32>} : memref<64x8x64xf32, #tpu.memory_space<vmem>>, vector<16xf32>,
        tpu.vector_store %arg9[%swap3A_580, %swap3A_581, %swap3A_582], %gather3A_578 {strides = array<i32>} : memref<64x8x64xf32, #tpu.memory_space<vmem>>, vector<16xf32>,
        %add3A_584 = arith.constant 25600 : i32
        %add3A_585 = vector.broadcast %add3A_584 : i32 to vector<16xi32>
        %add3A_586 = arith.addi %get3A_93, %add3A_585 : vector<16xi32>
        %gather3A_587 = tpu.vector_load_idx %arg6[%add3A_586] : memref<32768xf32, #tpu.memory_space<vmem>>[vector<16xi32>], vector<16xf32>,
        %swap3A_588 = arith.constant 50 : i32
        %swap3A_589 = arith.index_cast %swap3A_588 : i32 to index
        %swap3A_590 = arith.index_cast %select_n3A_117 : i32 to index
        %swap3A_591 = arith.index_cast %mul3A_135 : i32 to index
        %swap3A_592 = tpu.vector_load %arg9[%swap3A_589, %swap3A_590, %swap3A_591] {strides = array<i32>} : memref<64x8x64xf32, #tpu.memory_space<vmem>>, vector<16xf32>,
        tpu.vector_store %arg9[%swap3A_589, %swap3A_590, %swap3A_591], %gather3A_587 {strides = array<i32>} : memref<64x8x64xf32, #tpu.memory_space<vmem>>, vector<16xf32>,
        %add3A_593 = arith.constant 26112 : i32
        %add3A_594 = vector.broadcast %add3A_593 : i32 to vector<16xi32>
        %add3A_595 = arith.addi %get3A_93, %add3A_594 : vector<16xi32>
        %gather3A_596 = tpu.vector_load_idx %arg6[%add3A_595] : memref<32768xf32, #tpu.memory_space<vmem>>[vector<16xi32>], vector<16xf32>,
        %swap3A_597 = arith.constant 51 : i32
        %swap3A_598 = arith.index_cast %swap3A_597 : i32 to index
        %swap3A_599 = arith.index_cast %select_n3A_117 : i32 to index
        %swap3A_600 = arith.index_cast %mul3A_135 : i32 to index
        %swap3A_601 = tpu.vector_load %arg9[%swap3A_598, %swap3A_599, %swap3A_600] {strides = array<i32>} : memref<64x8x64xf32, #tpu.memory_space<vmem>>, vector<16xf32>,
        tpu.vector_store %arg9[%swap3A_598, %swap3A_599, %swap3A_600], %gather3A_596 {strides = array<i32>} : memref<64x8x64xf32, #tpu.memory_space<vmem>>, vector<16xf32>,
        %add3A_602 = arith.constant 26624 : i32
        %add3A_603 = vector.broadcast %add3A_602 : i32 to vector<16xi32>
        %add3A_604 = arith.addi %get3A_93, %add3A_603 : vector<16xi32>
        %gather3A_605 = tpu.vector_load_idx %arg6[%add3A_604] : memref<32768xf32, #tpu.memory_space<vmem>>[vector<16xi32>], vector<16xf32>,
        %swap3A_606 = arith.constant 52 : i32
        %swap3A_607 = arith.index_cast %swap3A_606 : i32 to index
        %swap3A_608 = arith.index_cast %select_n3A_117 : i32 to index
        %swap3A_609 = arith.index_cast %mul3A_135 : i32 to index
        %swap3A_610 = tpu.vector_load %arg9[%swap3A_607, %swap3A_608, %swap3A_609] {strides = array<i32>} : memref<64x8x64xf32, #tpu.memory_space<vmem>>, vector<16xf32>,
        tpu.vector_store %arg9[%swap3A_607, %swap3A_608, %swap3A_609], %gather3A_605 {strides = array<i32>} : memref<64x8x64xf32, #tpu.memory_space<vmem>>, vector<16xf32>,
        %add3A_611 = arith.constant 27136 : i32
        %add3A_612 = vector.broadcast %add3A_611 : i32 to vector<16xi32>
        %add3A_613 = arith.addi %get3A_93, %add3A_612 : vector<16xi32>
        %gather3A_614 = tpu.vector_load_idx %arg6[%add3A_613] : memref<32768xf32, #tpu.memory_space<vmem>>[vector<16xi32>], vector<16xf32>,
        %swap3A_615 = arith.constant 53 : i32
        %swap3A_616 = arith.index_cast %swap3A_615 : i32 to index
        %swap3A_617 = arith.index_cast %select_n3A_117 : i32 to index
        %swap3A_618 = arith.index_cast %mul3A_135 : i32 to index
        %swap3A_619 = tpu.vector_load %arg9[%swap3A_616, %swap3A_617, %swap3A_618] {strides = array<i32>} : memref<64x8x64xf32, #tpu.memory_space<vmem>>, vector<16xf32>,
        tpu.vector_store %arg9[%swap3A_616, %swap3A_617, %swap3A_618], %gather3A_614 {strides = array<i32>} : memref<64x8x64xf32, #tpu.memory_space<vmem>>, vector<16xf32>,
        %add3A_620 = arith.constant 27648 : i32
        %add3A_621 = vector.broadcast %add3A_620 : i32 to vector<16xi32>
        %add3A_622 = arith.addi %get3A_93, %add3A_621 : vector<16xi32>
        %gather3A_623 = tpu.vector_load_idx %arg6[%add3A_622] : memref<32768xf32, #tpu.memory_space<vmem>>[vector<16xi32>], vector<16xf32>,
        %swap3A_624 = arith.constant 54 : i32
        %swap3A_625 = arith.index_cast %swap3A_624 : i32 to index
        %swap3A_626 = arith.index_cast %select_n3A_117 : i32 to index
        %swap3A_627 = arith.index_cast %mul3A_135 : i32 to index
        %swap3A_628 = tpu.vector_load %arg9[%swap3A_625, %swap3A_626, %swap3A_627] {strides = array<i32>} : memref<64x8x64xf32, #tpu.memory_space<vmem>>, vector<16xf32>,
        tpu.vector_store %arg9[%swap3A_625, %swap3A_626, %swap3A_627], %gather3A_623 {strides = array<i32>} : memref<64x8x64xf32, #tpu.memory_space<vmem>>, vector<16xf32>,
        %add3A_629 = arith.constant 28160 : i32
        %add3A_630 = vector.broadcast %add3A_629 : i32 to vector<16xi32>
        %add3A_631 = arith.addi %get3A_93, %add3A_630 : vector<16xi32>
        %gather3A_632 = tpu.vector_load_idx %arg6[%add3A_631] : memref<32768xf32, #tpu.memory_space<vmem>>[vector<16xi32>], vector<16xf32>,
        %swap3A_633 = arith.constant 55 : i32
        %swap3A_634 = arith.index_cast %swap3A_633 : i32 to index
        %swap3A_635 = arith.index_cast %select_n3A_117 : i32 to index
        %swap3A_636 = arith.index_cast %mul3A_135 : i32 to index
        %swap3A_637 = tpu.vector_load %arg9[%swap3A_634, %swap3A_635, %swap3A_636] {strides = array<i32>} : memref<64x8x64xf32, #tpu.memory_space<vmem>>, vector<16xf32>,
        tpu.vector_store %arg9[%swap3A_634, %swap3A_635, %swap3A_636], %gather3A_632 {strides = array<i32>} : memref<64x8x64xf32, #tpu.memory_space<vmem>>, vector<16xf32>,
        %add3A_638 = arith.constant 28672 : i32
        %add3A_639 = vector.broadcast %add3A_638 : i32 to vector<16xi32>
        %add3A_640 = arith.addi %get3A_93, %add3A_639 : vector<16xi32>
        %gather3A_641 = tpu.vector_load_idx %arg6[%add3A_640] : memref<32768xf32, #tpu.memory_space<vmem>>[vector<16xi32>], vector<16xf32>,
        %swap3A_642 = arith.constant 56 : i32
        %swap3A_643 = arith.index_cast %swap3A_642 : i32 to index
        %swap3A_644 = arith.index_cast %select_n3A_117 : i32 to index
        %swap3A_645 = arith.index_cast %mul3A_135 : i32 to index
        %swap3A_646 = tpu.vector_load %arg9[%swap3A_643, %swap3A_644, %swap3A_645] {strides = array<i32>} : memref<64x8x64xf32, #tpu.memory_space<vmem>>, vector<16xf32>,
        tpu.vector_store %arg9[%swap3A_643, %swap3A_644, %swap3A_645], %gather3A_641 {strides = array<i32>} : memref<64x8x64xf32, #tpu.memory_space<vmem>>, vector<16xf32>,
        %add3A_647 = arith.constant 29184 : i32
        %add3A_648 = vector.broadcast %add3A_647 : i32 to vector<16xi32>
        %add3A_649 = arith.addi %get3A_93, %add3A_648 : vector<16xi32>
        %gather3A_650 = tpu.vector_load_idx %arg6[%add3A_649] : memref<32768xf32, #tpu.memory_space<vmem>>[vector<16xi32>], vector<16xf32>,
        %swap3A_651 = arith.constant 57 : i32
        %swap3A_652 = arith.index_cast %swap3A_651 : i32 to index
        %swap3A_653 = arith.index_cast %select_n3A_117 : i32 to index
        %swap3A_654 = arith.index_cast %mul3A_135 : i32 to index
        %swap3A_655 = tpu.vector_load %arg9[%swap3A_652, %swap3A_653, %swap3A_654] {strides = array<i32>} : memref<64x8x64xf32, #tpu.memory_space<vmem>>, vector<16xf32>,
        tpu.vector_store %arg9[%swap3A_652, %swap3A_653, %swap3A_654], %gather3A_650 {strides = array<i32>} : memref<64x8x64xf32, #tpu.memory_space<vmem>>, vector<16xf32>,
        %add3A_656 = arith.constant 29696 : i32
        %add3A_657 = vector.broadcast %add3A_656 : i32 to vector<16xi32>
        %add3A_658 = arith.addi %get3A_93, %add3A_657 : vector<16xi32>
        %gather3A_659 = tpu.vector_load_idx %arg6[%add3A_658] : memref<32768xf32, #tpu.memory_space<vmem>>[vector<16xi32>], vector<16xf32>,
        %swap3A_660 = arith.constant 58 : i32
        %swap3A_661 = arith.index_cast %swap3A_660 : i32 to index
        %swap3A_662 = arith.index_cast %select_n3A_117 : i32 to index
        %swap3A_663 = arith.index_cast %mul3A_135 : i32 to index
        %swap3A_664 = tpu.vector_load %arg9[%swap3A_661, %swap3A_662, %swap3A_663] {strides = array<i32>} : memref<64x8x64xf32, #tpu.memory_space<vmem>>, vector<16xf32>,
        tpu.vector_store %arg9[%swap3A_661, %swap3A_662, %swap3A_663], %gather3A_659 {strides = array<i32>} : memref<64x8x64xf32, #tpu.memory_space<vmem>>, vector<16xf32>,
        %add3A_665 = arith.constant 30208 : i32
        %add3A_666 = vector.broadcast %add3A_665 : i32 to vector<16xi32>
        %add3A_667 = arith.addi %get3A_93, %add3A_666 : vector<16xi32>
        %gather3A_668 = tpu.vector_load_idx %arg6[%add3A_667] : memref<32768xf32, #tpu.memory_space<vmem>>[vector<16xi32>], vector<16xf32>,
        %swap3A_669 = arith.constant 59 : i32
        %swap3A_670 = arith.index_cast %swap3A_669 : i32 to index
        %swap3A_671 = arith.index_cast %select_n3A_117 : i32 to index
        %swap3A_672 = arith.index_cast %mul3A_135 : i32 to index
        %swap3A_673 = tpu.vector_load %arg9[%swap3A_670, %swap3A_671, %swap3A_672] {strides = array<i32>} : memref<64x8x64xf32, #tpu.memory_space<vmem>>, vector<16xf32>,
        tpu.vector_store %arg9[%swap3A_670, %swap3A_671, %swap3A_672], %gather3A_668 {strides = array<i32>} : memref<64x8x64xf32, #tpu.memory_space<vmem>>, vector<16xf32>,
        %add3A_674 = arith.constant 30720 : i32
        %add3A_675 = vector.broadcast %add3A_674 : i32 to vector<16xi32>
        %add3A_676 = arith.addi %get3A_93, %add3A_675 : vector<16xi32>
        %gather3A_677 = tpu.vector_load_idx %arg6[%add3A_676] : memref<32768xf32, #tpu.memory_space<vmem>>[vector<16xi32>], vector<16xf32>,
        %swap3A_678 = arith.constant 60 : i32
        %swap3A_679 = arith.index_cast %swap3A_678 : i32 to index
        %swap3A_680 = arith.index_cast %select_n3A_117 : i32 to index
        %swap3A_681 = arith.index_cast %mul3A_135 : i32 to index
        %swap3A_682 = tpu.vector_load %arg9[%swap3A_679, %swap3A_680, %swap3A_681] {strides = array<i32>} : memref<64x8x64xf32, #tpu.memory_space<vmem>>, vector<16xf32>,
        tpu.vector_store %arg9[%swap3A_679, %swap3A_680, %swap3A_681], %gather3A_677 {strides = array<i32>} : memref<64x8x64xf32, #tpu.memory_space<vmem>>, vector<16xf32>,
        %add3A_683 = arith.constant 31232 : i32
        %add3A_684 = vector.broadcast %add3A_683 : i32 to vector<16xi32>
        %add3A_685 = arith.addi %get3A_93, %add3A_684 : vector<16xi32>
        %gather3A_686 = tpu.vector_load_idx %arg6[%add3A_685] : memref<32768xf32, #tpu.memory_space<vmem>>[vector<16xi32>], vector<16xf32>,
        %swap3A_687 = arith.constant 61 : i32
        %swap3A_688 = arith.index_cast %swap3A_687 : i32 to index
        %swap3A_689 = arith.index_cast %select_n3A_117 : i32 to index
        %swap3A_690 = arith.index_cast %mul3A_135 : i32 to index
        %swap3A_691 = tpu.vector_load %arg9[%swap3A_688, %swap3A_689, %swap3A_690] {strides = array<i32>} : memref<64x8x64xf32, #tpu.memory_space<vmem>>, vector<16xf32>,
        tpu.vector_store %arg9[%swap3A_688, %swap3A_689, %swap3A_690], %gather3A_686 {strides = array<i32>} : memref<64x8x64xf32, #tpu.memory_space<vmem>>, vector<16xf32>,
        %add3A_692 = arith.constant 31744 : i32
        %add3A_693 = vector.broadcast %add3A_692 : i32 to vector<16xi32>
        %add3A_694 = arith.addi %get3A_93, %add3A_693 : vector<16xi32>
        %gather3A_695 = tpu.vector_load_idx %arg6[%add3A_694] : memref<32768xf32, #tpu.memory_space<vmem>>[vector<16xi32>], vector<16xf32>,
        %swap3A_696 = arith.constant 62 : i32
        %swap3A_697 = arith.index_cast %swap3A_696 : i32 to index
        %swap3A_698 = arith.index_cast %select_n3A_117 : i32 to index
        %swap3A_699 = arith.index_cast %mul3A_135 : i32 to index
        %swap3A_700 = tpu.vector_load %arg9[%swap3A_697, %swap3A_698, %swap3A_699] {strides = array<i32>} : memref<64x8x64xf32, #tpu.memory_space<vmem>>, vector<16xf32>,
        tpu.vector_store %arg9[%swap3A_697, %swap3A_698, %swap3A_699], %gather3A_695 {strides = array<i32>} : memref<64x8x64xf32, #tpu.memory_space<vmem>>, vector<16xf32>,
        %add3A_701 = arith.constant 32256 : i32
        %add3A_702 = vector.broadcast %add3A_701 : i32 to vector<16xi32>
        %add3A_703 = arith.addi %get3A_93, %add3A_702 : vector<16xi32>
        %gather3A_704 = tpu.vector_load_idx %arg6[%add3A_703] : memref<32768xf32, #tpu.memory_space<vmem>>[vector<16xi32>], vector<16xf32>,
        %swap3A_705 = arith.constant 63 : i32
        %swap3A_706 = arith.index_cast %swap3A_705 : i32 to index
        %swap3A_707 = arith.index_cast %select_n3A_117 : i32 to index
        %swap3A_708 = arith.index_cast %mul3A_135 : i32 to index
        %swap3A_709 = tpu.vector_load %arg9[%swap3A_706, %swap3A_707, %swap3A_708] {strides = array<i32>} : memref<64x8x64xf32, #tpu.memory_space<vmem>>, vector<16xf32>,
        tpu.vector_store %arg9[%swap3A_706, %swap3A_707, %swap3A_708], %gather3A_704 {strides = array<i32>} : memref<64x8x64xf32, #tpu.memory_space<vmem>>, vector<16xf32>,
        tpu.vector_store_idx %arg10[%get3A_91], %broadcast_in_dim3A_35 {add = true} : memref<1024xf32, #tpu.memory_space<vmem>>[vector<16xi32>], vector<16xf32>,
        %add3A_710 = arith.constant 512 : i32
        %add3A_711 = vector.broadcast %add3A_710 : i32 to vector<16xi32>
        %add3A_712 = arith.addi %get3A_93, %add3A_711 : vector<16xi32>
        tpu.vector_store_idx %arg10[%add3A_712], %broadcast_in_dim3A_35 {add = true} : memref<1024xf32, #tpu.memory_space<vmem>>[vector<16xi32>], vector<16xf32>,
        %scan3A_713 = arith.constant 0 : i32
        %scan3A_714 = arith.constant 1 : i32
        %scan3A_715 = arith.addi %scan3A_87, %scan3A_714 : i32
        %mul3A_716 = arith.constant 16 : i32
        %mul3A_717 = arith.muli %scan3A_715, %mul3A_716 : i32
        %get3A_718 = arith.index_cast %mul3A_717 : i32 to index
        %get3A_719 = tpu.vector_load %arg7[%get3A_718] {strides = array<i32>} : memref<512xi32, #tpu.memory_space<vmem>>, vector<16xi32>,
        %get3A_720 = arith.index_cast %mul3A_717 : i32 to index
        %get3A_721 = tpu.vector_load %arg8[%get3A_720] {strides = array<i32>} : memref<512xi32, #tpu.memory_space<vmem>>, vector<16xi32>,
        %jit3A_722 = arith.constant 4 : i32
        %div3A_723 = arith.divsi %scan3A_715, %jit3A_722 : i32
        %sign3A_724 = arith.constant 0 : i32
        %sign3A_725 = arith.cmpi sgt, %scan3A_715, %sign3A_724 : i32
        %sign3A_726 = arith.extui %sign3A_725 : i1 to i32
        %sign3A_727 = arith.constant 0 : i32
        %sign3A_728 = arith.cmpi slt, %scan3A_715, %sign3A_727 : i32
        %sign3A_729 = arith.extui %sign3A_728 : i1 to i32
        %sign3A_730 = arith.subi %sign3A_726, %sign3A_729 : i32
        %sign3A_731 = arith.constant 0 : i32
        %sign3A_732 = arith.cmpi sgt, %jit3A_722, %sign3A_731 : i32
        %sign3A_733 = arith.extui %sign3A_732 : i1 to i32
        %sign3A_734 = arith.constant 0 : i32
        %sign3A_735 = arith.cmpi slt, %jit3A_722, %sign3A_734 : i32
        %sign3A_736 = arith.extui %sign3A_735 : i1 to i32
        %sign3A_737 = arith.subi %sign3A_733, %sign3A_736 : i32
        %ne3A_738 = arith.cmpi ne, %sign3A_730, %sign3A_737 : i32
        %rem3A_739 = arith.remsi %scan3A_715, %jit3A_722 : i32
        %ne3A_740 = arith.constant 0 : i32
        %ne3A_741 = arith.cmpi ne, %rem3A_739, %ne3A_740 : i32
        %and3A_742 = arith.andi %ne3A_738, %ne3A_741 : i1
        %sub3A_743 = arith.constant 1 : i32
        %sub3A_744 = arith.subi %div3A_723, %sub3A_743 : i32
        %select_n3A_745 = arith.select %and3A_742, %sub3A_744, %div3A_723 : i32
        %jit3A_746 = arith.constant 4 : i32
        %eq3A_747 = arith.constant 0 : i32
        %eq3A_748 = arith.cmpi eq, %jit3A_746, %eq3A_747 : i32
        %jit3A_749 = arith.constant 1 : i32
        %select_n3A_750 = arith.select %eq3A_748, %jit3A_749, %jit3A_746 : i32
        %rem3A_751 = arith.remsi %scan3A_715, %select_n3A_750 : i32
        %ne3A_752 = arith.constant 0 : i32
        %ne3A_753 = arith.cmpi ne, %rem3A_751, %ne3A_752 : i32
        %lt3A_754 = arith.constant 0 : i32
        %lt3A_755 = arith.cmpi slt, %rem3A_751, %lt3A_754 : i32
        %lt3A_756 = arith.constant 0 : i32
        %lt3A_757 = arith.cmpi slt, %select_n3A_750, %lt3A_756 : i32
        %ne3A_758 = arith.xori %lt3A_755, %lt3A_757 : i1
        %and3A_759 = arith.andi %ne3A_758, %ne3A_753 : i1
        %add3A_760 = arith.addi %rem3A_751, %select_n3A_750 : i32
        %select_n3A_761 = arith.select %and3A_759, %add3A_760, %rem3A_751 : i32
        %mul3A_762 = arith.constant 16 : i32
        %mul3A_763 = arith.muli %select_n3A_761, %mul3A_762 : i32
        %add3A_764 = arith.constant 0 : i32
        %add3A_765 = vector.broadcast %add3A_764 : i32 to vector<16xi32>
        %add3A_766 = arith.addi %get3A_719, %add3A_765 : vector<16xi32>
        %gather3A_767 = tpu.vector_load_idx %arg6[%add3A_766] : memref<32768xf32, #tpu.memory_space<vmem>>[vector<16xi32>], vector<16xf32>,
        %swap3A_768 = arith.constant 0 : i32
        %swap3A_769 = arith.index_cast %swap3A_768 : i32 to index
        %swap3A_770 = arith.index_cast %select_n3A_745 : i32 to index
        %swap3A_771 = arith.index_cast %mul3A_763 : i32 to index
        %swap3A_772 = tpu.vector_load %arg9[%swap3A_769, %swap3A_770, %swap3A_771] {strides = array<i32>} : memref<64x8x64xf32, #tpu.memory_space<vmem>>, vector<16xf32>,
        tpu.vector_store %arg9[%swap3A_769, %swap3A_770, %swap3A_771], %gather3A_767 {strides = array<i32>} : memref<64x8x64xf32, #tpu.memory_space<vmem>>, vector<16xf32>,
        %add3A_773 = arith.constant 512 : i32
        %add3A_774 = vector.broadcast %add3A_773 : i32 to vector<16xi32>
        %add3A_775 = arith.addi %get3A_719, %add3A_774 : vector<16xi32>
        %gather3A_776 = tpu.vector_load_idx %arg6[%add3A_775] : memref<32768xf32, #tpu.memory_space<vmem>>[vector<16xi32>], vector<16xf32>,
        %swap3A_777 = arith.constant 1 : i32
        %swap3A_778 = arith.index_cast %swap3A_777 : i32 to index
        %swap3A_779 = arith.index_cast %select_n3A_745 : i32 to index
        %swap3A_780 = arith.index_cast %mul3A_763 : i32 to index
        %swap3A_781 = tpu.vector_load %arg9[%swap3A_778, %swap3A_779, %swap3A_780] {strides = array<i32>} : memref<64x8x64xf32, #tpu.memory_space<vmem>>, vector<16xf32>,
        tpu.vector_store %arg9[%swap3A_778, %swap3A_779, %swap3A_780], %gather3A_776 {strides = array<i32>} : memref<64x8x64xf32, #tpu.memory_space<vmem>>, vector<16xf32>,
        %add3A_782 = arith.constant 1024 : i32
        %add3A_783 = vector.broadcast %add3A_782 : i32 to vector<16xi32>
        %add3A_784 = arith.addi %get3A_719, %add3A_783 : vector<16xi32>
        %gather3A_785 = tpu.vector_load_idx %arg6[%add3A_784] : memref<32768xf32, #tpu.memory_space<vmem>>[vector<16xi32>], vector<16xf32>,
        %swap3A_786 = arith.constant 2 : i32
        %swap3A_787 = arith.index_cast %swap3A_786 : i32 to index
        %swap3A_788 = arith.index_cast %select_n3A_745 : i32 to index
        %swap3A_789 = arith.index_cast %mul3A_763 : i32 to index
        %swap3A_790 = tpu.vector_load %arg9[%swap3A_787, %swap3A_788, %swap3A_789] {strides = array<i32>} : memref<64x8x64xf32, #tpu.memory_space<vmem>>, vector<16xf32>,
        tpu.vector_store %arg9[%swap3A_787, %swap3A_788, %swap3A_789], %gather3A_785 {strides = array<i32>} : memref<64x8x64xf32, #tpu.memory_space<vmem>>, vector<16xf32>,
        %add3A_791 = arith.constant 1536 : i32
        %add3A_792 = vector.broadcast %add3A_791 : i32 to vector<16xi32>
        %add3A_793 = arith.addi %get3A_719, %add3A_792 : vector<16xi32>
        %gather3A_794 = tpu.vector_load_idx %arg6[%add3A_793] : memref<32768xf32, #tpu.memory_space<vmem>>[vector<16xi32>], vector<16xf32>,
        %swap3A_795 = arith.constant 3 : i32
        %swap3A_796 = arith.index_cast %swap3A_795 : i32 to index
        %swap3A_797 = arith.index_cast %select_n3A_745 : i32 to index
        %swap3A_798 = arith.index_cast %mul3A_763 : i32 to index
        %swap3A_799 = tpu.vector_load %arg9[%swap3A_796, %swap3A_797, %swap3A_798] {strides = array<i32>} : memref<64x8x64xf32, #tpu.memory_space<vmem>>, vector<16xf32>,
        tpu.vector_store %arg9[%swap3A_796, %swap3A_797, %swap3A_798], %gather3A_794 {strides = array<i32>} : memref<64x8x64xf32, #tpu.memory_space<vmem>>, vector<16xf32>,
        %add3A_800 = arith.constant 2048 : i32
        %add3A_801 = vector.broadcast %add3A_800 : i32 to vector<16xi32>
        %add3A_802 = arith.addi %get3A_719, %add3A_801 : vector<16xi32>
        %gather3A_803 = tpu.vector_load_idx %arg6[%add3A_802] : memref<32768xf32, #tpu.memory_space<vmem>>[vector<16xi32>], vector<16xf32>,
        %swap3A_804 = arith.constant 4 : i32
        %swap3A_805 = arith.index_cast %swap3A_804 : i32 to index
        %swap3A_806 = arith.index_cast %select_n3A_745 : i32 to index
        %swap3A_807 = arith.index_cast %mul3A_763 : i32 to index
        %swap3A_808 = tpu.vector_load %arg9[%swap3A_805, %swap3A_806, %swap3A_807] {strides = array<i32>} : memref<64x8x64xf32, #tpu.memory_space<vmem>>, vector<16xf32>,
        tpu.vector_store %arg9[%swap3A_805, %swap3A_806, %swap3A_807], %gather3A_803 {strides = array<i32>} : memref<64x8x64xf32, #tpu.memory_space<vmem>>, vector<16xf32>,
        %add3A_809 = arith.constant 2560 : i32
        %add3A_810 = vector.broadcast %add3A_809 : i32 to vector<16xi32>
        %add3A_811 = arith.addi %get3A_719, %add3A_810 : vector<16xi32>
        %gather3A_812 = tpu.vector_load_idx %arg6[%add3A_811] : memref<32768xf32, #tpu.memory_space<vmem>>[vector<16xi32>], vector<16xf32>,
        %swap3A_813 = arith.constant 5 : i32
        %swap3A_814 = arith.index_cast %swap3A_813 : i32 to index
        %swap3A_815 = arith.index_cast %select_n3A_745 : i32 to index
        %swap3A_816 = arith.index_cast %mul3A_763 : i32 to index
        %swap3A_817 = tpu.vector_load %arg9[%swap3A_814, %swap3A_815, %swap3A_816] {strides = array<i32>} : memref<64x8x64xf32, #tpu.memory_space<vmem>>, vector<16xf32>,
        tpu.vector_store %arg9[%swap3A_814, %swap3A_815, %swap3A_816], %gather3A_812 {strides = array<i32>} : memref<64x8x64xf32, #tpu.memory_space<vmem>>, vector<16xf32>,
        %add3A_818 = arith.constant 3072 : i32
        %add3A_819 = vector.broadcast %add3A_818 : i32 to vector<16xi32>
        %add3A_820 = arith.addi %get3A_719, %add3A_819 : vector<16xi32>
        %gather3A_821 = tpu.vector_load_idx %arg6[%add3A_820] : memref<32768xf32, #tpu.memory_space<vmem>>[vector<16xi32>], vector<16xf32>,
        %swap3A_822 = arith.constant 6 : i32
        %swap3A_823 = arith.index_cast %swap3A_822 : i32 to index
        %swap3A_824 = arith.index_cast %select_n3A_745 : i32 to index
        %swap3A_825 = arith.index_cast %mul3A_763 : i32 to index
        %swap3A_826 = tpu.vector_load %arg9[%swap3A_823, %swap3A_824, %swap3A_825] {strides = array<i32>} : memref<64x8x64xf32, #tpu.memory_space<vmem>>, vector<16xf32>,
        tpu.vector_store %arg9[%swap3A_823, %swap3A_824, %swap3A_825], %gather3A_821 {strides = array<i32>} : memref<64x8x64xf32, #tpu.memory_space<vmem>>, vector<16xf32>,
        %add3A_827 = arith.constant 3584 : i32
        %add3A_828 = vector.broadcast %add3A_827 : i32 to vector<16xi32>
        %add3A_829 = arith.addi %get3A_719, %add3A_828 : vector<16xi32>
        %gather3A_830 = tpu.vector_load_idx %arg6[%add3A_829] : memref<32768xf32, #tpu.memory_space<vmem>>[vector<16xi32>], vector<16xf32>,
        %swap3A_831 = arith.constant 7 : i32
        %swap3A_832 = arith.index_cast %swap3A_831 : i32 to index
        %swap3A_833 = arith.index_cast %select_n3A_745 : i32 to index
        %swap3A_834 = arith.index_cast %mul3A_763 : i32 to index
        %swap3A_835 = tpu.vector_load %arg9[%swap3A_832, %swap3A_833, %swap3A_834] {strides = array<i32>} : memref<64x8x64xf32, #tpu.memory_space<vmem>>, vector<16xf32>,
        tpu.vector_store %arg9[%swap3A_832, %swap3A_833, %swap3A_834], %gather3A_830 {strides = array<i32>} : memref<64x8x64xf32, #tpu.memory_space<vmem>>, vector<16xf32>,
        %add3A_836 = arith.constant 4096 : i32
        %add3A_837 = vector.broadcast %add3A_836 : i32 to vector<16xi32>
        %add3A_838 = arith.addi %get3A_719, %add3A_837 : vector<16xi32>
        %gather3A_839 = tpu.vector_load_idx %arg6[%add3A_838] : memref<32768xf32, #tpu.memory_space<vmem>>[vector<16xi32>], vector<16xf32>,
        %swap3A_840 = arith.constant 8 : i32
        %swap3A_841 = arith.index_cast %swap3A_840 : i32 to index
        %swap3A_842 = arith.index_cast %select_n3A_745 : i32 to index
        %swap3A_843 = arith.index_cast %mul3A_763 : i32 to index
        %swap3A_844 = tpu.vector_load %arg9[%swap3A_841, %swap3A_842, %swap3A_843] {strides = array<i32>} : memref<64x8x64xf32, #tpu.memory_space<vmem>>, vector<16xf32>,
        tpu.vector_store %arg9[%swap3A_841, %swap3A_842, %swap3A_843], %gather3A_839 {strides = array<i32>} : memref<64x8x64xf32, #tpu.memory_space<vmem>>, vector<16xf32>,
        %add3A_845 = arith.constant 4608 : i32
        %add3A_846 = vector.broadcast %add3A_845 : i32 to vector<16xi32>
        %add3A_847 = arith.addi %get3A_719, %add3A_846 : vector<16xi32>
        %gather3A_848 = tpu.vector_load_idx %arg6[%add3A_847] : memref<32768xf32, #tpu.memory_space<vmem>>[vector<16xi32>], vector<16xf32>,
        %swap3A_849 = arith.constant 9 : i32
        %swap3A_850 = arith.index_cast %swap3A_849 : i32 to index
        %swap3A_851 = arith.index_cast %select_n3A_745 : i32 to index
        %swap3A_852 = arith.index_cast %mul3A_763 : i32 to index
        %swap3A_853 = tpu.vector_load %arg9[%swap3A_850, %swap3A_851, %swap3A_852] {strides = array<i32>} : memref<64x8x64xf32, #tpu.memory_space<vmem>>, vector<16xf32>,
        tpu.vector_store %arg9[%swap3A_850, %swap3A_851, %swap3A_852], %gather3A_848 {strides = array<i32>} : memref<64x8x64xf32, #tpu.memory_space<vmem>>, vector<16xf32>,
        %add3A_854 = arith.constant 5120 : i32
        %add3A_855 = vector.broadcast %add3A_854 : i32 to vector<16xi32>
        %add3A_856 = arith.addi %get3A_719, %add3A_855 : vector<16xi32>
        %gather3A_857 = tpu.vector_load_idx %arg6[%add3A_856] : memref<32768xf32, #tpu.memory_space<vmem>>[vector<16xi32>], vector<16xf32>,
        %swap3A_858 = arith.constant 10 : i32
        %swap3A_859 = arith.index_cast %swap3A_858 : i32 to index
        %swap3A_860 = arith.index_cast %select_n3A_745 : i32 to index
        %swap3A_861 = arith.index_cast %mul3A_763 : i32 to index
        %swap3A_862 = tpu.vector_load %arg9[%swap3A_859, %swap3A_860, %swap3A_861] {strides = array<i32>} : memref<64x8x64xf32, #tpu.memory_space<vmem>>, vector<16xf32>,
        tpu.vector_store %arg9[%swap3A_859, %swap3A_860, %swap3A_861], %gather3A_857 {strides = array<i32>} : memref<64x8x64xf32, #tpu.memory_space<vmem>>, vector<16xf32>,
        %add3A_863 = arith.constant 5632 : i32
        %add3A_864 = vector.broadcast %add3A_863 : i32 to vector<16xi32>
        %add3A_865 = arith.addi %get3A_719, %add3A_864 : vector<16xi32>
        %gather3A_866 = tpu.vector_load_idx %arg6[%add3A_865] : memref<32768xf32, #tpu.memory_space<vmem>>[vector<16xi32>], vector<16xf32>,
        %swap3A_867 = arith.constant 11 : i32
        %swap3A_868 = arith.index_cast %swap3A_867 : i32 to index
        %swap3A_869 = arith.index_cast %select_n3A_745 : i32 to index
        %swap3A_870 = arith.index_cast %mul3A_763 : i32 to index
        %swap3A_871 = tpu.vector_load %arg9[%swap3A_868, %swap3A_869, %swap3A_870] {strides = array<i32>} : memref<64x8x64xf32, #tpu.memory_space<vmem>>, vector<16xf32>,
        tpu.vector_store %arg9[%swap3A_868, %swap3A_869, %swap3A_870], %gather3A_866 {strides = array<i32>} : memref<64x8x64xf32, #tpu.memory_space<vmem>>, vector<16xf32>,
        %add3A_872 = arith.constant 6144 : i32
        %add3A_873 = vector.broadcast %add3A_872 : i32 to vector<16xi32>
        %add3A_874 = arith.addi %get3A_719, %add3A_873 : vector<16xi32>
        %gather3A_875 = tpu.vector_load_idx %arg6[%add3A_874] : memref<32768xf32, #tpu.memory_space<vmem>>[vector<16xi32>], vector<16xf32>,
        %swap3A_876 = arith.constant 12 : i32
        %swap3A_877 = arith.index_cast %swap3A_876 : i32 to index
        %swap3A_878 = arith.index_cast %select_n3A_745 : i32 to index
        %swap3A_879 = arith.index_cast %mul3A_763 : i32 to index
        %swap3A_880 = tpu.vector_load %arg9[%swap3A_877, %swap3A_878, %swap3A_879] {strides = array<i32>} : memref<64x8x64xf32, #tpu.memory_space<vmem>>, vector<16xf32>,
        tpu.vector_store %arg9[%swap3A_877, %swap3A_878, %swap3A_879], %gather3A_875 {strides = array<i32>} : memref<64x8x64xf32, #tpu.memory_space<vmem>>, vector<16xf32>,
        %add3A_881 = arith.constant 6656 : i32
        %add3A_882 = vector.broadcast %add3A_881 : i32 to vector<16xi32>
        %add3A_883 = arith.addi %get3A_719, %add3A_882 : vector<16xi32>
        %gather3A_884 = tpu.vector_load_idx %arg6[%add3A_883] : memref<32768xf32, #tpu.memory_space<vmem>>[vector<16xi32>], vector<16xf32>,
        %swap3A_885 = arith.constant 13 : i32
        %swap3A_886 = arith.index_cast %swap3A_885 : i32 to index
        %swap3A_887 = arith.index_cast %select_n3A_745 : i32 to index
        %swap3A_888 = arith.index_cast %mul3A_763 : i32 to index
        %swap3A_889 = tpu.vector_load %arg9[%swap3A_886, %swap3A_887, %swap3A_888] {strides = array<i32>} : memref<64x8x64xf32, #tpu.memory_space<vmem>>, vector<16xf32>,
        tpu.vector_store %arg9[%swap3A_886, %swap3A_887, %swap3A_888], %gather3A_884 {strides = array<i32>} : memref<64x8x64xf32, #tpu.memory_space<vmem>>, vector<16xf32>,
        %add3A_890 = arith.constant 7168 : i32
        %add3A_891 = vector.broadcast %add3A_890 : i32 to vector<16xi32>
        %add3A_892 = arith.addi %get3A_719, %add3A_891 : vector<16xi32>
        %gather3A_893 = tpu.vector_load_idx %arg6[%add3A_892] : memref<32768xf32, #tpu.memory_space<vmem>>[vector<16xi32>], vector<16xf32>,
        %swap3A_894 = arith.constant 14 : i32
        %swap3A_895 = arith.index_cast %swap3A_894 : i32 to index
        %swap3A_896 = arith.index_cast %select_n3A_745 : i32 to index
        %swap3A_897 = arith.index_cast %mul3A_763 : i32 to index
        %swap3A_898 = tpu.vector_load %arg9[%swap3A_895, %swap3A_896, %swap3A_897] {strides = array<i32>} : memref<64x8x64xf32, #tpu.memory_space<vmem>>, vector<16xf32>,
        tpu.vector_store %arg9[%swap3A_895, %swap3A_896, %swap3A_897], %gather3A_893 {strides = array<i32>} : memref<64x8x64xf32, #tpu.memory_space<vmem>>, vector<16xf32>,
        %add3A_899 = arith.constant 7680 : i32
        %add3A_900 = vector.broadcast %add3A_899 : i32 to vector<16xi32>
        %add3A_901 = arith.addi %get3A_719, %add3A_900 : vector<16xi32>
        %gather3A_902 = tpu.vector_load_idx %arg6[%add3A_901] : memref<32768xf32, #tpu.memory_space<vmem>>[vector<16xi32>], vector<16xf32>,
        %swap3A_903 = arith.constant 15 : i32
        %swap3A_904 = arith.index_cast %swap3A_903 : i32 to index
        %swap3A_905 = arith.index_cast %select_n3A_745 : i32 to index
        %swap3A_906 = arith.index_cast %mul3A_763 : i32 to index
        %swap3A_907 = tpu.vector_load %arg9[%swap3A_904, %swap3A_905, %swap3A_906] {strides = array<i32>} : memref<64x8x64xf32, #tpu.memory_space<vmem>>, vector<16xf32>,
        tpu.vector_store %arg9[%swap3A_904, %swap3A_905, %swap3A_906], %gather3A_902 {strides = array<i32>} : memref<64x8x64xf32, #tpu.memory_space<vmem>>, vector<16xf32>,
        %add3A_908 = arith.constant 8192 : i32
        %add3A_909 = vector.broadcast %add3A_908 : i32 to vector<16xi32>
        %add3A_910 = arith.addi %get3A_719, %add3A_909 : vector<16xi32>
        %gather3A_911 = tpu.vector_load_idx %arg6[%add3A_910] : memref<32768xf32, #tpu.memory_space<vmem>>[vector<16xi32>], vector<16xf32>,
        %swap3A_912 = arith.constant 16 : i32
        %swap3A_913 = arith.index_cast %swap3A_912 : i32 to index
        %swap3A_914 = arith.index_cast %select_n3A_745 : i32 to index
        %swap3A_915 = arith.index_cast %mul3A_763 : i32 to index
        %swap3A_916 = tpu.vector_load %arg9[%swap3A_913, %swap3A_914, %swap3A_915] {strides = array<i32>} : memref<64x8x64xf32, #tpu.memory_space<vmem>>, vector<16xf32>,
        tpu.vector_store %arg9[%swap3A_913, %swap3A_914, %swap3A_915], %gather3A_911 {strides = array<i32>} : memref<64x8x64xf32, #tpu.memory_space<vmem>>, vector<16xf32>,
        %add3A_917 = arith.constant 8704 : i32
        %add3A_918 = vector.broadcast %add3A_917 : i32 to vector<16xi32>
        %add3A_919 = arith.addi %get3A_719, %add3A_918 : vector<16xi32>
        %gather3A_920 = tpu.vector_load_idx %arg6[%add3A_919] : memref<32768xf32, #tpu.memory_space<vmem>>[vector<16xi32>], vector<16xf32>,
        %swap3A_921 = arith.constant 17 : i32
        %swap3A_922 = arith.index_cast %swap3A_921 : i32 to index
        %swap3A_923 = arith.index_cast %select_n3A_745 : i32 to index
        %swap3A_924 = arith.index_cast %mul3A_763 : i32 to index
        %swap3A_925 = tpu.vector_load %arg9[%swap3A_922, %swap3A_923, %swap3A_924] {strides = array<i32>} : memref<64x8x64xf32, #tpu.memory_space<vmem>>, vector<16xf32>,
        tpu.vector_store %arg9[%swap3A_922, %swap3A_923, %swap3A_924], %gather3A_920 {strides = array<i32>} : memref<64x8x64xf32, #tpu.memory_space<vmem>>, vector<16xf32>,
        %add3A_926 = arith.constant 9216 : i32
        %add3A_927 = vector.broadcast %add3A_926 : i32 to vector<16xi32>
        %add3A_928 = arith.addi %get3A_719, %add3A_927 : vector<16xi32>
        %gather3A_929 = tpu.vector_load_idx %arg6[%add3A_928] : memref<32768xf32, #tpu.memory_space<vmem>>[vector<16xi32>], vector<16xf32>,
        %swap3A_930 = arith.constant 18 : i32
        %swap3A_931 = arith.index_cast %swap3A_930 : i32 to index
        %swap3A_932 = arith.index_cast %select_n3A_745 : i32 to index
        %swap3A_933 = arith.index_cast %mul3A_763 : i32 to index
        %swap3A_934 = tpu.vector_load %arg9[%swap3A_931, %swap3A_932, %swap3A_933] {strides = array<i32>} : memref<64x8x64xf32, #tpu.memory_space<vmem>>, vector<16xf32>,
        tpu.vector_store %arg9[%swap3A_931, %swap3A_932, %swap3A_933], %gather3A_929 {strides = array<i32>} : memref<64x8x64xf32, #tpu.memory_space<vmem>>, vector<16xf32>,
        %add3A_935 = arith.constant 9728 : i32
        %add3A_936 = vector.broadcast %add3A_935 : i32 to vector<16xi32>
        %add3A_937 = arith.addi %get3A_719, %add3A_936 : vector<16xi32>
        %gather3A_938 = tpu.vector_load_idx %arg6[%add3A_937] : memref<32768xf32, #tpu.memory_space<vmem>>[vector<16xi32>], vector<16xf32>,
        %swap3A_939 = arith.constant 19 : i32
        %swap3A_940 = arith.index_cast %swap3A_939 : i32 to index
        %swap3A_941 = arith.index_cast %select_n3A_745 : i32 to index
        %swap3A_942 = arith.index_cast %mul3A_763 : i32 to index
        %swap3A_943 = tpu.vector_load %arg9[%swap3A_940, %swap3A_941, %swap3A_942] {strides = array<i32>} : memref<64x8x64xf32, #tpu.memory_space<vmem>>, vector<16xf32>,
        tpu.vector_store %arg9[%swap3A_940, %swap3A_941, %swap3A_942], %gather3A_938 {strides = array<i32>} : memref<64x8x64xf32, #tpu.memory_space<vmem>>, vector<16xf32>,
        %add3A_944 = arith.constant 10240 : i32
        %add3A_945 = vector.broadcast %add3A_944 : i32 to vector<16xi32>
        %add3A_946 = arith.addi %get3A_719, %add3A_945 : vector<16xi32>
        %gather3A_947 = tpu.vector_load_idx %arg6[%add3A_946] : memref<32768xf32, #tpu.memory_space<vmem>>[vector<16xi32>], vector<16xf32>,
        %swap3A_948 = arith.constant 20 : i32
        %swap3A_949 = arith.index_cast %swap3A_948 : i32 to index
        %swap3A_950 = arith.index_cast %select_n3A_745 : i32 to index
        %swap3A_951 = arith.index_cast %mul3A_763 : i32 to index
        %swap3A_952 = tpu.vector_load %arg9[%swap3A_949, %swap3A_950, %swap3A_951] {strides = array<i32>} : memref<64x8x64xf32, #tpu.memory_space<vmem>>, vector<16xf32>,
        tpu.vector_store %arg9[%swap3A_949, %swap3A_950, %swap3A_951], %gather3A_947 {strides = array<i32>} : memref<64x8x64xf32, #tpu.memory_space<vmem>>, vector<16xf32>,
        %add3A_953 = arith.constant 10752 : i32
        %add3A_954 = vector.broadcast %add3A_953 : i32 to vector<16xi32>
        %add3A_955 = arith.addi %get3A_719, %add3A_954 : vector<16xi32>
        %gather3A_956 = tpu.vector_load_idx %arg6[%add3A_955] : memref<32768xf32, #tpu.memory_space<vmem>>[vector<16xi32>], vector<16xf32>,
        %swap3A_957 = arith.constant 21 : i32
        %swap3A_958 = arith.index_cast %swap3A_957 : i32 to index
        %swap3A_959 = arith.index_cast %select_n3A_745 : i32 to index
        %swap3A_960 = arith.index_cast %mul3A_763 : i32 to index
        %swap3A_961 = tpu.vector_load %arg9[%swap3A_958, %swap3A_959, %swap3A_960] {strides = array<i32>} : memref<64x8x64xf32, #tpu.memory_space<vmem>>, vector<16xf32>,
        tpu.vector_store %arg9[%swap3A_958, %swap3A_959, %swap3A_960], %gather3A_956 {strides = array<i32>} : memref<64x8x64xf32, #tpu.memory_space<vmem>>, vector<16xf32>,
        %add3A_962 = arith.constant 11264 : i32
        %add3A_963 = vector.broadcast %add3A_962 : i32 to vector<16xi32>
        %add3A_964 = arith.addi %get3A_719, %add3A_963 : vector<16xi32>
        %gather3A_965 = tpu.vector_load_idx %arg6[%add3A_964] : memref<32768xf32, #tpu.memory_space<vmem>>[vector<16xi32>], vector<16xf32>,
        %swap3A_966 = arith.constant 22 : i32
        %swap3A_967 = arith.index_cast %swap3A_966 : i32 to index
        %swap3A_968 = arith.index_cast %select_n3A_745 : i32 to index
        %swap3A_969 = arith.index_cast %mul3A_763 : i32 to index
        %swap3A_970 = tpu.vector_load %arg9[%swap3A_967, %swap3A_968, %swap3A_969] {strides = array<i32>} : memref<64x8x64xf32, #tpu.memory_space<vmem>>, vector<16xf32>,
        tpu.vector_store %arg9[%swap3A_967, %swap3A_968, %swap3A_969], %gather3A_965 {strides = array<i32>} : memref<64x8x64xf32, #tpu.memory_space<vmem>>, vector<16xf32>,
        %add3A_971 = arith.constant 11776 : i32
        %add3A_972 = vector.broadcast %add3A_971 : i32 to vector<16xi32>
        %add3A_973 = arith.addi %get3A_719, %add3A_972 : vector<16xi32>
        %gather3A_974 = tpu.vector_load_idx %arg6[%add3A_973] : memref<32768xf32, #tpu.memory_space<vmem>>[vector<16xi32>], vector<16xf32>,
        %swap3A_975 = arith.constant 23 : i32
        %swap3A_976 = arith.index_cast %swap3A_975 : i32 to index
        %swap3A_977 = arith.index_cast %select_n3A_745 : i32 to index
        %swap3A_978 = arith.index_cast %mul3A_763 : i32 to index
        %swap3A_979 = tpu.vector_load %arg9[%swap3A_976, %swap3A_977, %swap3A_978] {strides = array<i32>} : memref<64x8x64xf32, #tpu.memory_space<vmem>>, vector<16xf32>,
        tpu.vector_store %arg9[%swap3A_976, %swap3A_977, %swap3A_978], %gather3A_974 {strides = array<i32>} : memref<64x8x64xf32, #tpu.memory_space<vmem>>, vector<16xf32>,
        %add3A_980 = arith.constant 12288 : i32
        %add3A_981 = vector.broadcast %add3A_980 : i32 to vector<16xi32>
        %add3A_982 = arith.addi %get3A_719, %add3A_981 : vector<16xi32>
        %gather3A_983 = tpu.vector_load_idx %arg6[%add3A_982] : memref<32768xf32, #tpu.memory_space<vmem>>[vector<16xi32>], vector<16xf32>,
        %swap3A_984 = arith.constant 24 : i32
        %swap3A_985 = arith.index_cast %swap3A_984 : i32 to index
        %swap3A_986 = arith.index_cast %select_n3A_745 : i32 to index
        %swap3A_987 = arith.index_cast %mul3A_763 : i32 to index
        %swap3A_988 = tpu.vector_load %arg9[%swap3A_985, %swap3A_986, %swap3A_987] {strides = array<i32>} : memref<64x8x64xf32, #tpu.memory_space<vmem>>, vector<16xf32>,
        tpu.vector_store %arg9[%swap3A_985, %swap3A_986, %swap3A_987], %gather3A_983 {strides = array<i32>} : memref<64x8x64xf32, #tpu.memory_space<vmem>>, vector<16xf32>,
        %add3A_989 = arith.constant 12800 : i32
        %add3A_990 = vector.broadcast %add3A_989 : i32 to vector<16xi32>
        %add3A_991 = arith.addi %get3A_719, %add3A_990 : vector<16xi32>
        %gather3A_992 = tpu.vector_load_idx %arg6[%add3A_991] : memref<32768xf32, #tpu.memory_space<vmem>>[vector<16xi32>], vector<16xf32>,
        %swap3A_993 = arith.constant 25 : i32
        %swap3A_994 = arith.index_cast %swap3A_993 : i32 to index
        %swap3A_995 = arith.index_cast %select_n3A_745 : i32 to index
        %swap3A_996 = arith.index_cast %mul3A_763 : i32 to index
        %swap3A_997 = tpu.vector_load %arg9[%swap3A_994, %swap3A_995, %swap3A_996] {strides = array<i32>} : memref<64x8x64xf32, #tpu.memory_space<vmem>>, vector<16xf32>,
        tpu.vector_store %arg9[%swap3A_994, %swap3A_995, %swap3A_996], %gather3A_992 {strides = array<i32>} : memref<64x8x64xf32, #tpu.memory_space<vmem>>, vector<16xf32>,
        %add3A_998 = arith.constant 13312 : i32
        %add3A_999 = vector.broadcast %add3A_998 : i32 to vector<16xi32>
        %add3A_1000 = arith.addi %get3A_719, %add3A_999 : vector<16xi32>
        %gather3A_1001 = tpu.vector_load_idx %arg6[%add3A_1000] : memref<32768xf32, #tpu.memory_space<vmem>>[vector<16xi32>], vector<16xf32>,
        %swap3A_1002 = arith.constant 26 : i32
        %swap3A_1003 = arith.index_cast %swap3A_1002 : i32 to index
        %swap3A_1004 = arith.index_cast %select_n3A_745 : i32 to index
        %swap3A_1005 = arith.index_cast %mul3A_763 : i32 to index
        %swap3A_1006 = tpu.vector_load %arg9[%swap3A_1003, %swap3A_1004, %swap3A_1005] {strides = array<i32>} : memref<64x8x64xf32, #tpu.memory_space<vmem>>, vector<16xf32>,
        tpu.vector_store %arg9[%swap3A_1003, %swap3A_1004, %swap3A_1005], %gather3A_1001 {strides = array<i32>} : memref<64x8x64xf32, #tpu.memory_space<vmem>>, vector<16xf32>,
        %add3A_1007 = arith.constant 13824 : i32
        %add3A_1008 = vector.broadcast %add3A_1007 : i32 to vector<16xi32>
        %add3A_1009 = arith.addi %get3A_719, %add3A_1008 : vector<16xi32>
        %gather3A_1010 = tpu.vector_load_idx %arg6[%add3A_1009] : memref<32768xf32, #tpu.memory_space<vmem>>[vector<16xi32>], vector<16xf32>,
        %swap3A_1011 = arith.constant 27 : i32
        %swap3A_1012 = arith.index_cast %swap3A_1011 : i32 to index
        %swap3A_1013 = arith.index_cast %select_n3A_745 : i32 to index
        %swap3A_1014 = arith.index_cast %mul3A_763 : i32 to index
        %swap3A_1015 = tpu.vector_load %arg9[%swap3A_1012, %swap3A_1013, %swap3A_1014] {strides = array<i32>} : memref<64x8x64xf32, #tpu.memory_space<vmem>>, vector<16xf32>,
        tpu.vector_store %arg9[%swap3A_1012, %swap3A_1013, %swap3A_1014], %gather3A_1010 {strides = array<i32>} : memref<64x8x64xf32, #tpu.memory_space<vmem>>, vector<16xf32>,
        %add3A_1016 = arith.constant 14336 : i32
        %add3A_1017 = vector.broadcast %add3A_1016 : i32 to vector<16xi32>
        %add3A_1018 = arith.addi %get3A_719, %add3A_1017 : vector<16xi32>
        %gather3A_1019 = tpu.vector_load_idx %arg6[%add3A_1018] : memref<32768xf32, #tpu.memory_space<vmem>>[vector<16xi32>], vector<16xf32>,
        %swap3A_1020 = arith.constant 28 : i32
        %swap3A_1021 = arith.index_cast %swap3A_1020 : i32 to index
        %swap3A_1022 = arith.index_cast %select_n3A_745 : i32 to index
        %swap3A_1023 = arith.index_cast %mul3A_763 : i32 to index
        %swap3A_1024 = tpu.vector_load %arg9[%swap3A_1021, %swap3A_1022, %swap3A_1023] {strides = array<i32>} : memref<64x8x64xf32, #tpu.memory_space<vmem>>, vector<16xf32>,
        tpu.vector_store %arg9[%swap3A_1021, %swap3A_1022, %swap3A_1023], %gather3A_1019 {strides = array<i32>} : memref<64x8x64xf32, #tpu.memory_space<vmem>>, vector<16xf32>,
        %add3A_1025 = arith.constant 14848 : i32
        %add3A_1026 = vector.broadcast %add3A_1025 : i32 to vector<16xi32>
        %add3A_1027 = arith.addi %get3A_719, %add3A_1026 : vector<16xi32>
        %gather3A_1028 = tpu.vector_load_idx %arg6[%add3A_1027] : memref<32768xf32, #tpu.memory_space<vmem>>[vector<16xi32>], vector<16xf32>,
        %swap3A_1029 = arith.constant 29 : i32
        %swap3A_1030 = arith.index_cast %swap3A_1029 : i32 to index
        %swap3A_1031 = arith.index_cast %select_n3A_745 : i32 to index
        %swap3A_1032 = arith.index_cast %mul3A_763 : i32 to index
        %swap3A_1033 = tpu.vector_load %arg9[%swap3A_1030, %swap3A_1031, %swap3A_1032] {strides = array<i32>} : memref<64x8x64xf32, #tpu.memory_space<vmem>>, vector<16xf32>,
        tpu.vector_store %arg9[%swap3A_1030, %swap3A_1031, %swap3A_1032], %gather3A_1028 {strides = array<i32>} : memref<64x8x64xf32, #tpu.memory_space<vmem>>, vector<16xf32>,
        %add3A_1034 = arith.constant 15360 : i32
        %add3A_1035 = vector.broadcast %add3A_1034 : i32 to vector<16xi32>
        %add3A_1036 = arith.addi %get3A_719, %add3A_1035 : vector<16xi32>
        %gather3A_1037 = tpu.vector_load_idx %arg6[%add3A_1036] : memref<32768xf32, #tpu.memory_space<vmem>>[vector<16xi32>], vector<16xf32>,
        %swap3A_1038 = arith.constant 30 : i32
        %swap3A_1039 = arith.index_cast %swap3A_1038 : i32 to index
        %swap3A_1040 = arith.index_cast %select_n3A_745 : i32 to index
        %swap3A_1041 = arith.index_cast %mul3A_763 : i32 to index
        %swap3A_1042 = tpu.vector_load %arg9[%swap3A_1039, %swap3A_1040, %swap3A_1041] {strides = array<i32>} : memref<64x8x64xf32, #tpu.memory_space<vmem>>, vector<16xf32>,
        tpu.vector_store %arg9[%swap3A_1039, %swap3A_1040, %swap3A_1041], %gather3A_1037 {strides = array<i32>} : memref<64x8x64xf32, #tpu.memory_space<vmem>>, vector<16xf32>,
        %add3A_1043 = arith.constant 15872 : i32
        %add3A_1044 = vector.broadcast %add3A_1043 : i32 to vector<16xi32>
        %add3A_1045 = arith.addi %get3A_719, %add3A_1044 : vector<16xi32>
        %gather3A_1046 = tpu.vector_load_idx %arg6[%add3A_1045] : memref<32768xf32, #tpu.memory_space<vmem>>[vector<16xi32>], vector<16xf32>,
        %swap3A_1047 = arith.constant 31 : i32
        %swap3A_1048 = arith.index_cast %swap3A_1047 : i32 to index
        %swap3A_1049 = arith.index_cast %select_n3A_745 : i32 to index
        %swap3A_1050 = arith.index_cast %mul3A_763 : i32 to index
        %swap3A_1051 = tpu.vector_load %arg9[%swap3A_1048, %swap3A_1049, %swap3A_1050] {strides = array<i32>} : memref<64x8x64xf32, #tpu.memory_space<vmem>>, vector<16xf32>,
        tpu.vector_store %arg9[%swap3A_1048, %swap3A_1049, %swap3A_1050], %gather3A_1046 {strides = array<i32>} : memref<64x8x64xf32, #tpu.memory_space<vmem>>, vector<16xf32>,
        %add3A_1052 = arith.constant 16384 : i32
        %add3A_1053 = vector.broadcast %add3A_1052 : i32 to vector<16xi32>
        %add3A_1054 = arith.addi %get3A_721, %add3A_1053 : vector<16xi32>
        %gather3A_1055 = tpu.vector_load_idx %arg6[%add3A_1054] : memref<32768xf32, #tpu.memory_space<vmem>>[vector<16xi32>], vector<16xf32>,
        %swap3A_1056 = arith.constant 32 : i32
        %swap3A_1057 = arith.index_cast %swap3A_1056 : i32 to index
        %swap3A_1058 = arith.index_cast %select_n3A_745 : i32 to index
        %swap3A_1059 = arith.index_cast %mul3A_763 : i32 to index
        %swap3A_1060 = tpu.vector_load %arg9[%swap3A_1057, %swap3A_1058, %swap3A_1059] {strides = array<i32>} : memref<64x8x64xf32, #tpu.memory_space<vmem>>, vector<16xf32>,
        tpu.vector_store %arg9[%swap3A_1057, %swap3A_1058, %swap3A_1059], %gather3A_1055 {strides = array<i32>} : memref<64x8x64xf32, #tpu.memory_space<vmem>>, vector<16xf32>,
        %add3A_1061 = arith.constant 16896 : i32
        %add3A_1062 = vector.broadcast %add3A_1061 : i32 to vector<16xi32>
        %add3A_1063 = arith.addi %get3A_721, %add3A_1062 : vector<16xi32>
        %gather3A_1064 = tpu.vector_load_idx %arg6[%add3A_1063] : memref<32768xf32, #tpu.memory_space<vmem>>[vector<16xi32>], vector<16xf32>,
        %swap3A_1065 = arith.constant 33 : i32
        %swap3A_1066 = arith.index_cast %swap3A_1065 : i32 to index
        %swap3A_1067 = arith.index_cast %select_n3A_745 : i32 to index
        %swap3A_1068 = arith.index_cast %mul3A_763 : i32 to index
        %swap3A_1069 = tpu.vector_load %arg9[%swap3A_1066, %swap3A_1067, %swap3A_1068] {strides = array<i32>} : memref<64x8x64xf32, #tpu.memory_space<vmem>>, vector<16xf32>,
        tpu.vector_store %arg9[%swap3A_1066, %swap3A_1067, %swap3A_1068], %gather3A_1064 {strides = array<i32>} : memref<64x8x64xf32, #tpu.memory_space<vmem>>, vector<16xf32>,
        %add3A_1070 = arith.constant 17408 : i32
        %add3A_1071 = vector.broadcast %add3A_1070 : i32 to vector<16xi32>
        %add3A_1072 = arith.addi %get3A_721, %add3A_1071 : vector<16xi32>
        %gather3A_1073 = tpu.vector_load_idx %arg6[%add3A_1072] : memref<32768xf32, #tpu.memory_space<vmem>>[vector<16xi32>], vector<16xf32>,
        %swap3A_1074 = arith.constant 34 : i32
        %swap3A_1075 = arith.index_cast %swap3A_1074 : i32 to index
        %swap3A_1076 = arith.index_cast %select_n3A_745 : i32 to index
        %swap3A_1077 = arith.index_cast %mul3A_763 : i32 to index
        %swap3A_1078 = tpu.vector_load %arg9[%swap3A_1075, %swap3A_1076, %swap3A_1077] {strides = array<i32>} : memref<64x8x64xf32, #tpu.memory_space<vmem>>, vector<16xf32>,
        tpu.vector_store %arg9[%swap3A_1075, %swap3A_1076, %swap3A_1077], %gather3A_1073 {strides = array<i32>} : memref<64x8x64xf32, #tpu.memory_space<vmem>>, vector<16xf32>,
        %add3A_1079 = arith.constant 17920 : i32
        %add3A_1080 = vector.broadcast %add3A_1079 : i32 to vector<16xi32>
        %add3A_1081 = arith.addi %get3A_721, %add3A_1080 : vector<16xi32>
        %gather3A_1082 = tpu.vector_load_idx %arg6[%add3A_1081] : memref<32768xf32, #tpu.memory_space<vmem>>[vector<16xi32>], vector<16xf32>,
        %swap3A_1083 = arith.constant 35 : i32
        %swap3A_1084 = arith.index_cast %swap3A_1083 : i32 to index
        %swap3A_1085 = arith.index_cast %select_n3A_745 : i32 to index
        %swap3A_1086 = arith.index_cast %mul3A_763 : i32 to index
        %swap3A_1087 = tpu.vector_load %arg9[%swap3A_1084, %swap3A_1085, %swap3A_1086] {strides = array<i32>} : memref<64x8x64xf32, #tpu.memory_space<vmem>>, vector<16xf32>,
        tpu.vector_store %arg9[%swap3A_1084, %swap3A_1085, %swap3A_1086], %gather3A_1082 {strides = array<i32>} : memref<64x8x64xf32, #tpu.memory_space<vmem>>, vector<16xf32>,
        %add3A_1088 = arith.constant 18432 : i32
        %add3A_1089 = vector.broadcast %add3A_1088 : i32 to vector<16xi32>
        %add3A_1090 = arith.addi %get3A_721, %add3A_1089 : vector<16xi32>
        %gather3A_1091 = tpu.vector_load_idx %arg6[%add3A_1090] : memref<32768xf32, #tpu.memory_space<vmem>>[vector<16xi32>], vector<16xf32>,
        %swap3A_1092 = arith.constant 36 : i32
        %swap3A_1093 = arith.index_cast %swap3A_1092 : i32 to index
        %swap3A_1094 = arith.index_cast %select_n3A_745 : i32 to index
        %swap3A_1095 = arith.index_cast %mul3A_763 : i32 to index
        %swap3A_1096 = tpu.vector_load %arg9[%swap3A_1093, %swap3A_1094, %swap3A_1095] {strides = array<i32>} : memref<64x8x64xf32, #tpu.memory_space<vmem>>, vector<16xf32>,
        tpu.vector_store %arg9[%swap3A_1093, %swap3A_1094, %swap3A_1095], %gather3A_1091 {strides = array<i32>} : memref<64x8x64xf32, #tpu.memory_space<vmem>>, vector<16xf32>,
        %add3A_1097 = arith.constant 18944 : i32
        %add3A_1098 = vector.broadcast %add3A_1097 : i32 to vector<16xi32>
        %add3A_1099 = arith.addi %get3A_721, %add3A_1098 : vector<16xi32>
        %gather3A_1100 = tpu.vector_load_idx %arg6[%add3A_1099] : memref<32768xf32, #tpu.memory_space<vmem>>[vector<16xi32>], vector<16xf32>,
        %swap3A_1101 = arith.constant 37 : i32
        %swap3A_1102 = arith.index_cast %swap3A_1101 : i32 to index
        %swap3A_1103 = arith.index_cast %select_n3A_745 : i32 to index
        %swap3A_1104 = arith.index_cast %mul3A_763 : i32 to index
        %swap3A_1105 = tpu.vector_load %arg9[%swap3A_1102, %swap3A_1103, %swap3A_1104] {strides = array<i32>} : memref<64x8x64xf32, #tpu.memory_space<vmem>>, vector<16xf32>,
        tpu.vector_store %arg9[%swap3A_1102, %swap3A_1103, %swap3A_1104], %gather3A_1100 {strides = array<i32>} : memref<64x8x64xf32, #tpu.memory_space<vmem>>, vector<16xf32>,
        %add3A_1106 = arith.constant 19456 : i32
        %add3A_1107 = vector.broadcast %add3A_1106 : i32 to vector<16xi32>
        %add3A_1108 = arith.addi %get3A_721, %add3A_1107 : vector<16xi32>
        %gather3A_1109 = tpu.vector_load_idx %arg6[%add3A_1108] : memref<32768xf32, #tpu.memory_space<vmem>>[vector<16xi32>], vector<16xf32>,
        %swap3A_1110 = arith.constant 38 : i32
        %swap3A_1111 = arith.index_cast %swap3A_1110 : i32 to index
        %swap3A_1112 = arith.index_cast %select_n3A_745 : i32 to index
        %swap3A_1113 = arith.index_cast %mul3A_763 : i32 to index
        %swap3A_1114 = tpu.vector_load %arg9[%swap3A_1111, %swap3A_1112, %swap3A_1113] {strides = array<i32>} : memref<64x8x64xf32, #tpu.memory_space<vmem>>, vector<16xf32>,
        tpu.vector_store %arg9[%swap3A_1111, %swap3A_1112, %swap3A_1113], %gather3A_1109 {strides = array<i32>} : memref<64x8x64xf32, #tpu.memory_space<vmem>>, vector<16xf32>,
        %add3A_1115 = arith.constant 19968 : i32
        %add3A_1116 = vector.broadcast %add3A_1115 : i32 to vector<16xi32>
        %add3A_1117 = arith.addi %get3A_721, %add3A_1116 : vector<16xi32>
        %gather3A_1118 = tpu.vector_load_idx %arg6[%add3A_1117] : memref<32768xf32, #tpu.memory_space<vmem>>[vector<16xi32>], vector<16xf32>,
        %swap3A_1119 = arith.constant 39 : i32
        %swap3A_1120 = arith.index_cast %swap3A_1119 : i32 to index
        %swap3A_1121 = arith.index_cast %select_n3A_745 : i32 to index
        %swap3A_1122 = arith.index_cast %mul3A_763 : i32 to index
        %swap3A_1123 = tpu.vector_load %arg9[%swap3A_1120, %swap3A_1121, %swap3A_1122] {strides = array<i32>} : memref<64x8x64xf32, #tpu.memory_space<vmem>>, vector<16xf32>,
        tpu.vector_store %arg9[%swap3A_1120, %swap3A_1121, %swap3A_1122], %gather3A_1118 {strides = array<i32>} : memref<64x8x64xf32, #tpu.memory_space<vmem>>, vector<16xf32>,
        %add3A_1124 = arith.constant 20480 : i32
        %add3A_1125 = vector.broadcast %add3A_1124 : i32 to vector<16xi32>
        %add3A_1126 = arith.addi %get3A_721, %add3A_1125 : vector<16xi32>
        %gather3A_1127 = tpu.vector_load_idx %arg6[%add3A_1126] : memref<32768xf32, #tpu.memory_space<vmem>>[vector<16xi32>], vector<16xf32>,
        %swap3A_1128 = arith.constant 40 : i32
        %swap3A_1129 = arith.index_cast %swap3A_1128 : i32 to index
        %swap3A_1130 = arith.index_cast %select_n3A_745 : i32 to index
        %swap3A_1131 = arith.index_cast %mul3A_763 : i32 to index
        %swap3A_1132 = tpu.vector_load %arg9[%swap3A_1129, %swap3A_1130, %swap3A_1131] {strides = array<i32>} : memref<64x8x64xf32, #tpu.memory_space<vmem>>, vector<16xf32>,
        tpu.vector_store %arg9[%swap3A_1129, %swap3A_1130, %swap3A_1131], %gather3A_1127 {strides = array<i32>} : memref<64x8x64xf32, #tpu.memory_space<vmem>>, vector<16xf32>,
        %add3A_1133 = arith.constant 20992 : i32
        %add3A_1134 = vector.broadcast %add3A_1133 : i32 to vector<16xi32>
        %add3A_1135 = arith.addi %get3A_721, %add3A_1134 : vector<16xi32>
        %gather3A_1136 = tpu.vector_load_idx %arg6[%add3A_1135] : memref<32768xf32, #tpu.memory_space<vmem>>[vector<16xi32>], vector<16xf32>,
        %swap3A_1137 = arith.constant 41 : i32
        %swap3A_1138 = arith.index_cast %swap3A_1137 : i32 to index
        %swap3A_1139 = arith.index_cast %select_n3A_745 : i32 to index
        %swap3A_1140 = arith.index_cast %mul3A_763 : i32 to index
        %swap3A_1141 = tpu.vector_load %arg9[%swap3A_1138, %swap3A_1139, %swap3A_1140] {strides = array<i32>} : memref<64x8x64xf32, #tpu.memory_space<vmem>>, vector<16xf32>,
        tpu.vector_store %arg9[%swap3A_1138, %swap3A_1139, %swap3A_1140], %gather3A_1136 {strides = array<i32>} : memref<64x8x64xf32, #tpu.memory_space<vmem>>, vector<16xf32>,
        %add3A_1142 = arith.constant 21504 : i32
        %add3A_1143 = vector.broadcast %add3A_1142 : i32 to vector<16xi32>
        %add3A_1144 = arith.addi %get3A_721, %add3A_1143 : vector<16xi32>
        %gather3A_1145 = tpu.vector_load_idx %arg6[%add3A_1144] : memref<32768xf32, #tpu.memory_space<vmem>>[vector<16xi32>], vector<16xf32>,
        %swap3A_1146 = arith.constant 42 : i32
        %swap3A_1147 = arith.index_cast %swap3A_1146 : i32 to index
        %swap3A_1148 = arith.index_cast %select_n3A_745 : i32 to index
        %swap3A_1149 = arith.index_cast %mul3A_763 : i32 to index
        %swap3A_1150 = tpu.vector_load %arg9[%swap3A_1147, %swap3A_1148, %swap3A_1149] {strides = array<i32>} : memref<64x8x64xf32, #tpu.memory_space<vmem>>, vector<16xf32>,
        tpu.vector_store %arg9[%swap3A_1147, %swap3A_1148, %swap3A_1149], %gather3A_1145 {strides = array<i32>} : memref<64x8x64xf32, #tpu.memory_space<vmem>>, vector<16xf32>,
        %add3A_1151 = arith.constant 22016 : i32
        %add3A_1152 = vector.broadcast %add3A_1151 : i32 to vector<16xi32>
        %add3A_1153 = arith.addi %get3A_721, %add3A_1152 : vector<16xi32>
        %gather3A_1154 = tpu.vector_load_idx %arg6[%add3A_1153] : memref<32768xf32, #tpu.memory_space<vmem>>[vector<16xi32>], vector<16xf32>,
        %swap3A_1155 = arith.constant 43 : i32
        %swap3A_1156 = arith.index_cast %swap3A_1155 : i32 to index
        %swap3A_1157 = arith.index_cast %select_n3A_745 : i32 to index
        %swap3A_1158 = arith.index_cast %mul3A_763 : i32 to index
        %swap3A_1159 = tpu.vector_load %arg9[%swap3A_1156, %swap3A_1157, %swap3A_1158] {strides = array<i32>} : memref<64x8x64xf32, #tpu.memory_space<vmem>>, vector<16xf32>,
        tpu.vector_store %arg9[%swap3A_1156, %swap3A_1157, %swap3A_1158], %gather3A_1154 {strides = array<i32>} : memref<64x8x64xf32, #tpu.memory_space<vmem>>, vector<16xf32>,
        %add3A_1160 = arith.constant 22528 : i32
        %add3A_1161 = vector.broadcast %add3A_1160 : i32 to vector<16xi32>
        %add3A_1162 = arith.addi %get3A_721, %add3A_1161 : vector<16xi32>
        %gather3A_1163 = tpu.vector_load_idx %arg6[%add3A_1162] : memref<32768xf32, #tpu.memory_space<vmem>>[vector<16xi32>], vector<16xf32>,
        %swap3A_1164 = arith.constant 44 : i32
        %swap3A_1165 = arith.index_cast %swap3A_1164 : i32 to index
        %swap3A_1166 = arith.index_cast %select_n3A_745 : i32 to index
        %swap3A_1167 = arith.index_cast %mul3A_763 : i32 to index
        %swap3A_1168 = tpu.vector_load %arg9[%swap3A_1165, %swap3A_1166, %swap3A_1167] {strides = array<i32>} : memref<64x8x64xf32, #tpu.memory_space<vmem>>, vector<16xf32>,
        tpu.vector_store %arg9[%swap3A_1165, %swap3A_1166, %swap3A_1167], %gather3A_1163 {strides = array<i32>} : memref<64x8x64xf32, #tpu.memory_space<vmem>>, vector<16xf32>,
        %add3A_1169 = arith.constant 23040 : i32
        %add3A_1170 = vector.broadcast %add3A_1169 : i32 to vector<16xi32>
        %add3A_1171 = arith.addi %get3A_721, %add3A_1170 : vector<16xi32>
        %gather3A_1172 = tpu.vector_load_idx %arg6[%add3A_1171] : memref<32768xf32, #tpu.memory_space<vmem>>[vector<16xi32>], vector<16xf32>,
        %swap3A_1173 = arith.constant 45 : i32
        %swap3A_1174 = arith.index_cast %swap3A_1173 : i32 to index
        %swap3A_1175 = arith.index_cast %select_n3A_745 : i32 to index
        %swap3A_1176 = arith.index_cast %mul3A_763 : i32 to index
        %swap3A_1177 = tpu.vector_load %arg9[%swap3A_1174, %swap3A_1175, %swap3A_1176] {strides = array<i32>} : memref<64x8x64xf32, #tpu.memory_space<vmem>>, vector<16xf32>,
        tpu.vector_store %arg9[%swap3A_1174, %swap3A_1175, %swap3A_1176], %gather3A_1172 {strides = array<i32>} : memref<64x8x64xf32, #tpu.memory_space<vmem>>, vector<16xf32>,
        %add3A_1178 = arith.constant 23552 : i32
        %add3A_1179 = vector.broadcast %add3A_1178 : i32 to vector<16xi32>
        %add3A_1180 = arith.addi %get3A_721, %add3A_1179 : vector<16xi32>
        %gather3A_1181 = tpu.vector_load_idx %arg6[%add3A_1180] : memref<32768xf32, #tpu.memory_space<vmem>>[vector<16xi32>], vector<16xf32>,
        %swap3A_1182 = arith.constant 46 : i32
        %swap3A_1183 = arith.index_cast %swap3A_1182 : i32 to index
        %swap3A_1184 = arith.index_cast %select_n3A_745 : i32 to index
        %swap3A_1185 = arith.index_cast %mul3A_763 : i32 to index
        %swap3A_1186 = tpu.vector_load %arg9[%swap3A_1183, %swap3A_1184, %swap3A_1185] {strides = array<i32>} : memref<64x8x64xf32, #tpu.memory_space<vmem>>, vector<16xf32>,
        tpu.vector_store %arg9[%swap3A_1183, %swap3A_1184, %swap3A_1185], %gather3A_1181 {strides = array<i32>} : memref<64x8x64xf32, #tpu.memory_space<vmem>>, vector<16xf32>,
        %add3A_1187 = arith.constant 24064 : i32
        %add3A_1188 = vector.broadcast %add3A_1187 : i32 to vector<16xi32>
        %add3A_1189 = arith.addi %get3A_721, %add3A_1188 : vector<16xi32>
        %gather3A_1190 = tpu.vector_load_idx %arg6[%add3A_1189] : memref<32768xf32, #tpu.memory_space<vmem>>[vector<16xi32>], vector<16xf32>,
        %swap3A_1191 = arith.constant 47 : i32
        %swap3A_1192 = arith.index_cast %swap3A_1191 : i32 to index
        %swap3A_1193 = arith.index_cast %select_n3A_745 : i32 to index
        %swap3A_1194 = arith.index_cast %mul3A_763 : i32 to index
        %swap3A_1195 = tpu.vector_load %arg9[%swap3A_1192, %swap3A_1193, %swap3A_1194] {strides = array<i32>} : memref<64x8x64xf32, #tpu.memory_space<vmem>>, vector<16xf32>,
        tpu.vector_store %arg9[%swap3A_1192, %swap3A_1193, %swap3A_1194], %gather3A_1190 {strides = array<i32>} : memref<64x8x64xf32, #tpu.memory_space<vmem>>, vector<16xf32>,
        %add3A_1196 = arith.constant 24576 : i32
        %add3A_1197 = vector.broadcast %add3A_1196 : i32 to vector<16xi32>
        %add3A_1198 = arith.addi %get3A_721, %add3A_1197 : vector<16xi32>
        %gather3A_1199 = tpu.vector_load_idx %arg6[%add3A_1198] : memref<32768xf32, #tpu.memory_space<vmem>>[vector<16xi32>], vector<16xf32>,
        %swap3A_1200 = arith.constant 48 : i32
        %swap3A_1201 = arith.index_cast %swap3A_1200 : i32 to index
        %swap3A_1202 = arith.index_cast %select_n3A_745 : i32 to index
        %swap3A_1203 = arith.index_cast %mul3A_763 : i32 to index
        %swap3A_1204 = tpu.vector_load %arg9[%swap3A_1201, %swap3A_1202, %swap3A_1203] {strides = array<i32>} : memref<64x8x64xf32, #tpu.memory_space<vmem>>, vector<16xf32>,
        tpu.vector_store %arg9[%swap3A_1201, %swap3A_1202, %swap3A_1203], %gather3A_1199 {strides = array<i32>} : memref<64x8x64xf32, #tpu.memory_space<vmem>>, vector<16xf32>,
        %add3A_1205 = arith.constant 25088 : i32
        %add3A_1206 = vector.broadcast %add3A_1205 : i32 to vector<16xi32>
        %add3A_1207 = arith.addi %get3A_721, %add3A_1206 : vector<16xi32>
        %gather3A_1208 = tpu.vector_load_idx %arg6[%add3A_1207] : memref<32768xf32, #tpu.memory_space<vmem>>[vector<16xi32>], vector<16xf32>,
        %swap3A_1209 = arith.constant 49 : i32
        %swap3A_1210 = arith.index_cast %swap3A_1209 : i32 to index
        %swap3A_1211 = arith.index_cast %select_n3A_745 : i32 to index
        %swap3A_1212 = arith.index_cast %mul3A_763 : i32 to index
        %swap3A_1213 = tpu.vector_load %arg9[%swap3A_1210, %swap3A_1211, %swap3A_1212] {strides = array<i32>} : memref<64x8x64xf32, #tpu.memory_space<vmem>>, vector<16xf32>,
        tpu.vector_store %arg9[%swap3A_1210, %swap3A_1211, %swap3A_1212], %gather3A_1208 {strides = array<i32>} : memref<64x8x64xf32, #tpu.memory_space<vmem>>, vector<16xf32>,
        %add3A_1214 = arith.constant 25600 : i32
        %add3A_1215 = vector.broadcast %add3A_1214 : i32 to vector<16xi32>
        %add3A_1216 = arith.addi %get3A_721, %add3A_1215 : vector<16xi32>
        %gather3A_1217 = tpu.vector_load_idx %arg6[%add3A_1216] : memref<32768xf32, #tpu.memory_space<vmem>>[vector<16xi32>], vector<16xf32>,
        %swap3A_1218 = arith.constant 50 : i32
        %swap3A_1219 = arith.index_cast %swap3A_1218 : i32 to index
        %swap3A_1220 = arith.index_cast %select_n3A_745 : i32 to index
        %swap3A_1221 = arith.index_cast %mul3A_763 : i32 to index
        %swap3A_1222 = tpu.vector_load %arg9[%swap3A_1219, %swap3A_1220, %swap3A_1221] {strides = array<i32>} : memref<64x8x64xf32, #tpu.memory_space<vmem>>, vector<16xf32>,
        tpu.vector_store %arg9[%swap3A_1219, %swap3A_1220, %swap3A_1221], %gather3A_1217 {strides = array<i32>} : memref<64x8x64xf32, #tpu.memory_space<vmem>>, vector<16xf32>,
        %add3A_1223 = arith.constant 26112 : i32
        %add3A_1224 = vector.broadcast %add3A_1223 : i32 to vector<16xi32>
        %add3A_1225 = arith.addi %get3A_721, %add3A_1224 : vector<16xi32>
        %gather3A_1226 = tpu.vector_load_idx %arg6[%add3A_1225] : memref<32768xf32, #tpu.memory_space<vmem>>[vector<16xi32>], vector<16xf32>,
        %swap3A_1227 = arith.constant 51 : i32
        %swap3A_1228 = arith.index_cast %swap3A_1227 : i32 to index
        %swap3A_1229 = arith.index_cast %select_n3A_745 : i32 to index
        %swap3A_1230 = arith.index_cast %mul3A_763 : i32 to index
        %swap3A_1231 = tpu.vector_load %arg9[%swap3A_1228, %swap3A_1229, %swap3A_1230] {strides = array<i32>} : memref<64x8x64xf32, #tpu.memory_space<vmem>>, vector<16xf32>,
        tpu.vector_store %arg9[%swap3A_1228, %swap3A_1229, %swap3A_1230], %gather3A_1226 {strides = array<i32>} : memref<64x8x64xf32, #tpu.memory_space<vmem>>, vector<16xf32>,
        %add3A_1232 = arith.constant 26624 : i32
        %add3A_1233 = vector.broadcast %add3A_1232 : i32 to vector<16xi32>
        %add3A_1234 = arith.addi %get3A_721, %add3A_1233 : vector<16xi32>
        %gather3A_1235 = tpu.vector_load_idx %arg6[%add3A_1234] : memref<32768xf32, #tpu.memory_space<vmem>>[vector<16xi32>], vector<16xf32>,
        %swap3A_1236 = arith.constant 52 : i32
        %swap3A_1237 = arith.index_cast %swap3A_1236 : i32 to index
        %swap3A_1238 = arith.index_cast %select_n3A_745 : i32 to index
        %swap3A_1239 = arith.index_cast %mul3A_763 : i32 to index
        %swap3A_1240 = tpu.vector_load %arg9[%swap3A_1237, %swap3A_1238, %swap3A_1239] {strides = array<i32>} : memref<64x8x64xf32, #tpu.memory_space<vmem>>, vector<16xf32>,
        tpu.vector_store %arg9[%swap3A_1237, %swap3A_1238, %swap3A_1239], %gather3A_1235 {strides = array<i32>} : memref<64x8x64xf32, #tpu.memory_space<vmem>>, vector<16xf32>,
        %add3A_1241 = arith.constant 27136 : i32
        %add3A_1242 = vector.broadcast %add3A_1241 : i32 to vector<16xi32>
        %add3A_1243 = arith.addi %get3A_721, %add3A_1242 : vector<16xi32>
        %gather3A_1244 = tpu.vector_load_idx %arg6[%add3A_1243] : memref<32768xf32, #tpu.memory_space<vmem>>[vector<16xi32>], vector<16xf32>,
        %swap3A_1245 = arith.constant 53 : i32
        %swap3A_1246 = arith.index_cast %swap3A_1245 : i32 to index
        %swap3A_1247 = arith.index_cast %select_n3A_745 : i32 to index
        %swap3A_1248 = arith.index_cast %mul3A_763 : i32 to index
        %swap3A_1249 = tpu.vector_load %arg9[%swap3A_1246, %swap3A_1247, %swap3A_1248] {strides = array<i32>} : memref<64x8x64xf32, #tpu.memory_space<vmem>>, vector<16xf32>,
        tpu.vector_store %arg9[%swap3A_1246, %swap3A_1247, %swap3A_1248], %gather3A_1244 {strides = array<i32>} : memref<64x8x64xf32, #tpu.memory_space<vmem>>, vector<16xf32>,
        %add3A_1250 = arith.constant 27648 : i32
        %add3A_1251 = vector.broadcast %add3A_1250 : i32 to vector<16xi32>
        %add3A_1252 = arith.addi %get3A_721, %add3A_1251 : vector<16xi32>
        %gather3A_1253 = tpu.vector_load_idx %arg6[%add3A_1252] : memref<32768xf32, #tpu.memory_space<vmem>>[vector<16xi32>], vector<16xf32>,
        %swap3A_1254 = arith.constant 54 : i32
        %swap3A_1255 = arith.index_cast %swap3A_1254 : i32 to index
        %swap3A_1256 = arith.index_cast %select_n3A_745 : i32 to index
        %swap3A_1257 = arith.index_cast %mul3A_763 : i32 to index
        %swap3A_1258 = tpu.vector_load %arg9[%swap3A_1255, %swap3A_1256, %swap3A_1257] {strides = array<i32>} : memref<64x8x64xf32, #tpu.memory_space<vmem>>, vector<16xf32>,
        tpu.vector_store %arg9[%swap3A_1255, %swap3A_1256, %swap3A_1257], %gather3A_1253 {strides = array<i32>} : memref<64x8x64xf32, #tpu.memory_space<vmem>>, vector<16xf32>,
        %add3A_1259 = arith.constant 28160 : i32
        %add3A_1260 = vector.broadcast %add3A_1259 : i32 to vector<16xi32>
        %add3A_1261 = arith.addi %get3A_721, %add3A_1260 : vector<16xi32>
        %gather3A_1262 = tpu.vector_load_idx %arg6[%add3A_1261] : memref<32768xf32, #tpu.memory_space<vmem>>[vector<16xi32>], vector<16xf32>,
        %swap3A_1263 = arith.constant 55 : i32
        %swap3A_1264 = arith.index_cast %swap3A_1263 : i32 to index
        %swap3A_1265 = arith.index_cast %select_n3A_745 : i32 to index
        %swap3A_1266 = arith.index_cast %mul3A_763 : i32 to index
        %swap3A_1267 = tpu.vector_load %arg9[%swap3A_1264, %swap3A_1265, %swap3A_1266] {strides = array<i32>} : memref<64x8x64xf32, #tpu.memory_space<vmem>>, vector<16xf32>,
        tpu.vector_store %arg9[%swap3A_1264, %swap3A_1265, %swap3A_1266], %gather3A_1262 {strides = array<i32>} : memref<64x8x64xf32, #tpu.memory_space<vmem>>, vector<16xf32>,
        %add3A_1268 = arith.constant 28672 : i32
        %add3A_1269 = vector.broadcast %add3A_1268 : i32 to vector<16xi32>
        %add3A_1270 = arith.addi %get3A_721, %add3A_1269 : vector<16xi32>
        %gather3A_1271 = tpu.vector_load_idx %arg6[%add3A_1270] : memref<32768xf32, #tpu.memory_space<vmem>>[vector<16xi32>], vector<16xf32>,
        %swap3A_1272 = arith.constant 56 : i32
        %swap3A_1273 = arith.index_cast %swap3A_1272 : i32 to index
        %swap3A_1274 = arith.index_cast %select_n3A_745 : i32 to index
        %swap3A_1275 = arith.index_cast %mul3A_763 : i32 to index
        %swap3A_1276 = tpu.vector_load %arg9[%swap3A_1273, %swap3A_1274, %swap3A_1275] {strides = array<i32>} : memref<64x8x64xf32, #tpu.memory_space<vmem>>, vector<16xf32>,
        tpu.vector_store %arg9[%swap3A_1273, %swap3A_1274, %swap3A_1275], %gather3A_1271 {strides = array<i32>} : memref<64x8x64xf32, #tpu.memory_space<vmem>>, vector<16xf32>,
        %add3A_1277 = arith.constant 29184 : i32
        %add3A_1278 = vector.broadcast %add3A_1277 : i32 to vector<16xi32>
        %add3A_1279 = arith.addi %get3A_721, %add3A_1278 : vector<16xi32>
        %gather3A_1280 = tpu.vector_load_idx %arg6[%add3A_1279] : memref<32768xf32, #tpu.memory_space<vmem>>[vector<16xi32>], vector<16xf32>,
        %swap3A_1281 = arith.constant 57 : i32
        %swap3A_1282 = arith.index_cast %swap3A_1281 : i32 to index
        %swap3A_1283 = arith.index_cast %select_n3A_745 : i32 to index
        %swap3A_1284 = arith.index_cast %mul3A_763 : i32 to index
        %swap3A_1285 = tpu.vector_load %arg9[%swap3A_1282, %swap3A_1283, %swap3A_1284] {strides = array<i32>} : memref<64x8x64xf32, #tpu.memory_space<vmem>>, vector<16xf32>,
        tpu.vector_store %arg9[%swap3A_1282, %swap3A_1283, %swap3A_1284], %gather3A_1280 {strides = array<i32>} : memref<64x8x64xf32, #tpu.memory_space<vmem>>, vector<16xf32>,
        %add3A_1286 = arith.constant 29696 : i32
        %add3A_1287 = vector.broadcast %add3A_1286 : i32 to vector<16xi32>
        %add3A_1288 = arith.addi %get3A_721, %add3A_1287 : vector<16xi32>
        %gather3A_1289 = tpu.vector_load_idx %arg6[%add3A_1288] : memref<32768xf32, #tpu.memory_space<vmem>>[vector<16xi32>], vector<16xf32>,
        %swap3A_1290 = arith.constant 58 : i32
        %swap3A_1291 = arith.index_cast %swap3A_1290 : i32 to index
        %swap3A_1292 = arith.index_cast %select_n3A_745 : i32 to index
        %swap3A_1293 = arith.index_cast %mul3A_763 : i32 to index
        %swap3A_1294 = tpu.vector_load %arg9[%swap3A_1291, %swap3A_1292, %swap3A_1293] {strides = array<i32>} : memref<64x8x64xf32, #tpu.memory_space<vmem>>, vector<16xf32>,
        tpu.vector_store %arg9[%swap3A_1291, %swap3A_1292, %swap3A_1293], %gather3A_1289 {strides = array<i32>} : memref<64x8x64xf32, #tpu.memory_space<vmem>>, vector<16xf32>,
        %add3A_1295 = arith.constant 30208 : i32
        %add3A_1296 = vector.broadcast %add3A_1295 : i32 to vector<16xi32>
        %add3A_1297 = arith.addi %get3A_721, %add3A_1296 : vector<16xi32>
        %gather3A_1298 = tpu.vector_load_idx %arg6[%add3A_1297] : memref<32768xf32, #tpu.memory_space<vmem>>[vector<16xi32>], vector<16xf32>,
        %swap3A_1299 = arith.constant 59 : i32
        %swap3A_1300 = arith.index_cast %swap3A_1299 : i32 to index
        %swap3A_1301 = arith.index_cast %select_n3A_745 : i32 to index
        %swap3A_1302 = arith.index_cast %mul3A_763 : i32 to index
        %swap3A_1303 = tpu.vector_load %arg9[%swap3A_1300, %swap3A_1301, %swap3A_1302] {strides = array<i32>} : memref<64x8x64xf32, #tpu.memory_space<vmem>>, vector<16xf32>,
        tpu.vector_store %arg9[%swap3A_1300, %swap3A_1301, %swap3A_1302], %gather3A_1298 {strides = array<i32>} : memref<64x8x64xf32, #tpu.memory_space<vmem>>, vector<16xf32>,
        %add3A_1304 = arith.constant 30720 : i32
        %add3A_1305 = vector.broadcast %add3A_1304 : i32 to vector<16xi32>
        %add3A_1306 = arith.addi %get3A_721, %add3A_1305 : vector<16xi32>
        %gather3A_1307 = tpu.vector_load_idx %arg6[%add3A_1306] : memref<32768xf32, #tpu.memory_space<vmem>>[vector<16xi32>], vector<16xf32>,
        %swap3A_1308 = arith.constant 60 : i32
        %swap3A_1309 = arith.index_cast %swap3A_1308 : i32 to index
        %swap3A_1310 = arith.index_cast %select_n3A_745 : i32 to index
        %swap3A_1311 = arith.index_cast %mul3A_763 : i32 to index
        %swap3A_1312 = tpu.vector_load %arg9[%swap3A_1309, %swap3A_1310, %swap3A_1311] {strides = array<i32>} : memref<64x8x64xf32, #tpu.memory_space<vmem>>, vector<16xf32>,
        tpu.vector_store %arg9[%swap3A_1309, %swap3A_1310, %swap3A_1311], %gather3A_1307 {strides = array<i32>} : memref<64x8x64xf32, #tpu.memory_space<vmem>>, vector<16xf32>,
        %add3A_1313 = arith.constant 31232 : i32
        %add3A_1314 = vector.broadcast %add3A_1313 : i32 to vector<16xi32>
        %add3A_1315 = arith.addi %get3A_721, %add3A_1314 : vector<16xi32>
        %gather3A_1316 = tpu.vector_load_idx %arg6[%add3A_1315] : memref<32768xf32, #tpu.memory_space<vmem>>[vector<16xi32>], vector<16xf32>,
        %swap3A_1317 = arith.constant 61 : i32
        %swap3A_1318 = arith.index_cast %swap3A_1317 : i32 to index
        %swap3A_1319 = arith.index_cast %select_n3A_745 : i32 to index
        %swap3A_1320 = arith.index_cast %mul3A_763 : i32 to index
        %swap3A_1321 = tpu.vector_load %arg9[%swap3A_1318, %swap3A_1319, %swap3A_1320] {strides = array<i32>} : memref<64x8x64xf32, #tpu.memory_space<vmem>>, vector<16xf32>,
        tpu.vector_store %arg9[%swap3A_1318, %swap3A_1319, %swap3A_1320], %gather3A_1316 {strides = array<i32>} : memref<64x8x64xf32, #tpu.memory_space<vmem>>, vector<16xf32>,
        %add3A_1322 = arith.constant 31744 : i32
        %add3A_1323 = vector.broadcast %add3A_1322 : i32 to vector<16xi32>
        %add3A_1324 = arith.addi %get3A_721, %add3A_1323 : vector<16xi32>
        %gather3A_1325 = tpu.vector_load_idx %arg6[%add3A_1324] : memref<32768xf32, #tpu.memory_space<vmem>>[vector<16xi32>], vector<16xf32>,
        %swap3A_1326 = arith.constant 62 : i32
        %swap3A_1327 = arith.index_cast %swap3A_1326 : i32 to index
        %swap3A_1328 = arith.index_cast %select_n3A_745 : i32 to index
        %swap3A_1329 = arith.index_cast %mul3A_763 : i32 to index
        %swap3A_1330 = tpu.vector_load %arg9[%swap3A_1327, %swap3A_1328, %swap3A_1329] {strides = array<i32>} : memref<64x8x64xf32, #tpu.memory_space<vmem>>, vector<16xf32>,
        tpu.vector_store %arg9[%swap3A_1327, %swap3A_1328, %swap3A_1329], %gather3A_1325 {strides = array<i32>} : memref<64x8x64xf32, #tpu.memory_space<vmem>>, vector<16xf32>,
        %add3A_1331 = arith.constant 32256 : i32
        %add3A_1332 = vector.broadcast %add3A_1331 : i32 to vector<16xi32>
        %add3A_1333 = arith.addi %get3A_721, %add3A_1332 : vector<16xi32>
        %gather3A_1334 = tpu.vector_load_idx %arg6[%add3A_1333] : memref<32768xf32, #tpu.memory_space<vmem>>[vector<16xi32>], vector<16xf32>,
        %swap3A_1335 = arith.constant 63 : i32
        %swap3A_1336 = arith.index_cast %swap3A_1335 : i32 to index
        %swap3A_1337 = arith.index_cast %select_n3A_745 : i32 to index
        %swap3A_1338 = arith.index_cast %mul3A_763 : i32 to index
        %swap3A_1339 = tpu.vector_load %arg9[%swap3A_1336, %swap3A_1337, %swap3A_1338] {strides = array<i32>} : memref<64x8x64xf32, #tpu.memory_space<vmem>>, vector<16xf32>,
        tpu.vector_store %arg9[%swap3A_1336, %swap3A_1337, %swap3A_1338], %gather3A_1334 {strides = array<i32>} : memref<64x8x64xf32, #tpu.memory_space<vmem>>, vector<16xf32>,
        tpu.vector_store_idx %arg10[%get3A_719], %broadcast_in_dim3A_35 {add = true} : memref<1024xf32, #tpu.memory_space<vmem>>[vector<16xi32>], vector<16xf32>,
        %add3A_1340 = arith.constant 512 : i32
        %add3A_1341 = vector.broadcast %add3A_1340 : i32 to vector<16xi32>
        %add3A_1342 = arith.addi %get3A_721, %add3A_1341 : vector<16xi32>
        tpu.vector_store_idx %arg10[%add3A_1342], %broadcast_in_dim3A_35 {add = true} : memref<1024xf32, #tpu.memory_space<vmem>>[vector<16xi32>], vector<16xf32>,
        %scan3A_1343 = arith.constant 0 : i32
        %scan3A_1344 = arith.constant 2 : i32
        %scan3A_1345 = arith.addi %scan3A_87, %scan3A_1344 : i32
        %mul3A_1346 = arith.constant 16 : i32
        %mul3A_1347 = arith.muli %scan3A_1345, %mul3A_1346 : i32
        %get3A_1348 = arith.index_cast %mul3A_1347 : i32 to index
        %get3A_1349 = tpu.vector_load %arg7[%get3A_1348] {strides = array<i32>} : memref<512xi32, #tpu.memory_space<vmem>>, vector<16xi32>,
        %get3A_1350 = arith.index_cast %mul3A_1347 : i32 to index
        %get3A_1351 = tpu.vector_load %arg8[%get3A_1350] {strides = array<i32>} : memref<512xi32, #tpu.memory_space<vmem>>, vector<16xi32>,
        %jit3A_1352 = arith.constant 4 : i32
        %div3A_1353 = arith.divsi %scan3A_1345, %jit3A_1352 : i32
        %sign3A_1354 = arith.constant 0 : i32
        %sign3A_1355 = arith.cmpi sgt, %scan3A_1345, %sign3A_1354 : i32
        %sign3A_1356 = arith.extui %sign3A_1355 : i1 to i32
        %sign3A_1357 = arith.constant 0 : i32
        %sign3A_1358 = arith.cmpi slt, %scan3A_1345, %sign3A_1357 : i32
        %sign3A_1359 = arith.extui %sign3A_1358 : i1 to i32
        %sign3A_1360 = arith.subi %sign3A_1356, %sign3A_1359 : i32
        %sign3A_1361 = arith.constant 0 : i32
        %sign3A_1362 = arith.cmpi sgt, %jit3A_1352, %sign3A_1361 : i32
        %sign3A_1363 = arith.extui %sign3A_1362 : i1 to i32
        %sign3A_1364 = arith.constant 0 : i32
        %sign3A_1365 = arith.cmpi slt, %jit3A_1352, %sign3A_1364 : i32
        %sign3A_1366 = arith.extui %sign3A_1365 : i1 to i32
        %sign3A_1367 = arith.subi %sign3A_1363, %sign3A_1366 : i32
        %ne3A_1368 = arith.cmpi ne, %sign3A_1360, %sign3A_1367 : i32
        %rem3A_1369 = arith.remsi %scan3A_1345, %jit3A_1352 : i32
        %ne3A_1370 = arith.constant 0 : i32
        %ne3A_1371 = arith.cmpi ne, %rem3A_1369, %ne3A_1370 : i32
        %and3A_1372 = arith.andi %ne3A_1368, %ne3A_1371 : i1
        %sub3A_1373 = arith.constant 1 : i32
        %sub3A_1374 = arith.subi %div3A_1353, %sub3A_1373 : i32
        %select_n3A_1375 = arith.select %and3A_1372, %sub3A_1374, %div3A_1353 : i32
        %jit3A_1376 = arith.constant 4 : i32
        %eq3A_1377 = arith.constant 0 : i32
        %eq3A_1378 = arith.cmpi eq, %jit3A_1376, %eq3A_1377 : i32
        %jit3A_1379 = arith.constant 1 : i32
        %select_n3A_1380 = arith.select %eq3A_1378, %jit3A_1379, %jit3A_1376 : i32
        %rem3A_1381 = arith.remsi %scan3A_1345, %select_n3A_1380 : i32
        %ne3A_1382 = arith.constant 0 : i32
        %ne3A_1383 = arith.cmpi ne, %rem3A_1381, %ne3A_1382 : i32
        %lt3A_1384 = arith.constant 0 : i32
        %lt3A_1385 = arith.cmpi slt, %rem3A_1381, %lt3A_1384 : i32
        %lt3A_1386 = arith.constant 0 : i32
        %lt3A_1387 = arith.cmpi slt, %select_n3A_1380, %lt3A_1386 : i32
        %ne3A_1388 = arith.xori %lt3A_1385, %lt3A_1387 : i1
        %and3A_1389 = arith.andi %ne3A_1388, %ne3A_1383 : i1
        %add3A_1390 = arith.addi %rem3A_1381, %select_n3A_1380 : i32
        %select_n3A_1391 = arith.select %and3A_1389, %add3A_1390, %rem3A_1381 : i32
        %mul3A_1392 = arith.constant 16 : i32
        %mul3A_1393 = arith.muli %select_n3A_1391, %mul3A_1392 : i32
        %add3A_1394 = arith.constant 0 : i32
        %add3A_1395 = vector.broadcast %add3A_1394 : i32 to vector<16xi32>
        %add3A_1396 = arith.addi %get3A_1349, %add3A_1395 : vector<16xi32>
        %gather3A_1397 = tpu.vector_load_idx %arg6[%add3A_1396] : memref<32768xf32, #tpu.memory_space<vmem>>[vector<16xi32>], vector<16xf32>,
        %swap3A_1398 = arith.constant 0 : i32
        %swap3A_1399 = arith.index_cast %swap3A_1398 : i32 to index
        %swap3A_1400 = arith.index_cast %select_n3A_1375 : i32 to index
        %swap3A_1401 = arith.index_cast %mul3A_1393 : i32 to index
        %swap3A_1402 = tpu.vector_load %arg9[%swap3A_1399, %swap3A_1400, %swap3A_1401] {strides = array<i32>} : memref<64x8x64xf32, #tpu.memory_space<vmem>>, vector<16xf32>,
        tpu.vector_store %arg9[%swap3A_1399, %swap3A_1400, %swap3A_1401], %gather3A_1397 {strides = array<i32>} : memref<64x8x64xf32, #tpu.memory_space<vmem>>, vector<16xf32>,
        %add3A_1403 = arith.constant 512 : i32
        %add3A_1404 = vector.broadcast %add3A_1403 : i32 to vector<16xi32>
        %add3A_1405 = arith.addi %get3A_1349, %add3A_1404 : vector<16xi32>
        %gather3A_1406 = tpu.vector_load_idx %arg6[%add3A_1405] : memref<32768xf32, #tpu.memory_space<vmem>>[vector<16xi32>], vector<16xf32>,
        %swap3A_1407 = arith.constant 1 : i32
        %swap3A_1408 = arith.index_cast %swap3A_1407 : i32 to index
        %swap3A_1409 = arith.index_cast %select_n3A_1375 : i32 to index
        %swap3A_1410 = arith.index_cast %mul3A_1393 : i32 to index
        %swap3A_1411 = tpu.vector_load %arg9[%swap3A_1408, %swap3A_1409, %swap3A_1410] {strides = array<i32>} : memref<64x8x64xf32, #tpu.memory_space<vmem>>, vector<16xf32>,
        tpu.vector_store %arg9[%swap3A_1408, %swap3A_1409, %swap3A_1410], %gather3A_1406 {strides = array<i32>} : memref<64x8x64xf32, #tpu.memory_space<vmem>>, vector<16xf32>,
        %add3A_1412 = arith.constant 1024 : i32
        %add3A_1413 = vector.broadcast %add3A_1412 : i32 to vector<16xi32>
        %add3A_1414 = arith.addi %get3A_1349, %add3A_1413 : vector<16xi32>
        %gather3A_1415 = tpu.vector_load_idx %arg6[%add3A_1414] : memref<32768xf32, #tpu.memory_space<vmem>>[vector<16xi32>], vector<16xf32>,
        %swap3A_1416 = arith.constant 2 : i32
        %swap3A_1417 = arith.index_cast %swap3A_1416 : i32 to index
        %swap3A_1418 = arith.index_cast %select_n3A_1375 : i32 to index
        %swap3A_1419 = arith.index_cast %mul3A_1393 : i32 to index
        %swap3A_1420 = tpu.vector_load %arg9[%swap3A_1417, %swap3A_1418, %swap3A_1419] {strides = array<i32>} : memref<64x8x64xf32, #tpu.memory_space<vmem>>, vector<16xf32>,
        tpu.vector_store %arg9[%swap3A_1417, %swap3A_1418, %swap3A_1419], %gather3A_1415 {strides = array<i32>} : memref<64x8x64xf32, #tpu.memory_space<vmem>>, vector<16xf32>,
        %add3A_1421 = arith.constant 1536 : i32
        %add3A_1422 = vector.broadcast %add3A_1421 : i32 to vector<16xi32>
        %add3A_1423 = arith.addi %get3A_1349, %add3A_1422 : vector<16xi32>
        %gather3A_1424 = tpu.vector_load_idx %arg6[%add3A_1423] : memref<32768xf32, #tpu.memory_space<vmem>>[vector<16xi32>], vector<16xf32>,
        %swap3A_1425 = arith.constant 3 : i32
        %swap3A_1426 = arith.index_cast %swap3A_1425 : i32 to index
        %swap3A_1427 = arith.index_cast %select_n3A_1375 : i32 to index
        %swap3A_1428 = arith.index_cast %mul3A_1393 : i32 to index
        %swap3A_1429 = tpu.vector_load %arg9[%swap3A_1426, %swap3A_1427, %swap3A_1428] {strides = array<i32>} : memref<64x8x64xf32, #tpu.memory_space<vmem>>, vector<16xf32>,
        tpu.vector_store %arg9[%swap3A_1426, %swap3A_1427, %swap3A_1428], %gather3A_1424 {strides = array<i32>} : memref<64x8x64xf32, #tpu.memory_space<vmem>>, vector<16xf32>,
        %add3A_1430 = arith.constant 2048 : i32
        %add3A_1431 = vector.broadcast %add3A_1430 : i32 to vector<16xi32>
        %add3A_1432 = arith.addi %get3A_1349, %add3A_1431 : vector<16xi32>
        %gather3A_1433 = tpu.vector_load_idx %arg6[%add3A_1432] : memref<32768xf32, #tpu.memory_space<vmem>>[vector<16xi32>], vector<16xf32>,
        %swap3A_1434 = arith.constant 4 : i32
        %swap3A_1435 = arith.index_cast %swap3A_1434 : i32 to index
        %swap3A_1436 = arith.index_cast %select_n3A_1375 : i32 to index
        %swap3A_1437 = arith.index_cast %mul3A_1393 : i32 to index
        %swap3A_1438 = tpu.vector_load %arg9[%swap3A_1435, %swap3A_1436, %swap3A_1437] {strides = array<i32>} : memref<64x8x64xf32, #tpu.memory_space<vmem>>, vector<16xf32>,
        tpu.vector_store %arg9[%swap3A_1435, %swap3A_1436, %swap3A_1437], %gather3A_1433 {strides = array<i32>} : memref<64x8x64xf32, #tpu.memory_space<vmem>>, vector<16xf32>,
        %add3A_1439 = arith.constant 2560 : i32
        %add3A_1440 = vector.broadcast %add3A_1439 : i32 to vector<16xi32>
        %add3A_1441 = arith.addi %get3A_1349, %add3A_1440 : vector<16xi32>
        %gather3A_1442 = tpu.vector_load_idx %arg6[%add3A_1441] : memref<32768xf32, #tpu.memory_space<vmem>>[vector<16xi32>], vector<16xf32>,
        %swap3A_1443 = arith.constant 5 : i32
        %swap3A_1444 = arith.index_cast %swap3A_1443 : i32 to index
        %swap3A_1445 = arith.index_cast %select_n3A_1375 : i32 to index
        %swap3A_1446 = arith.index_cast %mul3A_1393 : i32 to index
        %swap3A_1447 = tpu.vector_load %arg9[%swap3A_1444, %swap3A_1445, %swap3A_1446] {strides = array<i32>} : memref<64x8x64xf32, #tpu.memory_space<vmem>>, vector<16xf32>,
        tpu.vector_store %arg9[%swap3A_1444, %swap3A_1445, %swap3A_1446], %gather3A_1442 {strides = array<i32>} : memref<64x8x64xf32, #tpu.memory_space<vmem>>, vector<16xf32>,
        %add3A_1448 = arith.constant 3072 : i32
        %add3A_1449 = vector.broadcast %add3A_1448 : i32 to vector<16xi32>
        %add3A_1450 = arith.addi %get3A_1349, %add3A_1449 : vector<16xi32>
        %gather3A_1451 = tpu.vector_load_idx %arg6[%add3A_1450] : memref<32768xf32, #tpu.memory_space<vmem>>[vector<16xi32>], vector<16xf32>,
        %swap3A_1452 = arith.constant 6 : i32
        %swap3A_1453 = arith.index_cast %swap3A_1452 : i32 to index
        %swap3A_1454 = arith.index_cast %select_n3A_1375 : i32 to index
        %swap3A_1455 = arith.index_cast %mul3A_1393 : i32 to index
        %swap3A_1456 = tpu.vector_load %arg9[%swap3A_1453, %swap3A_1454, %swap3A_1455] {strides = array<i32>} : memref<64x8x64xf32, #tpu.memory_space<vmem>>, vector<16xf32>,
        tpu.vector_store %arg9[%swap3A_1453, %swap3A_1454, %swap3A_1455], %gather3A_1451 {strides = array<i32>} : memref<64x8x64xf32, #tpu.memory_space<vmem>>, vector<16xf32>,
        %add3A_1457 = arith.constant 3584 : i32
        %add3A_1458 = vector.broadcast %add3A_1457 : i32 to vector<16xi32>
        %add3A_1459 = arith.addi %get3A_1349, %add3A_1458 : vector<16xi32>
        %gather3A_1460 = tpu.vector_load_idx %arg6[%add3A_1459] : memref<32768xf32, #tpu.memory_space<vmem>>[vector<16xi32>], vector<16xf32>,
        %swap3A_1461 = arith.constant 7 : i32
        %swap3A_1462 = arith.index_cast %swap3A_1461 : i32 to index
        %swap3A_1463 = arith.index_cast %select_n3A_1375 : i32 to index
        %swap3A_1464 = arith.index_cast %mul3A_1393 : i32 to index
        %swap3A_1465 = tpu.vector_load %arg9[%swap3A_1462, %swap3A_1463, %swap3A_1464] {strides = array<i32>} : memref<64x8x64xf32, #tpu.memory_space<vmem>>, vector<16xf32>,
        tpu.vector_store %arg9[%swap3A_1462, %swap3A_1463, %swap3A_1464], %gather3A_1460 {strides = array<i32>} : memref<64x8x64xf32, #tpu.memory_space<vmem>>, vector<16xf32>,
        %add3A_1466 = arith.constant 4096 : i32
        %add3A_1467 = vector.broadcast %add3A_1466 : i32 to vector<16xi32>
        %add3A_1468 = arith.addi %get3A_1349, %add3A_1467 : vector<16xi32>
        %gather3A_1469 = tpu.vector_load_idx %arg6[%add3A_1468] : memref<32768xf32, #tpu.memory_space<vmem>>[vector<16xi32>], vector<16xf32>,
        %swap3A_1470 = arith.constant 8 : i32
        %swap3A_1471 = arith.index_cast %swap3A_1470 : i32 to index
        %swap3A_1472 = arith.index_cast %select_n3A_1375 : i32 to index
        %swap3A_1473 = arith.index_cast %mul3A_1393 : i32 to index
        %swap3A_1474 = tpu.vector_load %arg9[%swap3A_1471, %swap3A_1472, %swap3A_1473] {strides = array<i32>} : memref<64x8x64xf32, #tpu.memory_space<vmem>>, vector<16xf32>,
        tpu.vector_store %arg9[%swap3A_1471, %swap3A_1472, %swap3A_1473], %gather3A_1469 {strides = array<i32>} : memref<64x8x64xf32, #tpu.memory_space<vmem>>, vector<16xf32>,
        %add3A_1475 = arith.constant 4608 : i32
        %add3A_1476 = vector.broadcast %add3A_1475 : i32 to vector<16xi32>
        %add3A_1477 = arith.addi %get3A_1349, %add3A_1476 : vector<16xi32>
        %gather3A_1478 = tpu.vector_load_idx %arg6[%add3A_1477] : memref<32768xf32, #tpu.memory_space<vmem>>[vector<16xi32>], vector<16xf32>,
        %swap3A_1479 = arith.constant 9 : i32
        %swap3A_1480 = arith.index_cast %swap3A_1479 : i32 to index
        %swap3A_1481 = arith.index_cast %select_n3A_1375 : i32 to index
        %swap3A_1482 = arith.index_cast %mul3A_1393 : i32 to index
        %swap3A_1483 = tpu.vector_load %arg9[%swap3A_1480, %swap3A_1481, %swap3A_1482] {strides = array<i32>} : memref<64x8x64xf32, #tpu.memory_space<vmem>>, vector<16xf32>,
        tpu.vector_store %arg9[%swap3A_1480, %swap3A_1481, %swap3A_1482], %gather3A_1478 {strides = array<i32>} : memref<64x8x64xf32, #tpu.memory_space<vmem>>, vector<16xf32>,
        %add3A_1484 = arith.constant 5120 : i32
        %add3A_1485 = vector.broadcast %add3A_1484 : i32 to vector<16xi32>
        %add3A_1486 = arith.addi %get3A_1349, %add3A_1485 : vector<16xi32>
        %gather3A_1487 = tpu.vector_load_idx %arg6[%add3A_1486] : memref<32768xf32, #tpu.memory_space<vmem>>[vector<16xi32>], vector<16xf32>,
        %swap3A_1488 = arith.constant 10 : i32
        %swap3A_1489 = arith.index_cast %swap3A_1488 : i32 to index
        %swap3A_1490 = arith.index_cast %select_n3A_1375 : i32 to index
        %swap3A_1491 = arith.index_cast %mul3A_1393 : i32 to index
        %swap3A_1492 = tpu.vector_load %arg9[%swap3A_1489, %swap3A_1490, %swap3A_1491] {strides = array<i32>} : memref<64x8x64xf32, #tpu.memory_space<vmem>>, vector<16xf32>,
        tpu.vector_store %arg9[%swap3A_1489, %swap3A_1490, %swap3A_1491], %gather3A_1487 {strides = array<i32>} : memref<64x8x64xf32, #tpu.memory_space<vmem>>, vector<16xf32>,
        %add3A_1493 = arith.constant 5632 : i32
        %add3A_1494 = vector.broadcast %add3A_1493 : i32 to vector<16xi32>
        %add3A_1495 = arith.addi %get3A_1349, %add3A_1494 : vector<16xi32>
        %gather3A_1496 = tpu.vector_load_idx %arg6[%add3A_1495] : memref<32768xf32, #tpu.memory_space<vmem>>[vector<16xi32>], vector<16xf32>,
        %swap3A_1497 = arith.constant 11 : i32
        %swap3A_1498 = arith.index_cast %swap3A_1497 : i32 to index
        %swap3A_1499 = arith.index_cast %select_n3A_1375 : i32 to index
        %swap3A_1500 = arith.index_cast %mul3A_1393 : i32 to index
        %swap3A_1501 = tpu.vector_load %arg9[%swap3A_1498, %swap3A_1499, %swap3A_1500] {strides = array<i32>} : memref<64x8x64xf32, #tpu.memory_space<vmem>>, vector<16xf32>,
        tpu.vector_store %arg9[%swap3A_1498, %swap3A_1499, %swap3A_1500], %gather3A_1496 {strides = array<i32>} : memref<64x8x64xf32, #tpu.memory_space<vmem>>, vector<16xf32>,
        %add3A_1502 = arith.constant 6144 : i32
        %add3A_1503 = vector.broadcast %add3A_1502 : i32 to vector<16xi32>
        %add3A_1504 = arith.addi %get3A_1349, %add3A_1503 : vector<16xi32>
        %gather3A_1505 = tpu.vector_load_idx %arg6[%add3A_1504] : memref<32768xf32, #tpu.memory_space<vmem>>[vector<16xi32>], vector<16xf32>,
        %swap3A_1506 = arith.constant 12 : i32
        %swap3A_1507 = arith.index_cast %swap3A_1506 : i32 to index
        %swap3A_1508 = arith.index_cast %select_n3A_1375 : i32 to index
        %swap3A_1509 = arith.index_cast %mul3A_1393 : i32 to index
        %swap3A_1510 = tpu.vector_load %arg9[%swap3A_1507, %swap3A_1508, %swap3A_1509] {strides = array<i32>} : memref<64x8x64xf32, #tpu.memory_space<vmem>>, vector<16xf32>,
        tpu.vector_store %arg9[%swap3A_1507, %swap3A_1508, %swap3A_1509], %gather3A_1505 {strides = array<i32>} : memref<64x8x64xf32, #tpu.memory_space<vmem>>, vector<16xf32>,
        %add3A_1511 = arith.constant 6656 : i32
        %add3A_1512 = vector.broadcast %add3A_1511 : i32 to vector<16xi32>
        %add3A_1513 = arith.addi %get3A_1349, %add3A_1512 : vector<16xi32>
        %gather3A_1514 = tpu.vector_load_idx %arg6[%add3A_1513] : memref<32768xf32, #tpu.memory_space<vmem>>[vector<16xi32>], vector<16xf32>,
        %swap3A_1515 = arith.constant 13 : i32
        %swap3A_1516 = arith.index_cast %swap3A_1515 : i32 to index
        %swap3A_1517 = arith.index_cast %select_n3A_1375 : i32 to index
        %swap3A_1518 = arith.index_cast %mul3A_1393 : i32 to index
        %swap3A_1519 = tpu.vector_load %arg9[%swap3A_1516, %swap3A_1517, %swap3A_1518] {strides = array<i32>} : memref<64x8x64xf32, #tpu.memory_space<vmem>>, vector<16xf32>,
        tpu.vector_store %arg9[%swap3A_1516, %swap3A_1517, %swap3A_1518], %gather3A_1514 {strides = array<i32>} : memref<64x8x64xf32, #tpu.memory_space<vmem>>, vector<16xf32>,
        %add3A_1520 = arith.constant 7168 : i32
        %add3A_1521 = vector.broadcast %add3A_1520 : i32 to vector<16xi32>
        %add3A_1522 = arith.addi %get3A_1349, %add3A_1521 : vector<16xi32>
        %gather3A_1523 = tpu.vector_load_idx %arg6[%add3A_1522] : memref<32768xf32, #tpu.memory_space<vmem>>[vector<16xi32>], vector<16xf32>,
        %swap3A_1524 = arith.constant 14 : i32
        %swap3A_1525 = arith.index_cast %swap3A_1524 : i32 to index
        %swap3A_1526 = arith.index_cast %select_n3A_1375 : i32 to index
        %swap3A_1527 = arith.index_cast %mul3A_1393 : i32 to index
        %swap3A_1528 = tpu.vector_load %arg9[%swap3A_1525, %swap3A_1526, %swap3A_1527] {strides = array<i32>} : memref<64x8x64xf32, #tpu.memory_space<vmem>>, vector<16xf32>,
        tpu.vector_store %arg9[%swap3A_1525, %swap3A_1526, %swap3A_1527], %gather3A_1523 {strides = array<i32>} : memref<64x8x64xf32, #tpu.memory_space<vmem>>, vector<16xf32>,
        %add3A_1529 = arith.constant 7680 : i32
        %add3A_1530 = vector.broadcast %add3A_1529 : i32 to vector<16xi32>
        %add3A_1531 = arith.addi %get3A_1349, %add3A_1530 : vector<16xi32>
        %gather3A_1532 = tpu.vector_load_idx %arg6[%add3A_1531] : memref<32768xf32, #tpu.memory_space<vmem>>[vector<16xi32>], vector<16xf32>,
        %swap3A_1533 = arith.constant 15 : i32
        %swap3A_1534 = arith.index_cast %swap3A_1533 : i32 to index
        %swap3A_1535 = arith.index_cast %select_n3A_1375 : i32 to index
        %swap3A_1536 = arith.index_cast %mul3A_1393 : i32 to index
        %swap3A_1537 = tpu.vector_load %arg9[%swap3A_1534, %swap3A_1535, %swap3A_1536] {strides = array<i32>} : memref<64x8x64xf32, #tpu.memory_space<vmem>>, vector<16xf32>,
        tpu.vector_store %arg9[%swap3A_1534, %swap3A_1535, %swap3A_1536], %gather3A_1532 {strides = array<i32>} : memref<64x8x64xf32, #tpu.memory_space<vmem>>, vector<16xf32>,
        %add3A_1538 = arith.constant 8192 : i32
        %add3A_1539 = vector.broadcast %add3A_1538 : i32 to vector<16xi32>
        %add3A_1540 = arith.addi %get3A_1349, %add3A_1539 : vector<16xi32>
        %gather3A_1541 = tpu.vector_load_idx %arg6[%add3A_1540] : memref<32768xf32, #tpu.memory_space<vmem>>[vector<16xi32>], vector<16xf32>,
        %swap3A_1542 = arith.constant 16 : i32
        %swap3A_1543 = arith.index_cast %swap3A_1542 : i32 to index
        %swap3A_1544 = arith.index_cast %select_n3A_1375 : i32 to index
        %swap3A_1545 = arith.index_cast %mul3A_1393 : i32 to index
        %swap3A_1546 = tpu.vector_load %arg9[%swap3A_1543, %swap3A_1544, %swap3A_1545] {strides = array<i32>} : memref<64x8x64xf32, #tpu.memory_space<vmem>>, vector<16xf32>,
        tpu.vector_store %arg9[%swap3A_1543, %swap3A_1544, %swap3A_1545], %gather3A_1541 {strides = array<i32>} : memref<64x8x64xf32, #tpu.memory_space<vmem>>, vector<16xf32>,
        %add3A_1547 = arith.constant 8704 : i32
        %add3A_1548 = vector.broadcast %add3A_1547 : i32 to vector<16xi32>
        %add3A_1549 = arith.addi %get3A_1349, %add3A_1548 : vector<16xi32>
        %gather3A_1550 = tpu.vector_load_idx %arg6[%add3A_1549] : memref<32768xf32, #tpu.memory_space<vmem>>[vector<16xi32>], vector<16xf32>,
        %swap3A_1551 = arith.constant 17 : i32
        %swap3A_1552 = arith.index_cast %swap3A_1551 : i32 to index
        %swap3A_1553 = arith.index_cast %select_n3A_1375 : i32 to index
        %swap3A_1554 = arith.index_cast %mul3A_1393 : i32 to index
        %swap3A_1555 = tpu.vector_load %arg9[%swap3A_1552, %swap3A_1553, %swap3A_1554] {strides = array<i32>} : memref<64x8x64xf32, #tpu.memory_space<vmem>>, vector<16xf32>,
        tpu.vector_store %arg9[%swap3A_1552, %swap3A_1553, %swap3A_1554], %gather3A_1550 {strides = array<i32>} : memref<64x8x64xf32, #tpu.memory_space<vmem>>, vector<16xf32>,
        %add3A_1556 = arith.constant 9216 : i32
        %add3A_1557 = vector.broadcast %add3A_1556 : i32 to vector<16xi32>
        %add3A_1558 = arith.addi %get3A_1349, %add3A_1557 : vector<16xi32>
        %gather3A_1559 = tpu.vector_load_idx %arg6[%add3A_1558] : memref<32768xf32, #tpu.memory_space<vmem>>[vector<16xi32>], vector<16xf32>,
        %swap3A_1560 = arith.constant 18 : i32
        %swap3A_1561 = arith.index_cast %swap3A_1560 : i32 to index
        %swap3A_1562 = arith.index_cast %select_n3A_1375 : i32 to index
        %swap3A_1563 = arith.index_cast %mul3A_1393 : i32 to index
        %swap3A_1564 = tpu.vector_load %arg9[%swap3A_1561, %swap3A_1562, %swap3A_1563] {strides = array<i32>} : memref<64x8x64xf32, #tpu.memory_space<vmem>>, vector<16xf32>,
        tpu.vector_store %arg9[%swap3A_1561, %swap3A_1562, %swap3A_1563], %gather3A_1559 {strides = array<i32>} : memref<64x8x64xf32, #tpu.memory_space<vmem>>, vector<16xf32>,
        %add3A_1565 = arith.constant 9728 : i32
        %add3A_1566 = vector.broadcast %add3A_1565 : i32 to vector<16xi32>
        %add3A_1567 = arith.addi %get3A_1349, %add3A_1566 : vector<16xi32>
        %gather3A_1568 = tpu.vector_load_idx %arg6[%add3A_1567] : memref<32768xf32, #tpu.memory_space<vmem>>[vector<16xi32>], vector<16xf32>,
        %swap3A_1569 = arith.constant 19 : i32
        %swap3A_1570 = arith.index_cast %swap3A_1569 : i32 to index
        %swap3A_1571 = arith.index_cast %select_n3A_1375 : i32 to index
        %swap3A_1572 = arith.index_cast %mul3A_1393 : i32 to index
        %swap3A_1573 = tpu.vector_load %arg9[%swap3A_1570, %swap3A_1571, %swap3A_1572] {strides = array<i32>} : memref<64x8x64xf32, #tpu.memory_space<vmem>>, vector<16xf32>,
        tpu.vector_store %arg9[%swap3A_1570, %swap3A_1571, %swap3A_1572], %gather3A_1568 {strides = array<i32>} : memref<64x8x64xf32, #tpu.memory_space<vmem>>, vector<16xf32>,
        %add3A_1574 = arith.constant 10240 : i32
        %add3A_1575 = vector.broadcast %add3A_1574 : i32 to vector<16xi32>
        %add3A_1576 = arith.addi %get3A_1349, %add3A_1575 : vector<16xi32>
        %gather3A_1577 = tpu.vector_load_idx %arg6[%add3A_1576] : memref<32768xf32, #tpu.memory_space<vmem>>[vector<16xi32>], vector<16xf32>,
        %swap3A_1578 = arith.constant 20 : i32
        %swap3A_1579 = arith.index_cast %swap3A_1578 : i32 to index
        %swap3A_1580 = arith.index_cast %select_n3A_1375 : i32 to index
        %swap3A_1581 = arith.index_cast %mul3A_1393 : i32 to index
        %swap3A_1582 = tpu.vector_load %arg9[%swap3A_1579, %swap3A_1580, %swap3A_1581] {strides = array<i32>} : memref<64x8x64xf32, #tpu.memory_space<vmem>>, vector<16xf32>,
        tpu.vector_store %arg9[%swap3A_1579, %swap3A_1580, %swap3A_1581], %gather3A_1577 {strides = array<i32>} : memref<64x8x64xf32, #tpu.memory_space<vmem>>, vector<16xf32>,
        %add3A_1583 = arith.constant 10752 : i32
        %add3A_1584 = vector.broadcast %add3A_1583 : i32 to vector<16xi32>
        %add3A_1585 = arith.addi %get3A_1349, %add3A_1584 : vector<16xi32>
        %gather3A_1586 = tpu.vector_load_idx %arg6[%add3A_1585] : memref<32768xf32, #tpu.memory_space<vmem>>[vector<16xi32>], vector<16xf32>,
        %swap3A_1587 = arith.constant 21 : i32
        %swap3A_1588 = arith.index_cast %swap3A_1587 : i32 to index
        %swap3A_1589 = arith.index_cast %select_n3A_1375 : i32 to index
        %swap3A_1590 = arith.index_cast %mul3A_1393 : i32 to index
        %swap3A_1591 = tpu.vector_load %arg9[%swap3A_1588, %swap3A_1589, %swap3A_1590] {strides = array<i32>} : memref<64x8x64xf32, #tpu.memory_space<vmem>>, vector<16xf32>,
        tpu.vector_store %arg9[%swap3A_1588, %swap3A_1589, %swap3A_1590], %gather3A_1586 {strides = array<i32>} : memref<64x8x64xf32, #tpu.memory_space<vmem>>, vector<16xf32>,
        %add3A_1592 = arith.constant 11264 : i32
        %add3A_1593 = vector.broadcast %add3A_1592 : i32 to vector<16xi32>
        %add3A_1594 = arith.addi %get3A_1349, %add3A_1593 : vector<16xi32>
        %gather3A_1595 = tpu.vector_load_idx %arg6[%add3A_1594] : memref<32768xf32, #tpu.memory_space<vmem>>[vector<16xi32>], vector<16xf32>,
        %swap3A_1596 = arith.constant 22 : i32
        %swap3A_1597 = arith.index_cast %swap3A_1596 : i32 to index
        %swap3A_1598 = arith.index_cast %select_n3A_1375 : i32 to index
        %swap3A_1599 = arith.index_cast %mul3A_1393 : i32 to index
        %swap3A_1600 = tpu.vector_load %arg9[%swap3A_1597, %swap3A_1598, %swap3A_1599] {strides = array<i32>} : memref<64x8x64xf32, #tpu.memory_space<vmem>>, vector<16xf32>,
        tpu.vector_store %arg9[%swap3A_1597, %swap3A_1598, %swap3A_1599], %gather3A_1595 {strides = array<i32>} : memref<64x8x64xf32, #tpu.memory_space<vmem>>, vector<16xf32>,
        %add3A_1601 = arith.constant 11776 : i32
        %add3A_1602 = vector.broadcast %add3A_1601 : i32 to vector<16xi32>
        %add3A_1603 = arith.addi %get3A_1349, %add3A_1602 : vector<16xi32>
        %gather3A_1604 = tpu.vector_load_idx %arg6[%add3A_1603] : memref<32768xf32, #tpu.memory_space<vmem>>[vector<16xi32>], vector<16xf32>,
        %swap3A_1605 = arith.constant 23 : i32
        %swap3A_1606 = arith.index_cast %swap3A_1605 : i32 to index
        %swap3A_1607 = arith.index_cast %select_n3A_1375 : i32 to index
        %swap3A_1608 = arith.index_cast %mul3A_1393 : i32 to index
        %swap3A_1609 = tpu.vector_load %arg9[%swap3A_1606, %swap3A_1607, %swap3A_1608] {strides = array<i32>} : memref<64x8x64xf32, #tpu.memory_space<vmem>>, vector<16xf32>,
        tpu.vector_store %arg9[%swap3A_1606, %swap3A_1607, %swap3A_1608], %gather3A_1604 {strides = array<i32>} : memref<64x8x64xf32, #tpu.memory_space<vmem>>, vector<16xf32>,
        %add3A_1610 = arith.constant 12288 : i32
        %add3A_1611 = vector.broadcast %add3A_1610 : i32 to vector<16xi32>
        %add3A_1612 = arith.addi %get3A_1349, %add3A_1611 : vector<16xi32>
        %gather3A_1613 = tpu.vector_load_idx %arg6[%add3A_1612] : memref<32768xf32, #tpu.memory_space<vmem>>[vector<16xi32>], vector<16xf32>,
        %swap3A_1614 = arith.constant 24 : i32
        %swap3A_1615 = arith.index_cast %swap3A_1614 : i32 to index
        %swap3A_1616 = arith.index_cast %select_n3A_1375 : i32 to index
        %swap3A_1617 = arith.index_cast %mul3A_1393 : i32 to index
        %swap3A_1618 = tpu.vector_load %arg9[%swap3A_1615, %swap3A_1616, %swap3A_1617] {strides = array<i32>} : memref<64x8x64xf32, #tpu.memory_space<vmem>>, vector<16xf32>,
        tpu.vector_store %arg9[%swap3A_1615, %swap3A_1616, %swap3A_1617], %gather3A_1613 {strides = array<i32>} : memref<64x8x64xf32, #tpu.memory_space<vmem>>, vector<16xf32>,
        %add3A_1619 = arith.constant 12800 : i32
        %add3A_1620 = vector.broadcast %add3A_1619 : i32 to vector<16xi32>
        %add3A_1621 = arith.addi %get3A_1349, %add3A_1620 : vector<16xi32>
        %gather3A_1622 = tpu.vector_load_idx %arg6[%add3A_1621] : memref<32768xf32, #tpu.memory_space<vmem>>[vector<16xi32>], vector<16xf32>,
        %swap3A_1623 = arith.constant 25 : i32
        %swap3A_1624 = arith.index_cast %swap3A_1623 : i32 to index
        %swap3A_1625 = arith.index_cast %select_n3A_1375 : i32 to index
        %swap3A_1626 = arith.index_cast %mul3A_1393 : i32 to index
        %swap3A_1627 = tpu.vector_load %arg9[%swap3A_1624, %swap3A_1625, %swap3A_1626] {strides = array<i32>} : memref<64x8x64xf32, #tpu.memory_space<vmem>>, vector<16xf32>,
        tpu.vector_store %arg9[%swap3A_1624, %swap3A_1625, %swap3A_1626], %gather3A_1622 {strides = array<i32>} : memref<64x8x64xf32, #tpu.memory_space<vmem>>, vector<16xf32>,
        %add3A_1628 = arith.constant 13312 : i32
        %add3A_1629 = vector.broadcast %add3A_1628 : i32 to vector<16xi32>
        %add3A_1630 = arith.addi %get3A_1349, %add3A_1629 : vector<16xi32>
        %gather3A_1631 = tpu.vector_load_idx %arg6[%add3A_1630] : memref<32768xf32, #tpu.memory_space<vmem>>[vector<16xi32>], vector<16xf32>,
        %swap3A_1632 = arith.constant 26 : i32
        %swap3A_1633 = arith.index_cast %swap3A_1632 : i32 to index
        %swap3A_1634 = arith.index_cast %select_n3A_1375 : i32 to index
        %swap3A_1635 = arith.index_cast %mul3A_1393 : i32 to index
        %swap3A_1636 = tpu.vector_load %arg9[%swap3A_1633, %swap3A_1634, %swap3A_1635] {strides = array<i32>} : memref<64x8x64xf32, #tpu.memory_space<vmem>>, vector<16xf32>,
        tpu.vector_store %arg9[%swap3A_1633, %swap3A_1634, %swap3A_1635], %gather3A_1631 {strides = array<i32>} : memref<64x8x64xf32, #tpu.memory_space<vmem>>, vector<16xf32>,
        %add3A_1637 = arith.constant 13824 : i32
        %add3A_1638 = vector.broadcast %add3A_1637 : i32 to vector<16xi32>
        %add3A_1639 = arith.addi %get3A_1349, %add3A_1638 : vector<16xi32>
        %gather3A_1640 = tpu.vector_load_idx %arg6[%add3A_1639] : memref<32768xf32, #tpu.memory_space<vmem>>[vector<16xi32>], vector<16xf32>,
        %swap3A_1641 = arith.constant 27 : i32
        %swap3A_1642 = arith.index_cast %swap3A_1641 : i32 to index
        %swap3A_1643 = arith.index_cast %select_n3A_1375 : i32 to index
        %swap3A_1644 = arith.index_cast %mul3A_1393 : i32 to index
        %swap3A_1645 = tpu.vector_load %arg9[%swap3A_1642, %swap3A_1643, %swap3A_1644] {strides = array<i32>} : memref<64x8x64xf32, #tpu.memory_space<vmem>>, vector<16xf32>,
        tpu.vector_store %arg9[%swap3A_1642, %swap3A_1643, %swap3A_1644], %gather3A_1640 {strides = array<i32>} : memref<64x8x64xf32, #tpu.memory_space<vmem>>, vector<16xf32>,
        %add3A_1646 = arith.constant 14336 : i32
        %add3A_1647 = vector.broadcast %add3A_1646 : i32 to vector<16xi32>
        %add3A_1648 = arith.addi %get3A_1349, %add3A_1647 : vector<16xi32>
        %gather3A_1649 = tpu.vector_load_idx %arg6[%add3A_1648] : memref<32768xf32, #tpu.memory_space<vmem>>[vector<16xi32>], vector<16xf32>,
        %swap3A_1650 = arith.constant 28 : i32
        %swap3A_1651 = arith.index_cast %swap3A_1650 : i32 to index
        %swap3A_1652 = arith.index_cast %select_n3A_1375 : i32 to index
        %swap3A_1653 = arith.index_cast %mul3A_1393 : i32 to index
        %swap3A_1654 = tpu.vector_load %arg9[%swap3A_1651, %swap3A_1652, %swap3A_1653] {strides = array<i32>} : memref<64x8x64xf32, #tpu.memory_space<vmem>>, vector<16xf32>,
        tpu.vector_store %arg9[%swap3A_1651, %swap3A_1652, %swap3A_1653], %gather3A_1649 {strides = array<i32>} : memref<64x8x64xf32, #tpu.memory_space<vmem>>, vector<16xf32>,
        %add3A_1655 = arith.constant 14848 : i32
        %add3A_1656 = vector.broadcast %add3A_1655 : i32 to vector<16xi32>
        %add3A_1657 = arith.addi %get3A_1349, %add3A_1656 : vector<16xi32>
        %gather3A_1658 = tpu.vector_load_idx %arg6[%add3A_1657] : memref<32768xf32, #tpu.memory_space<vmem>>[vector<16xi32>], vector<16xf32>,
        %swap3A_1659 = arith.constant 29 : i32
        %swap3A_1660 = arith.index_cast %swap3A_1659 : i32 to index
        %swap3A_1661 = arith.index_cast %select_n3A_1375 : i32 to index
        %swap3A_1662 = arith.index_cast %mul3A_1393 : i32 to index
        %swap3A_1663 = tpu.vector_load %arg9[%swap3A_1660, %swap3A_1661, %swap3A_1662] {strides = array<i32>} : memref<64x8x64xf32, #tpu.memory_space<vmem>>, vector<16xf32>,
        tpu.vector_store %arg9[%swap3A_1660, %swap3A_1661, %swap3A_1662], %gather3A_1658 {strides = array<i32>} : memref<64x8x64xf32, #tpu.memory_space<vmem>>, vector<16xf32>,
        %add3A_1664 = arith.constant 15360 : i32
        %add3A_1665 = vector.broadcast %add3A_1664 : i32 to vector<16xi32>
        %add3A_1666 = arith.addi %get3A_1349, %add3A_1665 : vector<16xi32>
        %gather3A_1667 = tpu.vector_load_idx %arg6[%add3A_1666] : memref<32768xf32, #tpu.memory_space<vmem>>[vector<16xi32>], vector<16xf32>,
        %swap3A_1668 = arith.constant 30 : i32
        %swap3A_1669 = arith.index_cast %swap3A_1668 : i32 to index
        %swap3A_1670 = arith.index_cast %select_n3A_1375 : i32 to index
        %swap3A_1671 = arith.index_cast %mul3A_1393 : i32 to index
        %swap3A_1672 = tpu.vector_load %arg9[%swap3A_1669, %swap3A_1670, %swap3A_1671] {strides = array<i32>} : memref<64x8x64xf32, #tpu.memory_space<vmem>>, vector<16xf32>,
        tpu.vector_store %arg9[%swap3A_1669, %swap3A_1670, %swap3A_1671], %gather3A_1667 {strides = array<i32>} : memref<64x8x64xf32, #tpu.memory_space<vmem>>, vector<16xf32>,
        %add3A_1673 = arith.constant 15872 : i32
        %add3A_1674 = vector.broadcast %add3A_1673 : i32 to vector<16xi32>
        %add3A_1675 = arith.addi %get3A_1349, %add3A_1674 : vector<16xi32>
        %gather3A_1676 = tpu.vector_load_idx %arg6[%add3A_1675] : memref<32768xf32, #tpu.memory_space<vmem>>[vector<16xi32>], vector<16xf32>,
        %swap3A_1677 = arith.constant 31 : i32
        %swap3A_1678 = arith.index_cast %swap3A_1677 : i32 to index
        %swap3A_1679 = arith.index_cast %select_n3A_1375 : i32 to index
        %swap3A_1680 = arith.index_cast %mul3A_1393 : i32 to index
        %swap3A_1681 = tpu.vector_load %arg9[%swap3A_1678, %swap3A_1679, %swap3A_1680] {strides = array<i32>} : memref<64x8x64xf32, #tpu.memory_space<vmem>>, vector<16xf32>,
        tpu.vector_store %arg9[%swap3A_1678, %swap3A_1679, %swap3A_1680], %gather3A_1676 {strides = array<i32>} : memref<64x8x64xf32, #tpu.memory_space<vmem>>, vector<16xf32>,
        %add3A_1682 = arith.constant 16384 : i32
        %add3A_1683 = vector.broadcast %add3A_1682 : i32 to vector<16xi32>
        %add3A_1684 = arith.addi %get3A_1351, %add3A_1683 : vector<16xi32>
        %gather3A_1685 = tpu.vector_load_idx %arg6[%add3A_1684] : memref<32768xf32, #tpu.memory_space<vmem>>[vector<16xi32>], vector<16xf32>,
        %swap3A_1686 = arith.constant 32 : i32
        %swap3A_1687 = arith.index_cast %swap3A_1686 : i32 to index
        %swap3A_1688 = arith.index_cast %select_n3A_1375 : i32 to index
        %swap3A_1689 = arith.index_cast %mul3A_1393 : i32 to index
        %swap3A_1690 = tpu.vector_load %arg9[%swap3A_1687, %swap3A_1688, %swap3A_1689] {strides = array<i32>} : memref<64x8x64xf32, #tpu.memory_space<vmem>>, vector<16xf32>,
        tpu.vector_store %arg9[%swap3A_1687, %swap3A_1688, %swap3A_1689], %gather3A_1685 {strides = array<i32>} : memref<64x8x64xf32, #tpu.memory_space<vmem>>, vector<16xf32>,
        %add3A_1691 = arith.constant 16896 : i32
        %add3A_1692 = vector.broadcast %add3A_1691 : i32 to vector<16xi32>
        %add3A_1693 = arith.addi %get3A_1351, %add3A_1692 : vector<16xi32>
        %gather3A_1694 = tpu.vector_load_idx %arg6[%add3A_1693] : memref<32768xf32, #tpu.memory_space<vmem>>[vector<16xi32>], vector<16xf32>,
        %swap3A_1695 = arith.constant 33 : i32
        %swap3A_1696 = arith.index_cast %swap3A_1695 : i32 to index
        %swap3A_1697 = arith.index_cast %select_n3A_1375 : i32 to index
        %swap3A_1698 = arith.index_cast %mul3A_1393 : i32 to index
        %swap3A_1699 = tpu.vector_load %arg9[%swap3A_1696, %swap3A_1697, %swap3A_1698] {strides = array<i32>} : memref<64x8x64xf32, #tpu.memory_space<vmem>>, vector<16xf32>,
        tpu.vector_store %arg9[%swap3A_1696, %swap3A_1697, %swap3A_1698], %gather3A_1694 {strides = array<i32>} : memref<64x8x64xf32, #tpu.memory_space<vmem>>, vector<16xf32>,
        %add3A_1700 = arith.constant 17408 : i32
        %add3A_1701 = vector.broadcast %add3A_1700 : i32 to vector<16xi32>
        %add3A_1702 = arith.addi %get3A_1351, %add3A_1701 : vector<16xi32>
        %gather3A_1703 = tpu.vector_load_idx %arg6[%add3A_1702] : memref<32768xf32, #tpu.memory_space<vmem>>[vector<16xi32>], vector<16xf32>,
        %swap3A_1704 = arith.constant 34 : i32
        %swap3A_1705 = arith.index_cast %swap3A_1704 : i32 to index
        %swap3A_1706 = arith.index_cast %select_n3A_1375 : i32 to index
        %swap3A_1707 = arith.index_cast %mul3A_1393 : i32 to index
        %swap3A_1708 = tpu.vector_load %arg9[%swap3A_1705, %swap3A_1706, %swap3A_1707] {strides = array<i32>} : memref<64x8x64xf32, #tpu.memory_space<vmem>>, vector<16xf32>,
        tpu.vector_store %arg9[%swap3A_1705, %swap3A_1706, %swap3A_1707], %gather3A_1703 {strides = array<i32>} : memref<64x8x64xf32, #tpu.memory_space<vmem>>, vector<16xf32>,
        %add3A_1709 = arith.constant 17920 : i32
        %add3A_1710 = vector.broadcast %add3A_1709 : i32 to vector<16xi32>
        %add3A_1711 = arith.addi %get3A_1351, %add3A_1710 : vector<16xi32>
        %gather3A_1712 = tpu.vector_load_idx %arg6[%add3A_1711] : memref<32768xf32, #tpu.memory_space<vmem>>[vector<16xi32>], vector<16xf32>,
        %swap3A_1713 = arith.constant 35 : i32
        %swap3A_1714 = arith.index_cast %swap3A_1713 : i32 to index
        %swap3A_1715 = arith.index_cast %select_n3A_1375 : i32 to index
        %swap3A_1716 = arith.index_cast %mul3A_1393 : i32 to index
        %swap3A_1717 = tpu.vector_load %arg9[%swap3A_1714, %swap3A_1715, %swap3A_1716] {strides = array<i32>} : memref<64x8x64xf32, #tpu.memory_space<vmem>>, vector<16xf32>,
        tpu.vector_store %arg9[%swap3A_1714, %swap3A_1715, %swap3A_1716], %gather3A_1712 {strides = array<i32>} : memref<64x8x64xf32, #tpu.memory_space<vmem>>, vector<16xf32>,
        %add3A_1718 = arith.constant 18432 : i32
        %add3A_1719 = vector.broadcast %add3A_1718 : i32 to vector<16xi32>
        %add3A_1720 = arith.addi %get3A_1351, %add3A_1719 : vector<16xi32>
        %gather3A_1721 = tpu.vector_load_idx %arg6[%add3A_1720] : memref<32768xf32, #tpu.memory_space<vmem>>[vector<16xi32>], vector<16xf32>,
        %swap3A_1722 = arith.constant 36 : i32
        %swap3A_1723 = arith.index_cast %swap3A_1722 : i32 to index
        %swap3A_1724 = arith.index_cast %select_n3A_1375 : i32 to index
        %swap3A_1725 = arith.index_cast %mul3A_1393 : i32 to index
        %swap3A_1726 = tpu.vector_load %arg9[%swap3A_1723, %swap3A_1724, %swap3A_1725] {strides = array<i32>} : memref<64x8x64xf32, #tpu.memory_space<vmem>>, vector<16xf32>,
        tpu.vector_store %arg9[%swap3A_1723, %swap3A_1724, %swap3A_1725], %gather3A_1721 {strides = array<i32>} : memref<64x8x64xf32, #tpu.memory_space<vmem>>, vector<16xf32>,
        %add3A_1727 = arith.constant 18944 : i32
        %add3A_1728 = vector.broadcast %add3A_1727 : i32 to vector<16xi32>
        %add3A_1729 = arith.addi %get3A_1351, %add3A_1728 : vector<16xi32>
        %gather3A_1730 = tpu.vector_load_idx %arg6[%add3A_1729] : memref<32768xf32, #tpu.memory_space<vmem>>[vector<16xi32>], vector<16xf32>,
        %swap3A_1731 = arith.constant 37 : i32
        %swap3A_1732 = arith.index_cast %swap3A_1731 : i32 to index
        %swap3A_1733 = arith.index_cast %select_n3A_1375 : i32 to index
        %swap3A_1734 = arith.index_cast %mul3A_1393 : i32 to index
        %swap3A_1735 = tpu.vector_load %arg9[%swap3A_1732, %swap3A_1733, %swap3A_1734] {strides = array<i32>} : memref<64x8x64xf32, #tpu.memory_space<vmem>>, vector<16xf32>,
        tpu.vector_store %arg9[%swap3A_1732, %swap3A_1733, %swap3A_1734], %gather3A_1730 {strides = array<i32>} : memref<64x8x64xf32, #tpu.memory_space<vmem>>, vector<16xf32>,
        %add3A_1736 = arith.constant 19456 : i32
        %add3A_1737 = vector.broadcast %add3A_1736 : i32 to vector<16xi32>
        %add3A_1738 = arith.addi %get3A_1351, %add3A_1737 : vector<16xi32>
        %gather3A_1739 = tpu.vector_load_idx %arg6[%add3A_1738] : memref<32768xf32, #tpu.memory_space<vmem>>[vector<16xi32>], vector<16xf32>,
        %swap3A_1740 = arith.constant 38 : i32
        %swap3A_1741 = arith.index_cast %swap3A_1740 : i32 to index
        %swap3A_1742 = arith.index_cast %select_n3A_1375 : i32 to index
        %swap3A_1743 = arith.index_cast %mul3A_1393 : i32 to index
        %swap3A_1744 = tpu.vector_load %arg9[%swap3A_1741, %swap3A_1742, %swap3A_1743] {strides = array<i32>} : memref<64x8x64xf32, #tpu.memory_space<vmem>>, vector<16xf32>,
        tpu.vector_store %arg9[%swap3A_1741, %swap3A_1742, %swap3A_1743], %gather3A_1739 {strides = array<i32>} : memref<64x8x64xf32, #tpu.memory_space<vmem>>, vector<16xf32>,
        %add3A_1745 = arith.constant 19968 : i32
        %add3A_1746 = vector.broadcast %add3A_1745 : i32 to vector<16xi32>
        %add3A_1747 = arith.addi %get3A_1351, %add3A_1746 : vector<16xi32>
        %gather3A_1748 = tpu.vector_load_idx %arg6[%add3A_1747] : memref<32768xf32, #tpu.memory_space<vmem>>[vector<16xi32>], vector<16xf32>,
        %swap3A_1749 = arith.constant 39 : i32
        %swap3A_1750 = arith.index_cast %swap3A_1749 : i32 to index
        %swap3A_1751 = arith.index_cast %select_n3A_1375 : i32 to index
        %swap3A_1752 = arith.index_cast %mul3A_1393 : i32 to index
        %swap3A_1753 = tpu.vector_load %arg9[%swap3A_1750, %swap3A_1751, %swap3A_1752] {strides = array<i32>} : memref<64x8x64xf32, #tpu.memory_space<vmem>>, vector<16xf32>,
        tpu.vector_store %arg9[%swap3A_1750, %swap3A_1751, %swap3A_1752], %gather3A_1748 {strides = array<i32>} : memref<64x8x64xf32, #tpu.memory_space<vmem>>, vector<16xf32>,
        %add3A_1754 = arith.constant 20480 : i32
        %add3A_1755 = vector.broadcast %add3A_1754 : i32 to vector<16xi32>
        %add3A_1756 = arith.addi %get3A_1351, %add3A_1755 : vector<16xi32>
        %gather3A_1757 = tpu.vector_load_idx %arg6[%add3A_1756] : memref<32768xf32, #tpu.memory_space<vmem>>[vector<16xi32>], vector<16xf32>,
        %swap3A_1758 = arith.constant 40 : i32
        %swap3A_1759 = arith.index_cast %swap3A_1758 : i32 to index
        %swap3A_1760 = arith.index_cast %select_n3A_1375 : i32 to index
        %swap3A_1761 = arith.index_cast %mul3A_1393 : i32 to index
        %swap3A_1762 = tpu.vector_load %arg9[%swap3A_1759, %swap3A_1760, %swap3A_1761] {strides = array<i32>} : memref<64x8x64xf32, #tpu.memory_space<vmem>>, vector<16xf32>,
        tpu.vector_store %arg9[%swap3A_1759, %swap3A_1760, %swap3A_1761], %gather3A_1757 {strides = array<i32>} : memref<64x8x64xf32, #tpu.memory_space<vmem>>, vector<16xf32>,
        %add3A_1763 = arith.constant 20992 : i32
        %add3A_1764 = vector.broadcast %add3A_1763 : i32 to vector<16xi32>
        %add3A_1765 = arith.addi %get3A_1351, %add3A_1764 : vector<16xi32>
        %gather3A_1766 = tpu.vector_load_idx %arg6[%add3A_1765] : memref<32768xf32, #tpu.memory_space<vmem>>[vector<16xi32>], vector<16xf32>,
        %swap3A_1767 = arith.constant 41 : i32
        %swap3A_1768 = arith.index_cast %swap3A_1767 : i32 to index
        %swap3A_1769 = arith.index_cast %select_n3A_1375 : i32 to index
        %swap3A_1770 = arith.index_cast %mul3A_1393 : i32 to index
        %swap3A_1771 = tpu.vector_load %arg9[%swap3A_1768, %swap3A_1769, %swap3A_1770] {strides = array<i32>} : memref<64x8x64xf32, #tpu.memory_space<vmem>>, vector<16xf32>,
        tpu.vector_store %arg9[%swap3A_1768, %swap3A_1769, %swap3A_1770], %gather3A_1766 {strides = array<i32>} : memref<64x8x64xf32, #tpu.memory_space<vmem>>, vector<16xf32>,
        %add3A_1772 = arith.constant 21504 : i32
        %add3A_1773 = vector.broadcast %add3A_1772 : i32 to vector<16xi32>
        %add3A_1774 = arith.addi %get3A_1351, %add3A_1773 : vector<16xi32>
        %gather3A_1775 = tpu.vector_load_idx %arg6[%add3A_1774] : memref<32768xf32, #tpu.memory_space<vmem>>[vector<16xi32>], vector<16xf32>,
        %swap3A_1776 = arith.constant 42 : i32
        %swap3A_1777 = arith.index_cast %swap3A_1776 : i32 to index
        %swap3A_1778 = arith.index_cast %select_n3A_1375 : i32 to index
        %swap3A_1779 = arith.index_cast %mul3A_1393 : i32 to index
        %swap3A_1780 = tpu.vector_load %arg9[%swap3A_1777, %swap3A_1778, %swap3A_1779] {strides = array<i32>} : memref<64x8x64xf32, #tpu.memory_space<vmem>>, vector<16xf32>,
        tpu.vector_store %arg9[%swap3A_1777, %swap3A_1778, %swap3A_1779], %gather3A_1775 {strides = array<i32>} : memref<64x8x64xf32, #tpu.memory_space<vmem>>, vector<16xf32>,
        %add3A_1781 = arith.constant 22016 : i32
        %add3A_1782 = vector.broadcast %add3A_1781 : i32 to vector<16xi32>
        %add3A_1783 = arith.addi %get3A_1351, %add3A_1782 : vector<16xi32>
        %gather3A_1784 = tpu.vector_load_idx %arg6[%add3A_1783] : memref<32768xf32, #tpu.memory_space<vmem>>[vector<16xi32>], vector<16xf32>,
        %swap3A_1785 = arith.constant 43 : i32
        %swap3A_1786 = arith.index_cast %swap3A_1785 : i32 to index
        %swap3A_1787 = arith.index_cast %select_n3A_1375 : i32 to index
        %swap3A_1788 = arith.index_cast %mul3A_1393 : i32 to index
        %swap3A_1789 = tpu.vector_load %arg9[%swap3A_1786, %swap3A_1787, %swap3A_1788] {strides = array<i32>} : memref<64x8x64xf32, #tpu.memory_space<vmem>>, vector<16xf32>,
        tpu.vector_store %arg9[%swap3A_1786, %swap3A_1787, %swap3A_1788], %gather3A_1784 {strides = array<i32>} : memref<64x8x64xf32, #tpu.memory_space<vmem>>, vector<16xf32>,
        %add3A_1790 = arith.constant 22528 : i32
        %add3A_1791 = vector.broadcast %add3A_1790 : i32 to vector<16xi32>
        %add3A_1792 = arith.addi %get3A_1351, %add3A_1791 : vector<16xi32>
        %gather3A_1793 = tpu.vector_load_idx %arg6[%add3A_1792] : memref<32768xf32, #tpu.memory_space<vmem>>[vector<16xi32>], vector<16xf32>,
        %swap3A_1794 = arith.constant 44 : i32
        %swap3A_1795 = arith.index_cast %swap3A_1794 : i32 to index
        %swap3A_1796 = arith.index_cast %select_n3A_1375 : i32 to index
        %swap3A_1797 = arith.index_cast %mul3A_1393 : i32 to index
        %swap3A_1798 = tpu.vector_load %arg9[%swap3A_1795, %swap3A_1796, %swap3A_1797] {strides = array<i32>} : memref<64x8x64xf32, #tpu.memory_space<vmem>>, vector<16xf32>,
        tpu.vector_store %arg9[%swap3A_1795, %swap3A_1796, %swap3A_1797], %gather3A_1793 {strides = array<i32>} : memref<64x8x64xf32, #tpu.memory_space<vmem>>, vector<16xf32>,
        %add3A_1799 = arith.constant 23040 : i32
        %add3A_1800 = vector.broadcast %add3A_1799 : i32 to vector<16xi32>
        %add3A_1801 = arith.addi %get3A_1351, %add3A_1800 : vector<16xi32>
        %gather3A_1802 = tpu.vector_load_idx %arg6[%add3A_1801] : memref<32768xf32, #tpu.memory_space<vmem>>[vector<16xi32>], vector<16xf32>,
        %swap3A_1803 = arith.constant 45 : i32
        %swap3A_1804 = arith.index_cast %swap3A_1803 : i32 to index
        %swap3A_1805 = arith.index_cast %select_n3A_1375 : i32 to index
        %swap3A_1806 = arith.index_cast %mul3A_1393 : i32 to index
        %swap3A_1807 = tpu.vector_load %arg9[%swap3A_1804, %swap3A_1805, %swap3A_1806] {strides = array<i32>} : memref<64x8x64xf32, #tpu.memory_space<vmem>>, vector<16xf32>,
        tpu.vector_store %arg9[%swap3A_1804, %swap3A_1805, %swap3A_1806], %gather3A_1802 {strides = array<i32>} : memref<64x8x64xf32, #tpu.memory_space<vmem>>, vector<16xf32>,
        %add3A_1808 = arith.constant 23552 : i32
        %add3A_1809 = vector.broadcast %add3A_1808 : i32 to vector<16xi32>
        %add3A_1810 = arith.addi %get3A_1351, %add3A_1809 : vector<16xi32>
        %gather3A_1811 = tpu.vector_load_idx %arg6[%add3A_1810] : memref<32768xf32, #tpu.memory_space<vmem>>[vector<16xi32>], vector<16xf32>,
        %swap3A_1812 = arith.constant 46 : i32
        %swap3A_1813 = arith.index_cast %swap3A_1812 : i32 to index
        %swap3A_1814 = arith.index_cast %select_n3A_1375 : i32 to index
        %swap3A_1815 = arith.index_cast %mul3A_1393 : i32 to index
        %swap3A_1816 = tpu.vector_load %arg9[%swap3A_1813, %swap3A_1814, %swap3A_1815] {strides = array<i32>} : memref<64x8x64xf32, #tpu.memory_space<vmem>>, vector<16xf32>,
        tpu.vector_store %arg9[%swap3A_1813, %swap3A_1814, %swap3A_1815], %gather3A_1811 {strides = array<i32>} : memref<64x8x64xf32, #tpu.memory_space<vmem>>, vector<16xf32>,
        %add3A_1817 = arith.constant 24064 : i32
        %add3A_1818 = vector.broadcast %add3A_1817 : i32 to vector<16xi32>
        %add3A_1819 = arith.addi %get3A_1351, %add3A_1818 : vector<16xi32>
        %gather3A_1820 = tpu.vector_load_idx %arg6[%add3A_1819] : memref<32768xf32, #tpu.memory_space<vmem>>[vector<16xi32>], vector<16xf32>,
        %swap3A_1821 = arith.constant 47 : i32
        %swap3A_1822 = arith.index_cast %swap3A_1821 : i32 to index
        %swap3A_1823 = arith.index_cast %select_n3A_1375 : i32 to index
        %swap3A_1824 = arith.index_cast %mul3A_1393 : i32 to index
        %swap3A_1825 = tpu.vector_load %arg9[%swap3A_1822, %swap3A_1823, %swap3A_1824] {strides = array<i32>} : memref<64x8x64xf32, #tpu.memory_space<vmem>>, vector<16xf32>,
        tpu.vector_store %arg9[%swap3A_1822, %swap3A_1823, %swap3A_1824], %gather3A_1820 {strides = array<i32>} : memref<64x8x64xf32, #tpu.memory_space<vmem>>, vector<16xf32>,
        %add3A_1826 = arith.constant 24576 : i32
        %add3A_1827 = vector.broadcast %add3A_1826 : i32 to vector<16xi32>
        %add3A_1828 = arith.addi %get3A_1351, %add3A_1827 : vector<16xi32>
        %gather3A_1829 = tpu.vector_load_idx %arg6[%add3A_1828] : memref<32768xf32, #tpu.memory_space<vmem>>[vector<16xi32>], vector<16xf32>,
        %swap3A_1830 = arith.constant 48 : i32
        %swap3A_1831 = arith.index_cast %swap3A_1830 : i32 to index
        %swap3A_1832 = arith.index_cast %select_n3A_1375 : i32 to index
        %swap3A_1833 = arith.index_cast %mul3A_1393 : i32 to index
        %swap3A_1834 = tpu.vector_load %arg9[%swap3A_1831, %swap3A_1832, %swap3A_1833] {strides = array<i32>} : memref<64x8x64xf32, #tpu.memory_space<vmem>>, vector<16xf32>,
        tpu.vector_store %arg9[%swap3A_1831, %swap3A_1832, %swap3A_1833], %gather3A_1829 {strides = array<i32>} : memref<64x8x64xf32, #tpu.memory_space<vmem>>, vector<16xf32>,
        %add3A_1835 = arith.constant 25088 : i32
        %add3A_1836 = vector.broadcast %add3A_1835 : i32 to vector<16xi32>
        %add3A_1837 = arith.addi %get3A_1351, %add3A_1836 : vector<16xi32>
        %gather3A_1838 = tpu.vector_load_idx %arg6[%add3A_1837] : memref<32768xf32, #tpu.memory_space<vmem>>[vector<16xi32>], vector<16xf32>,
        %swap3A_1839 = arith.constant 49 : i32
        %swap3A_1840 = arith.index_cast %swap3A_1839 : i32 to index
        %swap3A_1841 = arith.index_cast %select_n3A_1375 : i32 to index
        %swap3A_1842 = arith.index_cast %mul3A_1393 : i32 to index
        %swap3A_1843 = tpu.vector_load %arg9[%swap3A_1840, %swap3A_1841, %swap3A_1842] {strides = array<i32>} : memref<64x8x64xf32, #tpu.memory_space<vmem>>, vector<16xf32>,
        tpu.vector_store %arg9[%swap3A_1840, %swap3A_1841, %swap3A_1842], %gather3A_1838 {strides = array<i32>} : memref<64x8x64xf32, #tpu.memory_space<vmem>>, vector<16xf32>,
        %add3A_1844 = arith.constant 25600 : i32
        %add3A_1845 = vector.broadcast %add3A_1844 : i32 to vector<16xi32>
        %add3A_1846 = arith.addi %get3A_1351, %add3A_1845 : vector<16xi32>
        %gather3A_1847 = tpu.vector_load_idx %arg6[%add3A_1846] : memref<32768xf32, #tpu.memory_space<vmem>>[vector<16xi32>], vector<16xf32>,
        %swap3A_1848 = arith.constant 50 : i32
        %swap3A_1849 = arith.index_cast %swap3A_1848 : i32 to index
        %swap3A_1850 = arith.index_cast %select_n3A_1375 : i32 to index
        %swap3A_1851 = arith.index_cast %mul3A_1393 : i32 to index
        %swap3A_1852 = tpu.vector_load %arg9[%swap3A_1849, %swap3A_1850, %swap3A_1851] {strides = array<i32>} : memref<64x8x64xf32, #tpu.memory_space<vmem>>, vector<16xf32>,
        tpu.vector_store %arg9[%swap3A_1849, %swap3A_1850, %swap3A_1851], %gather3A_1847 {strides = array<i32>} : memref<64x8x64xf32, #tpu.memory_space<vmem>>, vector<16xf32>,
        %add3A_1853 = arith.constant 26112 : i32
        %add3A_1854 = vector.broadcast %add3A_1853 : i32 to vector<16xi32>
        %add3A_1855 = arith.addi %get3A_1351, %add3A_1854 : vector<16xi32>
        %gather3A_1856 = tpu.vector_load_idx %arg6[%add3A_1855] : memref<32768xf32, #tpu.memory_space<vmem>>[vector<16xi32>], vector<16xf32>,
        %swap3A_1857 = arith.constant 51 : i32
        %swap3A_1858 = arith.index_cast %swap3A_1857 : i32 to index
        %swap3A_1859 = arith.index_cast %select_n3A_1375 : i32 to index
        %swap3A_1860 = arith.index_cast %mul3A_1393 : i32 to index
        %swap3A_1861 = tpu.vector_load %arg9[%swap3A_1858, %swap3A_1859, %swap3A_1860] {strides = array<i32>} : memref<64x8x64xf32, #tpu.memory_space<vmem>>, vector<16xf32>,
        tpu.vector_store %arg9[%swap3A_1858, %swap3A_1859, %swap3A_1860], %gather3A_1856 {strides = array<i32>} : memref<64x8x64xf32, #tpu.memory_space<vmem>>, vector<16xf32>,
        %add3A_1862 = arith.constant 26624 : i32
        %add3A_1863 = vector.broadcast %add3A_1862 : i32 to vector<16xi32>
        %add3A_1864 = arith.addi %get3A_1351, %add3A_1863 : vector<16xi32>
        %gather3A_1865 = tpu.vector_load_idx %arg6[%add3A_1864] : memref<32768xf32, #tpu.memory_space<vmem>>[vector<16xi32>], vector<16xf32>,
        %swap3A_1866 = arith.constant 52 : i32
        %swap3A_1867 = arith.index_cast %swap3A_1866 : i32 to index
        %swap3A_1868 = arith.index_cast %select_n3A_1375 : i32 to index
        %swap3A_1869 = arith.index_cast %mul3A_1393 : i32 to index
        %swap3A_1870 = tpu.vector_load %arg9[%swap3A_1867, %swap3A_1868, %swap3A_1869] {strides = array<i32>} : memref<64x8x64xf32, #tpu.memory_space<vmem>>, vector<16xf32>,
        tpu.vector_store %arg9[%swap3A_1867, %swap3A_1868, %swap3A_1869], %gather3A_1865 {strides = array<i32>} : memref<64x8x64xf32, #tpu.memory_space<vmem>>, vector<16xf32>,
        %add3A_1871 = arith.constant 27136 : i32
        %add3A_1872 = vector.broadcast %add3A_1871 : i32 to vector<16xi32>
        %add3A_1873 = arith.addi %get3A_1351, %add3A_1872 : vector<16xi32>
        %gather3A_1874 = tpu.vector_load_idx %arg6[%add3A_1873] : memref<32768xf32, #tpu.memory_space<vmem>>[vector<16xi32>], vector<16xf32>,
        %swap3A_1875 = arith.constant 53 : i32
        %swap3A_1876 = arith.index_cast %swap3A_1875 : i32 to index
        %swap3A_1877 = arith.index_cast %select_n3A_1375 : i32 to index
        %swap3A_1878 = arith.index_cast %mul3A_1393 : i32 to index
        %swap3A_1879 = tpu.vector_load %arg9[%swap3A_1876, %swap3A_1877, %swap3A_1878] {strides = array<i32>} : memref<64x8x64xf32, #tpu.memory_space<vmem>>, vector<16xf32>,
        tpu.vector_store %arg9[%swap3A_1876, %swap3A_1877, %swap3A_1878], %gather3A_1874 {strides = array<i32>} : memref<64x8x64xf32, #tpu.memory_space<vmem>>, vector<16xf32>,
        %add3A_1880 = arith.constant 27648 : i32
        %add3A_1881 = vector.broadcast %add3A_1880 : i32 to vector<16xi32>
        %add3A_1882 = arith.addi %get3A_1351, %add3A_1881 : vector<16xi32>
        %gather3A_1883 = tpu.vector_load_idx %arg6[%add3A_1882] : memref<32768xf32, #tpu.memory_space<vmem>>[vector<16xi32>], vector<16xf32>,
        %swap3A_1884 = arith.constant 54 : i32
        %swap3A_1885 = arith.index_cast %swap3A_1884 : i32 to index
        %swap3A_1886 = arith.index_cast %select_n3A_1375 : i32 to index
        %swap3A_1887 = arith.index_cast %mul3A_1393 : i32 to index
        %swap3A_1888 = tpu.vector_load %arg9[%swap3A_1885, %swap3A_1886, %swap3A_1887] {strides = array<i32>} : memref<64x8x64xf32, #tpu.memory_space<vmem>>, vector<16xf32>,
        tpu.vector_store %arg9[%swap3A_1885, %swap3A_1886, %swap3A_1887], %gather3A_1883 {strides = array<i32>} : memref<64x8x64xf32, #tpu.memory_space<vmem>>, vector<16xf32>,
        %add3A_1889 = arith.constant 28160 : i32
        %add3A_1890 = vector.broadcast %add3A_1889 : i32 to vector<16xi32>
        %add3A_1891 = arith.addi %get3A_1351, %add3A_1890 : vector<16xi32>
        %gather3A_1892 = tpu.vector_load_idx %arg6[%add3A_1891] : memref<32768xf32, #tpu.memory_space<vmem>>[vector<16xi32>], vector<16xf32>,
        %swap3A_1893 = arith.constant 55 : i32
        %swap3A_1894 = arith.index_cast %swap3A_1893 : i32 to index
        %swap3A_1895 = arith.index_cast %select_n3A_1375 : i32 to index
        %swap3A_1896 = arith.index_cast %mul3A_1393 : i32 to index
        %swap3A_1897 = tpu.vector_load %arg9[%swap3A_1894, %swap3A_1895, %swap3A_1896] {strides = array<i32>} : memref<64x8x64xf32, #tpu.memory_space<vmem>>, vector<16xf32>,
        tpu.vector_store %arg9[%swap3A_1894, %swap3A_1895, %swap3A_1896], %gather3A_1892 {strides = array<i32>} : memref<64x8x64xf32, #tpu.memory_space<vmem>>, vector<16xf32>,
        %add3A_1898 = arith.constant 28672 : i32
        %add3A_1899 = vector.broadcast %add3A_1898 : i32 to vector<16xi32>
        %add3A_1900 = arith.addi %get3A_1351, %add3A_1899 : vector<16xi32>
        %gather3A_1901 = tpu.vector_load_idx %arg6[%add3A_1900] : memref<32768xf32, #tpu.memory_space<vmem>>[vector<16xi32>], vector<16xf32>,
        %swap3A_1902 = arith.constant 56 : i32
        %swap3A_1903 = arith.index_cast %swap3A_1902 : i32 to index
        %swap3A_1904 = arith.index_cast %select_n3A_1375 : i32 to index
        %swap3A_1905 = arith.index_cast %mul3A_1393 : i32 to index
        %swap3A_1906 = tpu.vector_load %arg9[%swap3A_1903, %swap3A_1904, %swap3A_1905] {strides = array<i32>} : memref<64x8x64xf32, #tpu.memory_space<vmem>>, vector<16xf32>,
        tpu.vector_store %arg9[%swap3A_1903, %swap3A_1904, %swap3A_1905], %gather3A_1901 {strides = array<i32>} : memref<64x8x64xf32, #tpu.memory_space<vmem>>, vector<16xf32>,
        %add3A_1907 = arith.constant 29184 : i32
        %add3A_1908 = vector.broadcast %add3A_1907 : i32 to vector<16xi32>
        %add3A_1909 = arith.addi %get3A_1351, %add3A_1908 : vector<16xi32>
        %gather3A_1910 = tpu.vector_load_idx %arg6[%add3A_1909] : memref<32768xf32, #tpu.memory_space<vmem>>[vector<16xi32>], vector<16xf32>,
        %swap3A_1911 = arith.constant 57 : i32
        %swap3A_1912 = arith.index_cast %swap3A_1911 : i32 to index
        %swap3A_1913 = arith.index_cast %select_n3A_1375 : i32 to index
        %swap3A_1914 = arith.index_cast %mul3A_1393 : i32 to index
        %swap3A_1915 = tpu.vector_load %arg9[%swap3A_1912, %swap3A_1913, %swap3A_1914] {strides = array<i32>} : memref<64x8x64xf32, #tpu.memory_space<vmem>>, vector<16xf32>,
        tpu.vector_store %arg9[%swap3A_1912, %swap3A_1913, %swap3A_1914], %gather3A_1910 {strides = array<i32>} : memref<64x8x64xf32, #tpu.memory_space<vmem>>, vector<16xf32>,
        %add3A_1916 = arith.constant 29696 : i32
        %add3A_1917 = vector.broadcast %add3A_1916 : i32 to vector<16xi32>
        %add3A_1918 = arith.addi %get3A_1351, %add3A_1917 : vector<16xi32>
        %gather3A_1919 = tpu.vector_load_idx %arg6[%add3A_1918] : memref<32768xf32, #tpu.memory_space<vmem>>[vector<16xi32>], vector<16xf32>,
        %swap3A_1920 = arith.constant 58 : i32
        %swap3A_1921 = arith.index_cast %swap3A_1920 : i32 to index
        %swap3A_1922 = arith.index_cast %select_n3A_1375 : i32 to index
        %swap3A_1923 = arith.index_cast %mul3A_1393 : i32 to index
        %swap3A_1924 = tpu.vector_load %arg9[%swap3A_1921, %swap3A_1922, %swap3A_1923] {strides = array<i32>} : memref<64x8x64xf32, #tpu.memory_space<vmem>>, vector<16xf32>,
        tpu.vector_store %arg9[%swap3A_1921, %swap3A_1922, %swap3A_1923], %gather3A_1919 {strides = array<i32>} : memref<64x8x64xf32, #tpu.memory_space<vmem>>, vector<16xf32>,
        %add3A_1925 = arith.constant 30208 : i32
        %add3A_1926 = vector.broadcast %add3A_1925 : i32 to vector<16xi32>
        %add3A_1927 = arith.addi %get3A_1351, %add3A_1926 : vector<16xi32>
        %gather3A_1928 = tpu.vector_load_idx %arg6[%add3A_1927] : memref<32768xf32, #tpu.memory_space<vmem>>[vector<16xi32>], vector<16xf32>,
        %swap3A_1929 = arith.constant 59 : i32
        %swap3A_1930 = arith.index_cast %swap3A_1929 : i32 to index
        %swap3A_1931 = arith.index_cast %select_n3A_1375 : i32 to index
        %swap3A_1932 = arith.index_cast %mul3A_1393 : i32 to index
        %swap3A_1933 = tpu.vector_load %arg9[%swap3A_1930, %swap3A_1931, %swap3A_1932] {strides = array<i32>} : memref<64x8x64xf32, #tpu.memory_space<vmem>>, vector<16xf32>,
        tpu.vector_store %arg9[%swap3A_1930, %swap3A_1931, %swap3A_1932], %gather3A_1928 {strides = array<i32>} : memref<64x8x64xf32, #tpu.memory_space<vmem>>, vector<16xf32>,
        %add3A_1934 = arith.constant 30720 : i32
        %add3A_1935 = vector.broadcast %add3A_1934 : i32 to vector<16xi32>
        %add3A_1936 = arith.addi %get3A_1351, %add3A_1935 : vector<16xi32>
        %gather3A_1937 = tpu.vector_load_idx %arg6[%add3A_1936] : memref<32768xf32, #tpu.memory_space<vmem>>[vector<16xi32>], vector<16xf32>,
        %swap3A_1938 = arith.constant 60 : i32
        %swap3A_1939 = arith.index_cast %swap3A_1938 : i32 to index
        %swap3A_1940 = arith.index_cast %select_n3A_1375 : i32 to index
        %swap3A_1941 = arith.index_cast %mul3A_1393 : i32 to index
        %swap3A_1942 = tpu.vector_load %arg9[%swap3A_1939, %swap3A_1940, %swap3A_1941] {strides = array<i32>} : memref<64x8x64xf32, #tpu.memory_space<vmem>>, vector<16xf32>,
        tpu.vector_store %arg9[%swap3A_1939, %swap3A_1940, %swap3A_1941], %gather3A_1937 {strides = array<i32>} : memref<64x8x64xf32, #tpu.memory_space<vmem>>, vector<16xf32>,
        %add3A_1943 = arith.constant 31232 : i32
        %add3A_1944 = vector.broadcast %add3A_1943 : i32 to vector<16xi32>
        %add3A_1945 = arith.addi %get3A_1351, %add3A_1944 : vector<16xi32>
        %gather3A_1946 = tpu.vector_load_idx %arg6[%add3A_1945] : memref<32768xf32, #tpu.memory_space<vmem>>[vector<16xi32>], vector<16xf32>,
        %swap3A_1947 = arith.constant 61 : i32
        %swap3A_1948 = arith.index_cast %swap3A_1947 : i32 to index
        %swap3A_1949 = arith.index_cast %select_n3A_1375 : i32 to index
        %swap3A_1950 = arith.index_cast %mul3A_1393 : i32 to index
        %swap3A_1951 = tpu.vector_load %arg9[%swap3A_1948, %swap3A_1949, %swap3A_1950] {strides = array<i32>} : memref<64x8x64xf32, #tpu.memory_space<vmem>>, vector<16xf32>,
        tpu.vector_store %arg9[%swap3A_1948, %swap3A_1949, %swap3A_1950], %gather3A_1946 {strides = array<i32>} : memref<64x8x64xf32, #tpu.memory_space<vmem>>, vector<16xf32>,
        %add3A_1952 = arith.constant 31744 : i32
        %add3A_1953 = vector.broadcast %add3A_1952 : i32 to vector<16xi32>
        %add3A_1954 = arith.addi %get3A_1351, %add3A_1953 : vector<16xi32>
        %gather3A_1955 = tpu.vector_load_idx %arg6[%add3A_1954] : memref<32768xf32, #tpu.memory_space<vmem>>[vector<16xi32>], vector<16xf32>,
        %swap3A_1956 = arith.constant 62 : i32
        %swap3A_1957 = arith.index_cast %swap3A_1956 : i32 to index
        %swap3A_1958 = arith.index_cast %select_n3A_1375 : i32 to index
        %swap3A_1959 = arith.index_cast %mul3A_1393 : i32 to index
        %swap3A_1960 = tpu.vector_load %arg9[%swap3A_1957, %swap3A_1958, %swap3A_1959] {strides = array<i32>} : memref<64x8x64xf32, #tpu.memory_space<vmem>>, vector<16xf32>,
        tpu.vector_store %arg9[%swap3A_1957, %swap3A_1958, %swap3A_1959], %gather3A_1955 {strides = array<i32>} : memref<64x8x64xf32, #tpu.memory_space<vmem>>, vector<16xf32>,
        %add3A_1961 = arith.constant 32256 : i32
        %add3A_1962 = vector.broadcast %add3A_1961 : i32 to vector<16xi32>
        %add3A_1963 = arith.addi %get3A_1351, %add3A_1962 : vector<16xi32>
        %gather3A_1964 = tpu.vector_load_idx %arg6[%add3A_1963] : memref<32768xf32, #tpu.memory_space<vmem>>[vector<16xi32>], vector<16xf32>,
        %swap3A_1965 = arith.constant 63 : i32
        %swap3A_1966 = arith.index_cast %swap3A_1965 : i32 to index
        %swap3A_1967 = arith.index_cast %select_n3A_1375 : i32 to index
        %swap3A_1968 = arith.index_cast %mul3A_1393 : i32 to index
        %swap3A_1969 = tpu.vector_load %arg9[%swap3A_1966, %swap3A_1967, %swap3A_1968] {strides = array<i32>} : memref<64x8x64xf32, #tpu.memory_space<vmem>>, vector<16xf32>,
        tpu.vector_store %arg9[%swap3A_1966, %swap3A_1967, %swap3A_1968], %gather3A_1964 {strides = array<i32>} : memref<64x8x64xf32, #tpu.memory_space<vmem>>, vector<16xf32>,
        tpu.vector_store_idx %arg10[%get3A_1349], %broadcast_in_dim3A_35 {add = true} : memref<1024xf32, #tpu.memory_space<vmem>>[vector<16xi32>], vector<16xf32>,
        %add3A_1970 = arith.constant 512 : i32
        %add3A_1971 = vector.broadcast %add3A_1970 : i32 to vector<16xi32>
        %add3A_1972 = arith.addi %get3A_1351, %add3A_1971 : vector<16xi32>
        tpu.vector_store_idx %arg10[%add3A_1972], %broadcast_in_dim3A_35 {add = true} : memref<1024xf32, #tpu.memory_space<vmem>>[vector<16xi32>], vector<16xf32>,
        %scan3A_1973 = arith.constant 0 : i32
        %scan3A_1974 = arith.constant 3 : i32
        %scan3A_1975 = arith.addi %scan3A_87, %scan3A_1974 : i32
        %mul3A_1976 = arith.constant 16 : i32
        %mul3A_1977 = arith.muli %scan3A_1975, %mul3A_1976 : i32
        %get3A_1978 = arith.index_cast %mul3A_1977 : i32 to index
        %get3A_1979 = tpu.vector_load %arg7[%get3A_1978] {strides = array<i32>} : memref<512xi32, #tpu.memory_space<vmem>>, vector<16xi32>,
        %get3A_1980 = arith.index_cast %mul3A_1977 : i32 to index
        %get3A_1981 = tpu.vector_load %arg8[%get3A_1980] {strides = array<i32>} : memref<512xi32, #tpu.memory_space<vmem>>, vector<16xi32>,
        %jit3A_1982 = arith.constant 4 : i32
        %div3A_1983 = arith.divsi %scan3A_1975, %jit3A_1982 : i32
        %sign3A_1984 = arith.constant 0 : i32
        %sign3A_1985 = arith.cmpi sgt, %scan3A_1975, %sign3A_1984 : i32
        %sign3A_1986 = arith.extui %sign3A_1985 : i1 to i32
        %sign3A_1987 = arith.constant 0 : i32
        %sign3A_1988 = arith.cmpi slt, %scan3A_1975, %sign3A_1987 : i32
        %sign3A_1989 = arith.extui %sign3A_1988 : i1 to i32
        %sign3A_1990 = arith.subi %sign3A_1986, %sign3A_1989 : i32
        %sign3A_1991 = arith.constant 0 : i32
        %sign3A_1992 = arith.cmpi sgt, %jit3A_1982, %sign3A_1991 : i32
        %sign3A_1993 = arith.extui %sign3A_1992 : i1 to i32
        %sign3A_1994 = arith.constant 0 : i32
        %sign3A_1995 = arith.cmpi slt, %jit3A_1982, %sign3A_1994 : i32
        %sign3A_1996 = arith.extui %sign3A_1995 : i1 to i32
        %sign3A_1997 = arith.subi %sign3A_1993, %sign3A_1996 : i32
        %ne3A_1998 = arith.cmpi ne, %sign3A_1990, %sign3A_1997 : i32
        %rem3A_1999 = arith.remsi %scan3A_1975, %jit3A_1982 : i32
        %ne3A_2000 = arith.constant 0 : i32
        %ne3A_2001 = arith.cmpi ne, %rem3A_1999, %ne3A_2000 : i32
        %and3A_2002 = arith.andi %ne3A_1998, %ne3A_2001 : i1
        %sub3A_2003 = arith.constant 1 : i32
        %sub3A_2004 = arith.subi %div3A_1983, %sub3A_2003 : i32
        %select_n3A_2005 = arith.select %and3A_2002, %sub3A_2004, %div3A_1983 : i32
        %jit3A_2006 = arith.constant 4 : i32
        %eq3A_2007 = arith.constant 0 : i32
        %eq3A_2008 = arith.cmpi eq, %jit3A_2006, %eq3A_2007 : i32
        %jit3A_2009 = arith.constant 1 : i32
        %select_n3A_2010 = arith.select %eq3A_2008, %jit3A_2009, %jit3A_2006 : i32
        %rem3A_2011 = arith.remsi %scan3A_1975, %select_n3A_2010 : i32
        %ne3A_2012 = arith.constant 0 : i32
        %ne3A_2013 = arith.cmpi ne, %rem3A_2011, %ne3A_2012 : i32
        %lt3A_2014 = arith.constant 0 : i32
        %lt3A_2015 = arith.cmpi slt, %rem3A_2011, %lt3A_2014 : i32
        %lt3A_2016 = arith.constant 0 : i32
        %lt3A_2017 = arith.cmpi slt, %select_n3A_2010, %lt3A_2016 : i32
        %ne3A_2018 = arith.xori %lt3A_2015, %lt3A_2017 : i1
        %and3A_2019 = arith.andi %ne3A_2018, %ne3A_2013 : i1
        %add3A_2020 = arith.addi %rem3A_2011, %select_n3A_2010 : i32
        %select_n3A_2021 = arith.select %and3A_2019, %add3A_2020, %rem3A_2011 : i32
        %mul3A_2022 = arith.constant 16 : i32
        %mul3A_2023 = arith.muli %select_n3A_2021, %mul3A_2022 : i32
        %add3A_2024 = arith.constant 0 : i32
        %add3A_2025 = vector.broadcast %add3A_2024 : i32 to vector<16xi32>
        %add3A_2026 = arith.addi %get3A_1979, %add3A_2025 : vector<16xi32>
        %gather3A_2027 = tpu.vector_load_idx %arg6[%add3A_2026] : memref<32768xf32, #tpu.memory_space<vmem>>[vector<16xi32>], vector<16xf32>,
        %swap3A_2028 = arith.constant 0 : i32
        %swap3A_2029 = arith.index_cast %swap3A_2028 : i32 to index
        %swap3A_2030 = arith.index_cast %select_n3A_2005 : i32 to index
        %swap3A_2031 = arith.index_cast %mul3A_2023 : i32 to index
        %swap3A_2032 = tpu.vector_load %arg9[%swap3A_2029, %swap3A_2030, %swap3A_2031] {strides = array<i32>} : memref<64x8x64xf32, #tpu.memory_space<vmem>>, vector<16xf32>,
        tpu.vector_store %arg9[%swap3A_2029, %swap3A_2030, %swap3A_2031], %gather3A_2027 {strides = array<i32>} : memref<64x8x64xf32, #tpu.memory_space<vmem>>, vector<16xf32>,
        %add3A_2033 = arith.constant 512 : i32
        %add3A_2034 = vector.broadcast %add3A_2033 : i32 to vector<16xi32>
        %add3A_2035 = arith.addi %get3A_1979, %add3A_2034 : vector<16xi32>
        %gather3A_2036 = tpu.vector_load_idx %arg6[%add3A_2035] : memref<32768xf32, #tpu.memory_space<vmem>>[vector<16xi32>], vector<16xf32>,
        %swap3A_2037 = arith.constant 1 : i32
        %swap3A_2038 = arith.index_cast %swap3A_2037 : i32 to index
        %swap3A_2039 = arith.index_cast %select_n3A_2005 : i32 to index
        %swap3A_2040 = arith.index_cast %mul3A_2023 : i32 to index
        %swap3A_2041 = tpu.vector_load %arg9[%swap3A_2038, %swap3A_2039, %swap3A_2040] {strides = array<i32>} : memref<64x8x64xf32, #tpu.memory_space<vmem>>, vector<16xf32>,
        tpu.vector_store %arg9[%swap3A_2038, %swap3A_2039, %swap3A_2040], %gather3A_2036 {strides = array<i32>} : memref<64x8x64xf32, #tpu.memory_space<vmem>>, vector<16xf32>,
        %add3A_2042 = arith.constant 1024 : i32
        %add3A_2043 = vector.broadcast %add3A_2042 : i32 to vector<16xi32>
        %add3A_2044 = arith.addi %get3A_1979, %add3A_2043 : vector<16xi32>
        %gather3A_2045 = tpu.vector_load_idx %arg6[%add3A_2044] : memref<32768xf32, #tpu.memory_space<vmem>>[vector<16xi32>], vector<16xf32>,
        %swap3A_2046 = arith.constant 2 : i32
        %swap3A_2047 = arith.index_cast %swap3A_2046 : i32 to index
        %swap3A_2048 = arith.index_cast %select_n3A_2005 : i32 to index
        %swap3A_2049 = arith.index_cast %mul3A_2023 : i32 to index
        %swap3A_2050 = tpu.vector_load %arg9[%swap3A_2047, %swap3A_2048, %swap3A_2049] {strides = array<i32>} : memref<64x8x64xf32, #tpu.memory_space<vmem>>, vector<16xf32>,
        tpu.vector_store %arg9[%swap3A_2047, %swap3A_2048, %swap3A_2049], %gather3A_2045 {strides = array<i32>} : memref<64x8x64xf32, #tpu.memory_space<vmem>>, vector<16xf32>,
        %add3A_2051 = arith.constant 1536 : i32
        %add3A_2052 = vector.broadcast %add3A_2051 : i32 to vector<16xi32>
        %add3A_2053 = arith.addi %get3A_1979, %add3A_2052 : vector<16xi32>
        %gather3A_2054 = tpu.vector_load_idx %arg6[%add3A_2053] : memref<32768xf32, #tpu.memory_space<vmem>>[vector<16xi32>], vector<16xf32>,
        %swap3A_2055 = arith.constant 3 : i32
        %swap3A_2056 = arith.index_cast %swap3A_2055 : i32 to index
        %swap3A_2057 = arith.index_cast %select_n3A_2005 : i32 to index
        %swap3A_2058 = arith.index_cast %mul3A_2023 : i32 to index
        %swap3A_2059 = tpu.vector_load %arg9[%swap3A_2056, %swap3A_2057, %swap3A_2058] {strides = array<i32>} : memref<64x8x64xf32, #tpu.memory_space<vmem>>, vector<16xf32>,
        tpu.vector_store %arg9[%swap3A_2056, %swap3A_2057, %swap3A_2058], %gather3A_2054 {strides = array<i32>} : memref<64x8x64xf32, #tpu.memory_space<vmem>>, vector<16xf32>,
        %add3A_2060 = arith.constant 2048 : i32
        %add3A_2061 = vector.broadcast %add3A_2060 : i32 to vector<16xi32>
        %add3A_2062 = arith.addi %get3A_1979, %add3A_2061 : vector<16xi32>
        %gather3A_2063 = tpu.vector_load_idx %arg6[%add3A_2062] : memref<32768xf32, #tpu.memory_space<vmem>>[vector<16xi32>], vector<16xf32>,
        %swap3A_2064 = arith.constant 4 : i32
        %swap3A_2065 = arith.index_cast %swap3A_2064 : i32 to index
        %swap3A_2066 = arith.index_cast %select_n3A_2005 : i32 to index
        %swap3A_2067 = arith.index_cast %mul3A_2023 : i32 to index
        %swap3A_2068 = tpu.vector_load %arg9[%swap3A_2065, %swap3A_2066, %swap3A_2067] {strides = array<i32>} : memref<64x8x64xf32, #tpu.memory_space<vmem>>, vector<16xf32>,
        tpu.vector_store %arg9[%swap3A_2065, %swap3A_2066, %swap3A_2067], %gather3A_2063 {strides = array<i32>} : memref<64x8x64xf32, #tpu.memory_space<vmem>>, vector<16xf32>,
        %add3A_2069 = arith.constant 2560 : i32
        %add3A_2070 = vector.broadcast %add3A_2069 : i32 to vector<16xi32>
        %add3A_2071 = arith.addi %get3A_1979, %add3A_2070 : vector<16xi32>
        %gather3A_2072 = tpu.vector_load_idx %arg6[%add3A_2071] : memref<32768xf32, #tpu.memory_space<vmem>>[vector<16xi32>], vector<16xf32>,
        %swap3A_2073 = arith.constant 5 : i32
        %swap3A_2074 = arith.index_cast %swap3A_2073 : i32 to index
        %swap3A_2075 = arith.index_cast %select_n3A_2005 : i32 to index
        %swap3A_2076 = arith.index_cast %mul3A_2023 : i32 to index
        %swap3A_2077 = tpu.vector_load %arg9[%swap3A_2074, %swap3A_2075, %swap3A_2076] {strides = array<i32>} : memref<64x8x64xf32, #tpu.memory_space<vmem>>, vector<16xf32>,
        tpu.vector_store %arg9[%swap3A_2074, %swap3A_2075, %swap3A_2076], %gather3A_2072 {strides = array<i32>} : memref<64x8x64xf32, #tpu.memory_space<vmem>>, vector<16xf32>,
        %add3A_2078 = arith.constant 3072 : i32
        %add3A_2079 = vector.broadcast %add3A_2078 : i32 to vector<16xi32>
        %add3A_2080 = arith.addi %get3A_1979, %add3A_2079 : vector<16xi32>
        %gather3A_2081 = tpu.vector_load_idx %arg6[%add3A_2080] : memref<32768xf32, #tpu.memory_space<vmem>>[vector<16xi32>], vector<16xf32>,
        %swap3A_2082 = arith.constant 6 : i32
        %swap3A_2083 = arith.index_cast %swap3A_2082 : i32 to index
        %swap3A_2084 = arith.index_cast %select_n3A_2005 : i32 to index
        %swap3A_2085 = arith.index_cast %mul3A_2023 : i32 to index
        %swap3A_2086 = tpu.vector_load %arg9[%swap3A_2083, %swap3A_2084, %swap3A_2085] {strides = array<i32>} : memref<64x8x64xf32, #tpu.memory_space<vmem>>, vector<16xf32>,
        tpu.vector_store %arg9[%swap3A_2083, %swap3A_2084, %swap3A_2085], %gather3A_2081 {strides = array<i32>} : memref<64x8x64xf32, #tpu.memory_space<vmem>>, vector<16xf32>,
        %add3A_2087 = arith.constant 3584 : i32
        %add3A_2088 = vector.broadcast %add3A_2087 : i32 to vector<16xi32>
        %add3A_2089 = arith.addi %get3A_1979, %add3A_2088 : vector<16xi32>
        %gather3A_2090 = tpu.vector_load_idx %arg6[%add3A_2089] : memref<32768xf32, #tpu.memory_space<vmem>>[vector<16xi32>], vector<16xf32>,
        %swap3A_2091 = arith.constant 7 : i32
        %swap3A_2092 = arith.index_cast %swap3A_2091 : i32 to index
        %swap3A_2093 = arith.index_cast %select_n3A_2005 : i32 to index
        %swap3A_2094 = arith.index_cast %mul3A_2023 : i32 to index
        %swap3A_2095 = tpu.vector_load %arg9[%swap3A_2092, %swap3A_2093, %swap3A_2094] {strides = array<i32>} : memref<64x8x64xf32, #tpu.memory_space<vmem>>, vector<16xf32>,
        tpu.vector_store %arg9[%swap3A_2092, %swap3A_2093, %swap3A_2094], %gather3A_2090 {strides = array<i32>} : memref<64x8x64xf32, #tpu.memory_space<vmem>>, vector<16xf32>,
        %add3A_2096 = arith.constant 4096 : i32
        %add3A_2097 = vector.broadcast %add3A_2096 : i32 to vector<16xi32>
        %add3A_2098 = arith.addi %get3A_1979, %add3A_2097 : vector<16xi32>
        %gather3A_2099 = tpu.vector_load_idx %arg6[%add3A_2098] : memref<32768xf32, #tpu.memory_space<vmem>>[vector<16xi32>], vector<16xf32>,
        %swap3A_2100 = arith.constant 8 : i32
        %swap3A_2101 = arith.index_cast %swap3A_2100 : i32 to index
        %swap3A_2102 = arith.index_cast %select_n3A_2005 : i32 to index
        %swap3A_2103 = arith.index_cast %mul3A_2023 : i32 to index
        %swap3A_2104 = tpu.vector_load %arg9[%swap3A_2101, %swap3A_2102, %swap3A_2103] {strides = array<i32>} : memref<64x8x64xf32, #tpu.memory_space<vmem>>, vector<16xf32>,
        tpu.vector_store %arg9[%swap3A_2101, %swap3A_2102, %swap3A_2103], %gather3A_2099 {strides = array<i32>} : memref<64x8x64xf32, #tpu.memory_space<vmem>>, vector<16xf32>,
        %add3A_2105 = arith.constant 4608 : i32
        %add3A_2106 = vector.broadcast %add3A_2105 : i32 to vector<16xi32>
        %add3A_2107 = arith.addi %get3A_1979, %add3A_2106 : vector<16xi32>
        %gather3A_2108 = tpu.vector_load_idx %arg6[%add3A_2107] : memref<32768xf32, #tpu.memory_space<vmem>>[vector<16xi32>], vector<16xf32>,
        %swap3A_2109 = arith.constant 9 : i32
        %swap3A_2110 = arith.index_cast %swap3A_2109 : i32 to index
        %swap3A_2111 = arith.index_cast %select_n3A_2005 : i32 to index
        %swap3A_2112 = arith.index_cast %mul3A_2023 : i32 to index
        %swap3A_2113 = tpu.vector_load %arg9[%swap3A_2110, %swap3A_2111, %swap3A_2112] {strides = array<i32>} : memref<64x8x64xf32, #tpu.memory_space<vmem>>, vector<16xf32>,
        tpu.vector_store %arg9[%swap3A_2110, %swap3A_2111, %swap3A_2112], %gather3A_2108 {strides = array<i32>} : memref<64x8x64xf32, #tpu.memory_space<vmem>>, vector<16xf32>,
        %add3A_2114 = arith.constant 5120 : i32
        %add3A_2115 = vector.broadcast %add3A_2114 : i32 to vector<16xi32>
        %add3A_2116 = arith.addi %get3A_1979, %add3A_2115 : vector<16xi32>
        %gather3A_2117 = tpu.vector_load_idx %arg6[%add3A_2116] : memref<32768xf32, #tpu.memory_space<vmem>>[vector<16xi32>], vector<16xf32>,
        %swap3A_2118 = arith.constant 10 : i32
        %swap3A_2119 = arith.index_cast %swap3A_2118 : i32 to index
        %swap3A_2120 = arith.index_cast %select_n3A_2005 : i32 to index
        %swap3A_2121 = arith.index_cast %mul3A_2023 : i32 to index
        %swap3A_2122 = tpu.vector_load %arg9[%swap3A_2119, %swap3A_2120, %swap3A_2121] {strides = array<i32>} : memref<64x8x64xf32, #tpu.memory_space<vmem>>, vector<16xf32>,
        tpu.vector_store %arg9[%swap3A_2119, %swap3A_2120, %swap3A_2121], %gather3A_2117 {strides = array<i32>} : memref<64x8x64xf32, #tpu.memory_space<vmem>>, vector<16xf32>,
        %add3A_2123 = arith.constant 5632 : i32
        %add3A_2124 = vector.broadcast %add3A_2123 : i32 to vector<16xi32>
        %add3A_2125 = arith.addi %get3A_1979, %add3A_2124 : vector<16xi32>
        %gather3A_2126 = tpu.vector_load_idx %arg6[%add3A_2125] : memref<32768xf32, #tpu.memory_space<vmem>>[vector<16xi32>], vector<16xf32>,
        %swap3A_2127 = arith.constant 11 : i32
        %swap3A_2128 = arith.index_cast %swap3A_2127 : i32 to index
        %swap3A_2129 = arith.index_cast %select_n3A_2005 : i32 to index
        %swap3A_2130 = arith.index_cast %mul3A_2023 : i32 to index
        %swap3A_2131 = tpu.vector_load %arg9[%swap3A_2128, %swap3A_2129, %swap3A_2130] {strides = array<i32>} : memref<64x8x64xf32, #tpu.memory_space<vmem>>, vector<16xf32>,
        tpu.vector_store %arg9[%swap3A_2128, %swap3A_2129, %swap3A_2130], %gather3A_2126 {strides = array<i32>} : memref<64x8x64xf32, #tpu.memory_space<vmem>>, vector<16xf32>,
        %add3A_2132 = arith.constant 6144 : i32
        %add3A_2133 = vector.broadcast %add3A_2132 : i32 to vector<16xi32>
        %add3A_2134 = arith.addi %get3A_1979, %add3A_2133 : vector<16xi32>
        %gather3A_2135 = tpu.vector_load_idx %arg6[%add3A_2134] : memref<32768xf32, #tpu.memory_space<vmem>>[vector<16xi32>], vector<16xf32>,
        %swap3A_2136 = arith.constant 12 : i32
        %swap3A_2137 = arith.index_cast %swap3A_2136 : i32 to index
        %swap3A_2138 = arith.index_cast %select_n3A_2005 : i32 to index
        %swap3A_2139 = arith.index_cast %mul3A_2023 : i32 to index
        %swap3A_2140 = tpu.vector_load %arg9[%swap3A_2137, %swap3A_2138, %swap3A_2139] {strides = array<i32>} : memref<64x8x64xf32, #tpu.memory_space<vmem>>, vector<16xf32>,
        tpu.vector_store %arg9[%swap3A_2137, %swap3A_2138, %swap3A_2139], %gather3A_2135 {strides = array<i32>} : memref<64x8x64xf32, #tpu.memory_space<vmem>>, vector<16xf32>,
        %add3A_2141 = arith.constant 6656 : i32
        %add3A_2142 = vector.broadcast %add3A_2141 : i32 to vector<16xi32>
        %add3A_2143 = arith.addi %get3A_1979, %add3A_2142 : vector<16xi32>
        %gather3A_2144 = tpu.vector_load_idx %arg6[%add3A_2143] : memref<32768xf32, #tpu.memory_space<vmem>>[vector<16xi32>], vector<16xf32>,
        %swap3A_2145 = arith.constant 13 : i32
        %swap3A_2146 = arith.index_cast %swap3A_2145 : i32 to index
        %swap3A_2147 = arith.index_cast %select_n3A_2005 : i32 to index
        %swap3A_2148 = arith.index_cast %mul3A_2023 : i32 to index
        %swap3A_2149 = tpu.vector_load %arg9[%swap3A_2146, %swap3A_2147, %swap3A_2148] {strides = array<i32>} : memref<64x8x64xf32, #tpu.memory_space<vmem>>, vector<16xf32>,
        tpu.vector_store %arg9[%swap3A_2146, %swap3A_2147, %swap3A_2148], %gather3A_2144 {strides = array<i32>} : memref<64x8x64xf32, #tpu.memory_space<vmem>>, vector<16xf32>,
        %add3A_2150 = arith.constant 7168 : i32
        %add3A_2151 = vector.broadcast %add3A_2150 : i32 to vector<16xi32>
        %add3A_2152 = arith.addi %get3A_1979, %add3A_2151 : vector<16xi32>
        %gather3A_2153 = tpu.vector_load_idx %arg6[%add3A_2152] : memref<32768xf32, #tpu.memory_space<vmem>>[vector<16xi32>], vector<16xf32>,
        %swap3A_2154 = arith.constant 14 : i32
        %swap3A_2155 = arith.index_cast %swap3A_2154 : i32 to index
        %swap3A_2156 = arith.index_cast %select_n3A_2005 : i32 to index
        %swap3A_2157 = arith.index_cast %mul3A_2023 : i32 to index
        %swap3A_2158 = tpu.vector_load %arg9[%swap3A_2155, %swap3A_2156, %swap3A_2157] {strides = array<i32>} : memref<64x8x64xf32, #tpu.memory_space<vmem>>, vector<16xf32>,
        tpu.vector_store %arg9[%swap3A_2155, %swap3A_2156, %swap3A_2157], %gather3A_2153 {strides = array<i32>} : memref<64x8x64xf32, #tpu.memory_space<vmem>>, vector<16xf32>,
        %add3A_2159 = arith.constant 7680 : i32
        %add3A_2160 = vector.broadcast %add3A_2159 : i32 to vector<16xi32>
        %add3A_2161 = arith.addi %get3A_1979, %add3A_2160 : vector<16xi32>
        %gather3A_2162 = tpu.vector_load_idx %arg6[%add3A_2161] : memref<32768xf32, #tpu.memory_space<vmem>>[vector<16xi32>], vector<16xf32>,
        %swap3A_2163 = arith.constant 15 : i32
        %swap3A_2164 = arith.index_cast %swap3A_2163 : i32 to index
        %swap3A_2165 = arith.index_cast %select_n3A_2005 : i32 to index
        %swap3A_2166 = arith.index_cast %mul3A_2023 : i32 to index
        %swap3A_2167 = tpu.vector_load %arg9[%swap3A_2164, %swap3A_2165, %swap3A_2166] {strides = array<i32>} : memref<64x8x64xf32, #tpu.memory_space<vmem>>, vector<16xf32>,
        tpu.vector_store %arg9[%swap3A_2164, %swap3A_2165, %swap3A_2166], %gather3A_2162 {strides = array<i32>} : memref<64x8x64xf32, #tpu.memory_space<vmem>>, vector<16xf32>,
        %add3A_2168 = arith.constant 8192 : i32
        %add3A_2169 = vector.broadcast %add3A_2168 : i32 to vector<16xi32>
        %add3A_2170 = arith.addi %get3A_1979, %add3A_2169 : vector<16xi32>
        %gather3A_2171 = tpu.vector_load_idx %arg6[%add3A_2170] : memref<32768xf32, #tpu.memory_space<vmem>>[vector<16xi32>], vector<16xf32>,
        %swap3A_2172 = arith.constant 16 : i32
        %swap3A_2173 = arith.index_cast %swap3A_2172 : i32 to index
        %swap3A_2174 = arith.index_cast %select_n3A_2005 : i32 to index
        %swap3A_2175 = arith.index_cast %mul3A_2023 : i32 to index
        %swap3A_2176 = tpu.vector_load %arg9[%swap3A_2173, %swap3A_2174, %swap3A_2175] {strides = array<i32>} : memref<64x8x64xf32, #tpu.memory_space<vmem>>, vector<16xf32>,
        tpu.vector_store %arg9[%swap3A_2173, %swap3A_2174, %swap3A_2175], %gather3A_2171 {strides = array<i32>} : memref<64x8x64xf32, #tpu.memory_space<vmem>>, vector<16xf32>,
        %add3A_2177 = arith.constant 8704 : i32
        %add3A_2178 = vector.broadcast %add3A_2177 : i32 to vector<16xi32>
        %add3A_2179 = arith.addi %get3A_1979, %add3A_2178 : vector<16xi32>
        %gather3A_2180 = tpu.vector_load_idx %arg6[%add3A_2179] : memref<32768xf32, #tpu.memory_space<vmem>>[vector<16xi32>], vector<16xf32>,
        %swap3A_2181 = arith.constant 17 : i32
        %swap3A_2182 = arith.index_cast %swap3A_2181 : i32 to index
        %swap3A_2183 = arith.index_cast %select_n3A_2005 : i32 to index
        %swap3A_2184 = arith.index_cast %mul3A_2023 : i32 to index
        %swap3A_2185 = tpu.vector_load %arg9[%swap3A_2182, %swap3A_2183, %swap3A_2184] {strides = array<i32>} : memref<64x8x64xf32, #tpu.memory_space<vmem>>, vector<16xf32>,
        tpu.vector_store %arg9[%swap3A_2182, %swap3A_2183, %swap3A_2184], %gather3A_2180 {strides = array<i32>} : memref<64x8x64xf32, #tpu.memory_space<vmem>>, vector<16xf32>,
        %add3A_2186 = arith.constant 9216 : i32
        %add3A_2187 = vector.broadcast %add3A_2186 : i32 to vector<16xi32>
        %add3A_2188 = arith.addi %get3A_1979, %add3A_2187 : vector<16xi32>
        %gather3A_2189 = tpu.vector_load_idx %arg6[%add3A_2188] : memref<32768xf32, #tpu.memory_space<vmem>>[vector<16xi32>], vector<16xf32>,
        %swap3A_2190 = arith.constant 18 : i32
        %swap3A_2191 = arith.index_cast %swap3A_2190 : i32 to index
        %swap3A_2192 = arith.index_cast %select_n3A_2005 : i32 to index
        %swap3A_2193 = arith.index_cast %mul3A_2023 : i32 to index
        %swap3A_2194 = tpu.vector_load %arg9[%swap3A_2191, %swap3A_2192, %swap3A_2193] {strides = array<i32>} : memref<64x8x64xf32, #tpu.memory_space<vmem>>, vector<16xf32>,
        tpu.vector_store %arg9[%swap3A_2191, %swap3A_2192, %swap3A_2193], %gather3A_2189 {strides = array<i32>} : memref<64x8x64xf32, #tpu.memory_space<vmem>>, vector<16xf32>,
        %add3A_2195 = arith.constant 9728 : i32
        %add3A_2196 = vector.broadcast %add3A_2195 : i32 to vector<16xi32>
        %add3A_2197 = arith.addi %get3A_1979, %add3A_2196 : vector<16xi32>
        %gather3A_2198 = tpu.vector_load_idx %arg6[%add3A_2197] : memref<32768xf32, #tpu.memory_space<vmem>>[vector<16xi32>], vector<16xf32>,
        %swap3A_2199 = arith.constant 19 : i32
        %swap3A_2200 = arith.index_cast %swap3A_2199 : i32 to index
        %swap3A_2201 = arith.index_cast %select_n3A_2005 : i32 to index
        %swap3A_2202 = arith.index_cast %mul3A_2023 : i32 to index
        %swap3A_2203 = tpu.vector_load %arg9[%swap3A_2200, %swap3A_2201, %swap3A_2202] {strides = array<i32>} : memref<64x8x64xf32, #tpu.memory_space<vmem>>, vector<16xf32>,
        tpu.vector_store %arg9[%swap3A_2200, %swap3A_2201, %swap3A_2202], %gather3A_2198 {strides = array<i32>} : memref<64x8x64xf32, #tpu.memory_space<vmem>>, vector<16xf32>,
        %add3A_2204 = arith.constant 10240 : i32
        %add3A_2205 = vector.broadcast %add3A_2204 : i32 to vector<16xi32>
        %add3A_2206 = arith.addi %get3A_1979, %add3A_2205 : vector<16xi32>
        %gather3A_2207 = tpu.vector_load_idx %arg6[%add3A_2206] : memref<32768xf32, #tpu.memory_space<vmem>>[vector<16xi32>], vector<16xf32>,
        %swap3A_2208 = arith.constant 20 : i32
        %swap3A_2209 = arith.index_cast %swap3A_2208 : i32 to index
        %swap3A_2210 = arith.index_cast %select_n3A_2005 : i32 to index
        %swap3A_2211 = arith.index_cast %mul3A_2023 : i32 to index
        %swap3A_2212 = tpu.vector_load %arg9[%swap3A_2209, %swap3A_2210, %swap3A_2211] {strides = array<i32>} : memref<64x8x64xf32, #tpu.memory_space<vmem>>, vector<16xf32>,
        tpu.vector_store %arg9[%swap3A_2209, %swap3A_2210, %swap3A_2211], %gather3A_2207 {strides = array<i32>} : memref<64x8x64xf32, #tpu.memory_space<vmem>>, vector<16xf32>,
        %add3A_2213 = arith.constant 10752 : i32
        %add3A_2214 = vector.broadcast %add3A_2213 : i32 to vector<16xi32>
        %add3A_2215 = arith.addi %get3A_1979, %add3A_2214 : vector<16xi32>
        %gather3A_2216 = tpu.vector_load_idx %arg6[%add3A_2215] : memref<32768xf32, #tpu.memory_space<vmem>>[vector<16xi32>], vector<16xf32>,
        %swap3A_2217 = arith.constant 21 : i32
        %swap3A_2218 = arith.index_cast %swap3A_2217 : i32 to index
        %swap3A_2219 = arith.index_cast %select_n3A_2005 : i32 to index
        %swap3A_2220 = arith.index_cast %mul3A_2023 : i32 to index
        %swap3A_2221 = tpu.vector_load %arg9[%swap3A_2218, %swap3A_2219, %swap3A_2220] {strides = array<i32>} : memref<64x8x64xf32, #tpu.memory_space<vmem>>, vector<16xf32>,
        tpu.vector_store %arg9[%swap3A_2218, %swap3A_2219, %swap3A_2220], %gather3A_2216 {strides = array<i32>} : memref<64x8x64xf32, #tpu.memory_space<vmem>>, vector<16xf32>,
        %add3A_2222 = arith.constant 11264 : i32
        %add3A_2223 = vector.broadcast %add3A_2222 : i32 to vector<16xi32>
        %add3A_2224 = arith.addi %get3A_1979, %add3A_2223 : vector<16xi32>
        %gather3A_2225 = tpu.vector_load_idx %arg6[%add3A_2224] : memref<32768xf32, #tpu.memory_space<vmem>>[vector<16xi32>], vector<16xf32>,
        %swap3A_2226 = arith.constant 22 : i32
        %swap3A_2227 = arith.index_cast %swap3A_2226 : i32 to index
        %swap3A_2228 = arith.index_cast %select_n3A_2005 : i32 to index
        %swap3A_2229 = arith.index_cast %mul3A_2023 : i32 to index
        %swap3A_2230 = tpu.vector_load %arg9[%swap3A_2227, %swap3A_2228, %swap3A_2229] {strides = array<i32>} : memref<64x8x64xf32, #tpu.memory_space<vmem>>, vector<16xf32>,
        tpu.vector_store %arg9[%swap3A_2227, %swap3A_2228, %swap3A_2229], %gather3A_2225 {strides = array<i32>} : memref<64x8x64xf32, #tpu.memory_space<vmem>>, vector<16xf32>,
        %add3A_2231 = arith.constant 11776 : i32
        %add3A_2232 = vector.broadcast %add3A_2231 : i32 to vector<16xi32>
        %add3A_2233 = arith.addi %get3A_1979, %add3A_2232 : vector<16xi32>
        %gather3A_2234 = tpu.vector_load_idx %arg6[%add3A_2233] : memref<32768xf32, #tpu.memory_space<vmem>>[vector<16xi32>], vector<16xf32>,
        %swap3A_2235 = arith.constant 23 : i32
        %swap3A_2236 = arith.index_cast %swap3A_2235 : i32 to index
        %swap3A_2237 = arith.index_cast %select_n3A_2005 : i32 to index
        %swap3A_2238 = arith.index_cast %mul3A_2023 : i32 to index
        %swap3A_2239 = tpu.vector_load %arg9[%swap3A_2236, %swap3A_2237, %swap3A_2238] {strides = array<i32>} : memref<64x8x64xf32, #tpu.memory_space<vmem>>, vector<16xf32>,
        tpu.vector_store %arg9[%swap3A_2236, %swap3A_2237, %swap3A_2238], %gather3A_2234 {strides = array<i32>} : memref<64x8x64xf32, #tpu.memory_space<vmem>>, vector<16xf32>,
        %add3A_2240 = arith.constant 12288 : i32
        %add3A_2241 = vector.broadcast %add3A_2240 : i32 to vector<16xi32>
        %add3A_2242 = arith.addi %get3A_1979, %add3A_2241 : vector<16xi32>
        %gather3A_2243 = tpu.vector_load_idx %arg6[%add3A_2242] : memref<32768xf32, #tpu.memory_space<vmem>>[vector<16xi32>], vector<16xf32>,
        %swap3A_2244 = arith.constant 24 : i32
        %swap3A_2245 = arith.index_cast %swap3A_2244 : i32 to index
        %swap3A_2246 = arith.index_cast %select_n3A_2005 : i32 to index
        %swap3A_2247 = arith.index_cast %mul3A_2023 : i32 to index
        %swap3A_2248 = tpu.vector_load %arg9[%swap3A_2245, %swap3A_2246, %swap3A_2247] {strides = array<i32>} : memref<64x8x64xf32, #tpu.memory_space<vmem>>, vector<16xf32>,
        tpu.vector_store %arg9[%swap3A_2245, %swap3A_2246, %swap3A_2247], %gather3A_2243 {strides = array<i32>} : memref<64x8x64xf32, #tpu.memory_space<vmem>>, vector<16xf32>,
        %add3A_2249 = arith.constant 12800 : i32
        %add3A_2250 = vector.broadcast %add3A_2249 : i32 to vector<16xi32>
        %add3A_2251 = arith.addi %get3A_1979, %add3A_2250 : vector<16xi32>
        %gather3A_2252 = tpu.vector_load_idx %arg6[%add3A_2251] : memref<32768xf32, #tpu.memory_space<vmem>>[vector<16xi32>], vector<16xf32>,
        %swap3A_2253 = arith.constant 25 : i32
        %swap3A_2254 = arith.index_cast %swap3A_2253 : i32 to index
        %swap3A_2255 = arith.index_cast %select_n3A_2005 : i32 to index
        %swap3A_2256 = arith.index_cast %mul3A_2023 : i32 to index
        %swap3A_2257 = tpu.vector_load %arg9[%swap3A_2254, %swap3A_2255, %swap3A_2256] {strides = array<i32>} : memref<64x8x64xf32, #tpu.memory_space<vmem>>, vector<16xf32>,
        tpu.vector_store %arg9[%swap3A_2254, %swap3A_2255, %swap3A_2256], %gather3A_2252 {strides = array<i32>} : memref<64x8x64xf32, #tpu.memory_space<vmem>>, vector<16xf32>,
        %add3A_2258 = arith.constant 13312 : i32
        %add3A_2259 = vector.broadcast %add3A_2258 : i32 to vector<16xi32>
        %add3A_2260 = arith.addi %get3A_1979, %add3A_2259 : vector<16xi32>
        %gather3A_2261 = tpu.vector_load_idx %arg6[%add3A_2260] : memref<32768xf32, #tpu.memory_space<vmem>>[vector<16xi32>], vector<16xf32>,
        %swap3A_2262 = arith.constant 26 : i32
        %swap3A_2263 = arith.index_cast %swap3A_2262 : i32 to index
        %swap3A_2264 = arith.index_cast %select_n3A_2005 : i32 to index
        %swap3A_2265 = arith.index_cast %mul3A_2023 : i32 to index
        %swap3A_2266 = tpu.vector_load %arg9[%swap3A_2263, %swap3A_2264, %swap3A_2265] {strides = array<i32>} : memref<64x8x64xf32, #tpu.memory_space<vmem>>, vector<16xf32>,
        tpu.vector_store %arg9[%swap3A_2263, %swap3A_2264, %swap3A_2265], %gather3A_2261 {strides = array<i32>} : memref<64x8x64xf32, #tpu.memory_space<vmem>>, vector<16xf32>,
        %add3A_2267 = arith.constant 13824 : i32
        %add3A_2268 = vector.broadcast %add3A_2267 : i32 to vector<16xi32>
        %add3A_2269 = arith.addi %get3A_1979, %add3A_2268 : vector<16xi32>
        %gather3A_2270 = tpu.vector_load_idx %arg6[%add3A_2269] : memref<32768xf32, #tpu.memory_space<vmem>>[vector<16xi32>], vector<16xf32>,
        %swap3A_2271 = arith.constant 27 : i32
        %swap3A_2272 = arith.index_cast %swap3A_2271 : i32 to index
        %swap3A_2273 = arith.index_cast %select_n3A_2005 : i32 to index
        %swap3A_2274 = arith.index_cast %mul3A_2023 : i32 to index
        %swap3A_2275 = tpu.vector_load %arg9[%swap3A_2272, %swap3A_2273, %swap3A_2274] {strides = array<i32>} : memref<64x8x64xf32, #tpu.memory_space<vmem>>, vector<16xf32>,
        tpu.vector_store %arg9[%swap3A_2272, %swap3A_2273, %swap3A_2274], %gather3A_2270 {strides = array<i32>} : memref<64x8x64xf32, #tpu.memory_space<vmem>>, vector<16xf32>,
        %add3A_2276 = arith.constant 14336 : i32
        %add3A_2277 = vector.broadcast %add3A_2276 : i32 to vector<16xi32>
        %add3A_2278 = arith.addi %get3A_1979, %add3A_2277 : vector<16xi32>
        %gather3A_2279 = tpu.vector_load_idx %arg6[%add3A_2278] : memref<32768xf32, #tpu.memory_space<vmem>>[vector<16xi32>], vector<16xf32>,
        %swap3A_2280 = arith.constant 28 : i32
        %swap3A_2281 = arith.index_cast %swap3A_2280 : i32 to index
        %swap3A_2282 = arith.index_cast %select_n3A_2005 : i32 to index
        %swap3A_2283 = arith.index_cast %mul3A_2023 : i32 to index
        %swap3A_2284 = tpu.vector_load %arg9[%swap3A_2281, %swap3A_2282, %swap3A_2283] {strides = array<i32>} : memref<64x8x64xf32, #tpu.memory_space<vmem>>, vector<16xf32>,
        tpu.vector_store %arg9[%swap3A_2281, %swap3A_2282, %swap3A_2283], %gather3A_2279 {strides = array<i32>} : memref<64x8x64xf32, #tpu.memory_space<vmem>>, vector<16xf32>,
        %add3A_2285 = arith.constant 14848 : i32
        %add3A_2286 = vector.broadcast %add3A_2285 : i32 to vector<16xi32>
        %add3A_2287 = arith.addi %get3A_1979, %add3A_2286 : vector<16xi32>
        %gather3A_2288 = tpu.vector_load_idx %arg6[%add3A_2287] : memref<32768xf32, #tpu.memory_space<vmem>>[vector<16xi32>], vector<16xf32>,
        %swap3A_2289 = arith.constant 29 : i32
        %swap3A_2290 = arith.index_cast %swap3A_2289 : i32 to index
        %swap3A_2291 = arith.index_cast %select_n3A_2005 : i32 to index
        %swap3A_2292 = arith.index_cast %mul3A_2023 : i32 to index
        %swap3A_2293 = tpu.vector_load %arg9[%swap3A_2290, %swap3A_2291, %swap3A_2292] {strides = array<i32>} : memref<64x8x64xf32, #tpu.memory_space<vmem>>, vector<16xf32>,
        tpu.vector_store %arg9[%swap3A_2290, %swap3A_2291, %swap3A_2292], %gather3A_2288 {strides = array<i32>} : memref<64x8x64xf32, #tpu.memory_space<vmem>>, vector<16xf32>,
        %add3A_2294 = arith.constant 15360 : i32
        %add3A_2295 = vector.broadcast %add3A_2294 : i32 to vector<16xi32>
        %add3A_2296 = arith.addi %get3A_1979, %add3A_2295 : vector<16xi32>
        %gather3A_2297 = tpu.vector_load_idx %arg6[%add3A_2296] : memref<32768xf32, #tpu.memory_space<vmem>>[vector<16xi32>], vector<16xf32>,
        %swap3A_2298 = arith.constant 30 : i32
        %swap3A_2299 = arith.index_cast %swap3A_2298 : i32 to index
        %swap3A_2300 = arith.index_cast %select_n3A_2005 : i32 to index
        %swap3A_2301 = arith.index_cast %mul3A_2023 : i32 to index
        %swap3A_2302 = tpu.vector_load %arg9[%swap3A_2299, %swap3A_2300, %swap3A_2301] {strides = array<i32>} : memref<64x8x64xf32, #tpu.memory_space<vmem>>, vector<16xf32>,
        tpu.vector_store %arg9[%swap3A_2299, %swap3A_2300, %swap3A_2301], %gather3A_2297 {strides = array<i32>} : memref<64x8x64xf32, #tpu.memory_space<vmem>>, vector<16xf32>,
        %add3A_2303 = arith.constant 15872 : i32
        %add3A_2304 = vector.broadcast %add3A_2303 : i32 to vector<16xi32>
        %add3A_2305 = arith.addi %get3A_1979, %add3A_2304 : vector<16xi32>
        %gather3A_2306 = tpu.vector_load_idx %arg6[%add3A_2305] : memref<32768xf32, #tpu.memory_space<vmem>>[vector<16xi32>], vector<16xf32>,
        %swap3A_2307 = arith.constant 31 : i32
        %swap3A_2308 = arith.index_cast %swap3A_2307 : i32 to index
        %swap3A_2309 = arith.index_cast %select_n3A_2005 : i32 to index
        %swap3A_2310 = arith.index_cast %mul3A_2023 : i32 to index
        %swap3A_2311 = tpu.vector_load %arg9[%swap3A_2308, %swap3A_2309, %swap3A_2310] {strides = array<i32>} : memref<64x8x64xf32, #tpu.memory_space<vmem>>, vector<16xf32>,
        tpu.vector_store %arg9[%swap3A_2308, %swap3A_2309, %swap3A_2310], %gather3A_2306 {strides = array<i32>} : memref<64x8x64xf32, #tpu.memory_space<vmem>>, vector<16xf32>,
        %add3A_2312 = arith.constant 16384 : i32
        %add3A_2313 = vector.broadcast %add3A_2312 : i32 to vector<16xi32>
        %add3A_2314 = arith.addi %get3A_1981, %add3A_2313 : vector<16xi32>
        %gather3A_2315 = tpu.vector_load_idx %arg6[%add3A_2314] : memref<32768xf32, #tpu.memory_space<vmem>>[vector<16xi32>], vector<16xf32>,
        %swap3A_2316 = arith.constant 32 : i32
        %swap3A_2317 = arith.index_cast %swap3A_2316 : i32 to index
        %swap3A_2318 = arith.index_cast %select_n3A_2005 : i32 to index
        %swap3A_2319 = arith.index_cast %mul3A_2023 : i32 to index
        %swap3A_2320 = tpu.vector_load %arg9[%swap3A_2317, %swap3A_2318, %swap3A_2319] {strides = array<i32>} : memref<64x8x64xf32, #tpu.memory_space<vmem>>, vector<16xf32>,
        tpu.vector_store %arg9[%swap3A_2317, %swap3A_2318, %swap3A_2319], %gather3A_2315 {strides = array<i32>} : memref<64x8x64xf32, #tpu.memory_space<vmem>>, vector<16xf32>,
        %add3A_2321 = arith.constant 16896 : i32
        %add3A_2322 = vector.broadcast %add3A_2321 : i32 to vector<16xi32>
        %add3A_2323 = arith.addi %get3A_1981, %add3A_2322 : vector<16xi32>
        %gather3A_2324 = tpu.vector_load_idx %arg6[%add3A_2323] : memref<32768xf32, #tpu.memory_space<vmem>>[vector<16xi32>], vector<16xf32>,
        %swap3A_2325 = arith.constant 33 : i32
        %swap3A_2326 = arith.index_cast %swap3A_2325 : i32 to index
        %swap3A_2327 = arith.index_cast %select_n3A_2005 : i32 to index
        %swap3A_2328 = arith.index_cast %mul3A_2023 : i32 to index
        %swap3A_2329 = tpu.vector_load %arg9[%swap3A_2326, %swap3A_2327, %swap3A_2328] {strides = array<i32>} : memref<64x8x64xf32, #tpu.memory_space<vmem>>, vector<16xf32>,
        tpu.vector_store %arg9[%swap3A_2326, %swap3A_2327, %swap3A_2328], %gather3A_2324 {strides = array<i32>} : memref<64x8x64xf32, #tpu.memory_space<vmem>>, vector<16xf32>,
        %add3A_2330 = arith.constant 17408 : i32
        %add3A_2331 = vector.broadcast %add3A_2330 : i32 to vector<16xi32>
        %add3A_2332 = arith.addi %get3A_1981, %add3A_2331 : vector<16xi32>
        %gather3A_2333 = tpu.vector_load_idx %arg6[%add3A_2332] : memref<32768xf32, #tpu.memory_space<vmem>>[vector<16xi32>], vector<16xf32>,
        %swap3A_2334 = arith.constant 34 : i32
        %swap3A_2335 = arith.index_cast %swap3A_2334 : i32 to index
        %swap3A_2336 = arith.index_cast %select_n3A_2005 : i32 to index
        %swap3A_2337 = arith.index_cast %mul3A_2023 : i32 to index
        %swap3A_2338 = tpu.vector_load %arg9[%swap3A_2335, %swap3A_2336, %swap3A_2337] {strides = array<i32>} : memref<64x8x64xf32, #tpu.memory_space<vmem>>, vector<16xf32>,
        tpu.vector_store %arg9[%swap3A_2335, %swap3A_2336, %swap3A_2337], %gather3A_2333 {strides = array<i32>} : memref<64x8x64xf32, #tpu.memory_space<vmem>>, vector<16xf32>,
        %add3A_2339 = arith.constant 17920 : i32
        %add3A_2340 = vector.broadcast %add3A_2339 : i32 to vector<16xi32>
        %add3A_2341 = arith.addi %get3A_1981, %add3A_2340 : vector<16xi32>
        %gather3A_2342 = tpu.vector_load_idx %arg6[%add3A_2341] : memref<32768xf32, #tpu.memory_space<vmem>>[vector<16xi32>], vector<16xf32>,
        %swap3A_2343 = arith.constant 35 : i32
        %swap3A_2344 = arith.index_cast %swap3A_2343 : i32 to index
        %swap3A_2345 = arith.index_cast %select_n3A_2005 : i32 to index
        %swap3A_2346 = arith.index_cast %mul3A_2023 : i32 to index
        %swap3A_2347 = tpu.vector_load %arg9[%swap3A_2344, %swap3A_2345, %swap3A_2346] {strides = array<i32>} : memref<64x8x64xf32, #tpu.memory_space<vmem>>, vector<16xf32>,
        tpu.vector_store %arg9[%swap3A_2344, %swap3A_2345, %swap3A_2346], %gather3A_2342 {strides = array<i32>} : memref<64x8x64xf32, #tpu.memory_space<vmem>>, vector<16xf32>,
        %add3A_2348 = arith.constant 18432 : i32
        %add3A_2349 = vector.broadcast %add3A_2348 : i32 to vector<16xi32>
        %add3A_2350 = arith.addi %get3A_1981, %add3A_2349 : vector<16xi32>
        %gather3A_2351 = tpu.vector_load_idx %arg6[%add3A_2350] : memref<32768xf32, #tpu.memory_space<vmem>>[vector<16xi32>], vector<16xf32>,
        %swap3A_2352 = arith.constant 36 : i32
        %swap3A_2353 = arith.index_cast %swap3A_2352 : i32 to index
        %swap3A_2354 = arith.index_cast %select_n3A_2005 : i32 to index
        %swap3A_2355 = arith.index_cast %mul3A_2023 : i32 to index
        %swap3A_2356 = tpu.vector_load %arg9[%swap3A_2353, %swap3A_2354, %swap3A_2355] {strides = array<i32>} : memref<64x8x64xf32, #tpu.memory_space<vmem>>, vector<16xf32>,
        tpu.vector_store %arg9[%swap3A_2353, %swap3A_2354, %swap3A_2355], %gather3A_2351 {strides = array<i32>} : memref<64x8x64xf32, #tpu.memory_space<vmem>>, vector<16xf32>,
        %add3A_2357 = arith.constant 18944 : i32
        %add3A_2358 = vector.broadcast %add3A_2357 : i32 to vector<16xi32>
        %add3A_2359 = arith.addi %get3A_1981, %add3A_2358 : vector<16xi32>
        %gather3A_2360 = tpu.vector_load_idx %arg6[%add3A_2359] : memref<32768xf32, #tpu.memory_space<vmem>>[vector<16xi32>], vector<16xf32>,
        %swap3A_2361 = arith.constant 37 : i32
        %swap3A_2362 = arith.index_cast %swap3A_2361 : i32 to index
        %swap3A_2363 = arith.index_cast %select_n3A_2005 : i32 to index
        %swap3A_2364 = arith.index_cast %mul3A_2023 : i32 to index
        %swap3A_2365 = tpu.vector_load %arg9[%swap3A_2362, %swap3A_2363, %swap3A_2364] {strides = array<i32>} : memref<64x8x64xf32, #tpu.memory_space<vmem>>, vector<16xf32>,
        tpu.vector_store %arg9[%swap3A_2362, %swap3A_2363, %swap3A_2364], %gather3A_2360 {strides = array<i32>} : memref<64x8x64xf32, #tpu.memory_space<vmem>>, vector<16xf32>,
        %add3A_2366 = arith.constant 19456 : i32
        %add3A_2367 = vector.broadcast %add3A_2366 : i32 to vector<16xi32>
        %add3A_2368 = arith.addi %get3A_1981, %add3A_2367 : vector<16xi32>
        %gather3A_2369 = tpu.vector_load_idx %arg6[%add3A_2368] : memref<32768xf32, #tpu.memory_space<vmem>>[vector<16xi32>], vector<16xf32>,
        %swap3A_2370 = arith.constant 38 : i32
        %swap3A_2371 = arith.index_cast %swap3A_2370 : i32 to index
        %swap3A_2372 = arith.index_cast %select_n3A_2005 : i32 to index
        %swap3A_2373 = arith.index_cast %mul3A_2023 : i32 to index
        %swap3A_2374 = tpu.vector_load %arg9[%swap3A_2371, %swap3A_2372, %swap3A_2373] {strides = array<i32>} : memref<64x8x64xf32, #tpu.memory_space<vmem>>, vector<16xf32>,
        tpu.vector_store %arg9[%swap3A_2371, %swap3A_2372, %swap3A_2373], %gather3A_2369 {strides = array<i32>} : memref<64x8x64xf32, #tpu.memory_space<vmem>>, vector<16xf32>,
        %add3A_2375 = arith.constant 19968 : i32
        %add3A_2376 = vector.broadcast %add3A_2375 : i32 to vector<16xi32>
        %add3A_2377 = arith.addi %get3A_1981, %add3A_2376 : vector<16xi32>
        %gather3A_2378 = tpu.vector_load_idx %arg6[%add3A_2377] : memref<32768xf32, #tpu.memory_space<vmem>>[vector<16xi32>], vector<16xf32>,
        %swap3A_2379 = arith.constant 39 : i32
        %swap3A_2380 = arith.index_cast %swap3A_2379 : i32 to index
        %swap3A_2381 = arith.index_cast %select_n3A_2005 : i32 to index
        %swap3A_2382 = arith.index_cast %mul3A_2023 : i32 to index
        %swap3A_2383 = tpu.vector_load %arg9[%swap3A_2380, %swap3A_2381, %swap3A_2382] {strides = array<i32>} : memref<64x8x64xf32, #tpu.memory_space<vmem>>, vector<16xf32>,
        tpu.vector_store %arg9[%swap3A_2380, %swap3A_2381, %swap3A_2382], %gather3A_2378 {strides = array<i32>} : memref<64x8x64xf32, #tpu.memory_space<vmem>>, vector<16xf32>,
        %add3A_2384 = arith.constant 20480 : i32
        %add3A_2385 = vector.broadcast %add3A_2384 : i32 to vector<16xi32>
        %add3A_2386 = arith.addi %get3A_1981, %add3A_2385 : vector<16xi32>
        %gather3A_2387 = tpu.vector_load_idx %arg6[%add3A_2386] : memref<32768xf32, #tpu.memory_space<vmem>>[vector<16xi32>], vector<16xf32>,
        %swap3A_2388 = arith.constant 40 : i32
        %swap3A_2389 = arith.index_cast %swap3A_2388 : i32 to index
        %swap3A_2390 = arith.index_cast %select_n3A_2005 : i32 to index
        %swap3A_2391 = arith.index_cast %mul3A_2023 : i32 to index
        %swap3A_2392 = tpu.vector_load %arg9[%swap3A_2389, %swap3A_2390, %swap3A_2391] {strides = array<i32>} : memref<64x8x64xf32, #tpu.memory_space<vmem>>, vector<16xf32>,
        tpu.vector_store %arg9[%swap3A_2389, %swap3A_2390, %swap3A_2391], %gather3A_2387 {strides = array<i32>} : memref<64x8x64xf32, #tpu.memory_space<vmem>>, vector<16xf32>,
        %add3A_2393 = arith.constant 20992 : i32
        %add3A_2394 = vector.broadcast %add3A_2393 : i32 to vector<16xi32>
        %add3A_2395 = arith.addi %get3A_1981, %add3A_2394 : vector<16xi32>
        %gather3A_2396 = tpu.vector_load_idx %arg6[%add3A_2395] : memref<32768xf32, #tpu.memory_space<vmem>>[vector<16xi32>], vector<16xf32>,
        %swap3A_2397 = arith.constant 41 : i32
        %swap3A_2398 = arith.index_cast %swap3A_2397 : i32 to index
        %swap3A_2399 = arith.index_cast %select_n3A_2005 : i32 to index
        %swap3A_2400 = arith.index_cast %mul3A_2023 : i32 to index
        %swap3A_2401 = tpu.vector_load %arg9[%swap3A_2398, %swap3A_2399, %swap3A_2400] {strides = array<i32>} : memref<64x8x64xf32, #tpu.memory_space<vmem>>, vector<16xf32>,
        tpu.vector_store %arg9[%swap3A_2398, %swap3A_2399, %swap3A_2400], %gather3A_2396 {strides = array<i32>} : memref<64x8x64xf32, #tpu.memory_space<vmem>>, vector<16xf32>,
        %add3A_2402 = arith.constant 21504 : i32
        %add3A_2403 = vector.broadcast %add3A_2402 : i32 to vector<16xi32>
        %add3A_2404 = arith.addi %get3A_1981, %add3A_2403 : vector<16xi32>
        %gather3A_2405 = tpu.vector_load_idx %arg6[%add3A_2404] : memref<32768xf32, #tpu.memory_space<vmem>>[vector<16xi32>], vector<16xf32>,
        %swap3A_2406 = arith.constant 42 : i32
        %swap3A_2407 = arith.index_cast %swap3A_2406 : i32 to index
        %swap3A_2408 = arith.index_cast %select_n3A_2005 : i32 to index
        %swap3A_2409 = arith.index_cast %mul3A_2023 : i32 to index
        %swap3A_2410 = tpu.vector_load %arg9[%swap3A_2407, %swap3A_2408, %swap3A_2409] {strides = array<i32>} : memref<64x8x64xf32, #tpu.memory_space<vmem>>, vector<16xf32>,
        tpu.vector_store %arg9[%swap3A_2407, %swap3A_2408, %swap3A_2409], %gather3A_2405 {strides = array<i32>} : memref<64x8x64xf32, #tpu.memory_space<vmem>>, vector<16xf32>,
        %add3A_2411 = arith.constant 22016 : i32
        %add3A_2412 = vector.broadcast %add3A_2411 : i32 to vector<16xi32>
        %add3A_2413 = arith.addi %get3A_1981, %add3A_2412 : vector<16xi32>
        %gather3A_2414 = tpu.vector_load_idx %arg6[%add3A_2413] : memref<32768xf32, #tpu.memory_space<vmem>>[vector<16xi32>], vector<16xf32>,
        %swap3A_2415 = arith.constant 43 : i32
        %swap3A_2416 = arith.index_cast %swap3A_2415 : i32 to index
        %swap3A_2417 = arith.index_cast %select_n3A_2005 : i32 to index
        %swap3A_2418 = arith.index_cast %mul3A_2023 : i32 to index
        %swap3A_2419 = tpu.vector_load %arg9[%swap3A_2416, %swap3A_2417, %swap3A_2418] {strides = array<i32>} : memref<64x8x64xf32, #tpu.memory_space<vmem>>, vector<16xf32>,
        tpu.vector_store %arg9[%swap3A_2416, %swap3A_2417, %swap3A_2418], %gather3A_2414 {strides = array<i32>} : memref<64x8x64xf32, #tpu.memory_space<vmem>>, vector<16xf32>,
        %add3A_2420 = arith.constant 22528 : i32
        %add3A_2421 = vector.broadcast %add3A_2420 : i32 to vector<16xi32>
        %add3A_2422 = arith.addi %get3A_1981, %add3A_2421 : vector<16xi32>
        %gather3A_2423 = tpu.vector_load_idx %arg6[%add3A_2422] : memref<32768xf32, #tpu.memory_space<vmem>>[vector<16xi32>], vector<16xf32>,
        %swap3A_2424 = arith.constant 44 : i32
        %swap3A_2425 = arith.index_cast %swap3A_2424 : i32 to index
        %swap3A_2426 = arith.index_cast %select_n3A_2005 : i32 to index
        %swap3A_2427 = arith.index_cast %mul3A_2023 : i32 to index
        %swap3A_2428 = tpu.vector_load %arg9[%swap3A_2425, %swap3A_2426, %swap3A_2427] {strides = array<i32>} : memref<64x8x64xf32, #tpu.memory_space<vmem>>, vector<16xf32>,
        tpu.vector_store %arg9[%swap3A_2425, %swap3A_2426, %swap3A_2427], %gather3A_2423 {strides = array<i32>} : memref<64x8x64xf32, #tpu.memory_space<vmem>>, vector<16xf32>,
        %add3A_2429 = arith.constant 23040 : i32
        %add3A_2430 = vector.broadcast %add3A_2429 : i32 to vector<16xi32>
        %add3A_2431 = arith.addi %get3A_1981, %add3A_2430 : vector<16xi32>
        %gather3A_2432 = tpu.vector_load_idx %arg6[%add3A_2431] : memref<32768xf32, #tpu.memory_space<vmem>>[vector<16xi32>], vector<16xf32>,
        %swap3A_2433 = arith.constant 45 : i32
        %swap3A_2434 = arith.index_cast %swap3A_2433 : i32 to index
        %swap3A_2435 = arith.index_cast %select_n3A_2005 : i32 to index
        %swap3A_2436 = arith.index_cast %mul3A_2023 : i32 to index
        %swap3A_2437 = tpu.vector_load %arg9[%swap3A_2434, %swap3A_2435, %swap3A_2436] {strides = array<i32>} : memref<64x8x64xf32, #tpu.memory_space<vmem>>, vector<16xf32>,
        tpu.vector_store %arg9[%swap3A_2434, %swap3A_2435, %swap3A_2436], %gather3A_2432 {strides = array<i32>} : memref<64x8x64xf32, #tpu.memory_space<vmem>>, vector<16xf32>,
        %add3A_2438 = arith.constant 23552 : i32
        %add3A_2439 = vector.broadcast %add3A_2438 : i32 to vector<16xi32>
        %add3A_2440 = arith.addi %get3A_1981, %add3A_2439 : vector<16xi32>
        %gather3A_2441 = tpu.vector_load_idx %arg6[%add3A_2440] : memref<32768xf32, #tpu.memory_space<vmem>>[vector<16xi32>], vector<16xf32>,
        %swap3A_2442 = arith.constant 46 : i32
        %swap3A_2443 = arith.index_cast %swap3A_2442 : i32 to index
        %swap3A_2444 = arith.index_cast %select_n3A_2005 : i32 to index
        %swap3A_2445 = arith.index_cast %mul3A_2023 : i32 to index
        %swap3A_2446 = tpu.vector_load %arg9[%swap3A_2443, %swap3A_2444, %swap3A_2445] {strides = array<i32>} : memref<64x8x64xf32, #tpu.memory_space<vmem>>, vector<16xf32>,
        tpu.vector_store %arg9[%swap3A_2443, %swap3A_2444, %swap3A_2445], %gather3A_2441 {strides = array<i32>} : memref<64x8x64xf32, #tpu.memory_space<vmem>>, vector<16xf32>,
        %add3A_2447 = arith.constant 24064 : i32
        %add3A_2448 = vector.broadcast %add3A_2447 : i32 to vector<16xi32>
        %add3A_2449 = arith.addi %get3A_1981, %add3A_2448 : vector<16xi32>
        %gather3A_2450 = tpu.vector_load_idx %arg6[%add3A_2449] : memref<32768xf32, #tpu.memory_space<vmem>>[vector<16xi32>], vector<16xf32>,
        %swap3A_2451 = arith.constant 47 : i32
        %swap3A_2452 = arith.index_cast %swap3A_2451 : i32 to index
        %swap3A_2453 = arith.index_cast %select_n3A_2005 : i32 to index
        %swap3A_2454 = arith.index_cast %mul3A_2023 : i32 to index
        %swap3A_2455 = tpu.vector_load %arg9[%swap3A_2452, %swap3A_2453, %swap3A_2454] {strides = array<i32>} : memref<64x8x64xf32, #tpu.memory_space<vmem>>, vector<16xf32>,
        tpu.vector_store %arg9[%swap3A_2452, %swap3A_2453, %swap3A_2454], %gather3A_2450 {strides = array<i32>} : memref<64x8x64xf32, #tpu.memory_space<vmem>>, vector<16xf32>,
        %add3A_2456 = arith.constant 24576 : i32
        %add3A_2457 = vector.broadcast %add3A_2456 : i32 to vector<16xi32>
        %add3A_2458 = arith.addi %get3A_1981, %add3A_2457 : vector<16xi32>
        %gather3A_2459 = tpu.vector_load_idx %arg6[%add3A_2458] : memref<32768xf32, #tpu.memory_space<vmem>>[vector<16xi32>], vector<16xf32>,
        %swap3A_2460 = arith.constant 48 : i32
        %swap3A_2461 = arith.index_cast %swap3A_2460 : i32 to index
        %swap3A_2462 = arith.index_cast %select_n3A_2005 : i32 to index
        %swap3A_2463 = arith.index_cast %mul3A_2023 : i32 to index
        %swap3A_2464 = tpu.vector_load %arg9[%swap3A_2461, %swap3A_2462, %swap3A_2463] {strides = array<i32>} : memref<64x8x64xf32, #tpu.memory_space<vmem>>, vector<16xf32>,
        tpu.vector_store %arg9[%swap3A_2461, %swap3A_2462, %swap3A_2463], %gather3A_2459 {strides = array<i32>} : memref<64x8x64xf32, #tpu.memory_space<vmem>>, vector<16xf32>,
        %add3A_2465 = arith.constant 25088 : i32
        %add3A_2466 = vector.broadcast %add3A_2465 : i32 to vector<16xi32>
        %add3A_2467 = arith.addi %get3A_1981, %add3A_2466 : vector<16xi32>
        %gather3A_2468 = tpu.vector_load_idx %arg6[%add3A_2467] : memref<32768xf32, #tpu.memory_space<vmem>>[vector<16xi32>], vector<16xf32>,
        %swap3A_2469 = arith.constant 49 : i32
        %swap3A_2470 = arith.index_cast %swap3A_2469 : i32 to index
        %swap3A_2471 = arith.index_cast %select_n3A_2005 : i32 to index
        %swap3A_2472 = arith.index_cast %mul3A_2023 : i32 to index
        %swap3A_2473 = tpu.vector_load %arg9[%swap3A_2470, %swap3A_2471, %swap3A_2472] {strides = array<i32>} : memref<64x8x64xf32, #tpu.memory_space<vmem>>, vector<16xf32>,
        tpu.vector_store %arg9[%swap3A_2470, %swap3A_2471, %swap3A_2472], %gather3A_2468 {strides = array<i32>} : memref<64x8x64xf32, #tpu.memory_space<vmem>>, vector<16xf32>,
        %add3A_2474 = arith.constant 25600 : i32
        %add3A_2475 = vector.broadcast %add3A_2474 : i32 to vector<16xi32>
        %add3A_2476 = arith.addi %get3A_1981, %add3A_2475 : vector<16xi32>
        %gather3A_2477 = tpu.vector_load_idx %arg6[%add3A_2476] : memref<32768xf32, #tpu.memory_space<vmem>>[vector<16xi32>], vector<16xf32>,
        %swap3A_2478 = arith.constant 50 : i32
        %swap3A_2479 = arith.index_cast %swap3A_2478 : i32 to index
        %swap3A_2480 = arith.index_cast %select_n3A_2005 : i32 to index
        %swap3A_2481 = arith.index_cast %mul3A_2023 : i32 to index
        %swap3A_2482 = tpu.vector_load %arg9[%swap3A_2479, %swap3A_2480, %swap3A_2481] {strides = array<i32>} : memref<64x8x64xf32, #tpu.memory_space<vmem>>, vector<16xf32>,
        tpu.vector_store %arg9[%swap3A_2479, %swap3A_2480, %swap3A_2481], %gather3A_2477 {strides = array<i32>} : memref<64x8x64xf32, #tpu.memory_space<vmem>>, vector<16xf32>,
        %add3A_2483 = arith.constant 26112 : i32
        %add3A_2484 = vector.broadcast %add3A_2483 : i32 to vector<16xi32>
        %add3A_2485 = arith.addi %get3A_1981, %add3A_2484 : vector<16xi32>
        %gather3A_2486 = tpu.vector_load_idx %arg6[%add3A_2485] : memref<32768xf32, #tpu.memory_space<vmem>>[vector<16xi32>], vector<16xf32>,
        %swap3A_2487 = arith.constant 51 : i32
        %swap3A_2488 = arith.index_cast %swap3A_2487 : i32 to index
        %swap3A_2489 = arith.index_cast %select_n3A_2005 : i32 to index
        %swap3A_2490 = arith.index_cast %mul3A_2023 : i32 to index
        %swap3A_2491 = tpu.vector_load %arg9[%swap3A_2488, %swap3A_2489, %swap3A_2490] {strides = array<i32>} : memref<64x8x64xf32, #tpu.memory_space<vmem>>, vector<16xf32>,
        tpu.vector_store %arg9[%swap3A_2488, %swap3A_2489, %swap3A_2490], %gather3A_2486 {strides = array<i32>} : memref<64x8x64xf32, #tpu.memory_space<vmem>>, vector<16xf32>,
        %add3A_2492 = arith.constant 26624 : i32
        %add3A_2493 = vector.broadcast %add3A_2492 : i32 to vector<16xi32>
        %add3A_2494 = arith.addi %get3A_1981, %add3A_2493 : vector<16xi32>
        %gather3A_2495 = tpu.vector_load_idx %arg6[%add3A_2494] : memref<32768xf32, #tpu.memory_space<vmem>>[vector<16xi32>], vector<16xf32>,
        %swap3A_2496 = arith.constant 52 : i32
        %swap3A_2497 = arith.index_cast %swap3A_2496 : i32 to index
        %swap3A_2498 = arith.index_cast %select_n3A_2005 : i32 to index
        %swap3A_2499 = arith.index_cast %mul3A_2023 : i32 to index
        %swap3A_2500 = tpu.vector_load %arg9[%swap3A_2497, %swap3A_2498, %swap3A_2499] {strides = array<i32>} : memref<64x8x64xf32, #tpu.memory_space<vmem>>, vector<16xf32>,
        tpu.vector_store %arg9[%swap3A_2497, %swap3A_2498, %swap3A_2499], %gather3A_2495 {strides = array<i32>} : memref<64x8x64xf32, #tpu.memory_space<vmem>>, vector<16xf32>,
        %add3A_2501 = arith.constant 27136 : i32
        %add3A_2502 = vector.broadcast %add3A_2501 : i32 to vector<16xi32>
        %add3A_2503 = arith.addi %get3A_1981, %add3A_2502 : vector<16xi32>
        %gather3A_2504 = tpu.vector_load_idx %arg6[%add3A_2503] : memref<32768xf32, #tpu.memory_space<vmem>>[vector<16xi32>], vector<16xf32>,
        %swap3A_2505 = arith.constant 53 : i32
        %swap3A_2506 = arith.index_cast %swap3A_2505 : i32 to index
        %swap3A_2507 = arith.index_cast %select_n3A_2005 : i32 to index
        %swap3A_2508 = arith.index_cast %mul3A_2023 : i32 to index
        %swap3A_2509 = tpu.vector_load %arg9[%swap3A_2506, %swap3A_2507, %swap3A_2508] {strides = array<i32>} : memref<64x8x64xf32, #tpu.memory_space<vmem>>, vector<16xf32>,
        tpu.vector_store %arg9[%swap3A_2506, %swap3A_2507, %swap3A_2508], %gather3A_2504 {strides = array<i32>} : memref<64x8x64xf32, #tpu.memory_space<vmem>>, vector<16xf32>,
        %add3A_2510 = arith.constant 27648 : i32
        %add3A_2511 = vector.broadcast %add3A_2510 : i32 to vector<16xi32>
        %add3A_2512 = arith.addi %get3A_1981, %add3A_2511 : vector<16xi32>
        %gather3A_2513 = tpu.vector_load_idx %arg6[%add3A_2512] : memref<32768xf32, #tpu.memory_space<vmem>>[vector<16xi32>], vector<16xf32>,
        %swap3A_2514 = arith.constant 54 : i32
        %swap3A_2515 = arith.index_cast %swap3A_2514 : i32 to index
        %swap3A_2516 = arith.index_cast %select_n3A_2005 : i32 to index
        %swap3A_2517 = arith.index_cast %mul3A_2023 : i32 to index
        %swap3A_2518 = tpu.vector_load %arg9[%swap3A_2515, %swap3A_2516, %swap3A_2517] {strides = array<i32>} : memref<64x8x64xf32, #tpu.memory_space<vmem>>, vector<16xf32>,
        tpu.vector_store %arg9[%swap3A_2515, %swap3A_2516, %swap3A_2517], %gather3A_2513 {strides = array<i32>} : memref<64x8x64xf32, #tpu.memory_space<vmem>>, vector<16xf32>,
        %add3A_2519 = arith.constant 28160 : i32
        %add3A_2520 = vector.broadcast %add3A_2519 : i32 to vector<16xi32>
        %add3A_2521 = arith.addi %get3A_1981, %add3A_2520 : vector<16xi32>
        %gather3A_2522 = tpu.vector_load_idx %arg6[%add3A_2521] : memref<32768xf32, #tpu.memory_space<vmem>>[vector<16xi32>], vector<16xf32>,
        %swap3A_2523 = arith.constant 55 : i32
        %swap3A_2524 = arith.index_cast %swap3A_2523 : i32 to index
        %swap3A_2525 = arith.index_cast %select_n3A_2005 : i32 to index
        %swap3A_2526 = arith.index_cast %mul3A_2023 : i32 to index
        %swap3A_2527 = tpu.vector_load %arg9[%swap3A_2524, %swap3A_2525, %swap3A_2526] {strides = array<i32>} : memref<64x8x64xf32, #tpu.memory_space<vmem>>, vector<16xf32>,
        tpu.vector_store %arg9[%swap3A_2524, %swap3A_2525, %swap3A_2526], %gather3A_2522 {strides = array<i32>} : memref<64x8x64xf32, #tpu.memory_space<vmem>>, vector<16xf32>,
        %add3A_2528 = arith.constant 28672 : i32
        %add3A_2529 = vector.broadcast %add3A_2528 : i32 to vector<16xi32>
        %add3A_2530 = arith.addi %get3A_1981, %add3A_2529 : vector<16xi32>
        %gather3A_2531 = tpu.vector_load_idx %arg6[%add3A_2530] : memref<32768xf32, #tpu.memory_space<vmem>>[vector<16xi32>], vector<16xf32>,
        %swap3A_2532 = arith.constant 56 : i32
        %swap3A_2533 = arith.index_cast %swap3A_2532 : i32 to index
        %swap3A_2534 = arith.index_cast %select_n3A_2005 : i32 to index
        %swap3A_2535 = arith.index_cast %mul3A_2023 : i32 to index
        %swap3A_2536 = tpu.vector_load %arg9[%swap3A_2533, %swap3A_2534, %swap3A_2535] {strides = array<i32>} : memref<64x8x64xf32, #tpu.memory_space<vmem>>, vector<16xf32>,
        tpu.vector_store %arg9[%swap3A_2533, %swap3A_2534, %swap3A_2535], %gather3A_2531 {strides = array<i32>} : memref<64x8x64xf32, #tpu.memory_space<vmem>>, vector<16xf32>,
        %add3A_2537 = arith.constant 29184 : i32
        %add3A_2538 = vector.broadcast %add3A_2537 : i32 to vector<16xi32>
        %add3A_2539 = arith.addi %get3A_1981, %add3A_2538 : vector<16xi32>
        %gather3A_2540 = tpu.vector_load_idx %arg6[%add3A_2539] : memref<32768xf32, #tpu.memory_space<vmem>>[vector<16xi32>], vector<16xf32>,
        %swap3A_2541 = arith.constant 57 : i32
        %swap3A_2542 = arith.index_cast %swap3A_2541 : i32 to index
        %swap3A_2543 = arith.index_cast %select_n3A_2005 : i32 to index
        %swap3A_2544 = arith.index_cast %mul3A_2023 : i32 to index
        %swap3A_2545 = tpu.vector_load %arg9[%swap3A_2542, %swap3A_2543, %swap3A_2544] {strides = array<i32>} : memref<64x8x64xf32, #tpu.memory_space<vmem>>, vector<16xf32>,
        tpu.vector_store %arg9[%swap3A_2542, %swap3A_2543, %swap3A_2544], %gather3A_2540 {strides = array<i32>} : memref<64x8x64xf32, #tpu.memory_space<vmem>>, vector<16xf32>,
        %add3A_2546 = arith.constant 29696 : i32
        %add3A_2547 = vector.broadcast %add3A_2546 : i32 to vector<16xi32>
        %add3A_2548 = arith.addi %get3A_1981, %add3A_2547 : vector<16xi32>
        %gather3A_2549 = tpu.vector_load_idx %arg6[%add3A_2548] : memref<32768xf32, #tpu.memory_space<vmem>>[vector<16xi32>], vector<16xf32>,
        %swap3A_2550 = arith.constant 58 : i32
        %swap3A_2551 = arith.index_cast %swap3A_2550 : i32 to index
        %swap3A_2552 = arith.index_cast %select_n3A_2005 : i32 to index
        %swap3A_2553 = arith.index_cast %mul3A_2023 : i32 to index
        %swap3A_2554 = tpu.vector_load %arg9[%swap3A_2551, %swap3A_2552, %swap3A_2553] {strides = array<i32>} : memref<64x8x64xf32, #tpu.memory_space<vmem>>, vector<16xf32>,
        tpu.vector_store %arg9[%swap3A_2551, %swap3A_2552, %swap3A_2553], %gather3A_2549 {strides = array<i32>} : memref<64x8x64xf32, #tpu.memory_space<vmem>>, vector<16xf32>,
        %add3A_2555 = arith.constant 30208 : i32
        %add3A_2556 = vector.broadcast %add3A_2555 : i32 to vector<16xi32>
        %add3A_2557 = arith.addi %get3A_1981, %add3A_2556 : vector<16xi32>
        %gather3A_2558 = tpu.vector_load_idx %arg6[%add3A_2557] : memref<32768xf32, #tpu.memory_space<vmem>>[vector<16xi32>], vector<16xf32>,
        %swap3A_2559 = arith.constant 59 : i32
        %swap3A_2560 = arith.index_cast %swap3A_2559 : i32 to index
        %swap3A_2561 = arith.index_cast %select_n3A_2005 : i32 to index
        %swap3A_2562 = arith.index_cast %mul3A_2023 : i32 to index
        %swap3A_2563 = tpu.vector_load %arg9[%swap3A_2560, %swap3A_2561, %swap3A_2562] {strides = array<i32>} : memref<64x8x64xf32, #tpu.memory_space<vmem>>, vector<16xf32>,
        tpu.vector_store %arg9[%swap3A_2560, %swap3A_2561, %swap3A_2562], %gather3A_2558 {strides = array<i32>} : memref<64x8x64xf32, #tpu.memory_space<vmem>>, vector<16xf32>,
        %add3A_2564 = arith.constant 30720 : i32
        %add3A_2565 = vector.broadcast %add3A_2564 : i32 to vector<16xi32>
        %add3A_2566 = arith.addi %get3A_1981, %add3A_2565 : vector<16xi32>
        %gather3A_2567 = tpu.vector_load_idx %arg6[%add3A_2566] : memref<32768xf32, #tpu.memory_space<vmem>>[vector<16xi32>], vector<16xf32>,
        %swap3A_2568 = arith.constant 60 : i32
        %swap3A_2569 = arith.index_cast %swap3A_2568 : i32 to index
        %swap3A_2570 = arith.index_cast %select_n3A_2005 : i32 to index
        %swap3A_2571 = arith.index_cast %mul3A_2023 : i32 to index
        %swap3A_2572 = tpu.vector_load %arg9[%swap3A_2569, %swap3A_2570, %swap3A_2571] {strides = array<i32>} : memref<64x8x64xf32, #tpu.memory_space<vmem>>, vector<16xf32>,
        tpu.vector_store %arg9[%swap3A_2569, %swap3A_2570, %swap3A_2571], %gather3A_2567 {strides = array<i32>} : memref<64x8x64xf32, #tpu.memory_space<vmem>>, vector<16xf32>,
        %add3A_2573 = arith.constant 31232 : i32
        %add3A_2574 = vector.broadcast %add3A_2573 : i32 to vector<16xi32>
        %add3A_2575 = arith.addi %get3A_1981, %add3A_2574 : vector<16xi32>
        %gather3A_2576 = tpu.vector_load_idx %arg6[%add3A_2575] : memref<32768xf32, #tpu.memory_space<vmem>>[vector<16xi32>], vector<16xf32>,
        %swap3A_2577 = arith.constant 61 : i32
        %swap3A_2578 = arith.index_cast %swap3A_2577 : i32 to index
        %swap3A_2579 = arith.index_cast %select_n3A_2005 : i32 to index
        %swap3A_2580 = arith.index_cast %mul3A_2023 : i32 to index
        %swap3A_2581 = tpu.vector_load %arg9[%swap3A_2578, %swap3A_2579, %swap3A_2580] {strides = array<i32>} : memref<64x8x64xf32, #tpu.memory_space<vmem>>, vector<16xf32>,
        tpu.vector_store %arg9[%swap3A_2578, %swap3A_2579, %swap3A_2580], %gather3A_2576 {strides = array<i32>} : memref<64x8x64xf32, #tpu.memory_space<vmem>>, vector<16xf32>,
        %add3A_2582 = arith.constant 31744 : i32
        %add3A_2583 = vector.broadcast %add3A_2582 : i32 to vector<16xi32>
        %add3A_2584 = arith.addi %get3A_1981, %add3A_2583 : vector<16xi32>
        %gather3A_2585 = tpu.vector_load_idx %arg6[%add3A_2584] : memref<32768xf32, #tpu.memory_space<vmem>>[vector<16xi32>], vector<16xf32>,
        %swap3A_2586 = arith.constant 62 : i32
        %swap3A_2587 = arith.index_cast %swap3A_2586 : i32 to index
        %swap3A_2588 = arith.index_cast %select_n3A_2005 : i32 to index
        %swap3A_2589 = arith.index_cast %mul3A_2023 : i32 to index
        %swap3A_2590 = tpu.vector_load %arg9[%swap3A_2587, %swap3A_2588, %swap3A_2589] {strides = array<i32>} : memref<64x8x64xf32, #tpu.memory_space<vmem>>, vector<16xf32>,
        tpu.vector_store %arg9[%swap3A_2587, %swap3A_2588, %swap3A_2589], %gather3A_2585 {strides = array<i32>} : memref<64x8x64xf32, #tpu.memory_space<vmem>>, vector<16xf32>,
        %add3A_2591 = arith.constant 32256 : i32
        %add3A_2592 = vector.broadcast %add3A_2591 : i32 to vector<16xi32>
        %add3A_2593 = arith.addi %get3A_1981, %add3A_2592 : vector<16xi32>
        %gather3A_2594 = tpu.vector_load_idx %arg6[%add3A_2593] : memref<32768xf32, #tpu.memory_space<vmem>>[vector<16xi32>], vector<16xf32>,
        %swap3A_2595 = arith.constant 63 : i32
        %swap3A_2596 = arith.index_cast %swap3A_2595 : i32 to index
        %swap3A_2597 = arith.index_cast %select_n3A_2005 : i32 to index
        %swap3A_2598 = arith.index_cast %mul3A_2023 : i32 to index
        %swap3A_2599 = tpu.vector_load %arg9[%swap3A_2596, %swap3A_2597, %swap3A_2598] {strides = array<i32>} : memref<64x8x64xf32, #tpu.memory_space<vmem>>, vector<16xf32>,
        tpu.vector_store %arg9[%swap3A_2596, %swap3A_2597, %swap3A_2598], %gather3A_2594 {strides = array<i32>} : memref<64x8x64xf32, #tpu.memory_space<vmem>>, vector<16xf32>,
        tpu.vector_store_idx %arg10[%get3A_1979], %broadcast_in_dim3A_35 {add = true} : memref<1024xf32, #tpu.memory_space<vmem>>[vector<16xi32>], vector<16xf32>,
        %add3A_2600 = arith.constant 512 : i32
        %add3A_2601 = vector.broadcast %add3A_2600 : i32 to vector<16xi32>
        %add3A_2602 = arith.addi %get3A_1981, %add3A_2601 : vector<16xi32>
        tpu.vector_store_idx %arg10[%add3A_2602], %broadcast_in_dim3A_35 {add = true} : memref<1024xf32, #tpu.memory_space<vmem>>[vector<16xi32>], vector<16xf32>,
        %scan3A_2603 = arith.constant 0 : i32
        scf.yield %scan3A_2603 : i32
      }
      %scan3A_61 = arith.constant 32 : i32
      %jit3A_62 = arith.constant 64 : i32
      %div3A_63 = arith.divsi %add3A_53, %jit3A_62 : i32
      %sign3A_64 = arith.constant 0 : i32
      %sign3A_65 = arith.cmpi sgt, %add3A_53, %sign3A_64 : i32
      %sign3A_66 = arith.extui %sign3A_65 : i1 to i32
      %sign3A_67 = arith.constant 0 : i32
      %sign3A_68 = arith.cmpi slt, %add3A_53, %sign3A_67 : i32
      %sign3A_69 = arith.extui %sign3A_68 : i1 to i32
      %sign3A_70 = arith.subi %sign3A_66, %sign3A_69 : i32
      %sign3A_71 = arith.constant 0 : i32
      %sign3A_72 = arith.cmpi sgt, %jit3A_62, %sign3A_71 : i32
      %sign3A_73 = arith.extui %sign3A_72 : i1 to i32
      %sign3A_74 = arith.constant 0 : i32
      %sign3A_75 = arith.cmpi slt, %jit3A_62, %sign3A_74 : i32
      %sign3A_76 = arith.extui %sign3A_75 : i1 to i32
      %sign3A_77 = arith.subi %sign3A_73, %sign3A_76 : i32
      %ne3A_78 = arith.cmpi ne, %sign3A_70, %sign3A_77 : i32
      %rem3A_79 = arith.remsi %add3A_53, %jit3A_62 : i32
      %ne3A_80 = arith.constant 0 : i32
      %ne3A_81 = arith.cmpi ne, %rem3A_79, %ne3A_80 : i32
      %and3A_82 = arith.andi %ne3A_78, %ne3A_81 : i1
      %sub3A_83 = arith.constant 1 : i32
      %sub3A_84 = arith.subi %div3A_63, %sub3A_83 : i32
      %select_n3A_85 = arith.select %and3A_82, %sub3A_84, %div3A_63 : i32
      %multiple_of3A = tpu.assume_multiple %select_n3A_85, 8 : i32
      "tpu.region"() ({
        %run_scoped3A_87 = tpu.sem_alloc : memref<!tpu.dma_semaphore, #tpu.memory_space<semaphore_mem>>
        %dma_start3A = arith.constant 0 : i32
        %dma_start3A_88 = arith.constant 0 : i32
        %dma_start3A_89 = tpu.memref_slice %arg4[%select_n3A, %dma_start3A, %multiple_of3A, %dma_start3A_88] : memref<8x64x64x64xf32, #tpu.memory_space<hbm>> -> memref<1x64x8x64xf32, #tpu.memory_space<hbm>>
        %dma_start3A_90 = tpu.memref_squeeze %dma_start3A_89 : memref<1x64x8x64xf32, #tpu.memory_space<hbm>> -> memref<64x8x64xf32, #tpu.memory_space<hbm>>
        %dma_start3A_91 = arith.constant 0 : i32
        %dma_start3A_92 = arith.constant 0 : i32
        %dma_start3A_93 = tpu.memref_slice %arg4[%select_n3A, %dma_start3A_91, %multiple_of3A, %dma_start3A_92] : memref<8x64x64x64xf32, #tpu.memory_space<hbm>> -> memref<1x64x8x64xf32, #tpu.memory_space<hbm>>
        %dma_start3A_94 = tpu.memref_squeeze %dma_start3A_93 : memref<1x64x8x64xf32, #tpu.memory_space<hbm>> -> memref<64x8x64xf32, #tpu.memory_space<hbm>>
        tpu.enqueue_dma source(%arg9 : memref<64x8x64xf32, #tpu.memory_space<vmem>>) target(%dma_start3A_94 : memref<64x8x64xf32, #tpu.memory_space<hbm>>) target_semaphore(%run_scoped3A_87 : memref<!tpu.dma_semaphore, #tpu.memory_space<semaphore_mem>>)
        %dma_wait3A = arith.constant 0 : i32
        %dma_wait3A_95 = arith.constant 0 : i32
        %dma_wait3A_96 = tpu.memref_slice %arg4[%select_n3A, %dma_wait3A, %multiple_of3A, %dma_wait3A_95] : memref<8x64x64x64xf32, #tpu.memory_space<hbm>> -> memref<1x64x8x64xf32, #tpu.memory_space<hbm>>
        %dma_wait3A_97 = tpu.memref_squeeze %dma_wait3A_96 : memref<1x64x8x64xf32, #tpu.memory_space<hbm>> -> memref<64x8x64xf32, #tpu.memory_space<hbm>>
        %dma_wait3A_98 = arith.constant 0 : i32
        %dma_wait3A_99 = arith.constant 0 : i32
        %dma_wait3A_100 = tpu.memref_slice %arg4[%select_n3A, %dma_wait3A_98, %multiple_of3A, %dma_wait3A_99] : memref<8x64x64x64xf32, #tpu.memory_space<hbm>> -> memref<1x64x8x64xf32, #tpu.memory_space<hbm>>
        %dma_wait3A_101 = tpu.memref_squeeze %dma_wait3A_100 : memref<1x64x8x64xf32, #tpu.memory_space<hbm>> -> memref<64x8x64xf32, #tpu.memory_space<hbm>>
        tpu.wait_dma2 semaphore(%run_scoped3A_87 : memref<!tpu.dma_semaphore, #tpu.memory_space<semaphore_mem>>) src(%arg9 : memref<64x8x64xf32, #tpu.memory_space<vmem>>) dst(%dma_wait3A_101 : memref<64x8x64xf32, #tpu.memory_space<hbm>>)
        tpu.yield
      }) : () -> ()
      %scan3A_86 = arith.constant 0 : i32
      scf.yield %scan3A_86 : i32
    }
    %scan3A_48 = arith.constant 2 : i32
    "tpu.region"() ({
      %run_scoped3A = tpu.sem_alloc : memref<!tpu.dma_semaphore, #tpu.memory_space<semaphore_mem>>
      %dma_start3A = arith.constant 0 : i32
      %dma_start3A_49 = tpu.memref_slice %arg5[%add3A, %dma_start3A] : memref<32x1024xf32, #tpu.memory_space<hbm>> -> memref<1x1024xf32, #tpu.memory_space<hbm>>
      %dma_start3A_50 = tpu.memref_squeeze %dma_start3A_49 : memref<1x1024xf32, #tpu.memory_space<hbm>> -> memref<1024xf32, #tpu.memory_space<hbm>>
      %dma_start3A_51 = arith.constant 0 : i32
      %dma_start3A_52 = tpu.memref_slice %arg5[%add3A, %dma_start3A_51] : memref<32x1024xf32, #tpu.memory_space<hbm>> -> memref<1x1024xf32, #tpu.memory_space<hbm>>
      %dma_start3A_53 = tpu.memref_squeeze %dma_start3A_52 : memref<1x1024xf32, #tpu.memory_space<hbm>> -> memref<1024xf32, #tpu.memory_space<hbm>>
      tpu.enqueue_dma source(%arg10 : memref<1024xf32, #tpu.memory_space<vmem>>) target(%dma_start3A_53 : memref<1024xf32, #tpu.memory_space<hbm>>) target_semaphore(%run_scoped3A : memref<!tpu.dma_semaphore, #tpu.memory_space<semaphore_mem>>)
      %dma_wait3A = arith.constant 0 : i32
      %dma_wait3A_54 = tpu.memref_slice %arg5[%add3A, %dma_wait3A] : memref<32x1024xf32, #tpu.memory_space<hbm>> -> memref<1x1024xf32, #tpu.memory_space<hbm>>
      %dma_wait3A_55 = tpu.memref_squeeze %dma_wait3A_54 : memref<1x1024xf32, #tpu.memory_space<hbm>> -> memref<1024xf32, #tpu.memory_space<hbm>>
      %dma_wait3A_56 = arith.constant 0 : i32
      %dma_wait3A_57 = tpu.memref_slice %arg5[%add3A, %dma_wait3A_56] : memref<32x1024xf32, #tpu.memory_space<hbm>> -> memref<1x1024xf32, #tpu.memory_space<hbm>>
      %dma_wait3A_58 = tpu.memref_squeeze %dma_wait3A_57 : memref<1x1024xf32, #tpu.memory_space<hbm>> -> memref<1024xf32, #tpu.memory_space<hbm>>
      tpu.wait_dma2 semaphore(%run_scoped3A : memref<!tpu.dma_semaphore, #tpu.memory_space<semaphore_mem>>) src(%arg10 : memref<1024xf32, #tpu.memory_space<vmem>>) dst(%dma_wait3A_58 : memref<1024xf32, #tpu.memory_space<hbm>>)
      tpu.yield
    }) : () -> ()
    return
  }
}

module attributes {stable_mosaic.version = 14 : i64} {
  func.func @_argmin_body(%arg0: i32, %arg1: i32, %arg2: memref<1x64x64x64xf32, #tpu.memory_space<vmem>>, %arg3: memref<2x512x32xf32, #tpu.memory_space<vmem>>, %arg4: memref<1x2x4096xi32, #tpu.memory_space<vmem>>, %arg5: memref<1x1xf32, #tpu.memory_space<vmem>>, %arg6: memref<1xf32, #tpu.memory_space<smem>>) attributes {dimension_semantics = [#tpu.dimension_semantics<arbitrary>, #tpu.dimension_semantics<arbitrary>], iteration_bounds = array<i64: 8, 1>, scalar_prefetch = 0 : i64, scratch_operands = 1 : i64, tpu.core_type = #tpu.core_type<tc>, window_params = [{transform_indices = @transform_0, window_bounds = array<i64: 1, 64, 64, 64>}, {pipeline_mode = #tpu.pipeline_mode<synchronous>, transform_indices = @transform_1, window_bounds = array<i64: 2, 512, 32>}, {transform_indices = @transform_2, window_bounds = array<i64: 1, 2, 4096>}, {pipeline_mode = #tpu.pipeline_mode<synchronous>, transform_indices = @transform_3, window_bounds = array<i64: 1, 1>}]} {
    %eq3A = arith.constant 0 : i32
    %eq3A_0 = arith.cmpi eq, %arg0, %eq3A : i32
    %eq3A_1 = arith.constant 0 : i32
    %eq3A_2 = arith.cmpi eq, %arg1, %eq3A_1 : i32
    %and3A = arith.andi %eq3A_0, %eq3A_2 : i1
    %eq3A_3 = arith.constant 7 : i32
    %eq3A_4 = arith.cmpi eq, %arg0, %eq3A_3 : i32
    %eq3A_5 = arith.constant 0 : i32
    %eq3A_6 = arith.cmpi eq, %arg1, %eq3A_5 : i32
    %and3A_7 = arith.andi %eq3A_4, %eq3A_6 : i1
    %convert_element_type3A = arith.extui %and3A : i1 to i32
    %cond3A = arith.constant 0 : i32
    %cond3A_8 = arith.cmpi ne, %convert_element_type3A, %cond3A : i32
    scf.if %cond3A_8 {
      %swap3A_97 = arith.constant 0.000000e+00 : f32
      %swap3A_98 = arith.constant 0 : index
      %swap3A_99 = memref.load %arg6[%swap3A_98] : memref<1xf32, #tpu.memory_space<smem>>
      memref.store %swap3A_97, %arg6[%swap3A_98] : memref<1xf32, #tpu.memory_space<smem>>
    } else {
    }
    %get3A = arith.constant 0 : index
    %get3A_9 = arith.constant 0 : index
    %get3A_10 = arith.constant 0 : index
    %get3A_11 = arith.constant 0 : index
    %get3A_12 = vector.load %arg2[%get3A, %get3A_9, %get3A_10, %get3A_11] : memref<1x64x64x64xf32, #tpu.memory_space<vmem>>, vector<1x64x64x64xf32>
    %get3A_13 = vector.shape_cast %get3A_12 : vector<1x64x64x64xf32> to vector<64x64x64xf32>
    %reshape3A = vector.shape_cast %get3A_13 : vector<64x64x64xf32> to vector<64x4096xf32>
    %iota3A = tpu.iota {dimensions = array<i32: 0>} : vector<512x4096xi32>
    %slice3A = vector.extract_strided_slice %reshape3A {offsets = [0, 0], sizes = [32, 4096], strides = [1, 1]} : vector<64x4096xf32> to vector<32x4096xf32>
    %get3A_14 = arith.constant 0 : index
    %get3A_15 = arith.constant 0 : index
    %get3A_16 = arith.constant 0 : index
    %get3A_17 = vector.load %arg3[%get3A_14, %get3A_15, %get3A_16] : memref<2x512x32xf32, #tpu.memory_space<vmem>>, vector<1x512x32xf32>
    %get3A_18 = vector.shape_cast %get3A_17 : vector<1x512x32xf32> to vector<512x32xf32>
    %mul3A = arith.mulf %get3A_18, %get3A_18 : vector<512x32xf32>
    %reduce_sum3A = arith.constant dense<0.000000e+00> : vector<512xf32>
    %reduce_sum3A_19 = vector.multi_reduction <add>, %mul3A, %reduce_sum3A [1] : vector<512x32xf32> to vector<512xf32>
    %broadcast_in_dim3A = vector.shape_cast %reduce_sum3A_19 : vector<512xf32> to vector<512x1xf32>
    %mul3A_20 = arith.constant -2.000000e+00 : f32
    %mul3A_21 = vector.broadcast %mul3A_20 : f32 to vector<512x32xf32>
    %mul3A_22 = arith.mulf %get3A_18, %mul3A_21 : vector<512x32xf32>
    %dot_general3A = arith.constant dense<0.000000e+00> : vector<512x4096xf32>
    %dot_general3A_23 = tpu.matmul %mul3A_22, %slice3A, %dot_general3A {dimension_numbers = #tpu.dot_dimension_numbers<[1], [0], [0], [1], [0, 0, 1, 1], [], []>, transpose_lhs_hint = false} : vector<512x32xf32>, vector<32x4096xf32>, vector<512x4096xf32> -> vector<512x4096xf32>
    %add3A = vector.broadcast %broadcast_in_dim3A : vector<512x1xf32> to vector<512x4096xf32>
    %add3A_24 = arith.addf %add3A, %dot_general3A_23 : vector<512x4096xf32>
    %reduce_min3A = arith.constant dense<0x7F800000> : vector<4096xf32>
    %reduce_min3A_25 = vector.multi_reduction <minimumf>, %add3A_24, %reduce_min3A [0] : vector<512x4096xf32> to vector<4096xf32>
    %broadcast_in_dim3A_26 = vector.shape_cast %reduce_min3A_25 : vector<4096xf32> to vector<1x4096xf32>
    %eq3A_27 = vector.broadcast %broadcast_in_dim3A_26 : vector<1x4096xf32> to vector<512x4096xf32>
    %eq3A_28 = arith.cmpf oeq, %add3A_24, %eq3A_27 : vector<512x4096xf32>
    %jit3A = arith.constant 512 : i32
    %broadcast_in_dim3A_29 = vector.broadcast %jit3A : i32 to vector<512x4096xi32>
    %select_n3A = arith.select %eq3A_28, %iota3A, %broadcast_in_dim3A_29 : vector<512x4096xi1>, vector<512x4096xi32>
    %reduce_min3A_30 = arith.constant dense<2147483647> : vector<4096xi32>
    %reduce_min3A_31 = vector.multi_reduction <minsi>, %select_n3A, %reduce_min3A_30 [0] : vector<512x4096xi32> to vector<4096xi32>
    %broadcast_in_dim3A_32 = vector.shape_cast %reduce_min3A_31 : vector<4096xi32> to vector<1x4096xi32>
    %mul3A_33 = arith.mulf %slice3A, %slice3A : vector<32x4096xf32>
    %reduce_sum3A_34 = arith.constant dense<0.000000e+00> : vector<4096xf32>
    %reduce_sum3A_35 = vector.multi_reduction <add>, %mul3A_33, %reduce_sum3A_34 [0] : vector<32x4096xf32> to vector<4096xf32>
    %broadcast_in_dim3A_36 = vector.shape_cast %reduce_sum3A_35 : vector<4096xf32> to vector<1x4096xf32>
    %add3A_37 = arith.addf %broadcast_in_dim3A_26, %broadcast_in_dim3A_36 : vector<1x4096xf32>
    %reduce_sum3A_38 = vector.shape_cast %add3A_37 : vector<1x4096xf32> to vector<1x1x4096xf32>
    %reduce_sum3A_39 = arith.constant dense<0.000000e+00> : vector<1xf32>
    %reduce_sum3A_40 = vector.multi_reduction <add>, %reduce_sum3A_38, %reduce_sum3A_39 [1, 2] : vector<1x1x4096xf32> to vector<1xf32>
    %reduce_sum3A_41 = vector.shape_cast %reduce_sum3A_40 : vector<1xf32> to vector<1x1x1xf32>
    %reduce_sum3A_42 = vector.extract %reduce_sum3A_41[0, 0, 0] : f32 from vector<1x1x1xf32>
    %add3A_43 = arith.constant 0.000000e+00 : f32
    %add3A_44 = arith.addf %add3A_43, %reduce_sum3A_42 : f32
    %slice3A_45 = vector.extract_strided_slice %reshape3A {offsets = [32, 0], sizes = [32, 4096], strides = [1, 1]} : vector<64x4096xf32> to vector<32x4096xf32>
    %get3A_46 = arith.constant 1 : index
    %get3A_47 = arith.constant 0 : index
    %get3A_48 = arith.constant 0 : index
    %get3A_49 = vector.load %arg3[%get3A_46, %get3A_47, %get3A_48] : memref<2x512x32xf32, #tpu.memory_space<vmem>>, vector<1x512x32xf32>
    %get3A_50 = vector.shape_cast %get3A_49 : vector<1x512x32xf32> to vector<512x32xf32>
    %mul3A_51 = arith.mulf %get3A_50, %get3A_50 : vector<512x32xf32>
    %reduce_sum3A_52 = arith.constant dense<0.000000e+00> : vector<512xf32>
    %reduce_sum3A_53 = vector.multi_reduction <add>, %mul3A_51, %reduce_sum3A_52 [1] : vector<512x32xf32> to vector<512xf32>
    %broadcast_in_dim3A_54 = vector.shape_cast %reduce_sum3A_53 : vector<512xf32> to vector<512x1xf32>
    %mul3A_55 = arith.constant -2.000000e+00 : f32
    %mul3A_56 = vector.broadcast %mul3A_55 : f32 to vector<512x32xf32>
    %mul3A_57 = arith.mulf %get3A_50, %mul3A_56 : vector<512x32xf32>
    %dot_general3A_58 = arith.constant dense<0.000000e+00> : vector<512x4096xf32>
    %dot_general3A_59 = tpu.matmul %mul3A_57, %slice3A_45, %dot_general3A_58 {dimension_numbers = #tpu.dot_dimension_numbers<[1], [0], [0], [1], [0, 0, 1, 1], [], []>, transpose_lhs_hint = false} : vector<512x32xf32>, vector<32x4096xf32>, vector<512x4096xf32> -> vector<512x4096xf32>
    %add3A_60 = vector.broadcast %broadcast_in_dim3A_54 : vector<512x1xf32> to vector<512x4096xf32>
    %add3A_61 = arith.addf %add3A_60, %dot_general3A_59 : vector<512x4096xf32>
    %reduce_min3A_62 = arith.constant dense<0x7F800000> : vector<4096xf32>
    %reduce_min3A_63 = vector.multi_reduction <minimumf>, %add3A_61, %reduce_min3A_62 [0] : vector<512x4096xf32> to vector<4096xf32>
    %broadcast_in_dim3A_64 = vector.shape_cast %reduce_min3A_63 : vector<4096xf32> to vector<1x4096xf32>
    %eq3A_65 = vector.broadcast %broadcast_in_dim3A_64 : vector<1x4096xf32> to vector<512x4096xf32>
    %eq3A_66 = arith.cmpf oeq, %add3A_61, %eq3A_65 : vector<512x4096xf32>
    %jit3A_67 = arith.constant 512 : i32
    %broadcast_in_dim3A_68 = vector.broadcast %jit3A_67 : i32 to vector<512x4096xi32>
    %select_n3A_69 = arith.select %eq3A_66, %iota3A, %broadcast_in_dim3A_68 : vector<512x4096xi1>, vector<512x4096xi32>
    %reduce_min3A_70 = arith.constant dense<2147483647> : vector<4096xi32>
    %reduce_min3A_71 = vector.multi_reduction <minsi>, %select_n3A_69, %reduce_min3A_70 [0] : vector<512x4096xi32> to vector<4096xi32>
    %broadcast_in_dim3A_72 = vector.shape_cast %reduce_min3A_71 : vector<4096xi32> to vector<1x4096xi32>
    %mul3A_73 = arith.mulf %slice3A_45, %slice3A_45 : vector<32x4096xf32>
    %reduce_sum3A_74 = arith.constant dense<0.000000e+00> : vector<4096xf32>
    %reduce_sum3A_75 = vector.multi_reduction <add>, %mul3A_73, %reduce_sum3A_74 [0] : vector<32x4096xf32> to vector<4096xf32>
    %broadcast_in_dim3A_76 = vector.shape_cast %reduce_sum3A_75 : vector<4096xf32> to vector<1x4096xf32>
    %add3A_77 = arith.addf %broadcast_in_dim3A_64, %broadcast_in_dim3A_76 : vector<1x4096xf32>
    %reduce_sum3A_78 = vector.shape_cast %add3A_77 : vector<1x4096xf32> to vector<1x1x4096xf32>
    %reduce_sum3A_79 = arith.constant dense<0.000000e+00> : vector<1xf32>
    %reduce_sum3A_80 = vector.multi_reduction <add>, %reduce_sum3A_78, %reduce_sum3A_79 [1, 2] : vector<1x1x4096xf32> to vector<1xf32>
    %reduce_sum3A_81 = vector.shape_cast %reduce_sum3A_80 : vector<1xf32> to vector<1x1x1xf32>
    %reduce_sum3A_82 = vector.extract %reduce_sum3A_81[0, 0, 0] : f32 from vector<1x1x1xf32>
    %add3A_83 = arith.addf %add3A_44, %reduce_sum3A_82 : f32
    %concatenate3A = tpu.concatenate %broadcast_in_dim3A_32, %broadcast_in_dim3A_72 in 0 : vector<1x4096xi32>, vector<1x4096xi32> -> vector<2x4096xi32>
    %swap3A = arith.constant 0 : index
    %swap3A_84 = arith.constant 0 : index
    %swap3A_85 = arith.constant 0 : index
    %swap3A_86 = vector.load %arg4[%swap3A, %swap3A_84, %swap3A_85] : memref<1x2x4096xi32, #tpu.memory_space<vmem>>, vector<1x2x4096xi32>
    %swap3A_87 = vector.shape_cast %swap3A_86 : vector<1x2x4096xi32> to vector<2x4096xi32>
    %swap3A_88 = vector.shape_cast %concatenate3A : vector<2x4096xi32> to vector<1x2x4096xi32>
    tpu.vector_store %arg4[%swap3A, %swap3A_84, %swap3A_85], %swap3A_88 {strides = array<i32>} : memref<1x2x4096xi32, #tpu.memory_space<vmem>>, vector<1x2x4096xi32>,
    %get3A_89 = arith.constant 0 : index
    %get3A_90 = memref.load %arg6[%get3A_89] : memref<1xf32, #tpu.memory_space<smem>>
    %add3A_91 = arith.addf %get3A_90, %add3A_83 : f32
    %swap3A_92 = arith.constant 0 : index
    %swap3A_93 = memref.load %arg6[%swap3A_92] : memref<1xf32, #tpu.memory_space<smem>>
    memref.store %add3A_91, %arg6[%swap3A_92] : memref<1xf32, #tpu.memory_space<smem>>
    %convert_element_type3A_94 = arith.extui %and3A_7 : i1 to i32
    %cond3A_95 = arith.constant 0 : i32
    %cond3A_96 = arith.cmpi ne, %convert_element_type3A_94, %cond3A_95 : i32
    scf.if %cond3A_96 {
      %get3A_97 = arith.constant 0 : index
      %get3A_98 = memref.load %arg6[%get3A_97] : memref<1xf32, #tpu.memory_space<smem>>
      %reshape3A_99 = vector.broadcast %get3A_98 : f32 to vector<1x1xf32>
      %swap3A_100 = arith.constant 0 : index
      %swap3A_101 = arith.constant 0 : index
      %swap3A_102 = vector.load %arg5[%swap3A_100, %swap3A_101] : memref<1x1xf32, #tpu.memory_space<vmem>>, vector<1x1xf32>
      tpu.vector_store %arg5[%swap3A_100, %swap3A_101], %reshape3A_99 {strides = array<i32>} : memref<1x1xf32, #tpu.memory_space<vmem>>, vector<1x1xf32>,
    } else {
    }
    return
  }
  func.func @transform_0(%arg0: i32, %arg1: i32) -> (i32, i32, i32, i32) {
    %c0_i32 = arith.constant 0 : i32
    %c0_i32_0 = arith.constant 0 : i32
    %c0_i32_1 = arith.constant 0 : i32
    return %arg0, %c0_i32, %arg1, %c0_i32_0 : i32, i32, i32, i32
  }
  func.func @transform_1(%arg0: i32, %arg1: i32) -> (i32, i32, i32) {
    %c0_i32 = arith.constant 0 : i32
    %c0_i32_0 = arith.constant 0 : i32
    %c0_i32_1 = arith.constant 0 : i32
    %c0_i32_2 = arith.constant 0 : i32
    return %c0_i32, %c0_i32_0, %c0_i32_1 : i32, i32, i32
  }
  func.func @transform_2(%arg0: i32, %arg1: i32) -> (i32, i32, i32) {
    %c0_i32 = arith.constant 0 : i32
    %c0_i32_0 = arith.constant 0 : i32
    return %arg0, %c0_i32, %arg1 : i32, i32, i32
  }
  func.func @transform_3(%arg0: i32, %arg1: i32) -> (i32, i32) {
    %c0_i32 = arith.constant 0 : i32
    %c0_i32_0 = arith.constant 0 : i32
    %c0_i32_1 = arith.constant 0 : i32
    return %c0_i32, %c0_i32_0 : i32, i32
  }
}

module attributes {stable_mosaic.version = 14 : i64} {
  func.func @_finalize_body(%arg0: memref<32x1024xf32, #tpu.memory_space<vmem>>, %arg1: memref<1x1xf32, #tpu.memory_space<vmem>>, %arg2: memref<1x1xf32, #tpu.memory_space<vmem>>, %arg3: memref<1x1xf32, #tpu.memory_space<vmem>>, %arg4: memref<1x1xf32, #tpu.memory_space<vmem>>) attributes {dimension_semantics = [], scalar_prefetch = 0 : i64, scratch_operands = 0 : i64, tpu.core_type = #tpu.core_type<tc>} {
    %get3A = arith.constant 0 : index
    %get3A_0 = arith.constant 0 : index
    %get3A_1 = vector.load %arg1[%get3A, %get3A_0] : memref<1x1xf32, #tpu.memory_space<vmem>>, vector<1x1xf32>
    %mul3A = arith.constant 2.500000e-01 : f32
    %mul3A_2 = vector.broadcast %mul3A : f32 to vector<1x1xf32>
    %mul3A_3 = arith.mulf %mul3A_2, %get3A_1 : vector<1x1xf32>
    %div3A = arith.constant 0x4A000000 : f32
    %div3A_4 = vector.broadcast %div3A : f32 to vector<1x1xf32>
    %div3A_5 = arith.divf %mul3A_3, %div3A_4 : vector<1x1xf32>
    %swap3A = arith.constant 0 : index
    %swap3A_6 = arith.constant 0 : index
    %swap3A_7 = vector.load %arg2[%swap3A, %swap3A_6] : memref<1x1xf32, #tpu.memory_space<vmem>>, vector<1x1xf32>
    tpu.vector_store %arg2[%swap3A, %swap3A_6], %div3A_5 {strides = array<i32>} : memref<1x1xf32, #tpu.memory_space<vmem>>, vector<1x1xf32>,
    %swap3A_8 = arith.constant 0 : index
    %swap3A_9 = arith.constant 0 : index
    %swap3A_10 = vector.load %arg4[%swap3A_8, %swap3A_9] : memref<1x1xf32, #tpu.memory_space<vmem>>, vector<1x1xf32>
    tpu.vector_store %arg4[%swap3A_8, %swap3A_9], %div3A_5 {strides = array<i32>} : memref<1x1xf32, #tpu.memory_space<vmem>>, vector<1x1xf32>,
    %get3A_11 = arith.constant 0 : index
    %get3A_12 = arith.constant 0 : index
    %get3A_13 = vector.load %arg0[%get3A_11, %get3A_12] : memref<32x1024xf32, #tpu.memory_space<vmem>>, vector<32x1024xf32>
    %reduce_sum3A = arith.constant dense<0.000000e+00> : vector<1024xf32>
    %reduce_sum3A_14 = vector.multi_reduction <add>, %get3A_13, %reduce_sum3A [0] : vector<32x1024xf32> to vector<1024xf32>
    %broadcast_in_dim3A = vector.shape_cast %reduce_sum3A_14 : vector<1024xf32> to vector<1x1024xf32>
    %div3A_15 = arith.constant 3.276800e+04 : f32
    %div3A_16 = vector.broadcast %div3A_15 : f32 to vector<1x1024xf32>
    %div3A_17 = arith.divf %broadcast_in_dim3A, %div3A_16 : vector<1x1024xf32>
    %add3A = arith.constant 1.000000e-10 : f32
    %add3A_18 = vector.broadcast %add3A : f32 to vector<1x1024xf32>
    %add3A_19 = arith.addf %div3A_17, %add3A_18 : vector<1x1024xf32>
    %log3A = math.log %add3A_19 : vector<1x1024xf32>
    %mul3A_20 = arith.mulf %div3A_17, %log3A : vector<1x1024xf32>
    %slice3A = vector.extract_strided_slice %mul3A_20 {offsets = [0, 0], sizes = [1, 512], strides = [1, 1]} : vector<1x1024xf32> to vector<1x512xf32>
    %reduce_sum3A_21 = arith.constant dense<0.000000e+00> : vector<1xf32>
    %reduce_sum3A_22 = vector.multi_reduction <add>, %slice3A, %reduce_sum3A_21 [1] : vector<1x512xf32> to vector<1xf32>
    %broadcast_in_dim3A_23 = vector.shape_cast %reduce_sum3A_22 : vector<1xf32> to vector<1x1xf32>
    %slice3A_24 = vector.extract_strided_slice %mul3A_20 {offsets = [0, 512], sizes = [1, 512], strides = [1, 1]} : vector<1x1024xf32> to vector<1x512xf32>
    %reduce_sum3A_25 = arith.constant dense<0.000000e+00> : vector<1xf32>
    %reduce_sum3A_26 = vector.multi_reduction <add>, %slice3A_24, %reduce_sum3A_25 [1] : vector<1x512xf32> to vector<1xf32>
    %broadcast_in_dim3A_27 = vector.shape_cast %reduce_sum3A_26 : vector<1xf32> to vector<1x1xf32>
    %neg3A = arith.constant 0.000000e+00 : f32
    %neg3A_28 = vector.broadcast %neg3A : f32 to vector<1x1xf32>
    %neg3A_29 = arith.subf %neg3A_28, %broadcast_in_dim3A_23 : vector<1x1xf32>
    %exp3A = math.exp %neg3A_29 : vector<1x1xf32>
    %neg3A_30 = arith.constant 0.000000e+00 : f32
    %neg3A_31 = vector.broadcast %neg3A_30 : f32 to vector<1x1xf32>
    %neg3A_32 = arith.subf %neg3A_31, %broadcast_in_dim3A_27 : vector<1x1xf32>
    %exp3A_33 = math.exp %neg3A_32 : vector<1x1xf32>
    %add3A_34 = arith.addf %exp3A, %exp3A_33 : vector<1x1xf32>
    %mul3A_35 = arith.constant 5.000000e-01 : f32
    %mul3A_36 = vector.broadcast %mul3A_35 : f32 to vector<1x1xf32>
    %mul3A_37 = arith.mulf %mul3A_36, %add3A_34 : vector<1x1xf32>
    %swap3A_38 = arith.constant 0 : index
    %swap3A_39 = arith.constant 0 : index
    %swap3A_40 = vector.load %arg3[%swap3A_38, %swap3A_39] : memref<1x1xf32, #tpu.memory_space<vmem>>, vector<1x1xf32>
    tpu.vector_store %arg3[%swap3A_38, %swap3A_39], %mul3A_37 {strides = array<i32>} : memref<1x1xf32, #tpu.memory_space<vmem>>, vector<1x1xf32>,
    return
  }
}

</mosaic_0001>

<sc_bundles>
// kernel: kernel.5.cloned.1.call-start
scs
__scs_entry_jumppad:
0x0: {  	(pc) =	sbr.rel $0x88, $3  }
0x1: {  	(tag) =	ssettag $0x0;
	lr =	simm.s32 $0x1  }
0x2: {  	[smem:$0x3F9F] =	sst lr;
	_ =	strace $0xD0000000  }
0x3: {  	_ = 	snop  }
0x4: {  	_ = 	snop  }
0x5: {  	_ = 	snop  }
0x6: {  	_ = 	snop  }
0x7: {  	_ = 	snop  }
__scs_overlays_trampoline_lowered:
0x8: {  	[smem:$0x3FAE] =	sst s0  }
0x9: {  	[smem:$0x3FAF] =	sst s1  }
0xa: {  	[smem:$0x3FB0] =	sst s2  }
0xb: {  	[smem:$0x3FB1] =	sst s3  }
0xc: {  	[smem:$0x3FB2] =	sst s4  }
0xd: {  	[smem:$0x3FB3] =	sst s5  }
0xe: {  	[smem:$0x3FB4] =	sst s6  }
0xf: {  	[smem:$0x3FB5] =	sst s7  }
0x10: {  	[smem:$0x3FB6] =	sst s8  }
0x11: {  	[smem:$0x3FB7] =	sst s9;
	s0 =	simm.s32 @!p0 $0x0  }
0x12: {  	s1 =	sld [smem:$0x3F9D];
	s0 =	simm.s32 @p0 $0x1  }
0x13: {  	[smem:$0x3FB8] =	sst s0;
	s0 =	simm.s32 @!p1 $0x0  }
0x14: {  	s2 =	sld [smem:$0x3F9C];
	s0 =	simm.s32 @p1 $0x1  }
0x15: {  	[smem:$0x3FB9] =	sst s0;
	s0 =	simm.s32 @!p2 $0x0  }
0x16: {  	s3 =	sld [smem:$0x3FDB];
	s0 =	simm.s32 @p2 $0x1  }
0x17: {  	s4 =	simm.s32 $0x1BF5;
	[smem:$0x3FBB] =	sst s0  }
0x18: {  	s0 =	sld [smem:$0x3F9E];
	_ =	swait.ge [sflag:s4], $0x0  }
0x19: {  	s7 =	sld [smem:$0x3F9F]  }
0x1a: {  	s8 =	sadd.s32 $0xFFFFE003, lr  }
0x1b: {  	s9 =	sadd.s32 $0xFFFFFEF7, lr;
	s5 =	simm.s32 $0xFFFFFFFF;
	p2 =	slt.u32 s8, $0xFFFFF086  }
0x1c: {  	p1 =	slt.u32 s9, $0xF7A;
	s5 =	simm.s32 @!p2 $0x0  }
0x1d: {  	s5 =	simm.s32 @p1 $0x1;
	p0 =	seq.s32 s7, s2  }
0x1e: {  	s7 =	smul.u32 @!p0 $0xF7A, s2;
	p2 =	seq.s32 @!p0 s5, $0x0  }
0x1f: {  	s9 =	smul.u32 $0xF7A, s1;
	s8 =	simm.s32 @!p0 $0x1BF5;
	p2 =	por !p2, p0  }
0x20: {  	[sflag:s8] =	ssyncset.s32 @!p0 $0xFFFFF086;
	s6 =	sadd.s32 @!p0 s3, s7;
	s7 =	simm.s32 @!p0 $0x108  }
0x21: {  	s3 =	sadd.s32 s3, s9;
	s6 =	sadd.s32 @!p0 $0x88, s6;
	s7 =	simm.s32 @p2 $0x1082  }
0x22: {  	[simem:s7], [sflag:s8] =	dma.local @!p0 [hbm:s6], $0xF7A  }
0x23: {  	s9 =	sor.u32 $0xD0000000, s2;
	s6 =	simm.s32 $0x108;
	_ =	swait.ge @!p0 [sflag:s8], $0x0  }
0x24: {  	s3 =	sadd.s32 $0x88, s3;
	s6 =	simm.s32 @!p1 $0x1082;
	[sflag:s4] =	ssyncset.s32 $0xFFFFF086  }
0x25: {  	[simem:s6], [sflag:s4] =	dma.local [hbm:s3], $0xF7A  }
0x26: {  	[smem:$0x3F9F] =	sst s1;
	(tag) =	ssettag s2;
	_ =	strace s9  }
0x27: {  	s1 =	sld [smem:$0x3FAF]  }
0x28: {  	s2 =	sld [smem:$0x3FB0]  }
0x29: {  	s4 =	sld [smem:$0x3FB2]  }
0x2a: {  	p0 =	seq.s32 s5, $0x0;
	s5 =	sld [smem:$0x3FB3]  }
0x2b: {  	s6 =	sld [smem:$0x3FB4]  }
0x2c: {  	s7 =	sld [smem:$0x3FB5]  }
0x2d: {  	s3 =	simm.s32 $0x108;
	s8 =	sld [smem:$0x3FB6]  }
0x2e: {  	s3 =	simm.s32 @!p0 $0x1082;
	s9 =	sld [smem:$0x3FB7]  }
0x2f: {  	lr =	sadd.s32 s0, s3;
	s0 =	sld [smem:$0x3FAE]  }
0x30: {  	s3 =	sld [smem:$0x3FB1]  }
0x31: {  	[smem:$0x3FBA] =	sst s10  }
0x32: {  	s10 =	sld [smem:$0x3FB8];
	_ =	sdelay $0x3  }
0x33: {  	p0 =	seq.s32 s10, $0x1;
	s10 =	sld [smem:$0x3FBA];
	_ =	sdelay $0x3  }
0x34: {  	[smem:$0x3FBA] =	sst s10  }
0x35: {  	s10 =	sld [smem:$0x3FB9];
	_ =	sdelay $0x3  }
0x36: {  	p1 =	seq.s32 s10, $0x1;
	s10 =	sld [smem:$0x3FBA];
	_ =	sdelay $0x3  }
0x37: {  	[smem:$0x3FBA] =	sst s10  }
0x38: {  	s10 =	sld [smem:$0x3FBB]  }
0x39: {  	_ = 	snop;
	(pc) =	sbr.ind lr, $3  }
0x3a: {  	_ = 	snop  }
0x3b: {  	_ = 	snop  }
0x3c: {  	p2 =	seq.s32 s10, $0x1;
	s10 =	sld [smem:$0x3FBA]  }
0x3d: {  	_ =	shalt  }
0x3e: {  	_ =	shalt  }
0x3f: {  	_ =	shalt  }
0x40: {  	_ =	shalt  }
0x41: {  	_ =	shalt  }
0x42: {  	_ =	shalt  }
0x43: {  	_ =	shalt  }
0x44: {  	_ =	shalt  }
0x45: {  	_ =	shalt  }
0x46: {  	_ =	shalt  }
0x47: {  	_ =	shalt  }
0x48: {  	_ =	shalt  }
0x49: {  	_ =	shalt  }
0x4a: {  	_ =	shalt  }
0x4b: {  	_ =	shalt  }
0x4c: {  	_ =	shalt  }
0x4d: {  	_ =	shalt  }
0x4e: {  	_ =	shalt  }
0x4f: {  	_ =	shalt  }
0x50: {  	_ =	shalt  }
0x51: {  	_ =	shalt  }
0x52: {  	_ =	shalt  }
0x53: {  	_ =	shalt  }
0x54: {  	_ =	shalt  }
0x55: {  	_ =	shalt  }
0x56: {  	_ =	shalt  }
0x57: {  	_ =	shalt  }
0x58: {  	_ =	shalt  }
0x59: {  	_ =	shalt  }
0x5a: {  	_ =	shalt  }
0x5b: {  	_ =	shalt  }
0x5c: {  	_ =	shalt  }
0x5d: {  	_ =	shalt  }
0x5e: {  	_ =	shalt  }
0x5f: {  	_ =	shalt  }
0x60: {  	_ =	shalt  }
0x61: {  	_ =	shalt  }
0x62: {  	_ =	shalt  }
0x63: {  	_ =	shalt  }
0x64: {  	_ =	shalt  }
0x65: {  	_ =	shalt  }
0x66: {  	_ =	shalt  }
0x67: {  	_ =	shalt  }
0x68: {  	_ =	shalt  }
0x69: {  	_ =	shalt  }
0x6a: {  	_ =	shalt  }
0x6b: {  	_ =	shalt  }
0x6c: {  	_ =	shalt  }
0x6d: {  	_ =	shalt  }
0x6e: {  	_ =	shalt  }
0x6f: {  	_ =	shalt  }
0x70: {  	_ =	shalt  }
0x71: {  	_ =	shalt  }
0x72: {  	_ =	shalt  }
0x73: {  	_ =	shalt  }
0x74: {  	_ =	shalt  }
0x75: {  	_ =	shalt  }
0x76: {  	_ =	shalt  }
0x77: {  	_ =	shalt  }
0x78: {  	_ =	shalt  }
0x79: {  	_ =	shalt  }
0x7a: {  	_ =	shalt  }
0x7b: {  	_ =	shalt  }
0x7c: {  	_ =	shalt  }
0x7d: {  	_ =	shalt  }
0x7e: {  	_ =	shalt  }
0x7f: {  	_ =	shalt  }
0x80: {  	_ =	shalt  }
0x81: {  	_ =	shalt  }
0x82: {  	_ =	shalt  }
0x83: {  	_ =	shalt  }
0x84: {  	_ =	shalt  }
0x85: {  	_ =	shalt  }
0x86: {  	_ =	shalt  }
0x87: {  	_ =	shalt  }
.Lfunc_end0:
.L_simem_size_0:
called_computation_lowered:
.L_overlay_start_0:
0x88: {  	s2 =	sld [smem:$0x3FD9]  }
0x89: {  	s3 =	sld [smem:$0x3FFE];
	_ =	sdelay $0x1  }
0x8a: {  	s1 =	srdreg.scid  }
0x8b: {  	s0 =	sand.u32 $0x1, s1  }
0x8c: {  	s14 =	sshll.u32 s0, $0xA;
	s2 =	sadd.s32 s3, s2  }
0x8d: {  	s2 =	sadd.s32 s2, s14  }
0x8e: {  	[smem:$0x3FC6] =	sst s2  }
0x8f: {  	_ = 	snop  }
0x90: {  	s2 =	sld [smem:$0x3FD0];
	_ =	sdelay $0x2  }
0x91: {  	s15 =	simm.s32 $0xA;
	s4 =	simm.s32 $0x10  }
0x92: {  	[smem:s4], [sflag:s15] =	dma.local [hbm:s2], $0x1  }
0x93: {  	_ =	swait.eq [sflag:s15], $0x1  }
0x94: {  	[sflag:s15] =	ssyncset.done $0x0  }
0x95: {  	[sflag:s15] =	ssyncadd.s32 $0xFFFFFFFF  }
0x96: {  	s16 =	sld [smem:$0x10];
	(tm) =	ssettm $0x1  }
0x97: {  	s17 =	sld [smem:$0x3FFB];
	_ =	sdelay $0x3  }
0x98: {  	_ =	strace s17  }
0x99: {  	s3 =	sld [smem:$0x3FFC];
	_ =	sdelay $0x3  }
0x9a: {  	_ =	strace s3  }
0x9b: {  	s3 =	sld [smem:$0x3FFD];
	_ =	sdelay $0x3  }
0x9c: {  	_ =	strace s3  }
0x9d: {  	_ =	strace $0x8FFFFFFF  }
0x9e: {  	s18 =	sld [smem:$0x3FDB];
	_ =	sdelay $0x1  }
0x9f: {  	s19 =	simm.s32 $_scs_section_size  }
0xa0: {  	s5 =	simm.s32 $_size__tile_overlayer_lowered;
	s6 =	simm.s32 $_tile_overlayer_lowered  }
0xa1: {  	s22 =	simm.s32 $0x1BFF;
	s21 =	sshll.u32 s6, $0x1;
	s3 =	sadd.s32 s19, s18  }
0xa2: {  	s7 =	simm.s32 $0x0;
	s20 =	sshll.u32 s5, $0x1;
	s5 =	sadd.s32 s21, s3  }
0xa3: {  	[timem:s7], [sflag:s22] =	dma.local [hbm:s5], s20  }
0xa4: {  	_ =	swait.ge [sflag:s22], s20  }
0xa5: {  	s4 =	ssub.s32 $0x0, s20;
	[sflag:s22] =	ssyncset.done $0x0  }
0xa6: {  	[sflag:s22] =	ssyncadd.s32 s4;
	_ =	sdelay $0x1  }
0xa7: {  	s23 =	simm.s32 $0x1B8B  }
0xa8: {  	_ =	swait.ge [sflag:s23], $0x1  }
0xa9: {  	[sflag:s23] =	ssyncset.done $0x0  }
0xaa: {  	s25 =	simm.s32 $0x1B8E;
	s24 =	sld [smem:$0x3FFE];
	[sflag:s23] =	ssyncadd.s32 $0xFFFFFFFF  }
0xab: {  	s26 =	simm.s32 $execute0_lowered;
	[smem:$0x3FD2] =	sst s25  }
0xac: {  	s5 =	sshll.u32 s26, $0x1;
	_ =	strace $0x80000046;
	[dreg:$0x1] =	wrdreg $0xFFFFFFFF  }
0xad: {  	s28 =	simm.s32 $_size_execute0_lowered;
	s3 =	sadd.s32 s3, s5;
	[dreg:$0x0] =	wrdreg $0x0  }
0xae: {  	s5 =	sshll.u32 s28, $0x1;
	[dreg:$0x2] =	wrdreg s3  }
0xaf: {  	[dreg:$0x3] =	wrdreg s5  }
0xb0: {  	[dreg:$0x4] =	wrdreg $0xC0  }
0xb1: {  	_ =	task [dreg:s7], $0x5FFFF  }
0xb2: {  	[dreg:$0x1] =	wrdreg $0xFFFFFFFF  }
0xb3: {  	[dreg:$0x0] =	wrdreg $0x60  }
0xb4: {  	[dreg:$0x2] =	wrdreg s24  }
0xb5: {  	[dreg:$0x3] =	wrdreg s16  }
0xb6: {  	[dreg:$0x4] =	wrdreg $0x9  }
0xb7: {  	_ =	task.clear_ibuf [dreg:s7], $0x5FFFF;
	_ =	strace $0x90000046  }
0xb8: {  	s29 =	simm.s32 $0x9;
	_ =	strace $0x80000048  }
0xb9: {  	_ =	swait.ge [sflag:s29], $0x1  }
0xba: {  	[sflag:s29] =	ssyncadd.s32 $0xFFFFFFFF  }
0xbb: {  	_ =	strace $0x90000048  }
0xbc: {  	_ =	sfence  }
0xbd: {  	s30 =	sld [smem:$0x0];
	_ =	sdelay $0x2  }
0xbe: {  	s31 =	sshll.u32 s1, $0xD;
	s1 =	sshrl.u32 s1, $0x2  }
0xbf: {  	s3 =	sand.u32 $0x4000, s31;
	s1 =	sadd.s32 s1, s30  }
0xc0: {  	s0 =	sor.u32 s3, s0;
	s1 =	sshll.u32 s1, $0x11  }
0xc1: {  	s0 =	sor.u32 s1, s0  }
0xc2: {  	s0 =	sadd.s32 $0x8F2B, s0  }
0xc3: {  	[sflag:s0] =	ssyncadd.remote.s32 $0x1  }
0xc4: {  	_ =	sfence.sel $0xFFFF  }
0xc5: {  	[dreg:$0x0] =	wrdreg $0xFFFFFFFF;
	(pc) =	sbr.abs _section_cstart, $3  }
0xc6: {  	[dreg:$0x1] =	wrdreg $0xFFFFFFFF  }
0xc7: {  	_ =	task.clear_ibuf [dreg:s7], $0x2FFFF;
	_ =	strace $0x9FFFFFFF  }
0xc8: {  	(tm) =	ssettm $0x7FFFFFFF  }
0xc9: {  	_ =	shalt  }
tec
execute0_lowered:
.L_overlay_start_1:
0x0: {  	(tag) =	ssettag $0x1  }
0x1: {  	s8 =	rddreg [dreg:$0x0]  }
0x2: {  	s1 =	srdreg.scid;
	s0 =	stileid.u32  }
0x3: {  	s2 =	rddreg [dreg:$0x1];
	s3 =	simm.s32 $0x0;
	s13 =	simm.s32 $0x80  }
0x4: {  	s14 =	simm.s32 $0x100;
	s15 =	simm.s32 $0x8000;
	s16 =	simm.s32 $0x8200  }
0x5: {  	s17 =	simm.s32 $0x18400;
	s18 =	simm.s32 $0x2000;
	s19 =	simm.s32 $0x8400  }
0x6: {  	s20 =	simm.s32 $0x400;
	s6 =	sand.u32 $0x1, s1;
	s1 =	rddreg [dreg:$0x2]  }
0x7: {  	s21 =	simm.s32 $0x0;
	s4 =	sshll.u32 s0, $0x1;
	[smem:$0x7FF] =	sst s3  }
0x8: {  	s5 =	sshll.u32 s0, $0x8;
	s11 =	sshrl.u32 s0, $0x1;
	s7 =	sor.u32 s6, s4  }
0x9: {  	_ =	strace $0x80000047;
	s4 =	sadd.s32 $0x1200, s8;
	s6 =	ssub.s32 $0x2, s6  }
0xa: {  	s9 =	sshll.u32 s7, $0x4;
	s31 =	sshrl.u32 s6, $0x1;
	s7 =	sshll.u32 s7, $0xB  }
0xb: {  	s9 =	sor.u32 s5, s9;
	s5 =	sadd.s32 $0x2400, s8;
	s12 =	ssub.s32 s6, s31  }
0xc: {  	s6 =	sshll.u32 s11, $0xD;
	s7 =	sand.u32 $0x1800, s7;
	s9 =	sand.u32 $0xC70, s9  }
0xd: {  	s10 =	sadd.s32 s9, s8;
	s8 =	sadd.s32 $0x2410, s8;
	s9 =	sshll.u32 s11, $0x13  }
0xe: {  	v0 =	vimm.f32 $0.0e+00;
	v1 =	vimm.f32 $1.000000000e+00;
	s11 =	smax.u32 s12, $0x1;
	s12 =	simm.s32 $0x1;
	s10 =	sadd.s32 $0x4400, s10  }
.LBB2_1:
0xf: {  	[tilespmem:s3], [sflag:$0x1] =	stream.linear.gather [hbm4b:s4+s3], $0x8000, $0x38;
	[tilespmem:$0x18800] =	vst v63  }
0x10: {  	_ =	swait.ge [sflag:s12], $0x8000  }
0x11: {  	[sflag:s12] =	ssyncset.done $0x0  }
0x12: {  	s22 =	simm.s32 $0x0;
	[sflag:s12] =	ssyncadd.s32 $0xFFFF8000  }
.LBB2_2:
0x13: {  	p0 =	sne.s32 s22, $0xFC0  }
.Ltmp0:
0x14: {  	_ = 	snop;
	(pc) =	sbr.rel @p0 .LBB2_2-.Ltmp0, $3  }
0x15: {  	_ =	sdelay $0x1  }
0x16: {  	s23 =	sshra.s32 s22, $0x2  }
0x17: {  	s22 =	sadd.s32 $0x40, s22;
	[tilespmem:s23+$0x18400] =	vst v0  }
0x18: {  	s22 =	simm.s32 $0x0;
	p1 =	por $0x1, $0x1  }
.LBB2_4:
0x19: {  	s22 =	sor.u32 s7, s22  }
0x1a: {  	s23 =	sor.u32 s6, s22  }
0x1b: {  	s23 =	sshrl.u32 s23, $0x3  }
0x1c: {  	s24 =	sadd.s32 s5, s23  }
0x1d: {  	[tilespmem:s15], [sflag:$0x1] =	stream.strided.gather [hbm4b:s24+s13], $0x200, s14, s13, $0x38;
	[tilespmem:$0x18800] =	vst v63  }
0x1e: {  	_ =	swait.ge [sflag:s12], $0x200  }
0x1f: {  	[sflag:s12] =	ssyncset.done $0x0  }
0x20: {  	s23 =	sadd.s32 s23, s8;
	[sflag:s12] =	ssyncadd.s32 $0xFFFFFE00  }
0x21: {  	[tilespmem:s16], [sflag:$0x1] =	stream.strided.gather [hbm4b:s23+s13], $0x200, s14, s13, $0x38;
	[tilespmem:$0x18800] =	vst v63  }
0x22: {  	_ =	swait.ge [sflag:s12], $0x200  }
0x23: {  	[sflag:s12] =	ssyncset.done $0x0  }
0x24: {  	p0 =	por p1, p1;
	s23 =	simm.s32 $0x0;
	[sflag:s12] =	ssyncadd.s32 $0xFFFFFE00  }
.LBB2_5:
0x25: {  	s25 =	sshll.u32 s23, $0x4  }
0x26: {  	v2 =	vld [tilespmem:s25+$0x8000];
	_ =	sdelay $0x7  }
0x27: {  	v4 =	vld.idx.msk [tilespmem:v2+s3+$0x0], $0xffff  }
0x28: {  	v5 =	vadd.s32 $0x200, v2;
	_ =	sdelay $0x1  }
0x29: {  	s24 =	sshll.u32 s23, $0x5  }
0x2a: {  	s24 =	sand.u32 $0x3FFFFFE0, s24  }
0x2b: {  	v3 =	vld [tilespmem:s25+$0x8200];
	[tilespmem:s24+$0x8400] =	vst v4  }
0x2c: {  	v4 =	vld.idx.msk [tilespmem:v5+s3+$0x0], $0xffff  }
0x2d: {  	v37 =	vadd.s32 $0x400, v2;
	_ =	sdelay $0x3  }
0x2e: {  	[tilespmem:s24+$0x8800] =	vst v4  }
0x2f: {  	v4 =	vld.idx.msk [tilespmem:v37+s3+$0x0], $0xffff  }
0x30: {  	v38 =	vadd.s32 $0x600, v2;
	_ =	sdelay $0x3  }
0x31: {  	[tilespmem:s24+$0x8C00] =	vst v4  }
0x32: {  	v4 =	vld.idx.msk [tilespmem:v38+s3+$0x0], $0xffff  }
0x33: {  	v39 =	vadd.s32 $0x800, v2;
	_ =	sdelay $0x3  }
0x34: {  	[tilespmem:s24+$0x9000] =	vst v4  }
0x35: {  	v4 =	vld.idx.msk [tilespmem:v39+s3+$0x0], $0xffff  }
0x36: {  	v40 =	vadd.s32 $0xA00, v2;
	_ =	sdelay $0x3  }
0x37: {  	[tilespmem:s24+$0x9400] =	vst v4  }
0x38: {  	v4 =	vld.idx.msk [tilespmem:v40+s3+$0x0], $0xffff  }
0x39: {  	v41 =	vadd.s32 $0xC00, v2;
	_ =	sdelay $0x3  }
0x3a: {  	[tilespmem:s24+$0x9800] =	vst v4  }
0x3b: {  	v4 =	vld.idx.msk [tilespmem:v41+s3+$0x0], $0xffff  }
0x3c: {  	v42 =	vadd.s32 $0xE00, v2;
	_ =	sdelay $0x3  }
0x3d: {  	[tilespmem:s24+$0x9C00] =	vst v4  }
0x3e: {  	v4 =	vld.idx.msk [tilespmem:v42+s3+$0x0], $0xffff  }
0x3f: {  	v43 =	vadd.s32 $0x1000, v2;
	_ =	sdelay $0x3  }
0x40: {  	[tilespmem:s24+$0xA000] =	vst v4  }
0x41: {  	v4 =	vld.idx.msk [tilespmem:v43+s3+$0x0], $0xffff  }
0x42: {  	v44 =	vadd.s32 $0x1200, v2;
	_ =	sdelay $0x3  }
0x43: {  	[tilespmem:s24+$0xA400] =	vst v4  }
0x44: {  	v4 =	vld.idx.msk [tilespmem:v44+s3+$0x0], $0xffff  }
0x45: {  	v45 =	vadd.s32 $0x1400, v2;
	_ =	sdelay $0x3  }
0x46: {  	[tilespmem:s24+$0xA800] =	vst v4  }
0x47: {  	v4 =	vld.idx.msk [tilespmem:v45+s3+$0x0], $0xffff  }
0x48: {  	v46 =	vadd.s32 $0x1600, v2;
	_ =	sdelay $0x3  }
0x49: {  	[tilespmem:s24+$0xAC00] =	vst v4  }
0x4a: {  	v4 =	vld.idx.msk [tilespmem:v46+s3+$0x0], $0xffff  }
0x4b: {  	v47 =	vadd.s32 $0x1800, v2;
	_ =	sdelay $0x3  }
0x4c: {  	[tilespmem:s24+$0xB000] =	vst v4  }
0x4d: {  	v4 =	vld.idx.msk [tilespmem:v47+s3+$0x0], $0xffff  }
0x4e: {  	v48 =	vadd.s32 $0x1A00, v2;
	_ =	sdelay $0x3  }
0x4f: {  	[tilespmem:s24+$0xB400] =	vst v4  }
0x50: {  	v4 =	vld.idx.msk [tilespmem:v48+s3+$0x0], $0xffff  }
0x51: {  	v49 =	vadd.s32 $0x1C00, v2;
	_ =	sdelay $0x3  }
0x52: {  	[tilespmem:s24+$0xB800] =	vst v4  }
0x53: {  	v4 =	vld.idx.msk [tilespmem:v49+s3+$0x0], $0xffff  }
0x54: {  	v50 =	vadd.s32 $0x1E00, v2;
	_ =	sdelay $0x3  }
0x55: {  	[tilespmem:s24+$0xBC00] =	vst v4  }
0x56: {  	v4 =	vld.idx.msk [tilespmem:v50+s3+$0x0], $0xffff  }
0x57: {  	v51 =	vadd.s32 $0x2000, v2;
	_ =	sdelay $0x3  }
0x58: {  	[tilespmem:s24+$0xC000] =	vst v4  }
0x59: {  	v4 =	vld.idx.msk [tilespmem:v51+s3+$0x0], $0xffff  }
0x5a: {  	v52 =	vadd.s32 $0x2200, v2;
	_ =	sdelay $0x3  }
0x5b: {  	[tilespmem:s24+$0xC400] =	vst v4  }
0x5c: {  	v4 =	vld.idx.msk [tilespmem:v52+s3+$0x0], $0xffff  }
0x5d: {  	v53 =	vadd.s32 $0x2400, v2;
	_ =	sdelay $0x3  }
0x5e: {  	[tilespmem:s24+$0xC800] =	vst v4  }
0x5f: {  	v4 =	vld.idx.msk [tilespmem:v53+s3+$0x0], $0xffff  }
0x60: {  	v54 =	vadd.s32 $0x2600, v2;
	_ =	sdelay $0x3  }
0x61: {  	[tilespmem:s24+$0xCC00] =	vst v4  }
0x62: {  	v4 =	vld.idx.msk [tilespmem:v54+s3+$0x0], $0xffff  }
0x63: {  	v55 =	vadd.s32 $0x2800, v2;
	_ =	sdelay $0x3  }
0x64: {  	[tilespmem:s24+$0xD000] =	vst v4  }
0x65: {  	v4 =	vld.idx.msk [tilespmem:v55+s3+$0x0], $0xffff  }
0x66: {  	v56 =	vadd.s32 $0x2A00, v2;
	_ =	sdelay $0x3  }
0x67: {  	[tilespmem:s24+$0xD400] =	vst v4  }
0x68: {  	v4 =	vld.idx.msk [tilespmem:v56+s3+$0x0], $0xffff  }
0x69: {  	v57 =	vadd.s32 $0x2C00, v2;
	_ =	sdelay $0x3  }
0x6a: {  	[tilespmem:s24+$0xD800] =	vst v4  }
0x6b: {  	v4 =	vld.idx.msk [tilespmem:v57+s3+$0x0], $0xffff  }
0x6c: {  	v58 =	vadd.s32 $0x2E00, v2;
	_ =	sdelay $0x3  }
0x6d: {  	[tilespmem:s24+$0xDC00] =	vst v4  }
0x6e: {  	v4 =	vld.idx.msk [tilespmem:v58+s3+$0x0], $0xffff  }
0x6f: {  	v59 =	vadd.s32 $0x3000, v2;
	_ =	sdelay $0x3  }
0x70: {  	[tilespmem:s24+$0xE000] =	vst v4  }
0x71: {  	v4 =	vld.idx.msk [tilespmem:v59+s3+$0x0], $0xffff  }
0x72: {  	v60 =	vadd.s32 $0x3200, v2;
	_ =	sdelay $0x3  }
0x73: {  	[tilespmem:s24+$0xE400] =	vst v4  }
0x74: {  	v4 =	vld.idx.msk [tilespmem:v60+s3+$0x0], $0xffff  }
0x75: {  	v61 =	vadd.s32 $0x3400, v2;
	_ =	sdelay $0x3  }
0x76: {  	[tilespmem:s24+$0xE800] =	vst v4  }
0x77: {  	v4 =	vld.idx.msk [tilespmem:v61+s3+$0x0], $0xffff  }
0x78: {  	v62 =	vadd.s32 $0x3600, v2;
	_ =	sdelay $0x3  }
0x79: {  	[tilespmem:s24+$0xEC00] =	vst v4  }
0x7a: {  	v4 =	vld.idx.msk [tilespmem:v62+s3+$0x0], $0xffff  }
0x7b: {  	v63 =	vadd.s32 $0x3800, v2;
	_ =	sdelay $0x3  }
0x7c: {  	[tilespmem:s24+$0xF000] =	vst v4  }
0x7d: {  	v4 =	vld.idx.msk [tilespmem:v63+s3+$0x0], $0xffff  }
0x7e: {  	v8 =	vadd.s32 $0x3A00, v2;
	_ =	sdelay $0x3  }
0x7f: {  	[tilespmem:s24+$0xF400] =	vst v4  }
0x80: {  	v4 =	vld.idx.msk [tilespmem:v8+s3+$0x0], $0xffff  }
0x81: {  	v9 =	vadd.s32 $0x3C00, v2;
	_ =	sdelay $0x3  }
0x82: {  	[tilespmem:s24+$0xF800] =	vst v4  }
0x83: {  	v4 =	vld.idx.msk [tilespmem:v9+s3+$0x0], $0xffff  }
0x84: {  	v10 =	vadd.s32 $0x3E00, v2;
	_ =	sdelay $0x3  }
0x85: {  	[tilespmem:s24+$0xFC00] =	vst v4  }
0x86: {  	v4 =	vld.idx.msk [tilespmem:v10+s3+$0x0], $0xffff  }
0x87: {  	v11 =	vadd.s32 $0x4000, v3;
	_ =	sdelay $0x3  }
0x88: {  	[tilespmem:s24+$0x10000] =	vst v4  }
0x89: {  	v4 =	vld.idx.msk [tilespmem:v11+s3+$0x0], $0xffff  }
0x8a: {  	v12 =	vadd.s32 $0x4200, v3;
	_ =	sdelay $0x3  }
0x8b: {  	[tilespmem:s24+$0x10400] =	vst v4  }
0x8c: {  	v4 =	vld.idx.msk [tilespmem:v12+s3+$0x0], $0xffff  }
0x8d: {  	v13 =	vadd.s32 $0x4400, v3;
	_ =	sdelay $0x3  }
0x8e: {  	[tilespmem:s24+$0x10800] =	vst v4  }
0x8f: {  	v4 =	vld.idx.msk [tilespmem:v13+s3+$0x0], $0xffff  }
0x90: {  	v14 =	vadd.s32 $0x4600, v3;
	_ =	sdelay $0x3  }
0x91: {  	[tilespmem:s24+$0x10C00] =	vst v4  }
0x92: {  	v4 =	vld.idx.msk [tilespmem:v14+s3+$0x0], $0xffff  }
0x93: {  	v15 =	vadd.s32 $0x4800, v3;
	_ =	sdelay $0x3  }
0x94: {  	[tilespmem:s24+$0x11000] =	vst v4  }
0x95: {  	v4 =	vld.idx.msk [tilespmem:v15+s3+$0x0], $0xffff  }
0x96: {  	v16 =	vadd.s32 $0x4A00, v3;
	_ =	sdelay $0x3  }
0x97: {  	[tilespmem:s24+$0x11400] =	vst v4  }
0x98: {  	v4 =	vld.idx.msk [tilespmem:v16+s3+$0x0], $0xffff  }
0x99: {  	v17 =	vadd.s32 $0x4C00, v3;
	_ =	sdelay $0x3  }
0x9a: {  	[tilespmem:s24+$0x11800] =	vst v4  }
0x9b: {  	v4 =	vld.idx.msk [tilespmem:v17+s3+$0x0], $0xffff  }
0x9c: {  	v18 =	vadd.s32 $0x4E00, v3;
	_ =	sdelay $0x3  }
0x9d: {  	[tilespmem:s24+$0x11C00] =	vst v4  }
0x9e: {  	v4 =	vld.idx.msk [tilespmem:v18+s3+$0x0], $0xffff  }
0x9f: {  	v19 =	vadd.s32 $0x5000, v3;
	_ =	sdelay $0x3  }
0xa0: {  	[tilespmem:s24+$0x12000] =	vst v4  }
0xa1: {  	v4 =	vld.idx.msk [tilespmem:v19+s3+$0x0], $0xffff  }
0xa2: {  	v20 =	vadd.s32 $0x5200, v3;
	_ =	sdelay $0x3  }
0xa3: {  	[tilespmem:s24+$0x12400] =	vst v4  }
0xa4: {  	v4 =	vld.idx.msk [tilespmem:v20+s3+$0x0], $0xffff  }
0xa5: {  	v21 =	vadd.s32 $0x5400, v3;
	_ =	sdelay $0x3  }
0xa6: {  	[tilespmem:s24+$0x12800] =	vst v4  }
0xa7: {  	v4 =	vld.idx.msk [tilespmem:v21+s3+$0x0], $0xffff  }
0xa8: {  	v22 =	vadd.s32 $0x5600, v3;
	_ =	sdelay $0x3  }
0xa9: {  	[tilespmem:s24+$0x12C00] =	vst v4  }
0xaa: {  	v4 =	vld.idx.msk [tilespmem:v22+s3+$0x0], $0xffff  }
0xab: {  	v23 =	vadd.s32 $0x5800, v3;
	_ =	sdelay $0x3  }
0xac: {  	[tilespmem:s24+$0x13000] =	vst v4  }
0xad: {  	v4 =	vld.idx.msk [tilespmem:v23+s3+$0x0], $0xffff  }
0xae: {  	v24 =	vadd.s32 $0x5A00, v3;
	_ =	sdelay $0x3  }
0xaf: {  	[tilespmem:s24+$0x13400] =	vst v4  }
0xb0: {  	v4 =	vld.idx.msk [tilespmem:v24+s3+$0x0], $0xffff  }
0xb1: {  	v25 =	vadd.s32 $0x5C00, v3;
	_ =	sdelay $0x3  }
0xb2: {  	[tilespmem:s24+$0x13800] =	vst v4  }
0xb3: {  	v4 =	vld.idx.msk [tilespmem:v25+s3+$0x0], $0xffff  }
0xb4: {  	v26 =	vadd.s32 $0x5E00, v3;
	_ =	sdelay $0x3  }
0xb5: {  	[tilespmem:s24+$0x13C00] =	vst v4  }
0xb6: {  	v4 =	vld.idx.msk [tilespmem:v26+s3+$0x0], $0xffff  }
0xb7: {  	v27 =	vadd.s32 $0x6000, v3;
	_ =	sdelay $0x3  }
0xb8: {  	[tilespmem:s24+$0x14000] =	vst v4  }
0xb9: {  	v4 =	vld.idx.msk [tilespmem:v27+s3+$0x0], $0xffff  }
0xba: {  	v28 =	vadd.s32 $0x6200, v3;
	_ =	sdelay $0x3  }
0xbb: {  	[tilespmem:s24+$0x14400] =	vst v4  }
0xbc: {  	v4 =	vld.idx.msk [tilespmem:v28+s3+$0x0], $0xffff  }
0xbd: {  	v29 =	vadd.s32 $0x6400, v3;
	_ =	sdelay $0x3  }
0xbe: {  	[tilespmem:s24+$0x14800] =	vst v4  }
0xbf: {  	v4 =	vld.idx.msk [tilespmem:v29+s3+$0x0], $0xffff  }
0xc0: {  	v30 =	vadd.s32 $0x6600, v3;
	_ =	sdelay $0x3  }
0xc1: {  	[tilespmem:s24+$0x14C00] =	vst v4  }
0xc2: {  	v4 =	vld.idx.msk [tilespmem:v30+s3+$0x0], $0xffff  }
0xc3: {  	v31 =	vadd.s32 $0x6800, v3;
	_ =	sdelay $0x3  }
0xc4: {  	[tilespmem:s24+$0x15000] =	vst v4  }
0xc5: {  	v4 =	vld.idx.msk [tilespmem:v31+s3+$0x0], $0xffff  }
0xc6: {  	v32 =	vadd.s32 $0x6A00, v3;
	_ =	sdelay $0x3  }
0xc7: {  	[tilespmem:s24+$0x15400] =	vst v4  }
0xc8: {  	v4 =	vld.idx.msk [tilespmem:v32+s3+$0x0], $0xffff  }
0xc9: {  	v33 =	vadd.s32 $0x6C00, v3;
	_ =	sdelay $0x3  }
0xca: {  	[tilespmem:s24+$0x15800] =	vst v4  }
0xcb: {  	v4 =	vld.idx.msk [tilespmem:v33+s3+$0x0], $0xffff  }
0xcc: {  	v34 =	vadd.s32 $0x6E00, v3;
	_ =	sdelay $0x3  }
0xcd: {  	[tilespmem:s24+$0x15C00] =	vst v4  }
0xce: {  	v4 =	vld.idx.msk [tilespmem:v34+s3+$0x0], $0xffff  }
0xcf: {  	v35 =	vadd.s32 $0x7000, v3;
	_ =	sdelay $0x3  }
0xd0: {  	[tilespmem:s24+$0x16000] =	vst v4  }
0xd1: {  	v4 =	vld.idx.msk [tilespmem:v35+s3+$0x0], $0xffff  }
0xd2: {  	v36 =	vadd.s32 $0x7200, v3;
	_ =	sdelay $0x3  }
0xd3: {  	[tilespmem:s24+$0x16400] =	vst v4  }
0xd4: {  	v4 =	vld.idx.msk [tilespmem:v36+s3+$0x0], $0xffff  }
0xd5: {  	v37 =	vadd.s32 $0x7400, v3;
	_ =	sdelay $0x3  }
0xd6: {  	[tilespmem:s24+$0x16800] =	vst v4  }
0xd7: {  	v4 =	vld.idx.msk [tilespmem:v37+s3+$0x0], $0xffff  }
0xd8: {  	v38 =	vadd.s32 $0x7600, v3;
	_ =	sdelay $0x3  }
0xd9: {  	[tilespmem:s24+$0x16C00] =	vst v4  }
0xda: {  	v4 =	vld.idx.msk [tilespmem:v38+s3+$0x0], $0xffff  }
0xdb: {  	v39 =	vadd.s32 $0x7800, v3;
	_ =	sdelay $0x3  }
0xdc: {  	[tilespmem:s24+$0x17000] =	vst v4  }
0xdd: {  	v4 =	vld.idx.msk [tilespmem:v39+s3+$0x0], $0xffff  }
0xde: {  	v40 =	vadd.s32 $0x7A00, v3;
	_ =	sdelay $0x3  }
0xdf: {  	[tilespmem:s24+$0x17400] =	vst v4  }
0xe0: {  	v4 =	vld.idx.msk [tilespmem:v40+s3+$0x0], $0xffff  }
0xe1: {  	v41 =	vadd.s32 $0x7C00, v3;
	_ =	sdelay $0x3  }
0xe2: {  	[tilespmem:s24+$0x17800] =	vst v4  }
0xe3: {  	v4 =	vld.idx.msk [tilespmem:v41+s3+$0x0], $0xffff  }
0xe4: {  	v42 =	vadd.s32 $0x7E00, v3;
	_ =	sdelay $0x3  }
0xe5: {  	[tilespmem:s24+$0x17C00] =	vst v4  }
0xe6: {  	v4 =	vld.idx.msk [tilespmem:v42+s3+$0x0], $0xffff;
	_ =	sdelay $0x1  }
0xe7: {  	v3 =	vadd.s32 $0x200, v3;
	_ =	sdelay $0x2  }
0xe8: {  	[tilespmem:s24+$0x18000] =	vst v4  }
0xe9: {  	[tilespmem:v2+s17+$0x0] =	vst.idx.add.f32.msk $0xffff, v1  }
0xea: {  	[tilespmem:v3+s17+$0x0] =	vst.idx.add.f32.msk $0xffff, v1  }
0xeb: {  	v2 =	vld [tilespmem:s25+$0x8010];
	_ =	sdelay $0x7  }
0xec: {  	v4 =	vld.idx.msk [tilespmem:v2+s3+$0x0], $0xffff  }
0xed: {  	v43 =	vadd.s32 $0x200, v2;
	_ =	sdelay $0x3  }
0xee: {  	v3 =	vld [tilespmem:s25+$0x8210];
	[tilespmem:s24+$0x8410] =	vst v4  }
0xef: {  	v4 =	vld.idx.msk [tilespmem:v43+s3+$0x0], $0xffff  }
0xf0: {  	v44 =	vadd.s32 $0x400, v2;
	_ =	sdelay $0x3  }
0xf1: {  	[tilespmem:s24+$0x8810] =	vst v4  }
0xf2: {  	v4 =	vld.idx.msk [tilespmem:v44+s3+$0x0], $0xffff  }
0xf3: {  	v45 =	vadd.s32 $0x600, v2;
	_ =	sdelay $0x3  }
0xf4: {  	[tilespmem:s24+$0x8C10] =	vst v4  }
0xf5: {  	v4 =	vld.idx.msk [tilespmem:v45+s3+$0x0], $0xffff  }
0xf6: {  	v46 =	vadd.s32 $0x800, v2;
	_ =	sdelay $0x3  }
0xf7: {  	[tilespmem:s24+$0x9010] =	vst v4  }
0xf8: {  	v4 =	vld.idx.msk [tilespmem:v46+s3+$0x0], $0xffff  }
0xf9: {  	v47 =	vadd.s32 $0xA00, v2;
	_ =	sdelay $0x3  }
0xfa: {  	[tilespmem:s24+$0x9410] =	vst v4  }
0xfb: {  	v4 =	vld.idx.msk [tilespmem:v47+s3+$0x0], $0xffff  }
0xfc: {  	v48 =	vadd.s32 $0xC00, v2;
	_ =	sdelay $0x3  }
0xfd: {  	[tilespmem:s24+$0x9810] =	vst v4  }
0xfe: {  	v4 =	vld.idx.msk [tilespmem:v48+s3+$0x0], $0xffff  }
0xff: {  	v49 =	vadd.s32 $0xE00, v2;
	_ =	sdelay $0x3  }
0x100: {  	[tilespmem:s24+$0x9C10] =	vst v4  }
0x101: {  	v4 =	vld.idx.msk [tilespmem:v49+s3+$0x0], $0xffff  }
0x102: {  	v50 =	vadd.s32 $0x1000, v2;
	_ =	sdelay $0x3  }
0x103: {  	[tilespmem:s24+$0xA010] =	vst v4  }
0x104: {  	v4 =	vld.idx.msk [tilespmem:v50+s3+$0x0], $0xffff  }
0x105: {  	v51 =	vadd.s32 $0x1200, v2;
	_ =	sdelay $0x3  }
0x106: {  	[tilespmem:s24+$0xA410] =	vst v4  }
0x107: {  	v4 =	vld.idx.msk [tilespmem:v51+s3+$0x0], $0xffff  }
0x108: {  	v52 =	vadd.s32 $0x1400, v2;
	_ =	sdelay $0x3  }
0x109: {  	[tilespmem:s24+$0xA810] =	vst v4  }
0x10a: {  	v4 =	vld.idx.msk [tilespmem:v52+s3+$0x0], $0xffff  }
0x10b: {  	v53 =	vadd.s32 $0x1600, v2;
	_ =	sdelay $0x3  }
0x10c: {  	[tilespmem:s24+$0xAC10] =	vst v4  }
0x10d: {  	v4 =	vld.idx.msk [tilespmem:v53+s3+$0x0], $0xffff  }
0x10e: {  	v54 =	vadd.s32 $0x1800, v2;
	_ =	sdelay $0x3  }
0x10f: {  	[tilespmem:s24+$0xB010] =	vst v4  }
0x110: {  	v4 =	vld.idx.msk [tilespmem:v54+s3+$0x0], $0xffff  }
0x111: {  	v55 =	vadd.s32 $0x1A00, v2;
	_ =	sdelay $0x3  }
0x112: {  	[tilespmem:s24+$0xB410] =	vst v4  }
0x113: {  	v4 =	vld.idx.msk [tilespmem:v55+s3+$0x0], $0xffff  }
0x114: {  	v56 =	vadd.s32 $0x1C00, v2;
	_ =	sdelay $0x3  }
0x115: {  	[tilespmem:s24+$0xB810] =	vst v4  }
0x116: {  	v4 =	vld.idx.msk [tilespmem:v56+s3+$0x0], $0xffff  }
0x117: {  	v57 =	vadd.s32 $0x1E00, v2;
	_ =	sdelay $0x3  }
0x118: {  	[tilespmem:s24+$0xBC10] =	vst v4  }
0x119: {  	v4 =	vld.idx.msk [tilespmem:v57+s3+$0x0], $0xffff  }
0x11a: {  	v58 =	vadd.s32 $0x2000, v2;
	_ =	sdelay $0x3  }
0x11b: {  	[tilespmem:s24+$0xC010] =	vst v4  }
0x11c: {  	v4 =	vld.idx.msk [tilespmem:v58+s3+$0x0], $0xffff  }
0x11d: {  	v59 =	vadd.s32 $0x2200, v2;
	_ =	sdelay $0x3  }
0x11e: {  	[tilespmem:s24+$0xC410] =	vst v4  }
0x11f: {  	v4 =	vld.idx.msk [tilespmem:v59+s3+$0x0], $0xffff  }
0x120: {  	v60 =	vadd.s32 $0x2400, v2;
	_ =	sdelay $0x3  }
0x121: {  	[tilespmem:s24+$0xC810] =	vst v4  }
0x122: {  	v4 =	vld.idx.msk [tilespmem:v60+s3+$0x0], $0xffff  }
0x123: {  	v61 =	vadd.s32 $0x2600, v2;
	_ =	sdelay $0x3  }
0x124: {  	[tilespmem:s24+$0xCC10] =	vst v4  }
0x125: {  	v4 =	vld.idx.msk [tilespmem:v61+s3+$0x0], $0xffff  }
0x126: {  	v62 =	vadd.s32 $0x2800, v2;
	_ =	sdelay $0x3  }
0x127: {  	[tilespmem:s24+$0xD010] =	vst v4  }
0x128: {  	v4 =	vld.idx.msk [tilespmem:v62+s3+$0x0], $0xffff  }
0x129: {  	v63 =	vadd.s32 $0x2A00, v2;
	_ =	sdelay $0x3  }
0x12a: {  	[tilespmem:s24+$0xD410] =	vst v4  }
0x12b: {  	v4 =	vld.idx.msk [tilespmem:v63+s3+$0x0], $0xffff  }
0x12c: {  	v8 =	vadd.s32 $0x2C00, v2;
	_ =	sdelay $0x3  }
0x12d: {  	[tilespmem:s24+$0xD810] =	vst v4  }
0x12e: {  	v4 =	vld.idx.msk [tilespmem:v8+s3+$0x0], $0xffff  }
0x12f: {  	v9 =	vadd.s32 $0x2E00, v2;
	_ =	sdelay $0x3  }
0x130: {  	[tilespmem:s24+$0xDC10] =	vst v4  }
0x131: {  	v4 =	vld.idx.msk [tilespmem:v9+s3+$0x0], $0xffff  }
0x132: {  	v10 =	vadd.s32 $0x3000, v2;
	_ =	sdelay $0x3  }
0x133: {  	[tilespmem:s24+$0xE010] =	vst v4  }
0x134: {  	v4 =	vld.idx.msk [tilespmem:v10+s3+$0x0], $0xffff  }
0x135: {  	v11 =	vadd.s32 $0x3200, v2;
	_ =	sdelay $0x3  }
0x136: {  	[tilespmem:s24+$0xE410] =	vst v4  }
0x137: {  	v4 =	vld.idx.msk [tilespmem:v11+s3+$0x0], $0xffff  }
0x138: {  	v12 =	vadd.s32 $0x3400, v2;
	_ =	sdelay $0x3  }
0x139: {  	[tilespmem:s24+$0xE810] =	vst v4  }
0x13a: {  	v4 =	vld.idx.msk [tilespmem:v12+s3+$0x0], $0xffff  }
0x13b: {  	v13 =	vadd.s32 $0x3600, v2;
	_ =	sdelay $0x3  }
0x13c: {  	[tilespmem:s24+$0xEC10] =	vst v4  }
0x13d: {  	v4 =	vld.idx.msk [tilespmem:v13+s3+$0x0], $0xffff  }
0x13e: {  	v14 =	vadd.s32 $0x3800, v2;
	_ =	sdelay $0x3  }
0x13f: {  	[tilespmem:s24+$0xF010] =	vst v4  }
0x140: {  	v4 =	vld.idx.msk [tilespmem:v14+s3+$0x0], $0xffff  }
0x141: {  	v15 =	vadd.s32 $0x3A00, v2;
	_ =	sdelay $0x3  }
0x142: {  	[tilespmem:s24+$0xF410] =	vst v4  }
0x143: {  	v4 =	vld.idx.msk [tilespmem:v15+s3+$0x0], $0xffff  }
0x144: {  	v16 =	vadd.s32 $0x3C00, v2;
	_ =	sdelay $0x3  }
0x145: {  	[tilespmem:s24+$0xF810] =	vst v4  }
0x146: {  	v4 =	vld.idx.msk [tilespmem:v16+s3+$0x0], $0xffff  }
0x147: {  	v17 =	vadd.s32 $0x3E00, v2;
	_ =	sdelay $0x3  }
0x148: {  	[tilespmem:s24+$0xFC10] =	vst v4  }
0x149: {  	v4 =	vld.idx.msk [tilespmem:v17+s3+$0x0], $0xffff  }
0x14a: {  	v18 =	vadd.s32 $0x4000, v3;
	_ =	sdelay $0x3  }
0x14b: {  	[tilespmem:s24+$0x10010] =	vst v4  }
0x14c: {  	v4 =	vld.idx.msk [tilespmem:v18+s3+$0x0], $0xffff  }
0x14d: {  	v19 =	vadd.s32 $0x4200, v3;
	_ =	sdelay $0x3  }
0x14e: {  	[tilespmem:s24+$0x10410] =	vst v4  }
0x14f: {  	v4 =	vld.idx.msk [tilespmem:v19+s3+$0x0], $0xffff  }
0x150: {  	v20 =	vadd.s32 $0x4400, v3;
	_ =	sdelay $0x3  }
0x151: {  	[tilespmem:s24+$0x10810] =	vst v4  }
0x152: {  	v4 =	vld.idx.msk [tilespmem:v20+s3+$0x0], $0xffff  }
0x153: {  	v21 =	vadd.s32 $0x4600, v3;
	_ =	sdelay $0x3  }
0x154: {  	[tilespmem:s24+$0x10C10] =	vst v4  }
0x155: {  	v4 =	vld.idx.msk [tilespmem:v21+s3+$0x0], $0xffff  }
0x156: {  	v22 =	vadd.s32 $0x4800, v3;
	_ =	sdelay $0x3  }
0x157: {  	[tilespmem:s24+$0x11010] =	vst v4  }
0x158: {  	v4 =	vld.idx.msk [tilespmem:v22+s3+$0x0], $0xffff  }
0x159: {  	v23 =	vadd.s32 $0x4A00, v3;
	_ =	sdelay $0x3  }
0x15a: {  	[tilespmem:s24+$0x11410] =	vst v4  }
0x15b: {  	v4 =	vld.idx.msk [tilespmem:v23+s3+$0x0], $0xffff  }
0x15c: {  	v24 =	vadd.s32 $0x4C00, v3;
	_ =	sdelay $0x3  }
0x15d: {  	[tilespmem:s24+$0x11810] =	vst v4  }
0x15e: {  	v4 =	vld.idx.msk [tilespmem:v24+s3+$0x0], $0xffff  }
0x15f: {  	v25 =	vadd.s32 $0x4E00, v3;
	_ =	sdelay $0x3  }
0x160: {  	[tilespmem:s24+$0x11C10] =	vst v4  }
0x161: {  	v4 =	vld.idx.msk [tilespmem:v25+s3+$0x0], $0xffff  }
0x162: {  	v26 =	vadd.s32 $0x5000, v3;
	_ =	sdelay $0x3  }
0x163: {  	[tilespmem:s24+$0x12010] =	vst v4  }
0x164: {  	v4 =	vld.idx.msk [tilespmem:v26+s3+$0x0], $0xffff  }
0x165: {  	v27 =	vadd.s32 $0x5200, v3;
	_ =	sdelay $0x3  }
0x166: {  	[tilespmem:s24+$0x12410] =	vst v4  }
0x167: {  	v4 =	vld.idx.msk [tilespmem:v27+s3+$0x0], $0xffff  }
0x168: {  	v28 =	vadd.s32 $0x5400, v3;
	_ =	sdelay $0x3  }
0x169: {  	[tilespmem:s24+$0x12810] =	vst v4  }
0x16a: {  	v4 =	vld.idx.msk [tilespmem:v28+s3+$0x0], $0xffff  }
0x16b: {  	v29 =	vadd.s32 $0x5600, v3;
	_ =	sdelay $0x3  }
0x16c: {  	[tilespmem:s24+$0x12C10] =	vst v4  }
0x16d: {  	v4 =	vld.idx.msk [tilespmem:v29+s3+$0x0], $0xffff  }
0x16e: {  	v30 =	vadd.s32 $0x5800, v3;
	_ =	sdelay $0x3  }
0x16f: {  	[tilespmem:s24+$0x13010] =	vst v4  }
0x170: {  	v4 =	vld.idx.msk [tilespmem:v30+s3+$0x0], $0xffff  }
0x171: {  	v31 =	vadd.s32 $0x5A00, v3;
	_ =	sdelay $0x3  }
0x172: {  	[tilespmem:s24+$0x13410] =	vst v4  }
0x173: {  	v4 =	vld.idx.msk [tilespmem:v31+s3+$0x0], $0xffff  }
0x174: {  	v32 =	vadd.s32 $0x5C00, v3;
	_ =	sdelay $0x3  }
0x175: {  	[tilespmem:s24+$0x13810] =	vst v4  }
0x176: {  	v4 =	vld.idx.msk [tilespmem:v32+s3+$0x0], $0xffff  }
0x177: {  	v33 =	vadd.s32 $0x5E00, v3;
	_ =	sdelay $0x3  }
0x178: {  	[tilespmem:s24+$0x13C10] =	vst v4  }
0x179: {  	v4 =	vld.idx.msk [tilespmem:v33+s3+$0x0], $0xffff  }
0x17a: {  	v34 =	vadd.s32 $0x6000, v3;
	_ =	sdelay $0x3  }
0x17b: {  	[tilespmem:s24+$0x14010] =	vst v4  }
0x17c: {  	v4 =	vld.idx.msk [tilespmem:v34+s3+$0x0], $0xffff  }
0x17d: {  	v35 =	vadd.s32 $0x6200, v3;
	_ =	sdelay $0x3  }
0x17e: {  	[tilespmem:s24+$0x14410] =	vst v4  }
0x17f: {  	v4 =	vld.idx.msk [tilespmem:v35+s3+$0x0], $0xffff  }
0x180: {  	v36 =	vadd.s32 $0x6400, v3;
	_ =	sdelay $0x3  }
0x181: {  	[tilespmem:s24+$0x14810] =	vst v4  }
0x182: {  	v4 =	vld.idx.msk [tilespmem:v36+s3+$0x0], $0xffff  }
0x183: {  	v37 =	vadd.s32 $0x6600, v3;
	_ =	sdelay $0x3  }
0x184: {  	[tilespmem:s24+$0x14C10] =	vst v4  }
0x185: {  	v4 =	vld.idx.msk [tilespmem:v37+s3+$0x0], $0xffff  }
0x186: {  	v38 =	vadd.s32 $0x6800, v3;
	_ =	sdelay $0x3  }
0x187: {  	[tilespmem:s24+$0x15010] =	vst v4  }
0x188: {  	v4 =	vld.idx.msk [tilespmem:v38+s3+$0x0], $0xffff  }
0x189: {  	v39 =	vadd.s32 $0x6A00, v3;
	_ =	sdelay $0x3  }
0x18a: {  	[tilespmem:s24+$0x15410] =	vst v4  }
0x18b: {  	v4 =	vld.idx.msk [tilespmem:v39+s3+$0x0], $0xffff  }
0x18c: {  	v40 =	vadd.s32 $0x6C00, v3;
	_ =	sdelay $0x3  }
0x18d: {  	[tilespmem:s24+$0x15810] =	vst v4  }
0x18e: {  	v4 =	vld.idx.msk [tilespmem:v40+s3+$0x0], $0xffff  }
0x18f: {  	v41 =	vadd.s32 $0x6E00, v3;
	_ =	sdelay $0x3  }
0x190: {  	[tilespmem:s24+$0x15C10] =	vst v4  }
0x191: {  	v4 =	vld.idx.msk [tilespmem:v41+s3+$0x0], $0xffff  }
0x192: {  	v42 =	vadd.s32 $0x7000, v3;
	_ =	sdelay $0x3  }
0x193: {  	[tilespmem:s24+$0x16010] =	vst v4  }
0x194: {  	v4 =	vld.idx.msk [tilespmem:v42+s3+$0x0], $0xffff  }
0x195: {  	v43 =	vadd.s32 $0x7200, v3;
	_ =	sdelay $0x3  }
0x196: {  	[tilespmem:s24+$0x16410] =	vst v4  }
0x197: {  	v4 =	vld.idx.msk [tilespmem:v43+s3+$0x0], $0xffff  }
0x198: {  	v44 =	vadd.s32 $0x7400, v3;
	_ =	sdelay $0x3  }
0x199: {  	[tilespmem:s24+$0x16810] =	vst v4  }
0x19a: {  	v4 =	vld.idx.msk [tilespmem:v44+s3+$0x0], $0xffff  }
0x19b: {  	v45 =	vadd.s32 $0x7600, v3;
	_ =	sdelay $0x3  }
0x19c: {  	[tilespmem:s24+$0x16C10] =	vst v4  }
0x19d: {  	v4 =	vld.idx.msk [tilespmem:v45+s3+$0x0], $0xffff  }
0x19e: {  	v46 =	vadd.s32 $0x7800, v3;
	_ =	sdelay $0x3  }
0x19f: {  	[tilespmem:s24+$0x17010] =	vst v4  }
0x1a0: {  	v4 =	vld.idx.msk [tilespmem:v46+s3+$0x0], $0xffff  }
0x1a1: {  	v47 =	vadd.s32 $0x7A00, v3;
	_ =	sdelay $0x3  }
0x1a2: {  	[tilespmem:s24+$0x17410] =	vst v4  }
0x1a3: {  	v4 =	vld.idx.msk [tilespmem:v47+s3+$0x0], $0xffff  }
0x1a4: {  	v48 =	vadd.s32 $0x7C00, v3;
	_ =	sdelay $0x3  }
0x1a5: {  	[tilespmem:s24+$0x17810] =	vst v4  }
0x1a6: {  	v4 =	vld.idx.msk [tilespmem:v48+s3+$0x0], $0xffff  }
0x1a7: {  	v49 =	vadd.s32 $0x7E00, v3;
	_ =	sdelay $0x3  }
0x1a8: {  	[tilespmem:s24+$0x17C10] =	vst v4  }
0x1a9: {  	v4 =	vld.idx.msk [tilespmem:v49+s3+$0x0], $0xffff;
	_ =	sdelay $0x1  }
0x1aa: {  	v3 =	vadd.s32 $0x200, v3;
	_ =	sdelay $0x2  }
0x1ab: {  	[tilespmem:s24+$0x18010] =	vst v4  }
0x1ac: {  	[tilespmem:v2+s17+$0x0] =	vst.idx.add.f32.msk $0xffff, v1  }
0x1ad: {  	[tilespmem:v3+s17+$0x0] =	vst.idx.add.f32.msk $0xffff, v1  }
0x1ae: {  	v2 =	vld [tilespmem:s25+$0x8020];
	_ =	sdelay $0x7  }
0x1af: {  	v4 =	vld.idx.msk [tilespmem:v2+s3+$0x0], $0xffff  }
0x1b0: {  	v50 =	vadd.s32 $0x200, v2;
	_ =	sdelay $0x3  }
0x1b1: {  	v3 =	vld [tilespmem:s25+$0x8220];
	[tilespmem:s24+$0x8420] =	vst v4  }
0x1b2: {  	v4 =	vld.idx.msk [tilespmem:v50+s3+$0x0], $0xffff  }
0x1b3: {  	v51 =	vadd.s32 $0x400, v2;
	_ =	sdelay $0x3  }
0x1b4: {  	[tilespmem:s24+$0x8820] =	vst v4  }
0x1b5: {  	v4 =	vld.idx.msk [tilespmem:v51+s3+$0x0], $0xffff  }
0x1b6: {  	v52 =	vadd.s32 $0x600, v2;
	_ =	sdelay $0x3  }
0x1b7: {  	[tilespmem:s24+$0x8C20] =	vst v4  }
0x1b8: {  	v4 =	vld.idx.msk [tilespmem:v52+s3+$0x0], $0xffff  }
0x1b9: {  	v53 =	vadd.s32 $0x800, v2;
	_ =	sdelay $0x3  }
0x1ba: {  	[tilespmem:s24+$0x9020] =	vst v4  }
0x1bb: {  	v4 =	vld.idx.msk [tilespmem:v53+s3+$0x0], $0xffff  }
0x1bc: {  	v54 =	vadd.s32 $0xA00, v2;
	_ =	sdelay $0x3  }
0x1bd: {  	[tilespmem:s24+$0x9420] =	vst v4  }
0x1be: {  	v4 =	vld.idx.msk [tilespmem:v54+s3+$0x0], $0xffff  }
0x1bf: {  	v55 =	vadd.s32 $0xC00, v2;
	_ =	sdelay $0x3  }
0x1c0: {  	[tilespmem:s24+$0x9820] =	vst v4  }
0x1c1: {  	v4 =	vld.idx.msk [tilespmem:v55+s3+$0x0], $0xffff  }
0x1c2: {  	v56 =	vadd.s32 $0xE00, v2;
	_ =	sdelay $0x3  }
0x1c3: {  	[tilespmem:s24+$0x9C20] =	vst v4  }
0x1c4: {  	v4 =	vld.idx.msk [tilespmem:v56+s3+$0x0], $0xffff  }
0x1c5: {  	v57 =	vadd.s32 $0x1000, v2;
	_ =	sdelay $0x3  }
0x1c6: {  	[tilespmem:s24+$0xA020] =	vst v4  }
0x1c7: {  	v4 =	vld.idx.msk [tilespmem:v57+s3+$0x0], $0xffff  }
0x1c8: {  	v58 =	vadd.s32 $0x1200, v2;
	_ =	sdelay $0x3  }
0x1c9: {  	[tilespmem:s24+$0xA420] =	vst v4  }
0x1ca: {  	v4 =	vld.idx.msk [tilespmem:v58+s3+$0x0], $0xffff  }
0x1cb: {  	v59 =	vadd.s32 $0x1400, v2;
	_ =	sdelay $0x3  }
0x1cc: {  	[tilespmem:s24+$0xA820] =	vst v4  }
0x1cd: {  	v4 =	vld.idx.msk [tilespmem:v59+s3+$0x0], $0xffff  }
0x1ce: {  	v60 =	vadd.s32 $0x1600, v2;
	_ =	sdelay $0x3  }
0x1cf: {  	[tilespmem:s24+$0xAC20] =	vst v4  }
0x1d0: {  	v4 =	vld.idx.msk [tilespmem:v60+s3+$0x0], $0xffff  }
0x1d1: {  	v61 =	vadd.s32 $0x1800, v2;
	_ =	sdelay $0x3  }
0x1d2: {  	[tilespmem:s24+$0xB020] =	vst v4  }
0x1d3: {  	v4 =	vld.idx.msk [tilespmem:v61+s3+$0x0], $0xffff  }
0x1d4: {  	v62 =	vadd.s32 $0x1A00, v2;
	_ =	sdelay $0x3  }
0x1d5: {  	[tilespmem:s24+$0xB420] =	vst v4  }
0x1d6: {  	v4 =	vld.idx.msk [tilespmem:v62+s3+$0x0], $0xffff  }
0x1d7: {  	v63 =	vadd.s32 $0x1C00, v2;
	_ =	sdelay $0x3  }
0x1d8: {  	[tilespmem:s24+$0xB820] =	vst v4  }
0x1d9: {  	v4 =	vld.idx.msk [tilespmem:v63+s3+$0x0], $0xffff  }
0x1da: {  	v8 =	vadd.s32 $0x1E00, v2;
	_ =	sdelay $0x3  }
0x1db: {  	[tilespmem:s24+$0xBC20] =	vst v4  }
0x1dc: {  	v4 =	vld.idx.msk [tilespmem:v8+s3+$0x0], $0xffff  }
0x1dd: {  	v9 =	vadd.s32 $0x2000, v2;
	_ =	sdelay $0x3  }
0x1de: {  	[tilespmem:s24+$0xC020] =	vst v4  }
0x1df: {  	v4 =	vld.idx.msk [tilespmem:v9+s3+$0x0], $0xffff  }
0x1e0: {  	v10 =	vadd.s32 $0x2200, v2;
	_ =	sdelay $0x3  }
0x1e1: {  	[tilespmem:s24+$0xC420] =	vst v4  }
0x1e2: {  	v4 =	vld.idx.msk [tilespmem:v10+s3+$0x0], $0xffff  }
0x1e3: {  	v11 =	vadd.s32 $0x2400, v2;
	_ =	sdelay $0x3  }
0x1e4: {  	[tilespmem:s24+$0xC820] =	vst v4  }
0x1e5: {  	v4 =	vld.idx.msk [tilespmem:v11+s3+$0x0], $0xffff  }
0x1e6: {  	v12 =	vadd.s32 $0x2600, v2;
	_ =	sdelay $0x3  }
0x1e7: {  	[tilespmem:s24+$0xCC20] =	vst v4  }
0x1e8: {  	v4 =	vld.idx.msk [tilespmem:v12+s3+$0x0], $0xffff  }
0x1e9: {  	v13 =	vadd.s32 $0x2800, v2;
	_ =	sdelay $0x3  }
0x1ea: {  	[tilespmem:s24+$0xD020] =	vst v4  }
0x1eb: {  	v4 =	vld.idx.msk [tilespmem:v13+s3+$0x0], $0xffff  }
0x1ec: {  	v14 =	vadd.s32 $0x2A00, v2;
	_ =	sdelay $0x3  }
0x1ed: {  	[tilespmem:s24+$0xD420] =	vst v4  }
0x1ee: {  	v4 =	vld.idx.msk [tilespmem:v14+s3+$0x0], $0xffff  }
0x1ef: {  	v15 =	vadd.s32 $0x2C00, v2;
	_ =	sdelay $0x3  }
0x1f0: {  	[tilespmem:s24+$0xD820] =	vst v4  }
0x1f1: {  	v4 =	vld.idx.msk [tilespmem:v15+s3+$0x0], $0xffff  }
0x1f2: {  	v16 =	vadd.s32 $0x2E00, v2;
	_ =	sdelay $0x3  }
0x1f3: {  	[tilespmem:s24+$0xDC20] =	vst v4  }
0x1f4: {  	v4 =	vld.idx.msk [tilespmem:v16+s3+$0x0], $0xffff  }
0x1f5: {  	v17 =	vadd.s32 $0x3000, v2;
	_ =	sdelay $0x3  }
0x1f6: {  	[tilespmem:s24+$0xE020] =	vst v4  }
0x1f7: {  	v4 =	vld.idx.msk [tilespmem:v17+s3+$0x0], $0xffff  }
0x1f8: {  	v18 =	vadd.s32 $0x3200, v2;
	_ =	sdelay $0x3  }
0x1f9: {  	[tilespmem:s24+$0xE420] =	vst v4  }
0x1fa: {  	v4 =	vld.idx.msk [tilespmem:v18+s3+$0x0], $0xffff  }
0x1fb: {  	v19 =	vadd.s32 $0x3400, v2;
	_ =	sdelay $0x3  }
0x1fc: {  	[tilespmem:s24+$0xE820] =	vst v4  }
0x1fd: {  	v4 =	vld.idx.msk [tilespmem:v19+s3+$0x0], $0xffff  }
0x1fe: {  	v20 =	vadd.s32 $0x3600, v2;
	_ =	sdelay $0x3  }
0x1ff: {  	[tilespmem:s24+$0xEC20] =	vst v4  }
0x200: {  	v4 =	vld.idx.msk [tilespmem:v20+s3+$0x0], $0xffff  }
0x201: {  	v21 =	vadd.s32 $0x3800, v2;
	_ =	sdelay $0x3  }
0x202: {  	[tilespmem:s24+$0xF020] =	vst v4  }
0x203: {  	v4 =	vld.idx.msk [tilespmem:v21+s3+$0x0], $0xffff  }
0x204: {  	v22 =	vadd.s32 $0x3A00, v2;
	_ =	sdelay $0x3  }
0x205: {  	[tilespmem:s24+$0xF420] =	vst v4  }
0x206: {  	v4 =	vld.idx.msk [tilespmem:v22+s3+$0x0], $0xffff  }
0x207: {  	v23 =	vadd.s32 $0x3C00, v2;
	_ =	sdelay $0x3  }
0x208: {  	[tilespmem:s24+$0xF820] =	vst v4  }
0x209: {  	v4 =	vld.idx.msk [tilespmem:v23+s3+$0x0], $0xffff  }
0x20a: {  	v24 =	vadd.s32 $0x3E00, v2;
	_ =	sdelay $0x3  }
0x20b: {  	[tilespmem:s24+$0xFC20] =	vst v4  }
0x20c: {  	v4 =	vld.idx.msk [tilespmem:v24+s3+$0x0], $0xffff  }
0x20d: {  	v25 =	vadd.s32 $0x4000, v3;
	_ =	sdelay $0x3  }
0x20e: {  	[tilespmem:s24+$0x10020] =	vst v4  }
0x20f: {  	v4 =	vld.idx.msk [tilespmem:v25+s3+$0x0], $0xffff  }
0x210: {  	v26 =	vadd.s32 $0x4200, v3;
	_ =	sdelay $0x3  }
0x211: {  	[tilespmem:s24+$0x10420] =	vst v4  }
0x212: {  	v4 =	vld.idx.msk [tilespmem:v26+s3+$0x0], $0xffff  }
0x213: {  	v27 =	vadd.s32 $0x4400, v3;
	_ =	sdelay $0x3  }
0x214: {  	[tilespmem:s24+$0x10820] =	vst v4  }
0x215: {  	v4 =	vld.idx.msk [tilespmem:v27+s3+$0x0], $0xffff  }
0x216: {  	v28 =	vadd.s32 $0x4600, v3;
	_ =	sdelay $0x3  }
0x217: {  	[tilespmem:s24+$0x10C20] =	vst v4  }
0x218: {  	v4 =	vld.idx.msk [tilespmem:v28+s3+$0x0], $0xffff  }
0x219: {  	v29 =	vadd.s32 $0x4800, v3;
	_ =	sdelay $0x3  }
0x21a: {  	[tilespmem:s24+$0x11020] =	vst v4  }
0x21b: {  	v4 =	vld.idx.msk [tilespmem:v29+s3+$0x0], $0xffff  }
0x21c: {  	v30 =	vadd.s32 $0x4A00, v3;
	_ =	sdelay $0x3  }
0x21d: {  	[tilespmem:s24+$0x11420] =	vst v4  }
0x21e: {  	v4 =	vld.idx.msk [tilespmem:v30+s3+$0x0], $0xffff  }
0x21f: {  	v31 =	vadd.s32 $0x4C00, v3;
	_ =	sdelay $0x3  }
0x220: {  	[tilespmem:s24+$0x11820] =	vst v4  }
0x221: {  	v4 =	vld.idx.msk [tilespmem:v31+s3+$0x0], $0xffff  }
0x222: {  	v32 =	vadd.s32 $0x4E00, v3;
	_ =	sdelay $0x3  }
0x223: {  	[tilespmem:s24+$0x11C20] =	vst v4  }
0x224: {  	v4 =	vld.idx.msk [tilespmem:v32+s3+$0x0], $0xffff  }
0x225: {  	v33 =	vadd.s32 $0x5000, v3;
	_ =	sdelay $0x3  }
0x226: {  	[tilespmem:s24+$0x12020] =	vst v4  }
0x227: {  	v4 =	vld.idx.msk [tilespmem:v33+s3+$0x0], $0xffff  }
0x228: {  	v34 =	vadd.s32 $0x5200, v3;
	_ =	sdelay $0x3  }
0x229: {  	[tilespmem:s24+$0x12420] =	vst v4  }
0x22a: {  	v4 =	vld.idx.msk [tilespmem:v34+s3+$0x0], $0xffff  }
0x22b: {  	v35 =	vadd.s32 $0x5400, v3;
	_ =	sdelay $0x3  }
0x22c: {  	[tilespmem:s24+$0x12820] =	vst v4  }
0x22d: {  	v4 =	vld.idx.msk [tilespmem:v35+s3+$0x0], $0xffff  }
0x22e: {  	v36 =	vadd.s32 $0x5600, v3;
	_ =	sdelay $0x3  }
0x22f: {  	[tilespmem:s24+$0x12C20] =	vst v4  }
0x230: {  	v4 =	vld.idx.msk [tilespmem:v36+s3+$0x0], $0xffff  }
0x231: {  	v37 =	vadd.s32 $0x5800, v3;
	_ =	sdelay $0x3  }
0x232: {  	[tilespmem:s24+$0x13020] =	vst v4  }
0x233: {  	v4 =	vld.idx.msk [tilespmem:v37+s3+$0x0], $0xffff  }
0x234: {  	v38 =	vadd.s32 $0x5A00, v3;
	_ =	sdelay $0x3  }
0x235: {  	[tilespmem:s24+$0x13420] =	vst v4  }
0x236: {  	v4 =	vld.idx.msk [tilespmem:v38+s3+$0x0], $0xffff  }
0x237: {  	v39 =	vadd.s32 $0x5C00, v3;
	_ =	sdelay $0x3  }
0x238: {  	[tilespmem:s24+$0x13820] =	vst v4  }
0x239: {  	v4 =	vld.idx.msk [tilespmem:v39+s3+$0x0], $0xffff  }
0x23a: {  	v40 =	vadd.s32 $0x5E00, v3;
	_ =	sdelay $0x3  }
0x23b: {  	[tilespmem:s24+$0x13C20] =	vst v4  }
0x23c: {  	v4 =	vld.idx.msk [tilespmem:v40+s3+$0x0], $0xffff  }
0x23d: {  	v41 =	vadd.s32 $0x6000, v3;
	_ =	sdelay $0x3  }
0x23e: {  	[tilespmem:s24+$0x14020] =	vst v4  }
0x23f: {  	v4 =	vld.idx.msk [tilespmem:v41+s3+$0x0], $0xffff  }
0x240: {  	v42 =	vadd.s32 $0x6200, v3;
	_ =	sdelay $0x3  }
0x241: {  	[tilespmem:s24+$0x14420] =	vst v4  }
0x242: {  	v4 =	vld.idx.msk [tilespmem:v42+s3+$0x0], $0xffff  }
0x243: {  	v43 =	vadd.s32 $0x6400, v3;
	_ =	sdelay $0x3  }
0x244: {  	[tilespmem:s24+$0x14820] =	vst v4  }
0x245: {  	v4 =	vld.idx.msk [tilespmem:v43+s3+$0x0], $0xffff  }
0x246: {  	v44 =	vadd.s32 $0x6600, v3;
	_ =	sdelay $0x3  }
0x247: {  	[tilespmem:s24+$0x14C20] =	vst v4  }
0x248: {  	v4 =	vld.idx.msk [tilespmem:v44+s3+$0x0], $0xffff  }
0x249: {  	v45 =	vadd.s32 $0x6800, v3;
	_ =	sdelay $0x3  }
0x24a: {  	[tilespmem:s24+$0x15020] =	vst v4  }
0x24b: {  	v4 =	vld.idx.msk [tilespmem:v45+s3+$0x0], $0xffff  }
0x24c: {  	v46 =	vadd.s32 $0x6A00, v3;
	_ =	sdelay $0x3  }
0x24d: {  	[tilespmem:s24+$0x15420] =	vst v4  }
0x24e: {  	v4 =	vld.idx.msk [tilespmem:v46+s3+$0x0], $0xffff  }
0x24f: {  	v47 =	vadd.s32 $0x6C00, v3;
	_ =	sdelay $0x3  }
0x250: {  	[tilespmem:s24+$0x15820] =	vst v4  }
0x251: {  	v4 =	vld.idx.msk [tilespmem:v47+s3+$0x0], $0xffff  }
0x252: {  	v48 =	vadd.s32 $0x6E00, v3;
	_ =	sdelay $0x3  }
0x253: {  	[tilespmem:s24+$0x15C20] =	vst v4  }
0x254: {  	v4 =	vld.idx.msk [tilespmem:v48+s3+$0x0], $0xffff  }
0x255: {  	v49 =	vadd.s32 $0x7000, v3;
	_ =	sdelay $0x3  }
0x256: {  	[tilespmem:s24+$0x16020] =	vst v4  }
0x257: {  	v4 =	vld.idx.msk [tilespmem:v49+s3+$0x0], $0xffff  }
0x258: {  	v50 =	vadd.s32 $0x7200, v3;
	_ =	sdelay $0x3  }
0x259: {  	[tilespmem:s24+$0x16420] =	vst v4  }
0x25a: {  	v4 =	vld.idx.msk [tilespmem:v50+s3+$0x0], $0xffff  }
0x25b: {  	v51 =	vadd.s32 $0x7400, v3;
	_ =	sdelay $0x3  }
0x25c: {  	[tilespmem:s24+$0x16820] =	vst v4  }
0x25d: {  	v4 =	vld.idx.msk [tilespmem:v51+s3+$0x0], $0xffff  }
0x25e: {  	v52 =	vadd.s32 $0x7600, v3;
	_ =	sdelay $0x3  }
0x25f: {  	[tilespmem:s24+$0x16C20] =	vst v4  }
0x260: {  	v4 =	vld.idx.msk [tilespmem:v52+s3+$0x0], $0xffff  }
0x261: {  	v53 =	vadd.s32 $0x7800, v3;
	_ =	sdelay $0x3  }
0x262: {  	[tilespmem:s24+$0x17020] =	vst v4  }
0x263: {  	v4 =	vld.idx.msk [tilespmem:v53+s3+$0x0], $0xffff  }
0x264: {  	v54 =	vadd.s32 $0x7A00, v3;
	_ =	sdelay $0x3  }
0x265: {  	[tilespmem:s24+$0x17420] =	vst v4  }
0x266: {  	v4 =	vld.idx.msk [tilespmem:v54+s3+$0x0], $0xffff  }
0x267: {  	v55 =	vadd.s32 $0x7C00, v3;
	_ =	sdelay $0x3  }
0x268: {  	[tilespmem:s24+$0x17820] =	vst v4  }
0x269: {  	v4 =	vld.idx.msk [tilespmem:v55+s3+$0x0], $0xffff  }
0x26a: {  	v56 =	vadd.s32 $0x7E00, v3;
	_ =	sdelay $0x3  }
0x26b: {  	[tilespmem:s24+$0x17C20] =	vst v4  }
0x26c: {  	v4 =	vld.idx.msk [tilespmem:v56+s3+$0x0], $0xffff;
	_ =	sdelay $0x1  }
0x26d: {  	v3 =	vadd.s32 $0x200, v3;
	_ =	sdelay $0x2  }
0x26e: {  	[tilespmem:s24+$0x18020] =	vst v4  }
0x26f: {  	[tilespmem:v2+s17+$0x0] =	vst.idx.add.f32.msk $0xffff, v1  }
0x270: {  	[tilespmem:v3+s17+$0x0] =	vst.idx.add.f32.msk $0xffff, v1  }
0x271: {  	v2 =	vld [tilespmem:s25+$0x8030];
	_ =	sdelay $0x7  }
0x272: {  	v4 =	vld.idx.msk [tilespmem:v2+s3+$0x0], $0xffff  }
0x273: {  	v57 =	vadd.s32 $0x200, v2;
	_ =	sdelay $0x3  }
0x274: {  	v3 =	vld [tilespmem:s25+$0x8230];
	[tilespmem:s24+$0x8430] =	vst v4  }
0x275: {  	v4 =	vld.idx.msk [tilespmem:v57+s3+$0x0], $0xffff  }
0x276: {  	v58 =	vadd.s32 $0x400, v2;
	_ =	sdelay $0x3  }
0x277: {  	[tilespmem:s24+$0x8830] =	vst v4  }
0x278: {  	v4 =	vld.idx.msk [tilespmem:v58+s3+$0x0], $0xffff  }
0x279: {  	v59 =	vadd.s32 $0x600, v2;
	_ =	sdelay $0x3  }
0x27a: {  	[tilespmem:s24+$0x8C30] =	vst v4  }
0x27b: {  	v4 =	vld.idx.msk [tilespmem:v59+s3+$0x0], $0xffff  }
0x27c: {  	v60 =	vadd.s32 $0x800, v2;
	_ =	sdelay $0x3  }
0x27d: {  	[tilespmem:s24+$0x9030] =	vst v4  }
0x27e: {  	v4 =	vld.idx.msk [tilespmem:v60+s3+$0x0], $0xffff  }
0x27f: {  	v61 =	vadd.s32 $0xA00, v2;
	_ =	sdelay $0x3  }
0x280: {  	[tilespmem:s24+$0x9430] =	vst v4  }
0x281: {  	v4 =	vld.idx.msk [tilespmem:v61+s3+$0x0], $0xffff  }
0x282: {  	v62 =	vadd.s32 $0xC00, v2;
	_ =	sdelay $0x3  }
0x283: {  	[tilespmem:s24+$0x9830] =	vst v4  }
0x284: {  	v4 =	vld.idx.msk [tilespmem:v62+s3+$0x0], $0xffff  }
0x285: {  	v63 =	vadd.s32 $0xE00, v2;
	_ =	sdelay $0x3  }
0x286: {  	[tilespmem:s24+$0x9C30] =	vst v4  }
0x287: {  	v4 =	vld.idx.msk [tilespmem:v63+s3+$0x0], $0xffff  }
0x288: {  	v8 =	vadd.s32 $0x1000, v2;
	_ =	sdelay $0x3  }
0x289: {  	[tilespmem:s24+$0xA030] =	vst v4  }
0x28a: {  	v4 =	vld.idx.msk [tilespmem:v8+s3+$0x0], $0xffff  }
0x28b: {  	v9 =	vadd.s32 $0x1200, v2;
	_ =	sdelay $0x3  }
0x28c: {  	[tilespmem:s24+$0xA430] =	vst v4  }
0x28d: {  	v4 =	vld.idx.msk [tilespmem:v9+s3+$0x0], $0xffff  }
0x28e: {  	v10 =	vadd.s32 $0x1400, v2;
	_ =	sdelay $0x3  }
0x28f: {  	[tilespmem:s24+$0xA830] =	vst v4  }
0x290: {  	v4 =	vld.idx.msk [tilespmem:v10+s3+$0x0], $0xffff  }
0x291: {  	v11 =	vadd.s32 $0x1600, v2;
	_ =	sdelay $0x3  }
0x292: {  	[tilespmem:s24+$0xAC30] =	vst v4  }
0x293: {  	v4 =	vld.idx.msk [tilespmem:v11+s3+$0x0], $0xffff  }
0x294: {  	v12 =	vadd.s32 $0x1800, v2;
	_ =	sdelay $0x3  }
0x295: {  	[tilespmem:s24+$0xB030] =	vst v4  }
0x296: {  	v4 =	vld.idx.msk [tilespmem:v12+s3+$0x0], $0xffff  }
0x297: {  	v13 =	vadd.s32 $0x1A00, v2;
	_ =	sdelay $0x3  }
0x298: {  	[tilespmem:s24+$0xB430] =	vst v4  }
0x299: {  	v4 =	vld.idx.msk [tilespmem:v13+s3+$0x0], $0xffff  }
0x29a: {  	v14 =	vadd.s32 $0x1C00, v2;
	_ =	sdelay $0x3  }
0x29b: {  	[tilespmem:s24+$0xB830] =	vst v4  }
0x29c: {  	v4 =	vld.idx.msk [tilespmem:v14+s3+$0x0], $0xffff  }
0x29d: {  	v15 =	vadd.s32 $0x1E00, v2;
	_ =	sdelay $0x3  }
0x29e: {  	[tilespmem:s24+$0xBC30] =	vst v4  }
0x29f: {  	v4 =	vld.idx.msk [tilespmem:v15+s3+$0x0], $0xffff  }
0x2a0: {  	v16 =	vadd.s32 $0x2000, v2;
	_ =	sdelay $0x3  }
0x2a1: {  	[tilespmem:s24+$0xC030] =	vst v4  }
0x2a2: {  	v4 =	vld.idx.msk [tilespmem:v16+s3+$0x0], $0xffff  }
0x2a3: {  	v17 =	vadd.s32 $0x2200, v2;
	_ =	sdelay $0x3  }
0x2a4: {  	[tilespmem:s24+$0xC430] =	vst v4  }
0x2a5: {  	v4 =	vld.idx.msk [tilespmem:v17+s3+$0x0], $0xffff  }
0x2a6: {  	v18 =	vadd.s32 $0x2400, v2;
	_ =	sdelay $0x3  }
0x2a7: {  	[tilespmem:s24+$0xC830] =	vst v4  }
0x2a8: {  	v4 =	vld.idx.msk [tilespmem:v18+s3+$0x0], $0xffff  }
0x2a9: {  	v19 =	vadd.s32 $0x2600, v2;
	_ =	sdelay $0x3  }
0x2aa: {  	[tilespmem:s24+$0xCC30] =	vst v4  }
0x2ab: {  	v4 =	vld.idx.msk [tilespmem:v19+s3+$0x0], $0xffff  }
0x2ac: {  	v20 =	vadd.s32 $0x2800, v2;
	_ =	sdelay $0x3  }
0x2ad: {  	[tilespmem:s24+$0xD030] =	vst v4  }
0x2ae: {  	v4 =	vld.idx.msk [tilespmem:v20+s3+$0x0], $0xffff  }
0x2af: {  	v21 =	vadd.s32 $0x2A00, v2;
	_ =	sdelay $0x3  }
0x2b0: {  	[tilespmem:s24+$0xD430] =	vst v4  }
0x2b1: {  	v4 =	vld.idx.msk [tilespmem:v21+s3+$0x0], $0xffff  }
0x2b2: {  	v22 =	vadd.s32 $0x2C00, v2;
	_ =	sdelay $0x3  }
0x2b3: {  	[tilespmem:s24+$0xD830] =	vst v4  }
0x2b4: {  	v4 =	vld.idx.msk [tilespmem:v22+s3+$0x0], $0xffff  }
0x2b5: {  	v23 =	vadd.s32 $0x2E00, v2;
	_ =	sdelay $0x3  }
0x2b6: {  	[tilespmem:s24+$0xDC30] =	vst v4  }
0x2b7: {  	v4 =	vld.idx.msk [tilespmem:v23+s3+$0x0], $0xffff  }
0x2b8: {  	v24 =	vadd.s32 $0x3000, v2;
	_ =	sdelay $0x3  }
0x2b9: {  	[tilespmem:s24+$0xE030] =	vst v4  }
0x2ba: {  	v4 =	vld.idx.msk [tilespmem:v24+s3+$0x0], $0xffff  }
0x2bb: {  	v25 =	vadd.s32 $0x3200, v2;
	_ =	sdelay $0x3  }
0x2bc: {  	[tilespmem:s24+$0xE430] =	vst v4  }
0x2bd: {  	v4 =	vld.idx.msk [tilespmem:v25+s3+$0x0], $0xffff  }
0x2be: {  	v26 =	vadd.s32 $0x3400, v2;
	_ =	sdelay $0x3  }
0x2bf: {  	[tilespmem:s24+$0xE830] =	vst v4  }
0x2c0: {  	v4 =	vld.idx.msk [tilespmem:v26+s3+$0x0], $0xffff  }
0x2c1: {  	v27 =	vadd.s32 $0x3600, v2;
	_ =	sdelay $0x3  }
0x2c2: {  	[tilespmem:s24+$0xEC30] =	vst v4  }
0x2c3: {  	v4 =	vld.idx.msk [tilespmem:v27+s3+$0x0], $0xffff  }
0x2c4: {  	v28 =	vadd.s32 $0x3800, v2;
	_ =	sdelay $0x3  }
0x2c5: {  	[tilespmem:s24+$0xF030] =	vst v4  }
0x2c6: {  	v4 =	vld.idx.msk [tilespmem:v28+s3+$0x0], $0xffff  }
0x2c7: {  	v29 =	vadd.s32 $0x3A00, v2;
	_ =	sdelay $0x3  }
0x2c8: {  	[tilespmem:s24+$0xF430] =	vst v4  }
0x2c9: {  	v4 =	vld.idx.msk [tilespmem:v29+s3+$0x0], $0xffff  }
0x2ca: {  	v30 =	vadd.s32 $0x3C00, v2;
	_ =	sdelay $0x3  }
0x2cb: {  	[tilespmem:s24+$0xF830] =	vst v4  }
0x2cc: {  	v4 =	vld.idx.msk [tilespmem:v30+s3+$0x0], $0xffff  }
0x2cd: {  	v31 =	vadd.s32 $0x3E00, v2;
	_ =	sdelay $0x3  }
0x2ce: {  	[tilespmem:s24+$0xFC30] =	vst v4  }
0x2cf: {  	v4 =	vld.idx.msk [tilespmem:v31+s3+$0x0], $0xffff  }
0x2d0: {  	v32 =	vadd.s32 $0x4000, v3;
	_ =	sdelay $0x3  }
0x2d1: {  	[tilespmem:s24+$0x10030] =	vst v4  }
0x2d2: {  	v4 =	vld.idx.msk [tilespmem:v32+s3+$0x0], $0xffff  }
0x2d3: {  	v33 =	vadd.s32 $0x4200, v3;
	_ =	sdelay $0x3  }
0x2d4: {  	[tilespmem:s24+$0x10430] =	vst v4  }
0x2d5: {  	v4 =	vld.idx.msk [tilespmem:v33+s3+$0x0], $0xffff  }
0x2d6: {  	v34 =	vadd.s32 $0x4400, v3;
	_ =	sdelay $0x3  }
0x2d7: {  	[tilespmem:s24+$0x10830] =	vst v4  }
0x2d8: {  	v4 =	vld.idx.msk [tilespmem:v34+s3+$0x0], $0xffff  }
0x2d9: {  	v35 =	vadd.s32 $0x4600, v3;
	_ =	sdelay $0x3  }
0x2da: {  	[tilespmem:s24+$0x10C30] =	vst v4  }
0x2db: {  	v4 =	vld.idx.msk [tilespmem:v35+s3+$0x0], $0xffff  }
0x2dc: {  	v36 =	vadd.s32 $0x4800, v3;
	_ =	sdelay $0x3  }
0x2dd: {  	[tilespmem:s24+$0x11030] =	vst v4  }
0x2de: {  	v4 =	vld.idx.msk [tilespmem:v36+s3+$0x0], $0xffff  }
0x2df: {  	v37 =	vadd.s32 $0x4A00, v3;
	_ =	sdelay $0x3  }
0x2e0: {  	[tilespmem:s24+$0x11430] =	vst v4  }
0x2e1: {  	v4 =	vld.idx.msk [tilespmem:v37+s3+$0x0], $0xffff  }
0x2e2: {  	v38 =	vadd.s32 $0x4C00, v3;
	_ =	sdelay $0x3  }
0x2e3: {  	[tilespmem:s24+$0x11830] =	vst v4  }
0x2e4: {  	v4 =	vld.idx.msk [tilespmem:v38+s3+$0x0], $0xffff  }
0x2e5: {  	v39 =	vadd.s32 $0x4E00, v3;
	_ =	sdelay $0x3  }
0x2e6: {  	[tilespmem:s24+$0x11C30] =	vst v4  }
0x2e7: {  	v4 =	vld.idx.msk [tilespmem:v39+s3+$0x0], $0xffff  }
0x2e8: {  	v40 =	vadd.s32 $0x5000, v3;
	_ =	sdelay $0x3  }
0x2e9: {  	[tilespmem:s24+$0x12030] =	vst v4  }
0x2ea: {  	v4 =	vld.idx.msk [tilespmem:v40+s3+$0x0], $0xffff  }
0x2eb: {  	v41 =	vadd.s32 $0x5200, v3;
	_ =	sdelay $0x3  }
0x2ec: {  	[tilespmem:s24+$0x12430] =	vst v4  }
0x2ed: {  	v4 =	vld.idx.msk [tilespmem:v41+s3+$0x0], $0xffff  }
0x2ee: {  	v42 =	vadd.s32 $0x5400, v3;
	_ =	sdelay $0x3  }
0x2ef: {  	[tilespmem:s24+$0x12830] =	vst v4  }
0x2f0: {  	v4 =	vld.idx.msk [tilespmem:v42+s3+$0x0], $0xffff  }
0x2f1: {  	v43 =	vadd.s32 $0x5600, v3;
	_ =	sdelay $0x3  }
0x2f2: {  	[tilespmem:s24+$0x12C30] =	vst v4  }
0x2f3: {  	v4 =	vld.idx.msk [tilespmem:v43+s3+$0x0], $0xffff  }
0x2f4: {  	v44 =	vadd.s32 $0x5800, v3;
	_ =	sdelay $0x3  }
0x2f5: {  	[tilespmem:s24+$0x13030] =	vst v4  }
0x2f6: {  	v4 =	vld.idx.msk [tilespmem:v44+s3+$0x0], $0xffff  }
0x2f7: {  	v45 =	vadd.s32 $0x5A00, v3;
	_ =	sdelay $0x3  }
0x2f8: {  	[tilespmem:s24+$0x13430] =	vst v4  }
0x2f9: {  	v4 =	vld.idx.msk [tilespmem:v45+s3+$0x0], $0xffff  }
0x2fa: {  	v46 =	vadd.s32 $0x5C00, v3;
	_ =	sdelay $0x3  }
0x2fb: {  	[tilespmem:s24+$0x13830] =	vst v4  }
0x2fc: {  	v4 =	vld.idx.msk [tilespmem:v46+s3+$0x0], $0xffff  }
0x2fd: {  	v47 =	vadd.s32 $0x5E00, v3;
	_ =	sdelay $0x3  }
0x2fe: {  	[tilespmem:s24+$0x13C30] =	vst v4  }
0x2ff: {  	v4 =	vld.idx.msk [tilespmem:v47+s3+$0x0], $0xffff  }
0x300: {  	v48 =	vadd.s32 $0x6000, v3;
	_ =	sdelay $0x3  }
0x301: {  	[tilespmem:s24+$0x14030] =	vst v4  }
0x302: {  	v4 =	vld.idx.msk [tilespmem:v48+s3+$0x0], $0xffff  }
0x303: {  	v49 =	vadd.s32 $0x6200, v3;
	_ =	sdelay $0x3  }
0x304: {  	[tilespmem:s24+$0x14430] =	vst v4  }
0x305: {  	v4 =	vld.idx.msk [tilespmem:v49+s3+$0x0], $0xffff  }
0x306: {  	v50 =	vadd.s32 $0x6400, v3;
	_ =	sdelay $0x3  }
0x307: {  	[tilespmem:s24+$0x14830] =	vst v4  }
0x308: {  	v4 =	vld.idx.msk [tilespmem:v50+s3+$0x0], $0xffff  }
0x309: {  	v51 =	vadd.s32 $0x6600, v3;
	_ =	sdelay $0x3  }
0x30a: {  	[tilespmem:s24+$0x14C30] =	vst v4  }
0x30b: {  	v4 =	vld.idx.msk [tilespmem:v51+s3+$0x0], $0xffff  }
0x30c: {  	v52 =	vadd.s32 $0x6800, v3;
	_ =	sdelay $0x3  }
0x30d: {  	[tilespmem:s24+$0x15030] =	vst v4  }
0x30e: {  	v4 =	vld.idx.msk [tilespmem:v52+s3+$0x0], $0xffff  }
0x30f: {  	v53 =	vadd.s32 $0x6A00, v3;
	_ =	sdelay $0x3  }
0x310: {  	[tilespmem:s24+$0x15430] =	vst v4  }
0x311: {  	v4 =	vld.idx.msk [tilespmem:v53+s3+$0x0], $0xffff  }
0x312: {  	v54 =	vadd.s32 $0x6C00, v3;
	_ =	sdelay $0x3  }
0x313: {  	[tilespmem:s24+$0x15830] =	vst v4  }
0x314: {  	v4 =	vld.idx.msk [tilespmem:v54+s3+$0x0], $0xffff  }
0x315: {  	v55 =	vadd.s32 $0x6E00, v3;
	_ =	sdelay $0x3  }
0x316: {  	[tilespmem:s24+$0x15C30] =	vst v4  }
0x317: {  	v4 =	vld.idx.msk [tilespmem:v55+s3+$0x0], $0xffff  }
0x318: {  	v56 =	vadd.s32 $0x7000, v3;
	_ =	sdelay $0x3  }
0x319: {  	[tilespmem:s24+$0x16030] =	vst v4  }
0x31a: {  	v4 =	vld.idx.msk [tilespmem:v56+s3+$0x0], $0xffff  }
0x31b: {  	v57 =	vadd.s32 $0x7200, v3;
	_ =	sdelay $0x3  }
0x31c: {  	[tilespmem:s24+$0x16430] =	vst v4  }
0x31d: {  	v4 =	vld.idx.msk [tilespmem:v57+s3+$0x0], $0xffff  }
0x31e: {  	v58 =	vadd.s32 $0x7400, v3;
	_ =	sdelay $0x3  }
0x31f: {  	[tilespmem:s24+$0x16830] =	vst v4  }
0x320: {  	v4 =	vld.idx.msk [tilespmem:v58+s3+$0x0], $0xffff  }
0x321: {  	v59 =	vadd.s32 $0x7600, v3;
	_ =	sdelay $0x3  }
0x322: {  	[tilespmem:s24+$0x16C30] =	vst v4  }
0x323: {  	v4 =	vld.idx.msk [tilespmem:v59+s3+$0x0], $0xffff  }
0x324: {  	v60 =	vadd.s32 $0x7800, v3;
	_ =	sdelay $0x3  }
0x325: {  	[tilespmem:s24+$0x17030] =	vst v4  }
0x326: {  	v4 =	vld.idx.msk [tilespmem:v60+s3+$0x0], $0xffff  }
0x327: {  	v61 =	vadd.s32 $0x7A00, v3;
	_ =	sdelay $0x3  }
0x328: {  	[tilespmem:s24+$0x17430] =	vst v4  }
0x329: {  	v4 =	vld.idx.msk [tilespmem:v61+s3+$0x0], $0xffff  }
0x32a: {  	v62 =	vadd.s32 $0x7C00, v3;
	_ =	sdelay $0x3  }
0x32b: {  	[tilespmem:s24+$0x17830] =	vst v4  }
0x32c: {  	v4 =	vld.idx.msk [tilespmem:v62+s3+$0x0], $0xffff  }
0x32d: {  	v63 =	vadd.s32 $0x7E00, v3;
	_ =	sdelay $0x3  }
0x32e: {  	[tilespmem:s24+$0x17C30] =	vst v4  }
0x32f: {  	v4 =	vld.idx.msk [tilespmem:v63+s3+$0x0], $0xffff;
	_ =	sdelay $0x1  }
0x330: {  	p1 =	slt.u32 s23, $0x1C;
	v3 =	vadd.s32 $0x200, v3  }
.Ltmp1:
0x331: {  	_ = 	snop;
	(pc) =	sbr.rel @p1 .LBB2_5-.Ltmp1, $4  }
0x332: {  	_ = 	snop  }
0x333: {  	[tilespmem:s24+$0x18030] =	vst v4  }
0x334: {  	s31 =	sadd.s32 $0x4, s23;
	[tilespmem:v2+s17+$0x0] =	vst.idx.add.f32.msk $0xffff, v1  }
0x335: {  	s23 =	smov.u32 s31;
	[tilespmem:v3+s17+$0x0] =	vst.idx.add.f32.msk $0xffff, v1  }
0x336: {  	s22 =	sor.u32 s9, s22  }
0x337: {  	s22 =	sshrl.u32 s22, $0x3  }
.Ltmp2:
0x338: {  	s23 =	sadd.s32 s2, s22;
	s22 =	simm.s32 $0x400;
	(pc) =	sbr.rel @p0 .LBB2_4-.Ltmp2, $4  }
0x339: {  	[hbm4b:s23+s22] =	stream.strided.scatter [tilespmem:s19], [sflag:$0x1], $0x10000, s18, s22, $0x38;
	[tilespmem:$0x18800] =	vst v63  }
0x33a: {  	_ =	swait.ge [sflag:s12], $0x10000  }
0x33b: {  	[sflag:s12] =	ssyncset.done $0x0  }
0x33c: {  	p1 =	por $0x0, $0x0;
	[sflag:s12] =	ssyncadd.s32 $0xFFFF0000  }
0x33d: {  	s21 =	sadd.s32 $0x1, s21  }
0x33e: {  	p0 =	sne.s32 s21, s11  }
.Ltmp3:
0x33f: {  	_ = 	snop;
	(pc) =	sbr.rel @p0 .LBB2_1-.Ltmp3, $4  }
0x340: {  	[hbm4b:s10+s13] =	stream.strided.scatter [tilespmem:s17], [sflag:$0x1], $0x400, s20, s13, $0x38;
	[tilespmem:$0x18800] =	vst v63  }
0x341: {  	_ =	swait.ge [sflag:s12], $0x400  }
0x342: {  	[sflag:s12] =	ssyncset.done $0x0  }
0x343: {  	[sflag:s12] =	ssyncadd.s32 $0xFFFFFC00  }
0x344: {  	_ =	sfence.sel $0x180000  }
0x345: {  	[bflag:$0x0] =	sbarrier.arrive $0xFFFF  }
0x346: {  	p0 =	sne.s32 s0, $0x0;
	_ =	strace $0x90000047  }
0x347: {  	s0 =	sadd.s32 @!p0 $0x100000, s1;
	[bflag:$0x2] =	sbarrier.arrive $0xFFFF  }
0x348: {  	[sflag:s0] =	ssyncadd.tile.s32 @!p0 $0x1;
	_ =	shalt  }
.Lfunc_end2:
_tile_overlayer_lowered:
.L_overlay_start_2:
0x349: {  	(tag) =	ssettag $0x2  }
0x34a: {  	s0 =	rddreg [dreg:$0x0];
	s2 =	stileid.u32  }
0x34b: {  	s1 =	rddreg [dreg:$0x1];
	p0 =	sne.s32 s2, $0x0  }
0x34c: {  	s3 =	rddreg [dreg:$0x2];
	[bflag:$0x3] =	sbarrier.arrive $0xFFFF;
	s2 =	simm.s32 @!p0 $0x1C01  }
0x34d: {  	[timem:s3], [sflag:s2] =	dma.local @!p0 [hbm:s0], s1  }
0x34e: {  	s0 =	simm.s32 @!p0 $0x1  }
0x34f: {  	_ =	swait.ge @!p0 [sflag:s0], s1  }
0x350: {  	s1 =	ssub.s32 @!p0 $0x0, s1;
	[sflag:s0] =	ssyncset.done @!p0 $0x0  }
0x351: {  	[sflag:s0] =	ssyncadd.s32 @!p0 s1  }
0x352: {  	[bflag:$0x3] =	sbarrier.arrive $0xFFFF  }
0x353: {  	_ =	shalt  }

</sc_bundles>
